<compile_context>
chip_gen: v7x
topology: tpu7x:2x2x1
jax: 0.10.2.dev20260603
libtpu: 0.0.44.dev20260713+nightly
codegen_flags: <defaults>
</compile_context>

<pallas_src>
import functools

import jax
import jax.numpy as jnp
from jax import lax
from jax.experimental import pallas as pl
from jax.experimental.pallas import tpu as pltpu
from jax.experimental.pallas import tpu_sc as plsc

B, L, RANK, HIDDEN = 4096, 200, 32, 128
N = B * L
NC, NS = 2, 16
NW = NC * NS
SEGS = 8
NSEG = N // SEGS
TOK_W = NSEG // NW
KSTR = 5
CH = KSTR * 128
GB = 64
TOK_BLK = GB * L
GRP = TOK_BLK // 4
NPS = NSEG // 4
BLKS = NSEG // TOK_BLK
CH_G = GRP // CH

_mesh = plsc.VectorSubcoreMesh(
    core_axis_name="c", subcore_axis_name="s", num_cores=NC, num_subcores=NS
)


@functools.partial(
    pl.kernel,
    out_type=jax.ShapeDtypeStruct((NPS, HIDDEN), jnp.float32),
    mesh=_mesh,
    scratch_types=[
        pltpu.VMEM((KSTR, 128), jnp.int32),
        pltpu.VMEM((CH, RANK), jnp.float32),
        pltpu.SemaphoreType.DMA,
    ],
    compiler_params=pltpu.CompilerParams(use_tc_tiling_on_sc=False),
)
def _sc_gather(ids_hbm, table_hbm, p_hbm, idx_v, rows_v, sem):
    c = lax.axis_index("c")
    s = lax.axis_index("s")
    wid = s * NC + c
    base = wid * TOK_W
    w_blk = (4 * GRP) // TOK_W
    blk = wid // w_blk
    qh = (TOK_W // GRP) * (wid % w_blk)
    for q2 in range(TOK_W // GRP):
        def step(i, _, q2=q2):
            tok0 = base + q2 * GRP + i * CH
            pltpu.sync_copy(ids_hbm.at[pl.ds(tok0 // 128, KSTR)], idx_v)
            cps = [
                pltpu.async_copy(
                    table_hbm.at[idx_v.at[j]],
                    rows_v.at[pl.ds(j * 128, 128)],
                    sem,
                )
                for j in range(KSTR)
            ]
            for cp in cps:
                cp.wait()
            row0 = blk * GRP + i * CH
            pltpu.sync_copy(
                rows_v,
                p_hbm.at[pl.ds(row0, CH), pl.ds(32 * (qh + q2), 32)],
            )
            return 0
        lax.fori_loop(0, CH_G, step, 0)


VOCAB = 1000000
VCH = 16384
VBLK = (VOCAB + VCH - 1) // VCH


def _repack_body(e1t_ref, out_ref):
    t = jnp.transpose(e1t_ref[...])
    t3 = t.reshape(VCH // 4, 4, RANK)
    for q in range(4):
        out_ref[:, 32 * q:32 * (q + 1)] = t3[:, q, :]


_tc_repack = pl.pallas_call(
    _repack_body,
    grid=(VBLK,),
    in_specs=[pl.BlockSpec((RANK, VCH), lambda g: (0, g))],
    out_specs=pl.BlockSpec((VCH // 4, HIDDEN), lambda g: (g, 0)),
    out_shape=jax.ShapeDtypeStruct((250000, HIDDEN), jnp.float32),
    compiler_params=pltpu.CompilerParams(fuse_transposed_lhs_in_matmul=True),
)


def _tc_body(p_ref, w2_ref, posb_ref, out_ref):
    p = p_ref[...]
    w2 = w2_ref[...]
    pos = jnp.broadcast_to(
        posb_ref[...][None], (GRP // L, L, HIDDEN)
    ).reshape(GRP, HIDDEN)
    for q in range(4):
        xq = p[:, 32 * q:32 * (q + 1)]
        yq = lax.dot_general(
            xq, w2, (((1,), (1,)), ((), ())),
            preferred_element_type=jnp.float32,
        )
        out_ref[pl.ds(q * GRP, GRP), :] = yq + pos


def _tc_body_chain(p_ref, w2_ref, posb_ref, prev_ref, out_ref):
    del prev_ref
    _tc_body(p_ref, w2_ref, posb_ref, out_ref)


def _make_tc(seg):
    in_specs = [
        pl.BlockSpec((GRP, HIDDEN), lambda g: (g, 0)),
        pl.BlockSpec((HIDDEN, RANK), lambda g: (0, 0)),
        pl.BlockSpec((L, HIDDEN), lambda g: (0, 0)),
    ]
    body = _tc_body
    kwargs = {}
    if seg > 0:
        in_specs.append(pl.BlockSpec(memory_space=pl.ANY))
        body = _tc_body_chain
        kwargs["input_output_aliases"] = {3: 0}
    return pl.pallas_call(
        body,
        grid=(BLKS,),
        in_specs=in_specs,
        out_specs=pl.BlockSpec(
            (TOK_BLK, HIDDEN), lambda g, seg=seg: (seg * BLKS + g, 0)
        ),
        out_shape=jax.ShapeDtypeStruct((N, HIDDEN), jnp.float32),
        **kwargs,
    )


_tc_calls = [_make_tc(s) for s in range(SEGS)]


def kernel(input_ids, E1, W2, b2, pos_emb):
    ids = input_ids.reshape(N // 128, 128).astype(jnp.int32)
    e1p = _tc_repack(E1.T)
    e1lin = e1p.reshape(1000000, RANK)
    posb = pos_emb[0, :L] + b2[None, :]
    out = None
    for s in range(SEGS):
        ids_s = lax.slice_in_dim(ids, s * (NSEG // 128), (s + 1) * (NSEG // 128))
        p_s = _sc_gather(ids_s, e1lin)
        args = (p_s, W2, posb) if s == 0 else (p_s, W2, posb, out)
        out = _tc_calls[s](*args)
    return out.reshape(B, L, HIDDEN)

# --- scband reference (transcript-rebuilt; emitter-appended) ---
"""Pipeline reference for scband-low-rank-embedding-11647951307546 (READ-ONLY COPY).

The authoritative reference and input builder live on the scoring server;
editing this copy changes nothing except your own understanding.
"""

import jax, jax.numpy as jnp
import numpy as np

VOCAB = 1000000
RANK = 32
HIDDEN = 128
MAX_LEN = 200
B = 4096
L = 200

def setup_inputs(seed: int = 0) -> dict:
    key = jax.random.key(seed)
    k_ids, k_e1, k_w2, k_b2, k_pos = jax.random.split(key, 5)
    input_ids = jax.random.randint(k_ids, (B, L), 0, VOCAB, dtype=jnp.int64 if jax.config.jax_enable_x64 else jnp.int32)
    E1 = jax.random.normal(k_e1, (VOCAB, RANK), dtype=jnp.float32)
    W2 = jax.random.normal(k_w2, (HIDDEN, RANK), dtype=jnp.float32) * (1.0 / np.sqrt(RANK))
    b2 = jax.random.normal(k_b2, (HIDDEN,), dtype=jnp.float32) * 0.01
    pos_emb = jax.random.normal(k_pos, (1, MAX_LEN, HIDDEN), dtype=jnp.float32)
    return {"input_ids": input_ids, "E1": E1, "W2": W2, "b2": b2, "pos_emb": pos_emb}

def reference(input_ids, E1, W2, b2, pos_emb):
    # nn.Embedding lookup: gather rows from low-rank table
    low = jnp.take(E1, input_ids, axis=0)            # [B, L, rank]
    # nn.Linear: y = x @ W.T + b
    x = jnp.einsum('blr,hr->blh', low, W2) + b2      # [B, L, hidden]
    x = x + pos_emb[:, :x.shape[1]]                  # add positional embedding
    return x

if __name__ == "__main__":
    import jax
    _d = setup_inputs()
    print(jax.jit(kernel)(*tuple(_d.values())))

</pallas_src>

<mosaic_0001>
#map = affine_map<(d0, d1) -> (0, 0)>
module attributes {stable_mosaic.version = 14 : i64} {
  func.func @_sc_gather(%arg0: i32, %arg1: i32, %arg2: memref<800x128xi32, #tpu.memory_space<hbm>>, %arg3: memref<1000000x32xf32, #tpu.memory_space<hbm>>, %arg4: memref<25600x128xf32, #tpu.memory_space<hbm>>, %arg5: memref<5x128xi32, #tpu.memory_space<vmem>>, %arg6: memref<640x32xf32, #tpu.memory_space<vmem>>, %arg7: memref<!tpu.dma_semaphore, #tpu.memory_space<semaphore_mem>>) attributes {dimension_semantics = [#tpu.dimension_semantics<core_parallel>, #tpu.dimension_semantics<subcore_parallel>], iteration_bounds = array<i64: 2, 16>, scalar_prefetch = 0 : i64, scratch_operands = 3 : i64, tpu.core_type = #tpu.core_type<sc_vector_subcore>, window_params = [{transform_indices = #map}, {transform_indices = #map}, {transform_indices = #map}]} {
    %mul3A = arith.constant 2 : i32
    %mul3A_0 = arith.muli %arg1, %mul3A : i32
    %add3A = arith.addi %mul3A_0, %arg0 : i32
    %mul3A_1 = arith.constant 3200 : i32
    %mul3A_2 = arith.muli %add3A, %mul3A_1 : i32
    %jit3A = arith.constant 4 : i32
    %div3A = arith.divsi %add3A, %jit3A : i32
    %sign3A = arith.constant 0 : i32
    %sign3A_3 = arith.cmpi sgt, %add3A, %sign3A : i32
    %sign3A_4 = arith.extui %sign3A_3 : i1 to i32
    %sign3A_5 = arith.constant 0 : i32
    %sign3A_6 = arith.cmpi slt, %add3A, %sign3A_5 : i32
    %sign3A_7 = arith.extui %sign3A_6 : i1 to i32
    %sign3A_8 = arith.subi %sign3A_4, %sign3A_7 : i32
    %sign3A_9 = arith.constant 0 : i32
    %sign3A_10 = arith.cmpi sgt, %jit3A, %sign3A_9 : i32
    %sign3A_11 = arith.extui %sign3A_10 : i1 to i32
    %sign3A_12 = arith.constant 0 : i32
    %sign3A_13 = arith.cmpi slt, %jit3A, %sign3A_12 : i32
    %sign3A_14 = arith.extui %sign3A_13 : i1 to i32
    %sign3A_15 = arith.subi %sign3A_11, %sign3A_14 : i32
    %ne3A = arith.cmpi ne, %sign3A_8, %sign3A_15 : i32
    %rem3A = arith.remsi %add3A, %jit3A : i32
    %ne3A_16 = arith.constant 0 : i32
    %ne3A_17 = arith.cmpi ne, %rem3A, %ne3A_16 : i32
    %and3A = arith.andi %ne3A, %ne3A_17 : i1
    %sub3A = arith.constant 1 : i32
    %sub3A_18 = arith.subi %div3A, %sub3A : i32
    %select_n3A = arith.select %and3A, %sub3A_18, %div3A : i32
    %jit3A_19 = arith.constant 4 : i32
    %eq3A = arith.constant 0 : i32
    %eq3A_20 = arith.cmpi eq, %jit3A_19, %eq3A : i32
    %jit3A_21 = arith.constant 1 : i32
    %select_n3A_22 = arith.select %eq3A_20, %jit3A_21, %jit3A_19 : i32
    %rem3A_23 = arith.remsi %add3A, %select_n3A_22 : i32
    %ne3A_24 = arith.constant 0 : i32
    %ne3A_25 = arith.cmpi ne, %rem3A_23, %ne3A_24 : i32
    %lt3A = arith.constant 0 : i32
    %lt3A_26 = arith.cmpi slt, %rem3A_23, %lt3A : i32
    %lt3A_27 = arith.constant 0 : i32
    %lt3A_28 = arith.cmpi slt, %select_n3A_22, %lt3A_27 : i32
    %ne3A_29 = arith.xori %lt3A_26, %lt3A_28 : i1
    %and3A_30 = arith.andi %ne3A_29, %ne3A_25 : i1
    %add3A_31 = arith.addi %rem3A_23, %select_n3A_22 : i32
    %select_n3A_32 = arith.select %and3A_30, %add3A_31, %rem3A_23 : i32
    %mul3A_33 = arith.constant 1 : i32
    %mul3A_34 = arith.muli %mul3A_33, %select_n3A_32 : i32
    %scan3A = arith.constant 0 : i32
    %scan3A_35 = arith.constant 0 : i32
    %scan3A_36 = arith.constant 5 : i32
    %scan3A_37 = arith.addi %scan3A_35, %scan3A_36 : i32
    %scan3A_38 = arith.constant 1 : i32
    %scan3A_39 = scf.for %scan3A_41 = %scan3A_35 to %scan3A_37 step %scan3A_38 iter_args(%scan3A_42 = %scan3A) -> (i32)  : i32 {
      %add3A_43 = arith.constant 0 : i32
      %add3A_44 = arith.addi %mul3A_2, %add3A_43 : i32
      %mul3A_45 = arith.constant 640 : i32
      %mul3A_46 = arith.muli %scan3A_41, %mul3A_45 : i32
      %add3A_47 = arith.addi %add3A_44, %mul3A_46 : i32
      %jit3A_48 = arith.constant 128 : i32
      %div3A_49 = arith.divsi %add3A_47, %jit3A_48 : i32
      %sign3A_50 = arith.constant 0 : i32
      %sign3A_51 = arith.cmpi sgt, %add3A_47, %sign3A_50 : i32
      %sign3A_52 = arith.extui %sign3A_51 : i1 to i32
      %sign3A_53 = arith.constant 0 : i32
      %sign3A_54 = arith.cmpi slt, %add3A_47, %sign3A_53 : i32
      %sign3A_55 = arith.extui %sign3A_54 : i1 to i32
      %sign3A_56 = arith.subi %sign3A_52, %sign3A_55 : i32
      %sign3A_57 = arith.constant 0 : i32
      %sign3A_58 = arith.cmpi sgt, %jit3A_48, %sign3A_57 : i32
      %sign3A_59 = arith.extui %sign3A_58 : i1 to i32
      %sign3A_60 = arith.constant 0 : i32
      %sign3A_61 = arith.cmpi slt, %jit3A_48, %sign3A_60 : i32
      %sign3A_62 = arith.extui %sign3A_61 : i1 to i32
      %sign3A_63 = arith.subi %sign3A_59, %sign3A_62 : i32
      %ne3A_64 = arith.cmpi ne, %sign3A_56, %sign3A_63 : i32
      %rem3A_65 = arith.remsi %add3A_47, %jit3A_48 : i32
      %ne3A_66 = arith.constant 0 : i32
      %ne3A_67 = arith.cmpi ne, %rem3A_65, %ne3A_66 : i32
      %and3A_68 = arith.andi %ne3A_64, %ne3A_67 : i1
      %sub3A_69 = arith.constant 1 : i32
      %sub3A_70 = arith.subi %div3A_49, %sub3A_69 : i32
      %select_n3A_71 = arith.select %and3A_68, %sub3A_70, %div3A_49 : i32
      "tpu.region"() ({
        %run_scoped3A = tpu.sem_alloc : memref<!tpu.dma_semaphore, #tpu.memory_space<semaphore_mem>>
        %dma_start3A_180 = arith.constant 0 : i32
        %dma_start3A_181 = tpu.memref_slice %arg2[%select_n3A_71, %dma_start3A_180] : memref<800x128xi32, #tpu.memory_space<hbm>> -> memref<5x128xi32, #tpu.memory_space<hbm>>
        %dma_start3A_182 = arith.constant 0 : i32
        %dma_start3A_183 = tpu.memref_slice %arg2[%select_n3A_71, %dma_start3A_182] : memref<800x128xi32, #tpu.memory_space<hbm>> -> memref<5x128xi32, #tpu.memory_space<hbm>>
        tpu.enqueue_dma source(%dma_start3A_183 : memref<5x128xi32, #tpu.memory_space<hbm>>) target(%arg5 : memref<5x128xi32, #tpu.memory_space<vmem>>) target_semaphore(%run_scoped3A : memref<!tpu.dma_semaphore, #tpu.memory_space<semaphore_mem>>)
        %dma_wait3A_184 = arith.constant 0 : i32
        %dma_wait3A_185 = tpu.memref_slice %arg2[%select_n3A_71, %dma_wait3A_184] : memref<800x128xi32, #tpu.memory_space<hbm>> -> memref<5x128xi32, #tpu.memory_space<hbm>>
        %dma_wait3A_186 = arith.constant 0 : i32
        %dma_wait3A_187 = tpu.memref_slice %arg2[%select_n3A_71, %dma_wait3A_186] : memref<800x128xi32, #tpu.memory_space<hbm>> -> memref<5x128xi32, #tpu.memory_space<hbm>>
        tpu.wait_dma2 semaphore(%run_scoped3A : memref<!tpu.dma_semaphore, #tpu.memory_space<semaphore_mem>>) src(%dma_wait3A_187 : memref<5x128xi32, #tpu.memory_space<hbm>>) dst(%arg5 : memref<5x128xi32, #tpu.memory_space<vmem>>)
        tpu.yield
      }) : () -> ()
      %dma_start3A = arith.constant 0 : i32
      %dma_start3A_72 = arith.constant 0 : i32
      %dma_start3A_73 = arith.constant 0 : i32
      %dma_start3A_74 = tpu.memref_slice %arg6[%dma_start3A_72, %dma_start3A_73] : memref<640x32xf32, #tpu.memory_space<vmem>> -> memref<128x32xf32, #tpu.memory_space<vmem>>
      %dma_start3A_75 = arith.constant 0 : i32
      %dma_start3A_76 = tpu.memref_slice %arg5[%dma_start3A, %dma_start3A_75] : memref<5x128xi32, #tpu.memory_space<vmem>> -> memref<1x128xi32, #tpu.memory_space<vmem>>
      %dma_start3A_77 = tpu.memref_squeeze %dma_start3A_76 : memref<1x128xi32, #tpu.memory_space<vmem>> -> memref<128xi32, #tpu.memory_space<vmem>>
      %dma_start3A_78 = arith.constant 0 : i32
      %dma_start3A_79 = arith.constant 0 : i32
      %dma_start3A_80 = tpu.memref_slice %arg3[%dma_start3A_78, %dma_start3A_79] : memref<1000000x32xf32, #tpu.memory_space<hbm>> -> memref<1000000x32xf32, #tpu.memory_space<hbm>>
      tpu.enqueue_indirect_dma source(%dma_start3A_80 : memref<1000000x32xf32, #tpu.memory_space<hbm>>) target(%dma_start3A_74 : memref<128x32xf32, #tpu.memory_space<vmem>>) offsets(%dma_start3A_77 : memref<128xi32, #tpu.memory_space<vmem>>) semaphore(%arg7 : memref<!tpu.dma_semaphore, #tpu.memory_space<semaphore_mem>>)
      %dma_start3A_81 = arith.constant 1 : i32
      %dma_start3A_82 = arith.constant 128 : i32
      %dma_start3A_83 = arith.constant 0 : i32
      %dma_start3A_84 = tpu.memref_slice %arg6[%dma_start3A_82, %dma_start3A_83] : memref<640x32xf32, #tpu.memory_space<vmem>> -> memref<128x32xf32, #tpu.memory_space<vmem>>
      %dma_start3A_85 = arith.constant 0 : i32
      %dma_start3A_86 = tpu.memref_slice %arg5[%dma_start3A_81, %dma_start3A_85] : memref<5x128xi32, #tpu.memory_space<vmem>> -> memref<1x128xi32, #tpu.memory_space<vmem>>
      %dma_start3A_87 = tpu.memref_squeeze %dma_start3A_86 : memref<1x128xi32, #tpu.memory_space<vmem>> -> memref<128xi32, #tpu.memory_space<vmem>>
      %dma_start3A_88 = arith.constant 0 : i32
      %dma_start3A_89 = arith.constant 0 : i32
      %dma_start3A_90 = tpu.memref_slice %arg3[%dma_start3A_88, %dma_start3A_89] : memref<1000000x32xf32, #tpu.memory_space<hbm>> -> memref<1000000x32xf32, #tpu.memory_space<hbm>>
      tpu.enqueue_indirect_dma source(%dma_start3A_90 : memref<1000000x32xf32, #tpu.memory_space<hbm>>) target(%dma_start3A_84 : memref<128x32xf32, #tpu.memory_space<vmem>>) offsets(%dma_start3A_87 : memref<128xi32, #tpu.memory_space<vmem>>) semaphore(%arg7 : memref<!tpu.dma_semaphore, #tpu.memory_space<semaphore_mem>>)
      %dma_start3A_91 = arith.constant 2 : i32
      %dma_start3A_92 = arith.constant 256 : i32
      %dma_start3A_93 = arith.constant 0 : i32
      %dma_start3A_94 = tpu.memref_slice %arg6[%dma_start3A_92, %dma_start3A_93] : memref<640x32xf32, #tpu.memory_space<vmem>> -> memref<128x32xf32, #tpu.memory_space<vmem>>
      %dma_start3A_95 = arith.constant 0 : i32
      %dma_start3A_96 = tpu.memref_slice %arg5[%dma_start3A_91, %dma_start3A_95] : memref<5x128xi32, #tpu.memory_space<vmem>> -> memref<1x128xi32, #tpu.memory_space<vmem>>
      %dma_start3A_97 = tpu.memref_squeeze %dma_start3A_96 : memref<1x128xi32, #tpu.memory_space<vmem>> -> memref<128xi32, #tpu.memory_space<vmem>>
      %dma_start3A_98 = arith.constant 0 : i32
      %dma_start3A_99 = arith.constant 0 : i32
      %dma_start3A_100 = tpu.memref_slice %arg3[%dma_start3A_98, %dma_start3A_99] : memref<1000000x32xf32, #tpu.memory_space<hbm>> -> memref<1000000x32xf32, #tpu.memory_space<hbm>>
      tpu.enqueue_indirect_dma source(%dma_start3A_100 : memref<1000000x32xf32, #tpu.memory_space<hbm>>) target(%dma_start3A_94 : memref<128x32xf32, #tpu.memory_space<vmem>>) offsets(%dma_start3A_97 : memref<128xi32, #tpu.memory_space<vmem>>) semaphore(%arg7 : memref<!tpu.dma_semaphore, #tpu.memory_space<semaphore_mem>>)
      %dma_start3A_101 = arith.constant 3 : i32
      %dma_start3A_102 = arith.constant 384 : i32
      %dma_start3A_103 = arith.constant 0 : i32
      %dma_start3A_104 = tpu.memref_slice %arg6[%dma_start3A_102, %dma_start3A_103] : memref<640x32xf32, #tpu.memory_space<vmem>> -> memref<128x32xf32, #tpu.memory_space<vmem>>
      %dma_start3A_105 = arith.constant 0 : i32
      %dma_start3A_106 = tpu.memref_slice %arg5[%dma_start3A_101, %dma_start3A_105] : memref<5x128xi32, #tpu.memory_space<vmem>> -> memref<1x128xi32, #tpu.memory_space<vmem>>
      %dma_start3A_107 = tpu.memref_squeeze %dma_start3A_106 : memref<1x128xi32, #tpu.memory_space<vmem>> -> memref<128xi32, #tpu.memory_space<vmem>>
      %dma_start3A_108 = arith.constant 0 : i32
      %dma_start3A_109 = arith.constant 0 : i32
      %dma_start3A_110 = tpu.memref_slice %arg3[%dma_start3A_108, %dma_start3A_109] : memref<1000000x32xf32, #tpu.memory_space<hbm>> -> memref<1000000x32xf32, #tpu.memory_space<hbm>>
      tpu.enqueue_indirect_dma source(%dma_start3A_110 : memref<1000000x32xf32, #tpu.memory_space<hbm>>) target(%dma_start3A_104 : memref<128x32xf32, #tpu.memory_space<vmem>>) offsets(%dma_start3A_107 : memref<128xi32, #tpu.memory_space<vmem>>) semaphore(%arg7 : memref<!tpu.dma_semaphore, #tpu.memory_space<semaphore_mem>>)
      %dma_start3A_111 = arith.constant 4 : i32
      %dma_start3A_112 = arith.constant 512 : i32
      %dma_start3A_113 = arith.constant 0 : i32
      %dma_start3A_114 = tpu.memref_slice %arg6[%dma_start3A_112, %dma_start3A_113] : memref<640x32xf32, #tpu.memory_space<vmem>> -> memref<128x32xf32, #tpu.memory_space<vmem>>
      %dma_start3A_115 = arith.constant 0 : i32
      %dma_start3A_116 = tpu.memref_slice %arg5[%dma_start3A_111, %dma_start3A_115] : memref<5x128xi32, #tpu.memory_space<vmem>> -> memref<1x128xi32, #tpu.memory_space<vmem>>
      %dma_start3A_117 = tpu.memref_squeeze %dma_start3A_116 : memref<1x128xi32, #tpu.memory_space<vmem>> -> memref<128xi32, #tpu.memory_space<vmem>>
      %dma_start3A_118 = arith.constant 0 : i32
      %dma_start3A_119 = arith.constant 0 : i32
      %dma_start3A_120 = tpu.memref_slice %arg3[%dma_start3A_118, %dma_start3A_119] : memref<1000000x32xf32, #tpu.memory_space<hbm>> -> memref<1000000x32xf32, #tpu.memory_space<hbm>>
      tpu.enqueue_indirect_dma source(%dma_start3A_120 : memref<1000000x32xf32, #tpu.memory_space<hbm>>) target(%dma_start3A_114 : memref<128x32xf32, #tpu.memory_space<vmem>>) offsets(%dma_start3A_117 : memref<128xi32, #tpu.memory_space<vmem>>) semaphore(%arg7 : memref<!tpu.dma_semaphore, #tpu.memory_space<semaphore_mem>>)
      %dma_wait3A = arith.constant 0 : i32
      %dma_wait3A_121 = arith.constant 0 : i32
      %dma_wait3A_122 = arith.constant 0 : i32
      %dma_wait3A_123 = tpu.memref_slice %arg6[%dma_wait3A_121, %dma_wait3A_122] : memref<640x32xf32, #tpu.memory_space<vmem>> -> memref<128x32xf32, #tpu.memory_space<vmem>>
      %dma_wait3A_124 = arith.constant 0 : i32
      %dma_wait3A_125 = tpu.memref_slice %arg5[%dma_wait3A, %dma_wait3A_124] : memref<5x128xi32, #tpu.memory_space<vmem>> -> memref<1x128xi32, #tpu.memory_space<vmem>>
      %dma_wait3A_126 = tpu.memref_squeeze %dma_wait3A_125 : memref<1x128xi32, #tpu.memory_space<vmem>> -> memref<128xi32, #tpu.memory_space<vmem>>
      %dma_wait3A_127 = arith.constant 0 : i32
      %dma_wait3A_128 = arith.constant 0 : i32
      %dma_wait3A_129 = tpu.memref_slice %arg3[%dma_wait3A_127, %dma_wait3A_128] : memref<1000000x32xf32, #tpu.memory_space<hbm>> -> memref<1000000x32xf32, #tpu.memory_space<hbm>>
      tpu.wait_indirect_dma semaphore(%arg7 : memref<!tpu.dma_semaphore, #tpu.memory_space<semaphore_mem>>) src(%dma_wait3A_129 : memref<1000000x32xf32, #tpu.memory_space<hbm>>) dst(%dma_wait3A_123 : memref<128x32xf32, #tpu.memory_space<vmem>>)
      %dma_wait3A_130 = arith.constant 1 : i32
      %dma_wait3A_131 = arith.constant 128 : i32
      %dma_wait3A_132 = arith.constant 0 : i32
      %dma_wait3A_133 = tpu.memref_slice %arg6[%dma_wait3A_131, %dma_wait3A_132] : memref<640x32xf32, #tpu.memory_space<vmem>> -> memref<128x32xf32, #tpu.memory_space<vmem>>
      %dma_wait3A_134 = arith.constant 0 : i32
      %dma_wait3A_135 = tpu.memref_slice %arg5[%dma_wait3A_130, %dma_wait3A_134] : memref<5x128xi32, #tpu.memory_space<vmem>> -> memref<1x128xi32, #tpu.memory_space<vmem>>
      %dma_wait3A_136 = tpu.memref_squeeze %dma_wait3A_135 : memref<1x128xi32, #tpu.memory_space<vmem>> -> memref<128xi32, #tpu.memory_space<vmem>>
      %dma_wait3A_137 = arith.constant 0 : i32
      %dma_wait3A_138 = arith.constant 0 : i32
      %dma_wait3A_139 = tpu.memref_slice %arg3[%dma_wait3A_137, %dma_wait3A_138] : memref<1000000x32xf32, #tpu.memory_space<hbm>> -> memref<1000000x32xf32, #tpu.memory_space<hbm>>
      tpu.wait_indirect_dma semaphore(%arg7 : memref<!tpu.dma_semaphore, #tpu.memory_space<semaphore_mem>>) src(%dma_wait3A_139 : memref<1000000x32xf32, #tpu.memory_space<hbm>>) dst(%dma_wait3A_133 : memref<128x32xf32, #tpu.memory_space<vmem>>)
      %dma_wait3A_140 = arith.constant 2 : i32
      %dma_wait3A_141 = arith.constant 256 : i32
      %dma_wait3A_142 = arith.constant 0 : i32
      %dma_wait3A_143 = tpu.memref_slice %arg6[%dma_wait3A_141, %dma_wait3A_142] : memref<640x32xf32, #tpu.memory_space<vmem>> -> memref<128x32xf32, #tpu.memory_space<vmem>>
      %dma_wait3A_144 = arith.constant 0 : i32
      %dma_wait3A_145 = tpu.memref_slice %arg5[%dma_wait3A_140, %dma_wait3A_144] : memref<5x128xi32, #tpu.memory_space<vmem>> -> memref<1x128xi32, #tpu.memory_space<vmem>>
      %dma_wait3A_146 = tpu.memref_squeeze %dma_wait3A_145 : memref<1x128xi32, #tpu.memory_space<vmem>> -> memref<128xi32, #tpu.memory_space<vmem>>
      %dma_wait3A_147 = arith.constant 0 : i32
      %dma_wait3A_148 = arith.constant 0 : i32
      %dma_wait3A_149 = tpu.memref_slice %arg3[%dma_wait3A_147, %dma_wait3A_148] : memref<1000000x32xf32, #tpu.memory_space<hbm>> -> memref<1000000x32xf32, #tpu.memory_space<hbm>>
      tpu.wait_indirect_dma semaphore(%arg7 : memref<!tpu.dma_semaphore, #tpu.memory_space<semaphore_mem>>) src(%dma_wait3A_149 : memref<1000000x32xf32, #tpu.memory_space<hbm>>) dst(%dma_wait3A_143 : memref<128x32xf32, #tpu.memory_space<vmem>>)
      %dma_wait3A_150 = arith.constant 3 : i32
      %dma_wait3A_151 = arith.constant 384 : i32
      %dma_wait3A_152 = arith.constant 0 : i32
      %dma_wait3A_153 = tpu.memref_slice %arg6[%dma_wait3A_151, %dma_wait3A_152] : memref<640x32xf32, #tpu.memory_space<vmem>> -> memref<128x32xf32, #tpu.memory_space<vmem>>
      %dma_wait3A_154 = arith.constant 0 : i32
      %dma_wait3A_155 = tpu.memref_slice %arg5[%dma_wait3A_150, %dma_wait3A_154] : memref<5x128xi32, #tpu.memory_space<vmem>> -> memref<1x128xi32, #tpu.memory_space<vmem>>
      %dma_wait3A_156 = tpu.memref_squeeze %dma_wait3A_155 : memref<1x128xi32, #tpu.memory_space<vmem>> -> memref<128xi32, #tpu.memory_space<vmem>>
      %dma_wait3A_157 = arith.constant 0 : i32
      %dma_wait3A_158 = arith.constant 0 : i32
      %dma_wait3A_159 = tpu.memref_slice %arg3[%dma_wait3A_157, %dma_wait3A_158] : memref<1000000x32xf32, #tpu.memory_space<hbm>> -> memref<1000000x32xf32, #tpu.memory_space<hbm>>
      tpu.wait_indirect_dma semaphore(%arg7 : memref<!tpu.dma_semaphore, #tpu.memory_space<semaphore_mem>>) src(%dma_wait3A_159 : memref<1000000x32xf32, #tpu.memory_space<hbm>>) dst(%dma_wait3A_153 : memref<128x32xf32, #tpu.memory_space<vmem>>)
      %dma_wait3A_160 = arith.constant 4 : i32
      %dma_wait3A_161 = arith.constant 512 : i32
      %dma_wait3A_162 = arith.constant 0 : i32
      %dma_wait3A_163 = tpu.memref_slice %arg6[%dma_wait3A_161, %dma_wait3A_162] : memref<640x32xf32, #tpu.memory_space<vmem>> -> memref<128x32xf32, #tpu.memory_space<vmem>>
      %dma_wait3A_164 = arith.constant 0 : i32
      %dma_wait3A_165 = tpu.memref_slice %arg5[%dma_wait3A_160, %dma_wait3A_164] : memref<5x128xi32, #tpu.memory_space<vmem>> -> memref<1x128xi32, #tpu.memory_space<vmem>>
      %dma_wait3A_166 = tpu.memref_squeeze %dma_wait3A_165 : memref<1x128xi32, #tpu.memory_space<vmem>> -> memref<128xi32, #tpu.memory_space<vmem>>
      %dma_wait3A_167 = arith.constant 0 : i32
      %dma_wait3A_168 = arith.constant 0 : i32
      %dma_wait3A_169 = tpu.memref_slice %arg3[%dma_wait3A_167, %dma_wait3A_168] : memref<1000000x32xf32, #tpu.memory_space<hbm>> -> memref<1000000x32xf32, #tpu.memory_space<hbm>>
      tpu.wait_indirect_dma semaphore(%arg7 : memref<!tpu.dma_semaphore, #tpu.memory_space<semaphore_mem>>) src(%dma_wait3A_169 : memref<1000000x32xf32, #tpu.memory_space<hbm>>) dst(%dma_wait3A_163 : memref<128x32xf32, #tpu.memory_space<vmem>>)
      %mul3A_170 = arith.constant 3200 : i32
      %mul3A_171 = arith.muli %select_n3A, %mul3A_170 : i32
      %mul3A_172 = arith.constant 640 : i32
      %mul3A_173 = arith.muli %scan3A_41, %mul3A_172 : i32
      %add3A_174 = arith.addi %mul3A_171, %mul3A_173 : i32
      %add3A_175 = arith.constant 0 : i32
      %add3A_176 = arith.addi %mul3A_34, %add3A_175 : i32
      %mul3A_177 = arith.constant 32 : i32
      %mul3A_178 = arith.muli %mul3A_177, %add3A_176 : i32
      "tpu.region"() ({
        %run_scoped3A = tpu.sem_alloc : memref<!tpu.dma_semaphore, #tpu.memory_space<semaphore_mem>>
        %dma_start3A_180 = tpu.memref_slice %arg4[%add3A_174, %mul3A_178] : memref<25600x128xf32, #tpu.memory_space<hbm>> -> memref<640x32xf32, #tpu.memory_space<hbm>>
        %dma_start3A_181 = tpu.memref_slice %arg4[%add3A_174, %mul3A_178] : memref<25600x128xf32, #tpu.memory_space<hbm>> -> memref<640x32xf32, #tpu.memory_space<hbm>>
        tpu.enqueue_dma source(%arg6 : memref<640x32xf32, #tpu.memory_space<vmem>>) target(%dma_start3A_181 : memref<640x32xf32, #tpu.memory_space<hbm>>) target_semaphore(%run_scoped3A : memref<!tpu.dma_semaphore, #tpu.memory_space<semaphore_mem>>)
        %dma_wait3A_182 = tpu.memref_slice %arg4[%add3A_174, %mul3A_178] : memref<25600x128xf32, #tpu.memory_space<hbm>> -> memref<640x32xf32, #tpu.memory_space<hbm>>
        %dma_wait3A_183 = tpu.memref_slice %arg4[%add3A_174, %mul3A_178] : memref<25600x128xf32, #tpu.memory_space<hbm>> -> memref<640x32xf32, #tpu.memory_space<hbm>>
        tpu.wait_dma2 semaphore(%run_scoped3A : memref<!tpu.dma_semaphore, #tpu.memory_space<semaphore_mem>>) src(%arg6 : memref<640x32xf32, #tpu.memory_space<vmem>>) dst(%dma_wait3A_183 : memref<640x32xf32, #tpu.memory_space<hbm>>)
        tpu.yield
      }) : () -> ()
      %scan3A_179 = arith.constant 0 : i32
      scf.yield %scan3A_179 : i32
    }
    %scan3A_40 = arith.constant 5 : i32
    return
  }
}

#map = affine_map<(d0, d1) -> (0, 0)>
module attributes {stable_mosaic.version = 14 : i64} {
  func.func @_sc_gather(%arg0: i32, %arg1: i32, %arg2: memref<800x128xi32, #tpu.memory_space<hbm>>, %arg3: memref<1000000x32xf32, #tpu.memory_space<hbm>>, %arg4: memref<25600x128xf32, #tpu.memory_space<hbm>>, %arg5: memref<5x128xi32, #tpu.memory_space<vmem>>, %arg6: memref<640x32xf32, #tpu.memory_space<vmem>>, %arg7: memref<!tpu.dma_semaphore, #tpu.memory_space<semaphore_mem>>) attributes {dimension_semantics = [#tpu.dimension_semantics<core_parallel>, #tpu.dimension_semantics<subcore_parallel>], iteration_bounds = array<i64: 2, 16>, scalar_prefetch = 0 : i64, scratch_operands = 3 : i64, tpu.core_type = #tpu.core_type<sc_vector_subcore>, window_params = [{transform_indices = #map}, {transform_indices = #map}, {transform_indices = #map}]} {
    %mul3A = arith.constant 2 : i32
    %mul3A_0 = arith.muli %arg1, %mul3A : i32
    %add3A = arith.addi %mul3A_0, %arg0 : i32
    %mul3A_1 = arith.constant 3200 : i32
    %mul3A_2 = arith.muli %add3A, %mul3A_1 : i32
    %jit3A = arith.constant 4 : i32
    %div3A = arith.divsi %add3A, %jit3A : i32
    %sign3A = arith.constant 0 : i32
    %sign3A_3 = arith.cmpi sgt, %add3A, %sign3A : i32
    %sign3A_4 = arith.extui %sign3A_3 : i1 to i32
    %sign3A_5 = arith.constant 0 : i32
    %sign3A_6 = arith.cmpi slt, %add3A, %sign3A_5 : i32
    %sign3A_7 = arith.extui %sign3A_6 : i1 to i32
    %sign3A_8 = arith.subi %sign3A_4, %sign3A_7 : i32
    %sign3A_9 = arith.constant 0 : i32
    %sign3A_10 = arith.cmpi sgt, %jit3A, %sign3A_9 : i32
    %sign3A_11 = arith.extui %sign3A_10 : i1 to i32
    %sign3A_12 = arith.constant 0 : i32
    %sign3A_13 = arith.cmpi slt, %jit3A, %sign3A_12 : i32
    %sign3A_14 = arith.extui %sign3A_13 : i1 to i32
    %sign3A_15 = arith.subi %sign3A_11, %sign3A_14 : i32
    %ne3A = arith.cmpi ne, %sign3A_8, %sign3A_15 : i32
    %rem3A = arith.remsi %add3A, %jit3A : i32
    %ne3A_16 = arith.constant 0 : i32
    %ne3A_17 = arith.cmpi ne, %rem3A, %ne3A_16 : i32
    %and3A = arith.andi %ne3A, %ne3A_17 : i1
    %sub3A = arith.constant 1 : i32
    %sub3A_18 = arith.subi %div3A, %sub3A : i32
    %select_n3A = arith.select %and3A, %sub3A_18, %div3A : i32
    %jit3A_19 = arith.constant 4 : i32
    %eq3A = arith.constant 0 : i32
    %eq3A_20 = arith.cmpi eq, %jit3A_19, %eq3A : i32
    %jit3A_21 = arith.constant 1 : i32
    %select_n3A_22 = arith.select %eq3A_20, %jit3A_21, %jit3A_19 : i32
    %rem3A_23 = arith.remsi %add3A, %select_n3A_22 : i32
    %ne3A_24 = arith.constant 0 : i32
    %ne3A_25 = arith.cmpi ne, %rem3A_23, %ne3A_24 : i32
    %lt3A = arith.constant 0 : i32
    %lt3A_26 = arith.cmpi slt, %rem3A_23, %lt3A : i32
    %lt3A_27 = arith.constant 0 : i32
    %lt3A_28 = arith.cmpi slt, %select_n3A_22, %lt3A_27 : i32
    %ne3A_29 = arith.xori %lt3A_26, %lt3A_28 : i1
    %and3A_30 = arith.andi %ne3A_29, %ne3A_25 : i1
    %add3A_31 = arith.addi %rem3A_23, %select_n3A_22 : i32
    %select_n3A_32 = arith.select %and3A_30, %add3A_31, %rem3A_23 : i32
    %mul3A_33 = arith.constant 1 : i32
    %mul3A_34 = arith.muli %mul3A_33, %select_n3A_32 : i32
    %scan3A = arith.constant 0 : i32
    %scan3A_35 = arith.constant 0 : i32
    %scan3A_36 = arith.constant 5 : i32
    %scan3A_37 = arith.addi %scan3A_35, %scan3A_36 : i32
    %scan3A_38 = arith.constant 1 : i32
    %scan3A_39 = scf.for %scan3A_41 = %scan3A_35 to %scan3A_37 step %scan3A_38 iter_args(%scan3A_42 = %scan3A) -> (i32)  : i32 {
      %add3A_43 = arith.constant 0 : i32
      %add3A_44 = arith.addi %mul3A_2, %add3A_43 : i32
      %mul3A_45 = arith.constant 640 : i32
      %mul3A_46 = arith.muli %scan3A_41, %mul3A_45 : i32
      %add3A_47 = arith.addi %add3A_44, %mul3A_46 : i32
      %jit3A_48 = arith.constant 128 : i32
      %div3A_49 = arith.divsi %add3A_47, %jit3A_48 : i32
      %sign3A_50 = arith.constant 0 : i32
      %sign3A_51 = arith.cmpi sgt, %add3A_47, %sign3A_50 : i32
      %sign3A_52 = arith.extui %sign3A_51 : i1 to i32
      %sign3A_53 = arith.constant 0 : i32
      %sign3A_54 = arith.cmpi slt, %add3A_47, %sign3A_53 : i32
      %sign3A_55 = arith.extui %sign3A_54 : i1 to i32
      %sign3A_56 = arith.subi %sign3A_52, %sign3A_55 : i32
      %sign3A_57 = arith.constant 0 : i32
      %sign3A_58 = arith.cmpi sgt, %jit3A_48, %sign3A_57 : i32
      %sign3A_59 = arith.extui %sign3A_58 : i1 to i32
      %sign3A_60 = arith.constant 0 : i32
      %sign3A_61 = arith.cmpi slt, %jit3A_48, %sign3A_60 : i32
      %sign3A_62 = arith.extui %sign3A_61 : i1 to i32
      %sign3A_63 = arith.subi %sign3A_59, %sign3A_62 : i32
      %ne3A_64 = arith.cmpi ne, %sign3A_56, %sign3A_63 : i32
      %rem3A_65 = arith.remsi %add3A_47, %jit3A_48 : i32
      %ne3A_66 = arith.constant 0 : i32
      %ne3A_67 = arith.cmpi ne, %rem3A_65, %ne3A_66 : i32
      %and3A_68 = arith.andi %ne3A_64, %ne3A_67 : i1
      %sub3A_69 = arith.constant 1 : i32
      %sub3A_70 = arith.subi %div3A_49, %sub3A_69 : i32
      %select_n3A_71 = arith.select %and3A_68, %sub3A_70, %div3A_49 : i32
      "tpu.region"() ({
        %run_scoped3A = tpu.sem_alloc : memref<!tpu.dma_semaphore, #tpu.memory_space<semaphore_mem>>
        %dma_start3A_180 = arith.constant 0 : i32
        %dma_start3A_181 = tpu.memref_slice %arg2[%select_n3A_71, %dma_start3A_180] : memref<800x128xi32, #tpu.memory_space<hbm>> -> memref<5x128xi32, #tpu.memory_space<hbm>>
        %dma_start3A_182 = arith.constant 0 : i32
        %dma_start3A_183 = tpu.memref_slice %arg2[%select_n3A_71, %dma_start3A_182] : memref<800x128xi32, #tpu.memory_space<hbm>> -> memref<5x128xi32, #tpu.memory_space<hbm>>
        tpu.enqueue_dma source(%dma_start3A_183 : memref<5x128xi32, #tpu.memory_space<hbm>>) target(%arg5 : memref<5x128xi32, #tpu.memory_space<vmem>>) target_semaphore(%run_scoped3A : memref<!tpu.dma_semaphore, #tpu.memory_space<semaphore_mem>>)
        %dma_wait3A_184 = arith.constant 0 : i32
        %dma_wait3A_185 = tpu.memref_slice %arg2[%select_n3A_71, %dma_wait3A_184] : memref<800x128xi32, #tpu.memory_space<hbm>> -> memref<5x128xi32, #tpu.memory_space<hbm>>
        %dma_wait3A_186 = arith.constant 0 : i32
        %dma_wait3A_187 = tpu.memref_slice %arg2[%select_n3A_71, %dma_wait3A_186] : memref<800x128xi32, #tpu.memory_space<hbm>> -> memref<5x128xi32, #tpu.memory_space<hbm>>
        tpu.wait_dma2 semaphore(%run_scoped3A : memref<!tpu.dma_semaphore, #tpu.memory_space<semaphore_mem>>) src(%dma_wait3A_187 : memref<5x128xi32, #tpu.memory_space<hbm>>) dst(%arg5 : memref<5x128xi32, #tpu.memory_space<vmem>>)
        tpu.yield
      }) : () -> ()
      %dma_start3A = arith.constant 0 : i32
      %dma_start3A_72 = arith.constant 0 : i32
      %dma_start3A_73 = arith.constant 0 : i32
      %dma_start3A_74 = tpu.memref_slice %arg6[%dma_start3A_72, %dma_start3A_73] : memref<640x32xf32, #tpu.memory_space<vmem>> -> memref<128x32xf32, #tpu.memory_space<vmem>>
      %dma_start3A_75 = arith.constant 0 : i32
      %dma_start3A_76 = tpu.memref_slice %arg5[%dma_start3A, %dma_start3A_75] : memref<5x128xi32, #tpu.memory_space<vmem>> -> memref<1x128xi32, #tpu.memory_space<vmem>>
      %dma_start3A_77 = tpu.memref_squeeze %dma_start3A_76 : memref<1x128xi32, #tpu.memory_space<vmem>> -> memref<128xi32, #tpu.memory_space<vmem>>
      %dma_start3A_78 = arith.constant 0 : i32
      %dma_start3A_79 = arith.constant 0 : i32
      %dma_start3A_80 = tpu.memref_slice %arg3[%dma_start3A_78, %dma_start3A_79] : memref<1000000x32xf32, #tpu.memory_space<hbm>> -> memref<1000000x32xf32, #tpu.memory_space<hbm>>
      tpu.enqueue_indirect_dma source(%dma_start3A_80 : memref<1000000x32xf32, #tpu.memory_space<hbm>>) target(%dma_start3A_74 : memref<128x32xf32, #tpu.memory_space<vmem>>) offsets(%dma_start3A_77 : memref<128xi32, #tpu.memory_space<vmem>>) semaphore(%arg7 : memref<!tpu.dma_semaphore, #tpu.memory_space<semaphore_mem>>)
      %dma_start3A_81 = arith.constant 1 : i32
      %dma_start3A_82 = arith.constant 128 : i32
      %dma_start3A_83 = arith.constant 0 : i32
      %dma_start3A_84 = tpu.memref_slice %arg6[%dma_start3A_82, %dma_start3A_83] : memref<640x32xf32, #tpu.memory_space<vmem>> -> memref<128x32xf32, #tpu.memory_space<vmem>>
      %dma_start3A_85 = arith.constant 0 : i32
      %dma_start3A_86 = tpu.memref_slice %arg5[%dma_start3A_81, %dma_start3A_85] : memref<5x128xi32, #tpu.memory_space<vmem>> -> memref<1x128xi32, #tpu.memory_space<vmem>>
      %dma_start3A_87 = tpu.memref_squeeze %dma_start3A_86 : memref<1x128xi32, #tpu.memory_space<vmem>> -> memref<128xi32, #tpu.memory_space<vmem>>
      %dma_start3A_88 = arith.constant 0 : i32
      %dma_start3A_89 = arith.constant 0 : i32
      %dma_start3A_90 = tpu.memref_slice %arg3[%dma_start3A_88, %dma_start3A_89] : memref<1000000x32xf32, #tpu.memory_space<hbm>> -> memref<1000000x32xf32, #tpu.memory_space<hbm>>
      tpu.enqueue_indirect_dma source(%dma_start3A_90 : memref<1000000x32xf32, #tpu.memory_space<hbm>>) target(%dma_start3A_84 : memref<128x32xf32, #tpu.memory_space<vmem>>) offsets(%dma_start3A_87 : memref<128xi32, #tpu.memory_space<vmem>>) semaphore(%arg7 : memref<!tpu.dma_semaphore, #tpu.memory_space<semaphore_mem>>)
      %dma_start3A_91 = arith.constant 2 : i32
      %dma_start3A_92 = arith.constant 256 : i32
      %dma_start3A_93 = arith.constant 0 : i32
      %dma_start3A_94 = tpu.memref_slice %arg6[%dma_start3A_92, %dma_start3A_93] : memref<640x32xf32, #tpu.memory_space<vmem>> -> memref<128x32xf32, #tpu.memory_space<vmem>>
      %dma_start3A_95 = arith.constant 0 : i32
      %dma_start3A_96 = tpu.memref_slice %arg5[%dma_start3A_91, %dma_start3A_95] : memref<5x128xi32, #tpu.memory_space<vmem>> -> memref<1x128xi32, #tpu.memory_space<vmem>>
      %dma_start3A_97 = tpu.memref_squeeze %dma_start3A_96 : memref<1x128xi32, #tpu.memory_space<vmem>> -> memref<128xi32, #tpu.memory_space<vmem>>
      %dma_start3A_98 = arith.constant 0 : i32
      %dma_start3A_99 = arith.constant 0 : i32
      %dma_start3A_100 = tpu.memref_slice %arg3[%dma_start3A_98, %dma_start3A_99] : memref<1000000x32xf32, #tpu.memory_space<hbm>> -> memref<1000000x32xf32, #tpu.memory_space<hbm>>
      tpu.enqueue_indirect_dma source(%dma_start3A_100 : memref<1000000x32xf32, #tpu.memory_space<hbm>>) target(%dma_start3A_94 : memref<128x32xf32, #tpu.memory_space<vmem>>) offsets(%dma_start3A_97 : memref<128xi32, #tpu.memory_space<vmem>>) semaphore(%arg7 : memref<!tpu.dma_semaphore, #tpu.memory_space<semaphore_mem>>)
      %dma_start3A_101 = arith.constant 3 : i32
      %dma_start3A_102 = arith.constant 384 : i32
      %dma_start3A_103 = arith.constant 0 : i32
      %dma_start3A_104 = tpu.memref_slice %arg6[%dma_start3A_102, %dma_start3A_103] : memref<640x32xf32, #tpu.memory_space<vmem>> -> memref<128x32xf32, #tpu.memory_space<vmem>>
      %dma_start3A_105 = arith.constant 0 : i32
      %dma_start3A_106 = tpu.memref_slice %arg5[%dma_start3A_101, %dma_start3A_105] : memref<5x128xi32, #tpu.memory_space<vmem>> -> memref<1x128xi32, #tpu.memory_space<vmem>>
      %dma_start3A_107 = tpu.memref_squeeze %dma_start3A_106 : memref<1x128xi32, #tpu.memory_space<vmem>> -> memref<128xi32, #tpu.memory_space<vmem>>
      %dma_start3A_108 = arith.constant 0 : i32
      %dma_start3A_109 = arith.constant 0 : i32
      %dma_start3A_110 = tpu.memref_slice %arg3[%dma_start3A_108, %dma_start3A_109] : memref<1000000x32xf32, #tpu.memory_space<hbm>> -> memref<1000000x32xf32, #tpu.memory_space<hbm>>
      tpu.enqueue_indirect_dma source(%dma_start3A_110 : memref<1000000x32xf32, #tpu.memory_space<hbm>>) target(%dma_start3A_104 : memref<128x32xf32, #tpu.memory_space<vmem>>) offsets(%dma_start3A_107 : memref<128xi32, #tpu.memory_space<vmem>>) semaphore(%arg7 : memref<!tpu.dma_semaphore, #tpu.memory_space<semaphore_mem>>)
      %dma_start3A_111 = arith.constant 4 : i32
      %dma_start3A_112 = arith.constant 512 : i32
      %dma_start3A_113 = arith.constant 0 : i32
      %dma_start3A_114 = tpu.memref_slice %arg6[%dma_start3A_112, %dma_start3A_113] : memref<640x32xf32, #tpu.memory_space<vmem>> -> memref<128x32xf32, #tpu.memory_space<vmem>>
      %dma_start3A_115 = arith.constant 0 : i32
      %dma_start3A_116 = tpu.memref_slice %arg5[%dma_start3A_111, %dma_start3A_115] : memref<5x128xi32, #tpu.memory_space<vmem>> -> memref<1x128xi32, #tpu.memory_space<vmem>>
      %dma_start3A_117 = tpu.memref_squeeze %dma_start3A_116 : memref<1x128xi32, #tpu.memory_space<vmem>> -> memref<128xi32, #tpu.memory_space<vmem>>
      %dma_start3A_118 = arith.constant 0 : i32
      %dma_start3A_119 = arith.constant 0 : i32
      %dma_start3A_120 = tpu.memref_slice %arg3[%dma_start3A_118, %dma_start3A_119] : memref<1000000x32xf32, #tpu.memory_space<hbm>> -> memref<1000000x32xf32, #tpu.memory_space<hbm>>
      tpu.enqueue_indirect_dma source(%dma_start3A_120 : memref<1000000x32xf32, #tpu.memory_space<hbm>>) target(%dma_start3A_114 : memref<128x32xf32, #tpu.memory_space<vmem>>) offsets(%dma_start3A_117 : memref<128xi32, #tpu.memory_space<vmem>>) semaphore(%arg7 : memref<!tpu.dma_semaphore, #tpu.memory_space<semaphore_mem>>)
      %dma_wait3A = arith.constant 0 : i32
      %dma_wait3A_121 = arith.constant 0 : i32
      %dma_wait3A_122 = arith.constant 0 : i32
      %dma_wait3A_123 = tpu.memref_slice %arg6[%dma_wait3A_121, %dma_wait3A_122] : memref<640x32xf32, #tpu.memory_space<vmem>> -> memref<128x32xf32, #tpu.memory_space<vmem>>
      %dma_wait3A_124 = arith.constant 0 : i32
      %dma_wait3A_125 = tpu.memref_slice %arg5[%dma_wait3A, %dma_wait3A_124] : memref<5x128xi32, #tpu.memory_space<vmem>> -> memref<1x128xi32, #tpu.memory_space<vmem>>
      %dma_wait3A_126 = tpu.memref_squeeze %dma_wait3A_125 : memref<1x128xi32, #tpu.memory_space<vmem>> -> memref<128xi32, #tpu.memory_space<vmem>>
      %dma_wait3A_127 = arith.constant 0 : i32
      %dma_wait3A_128 = arith.constant 0 : i32
      %dma_wait3A_129 = tpu.memref_slice %arg3[%dma_wait3A_127, %dma_wait3A_128] : memref<1000000x32xf32, #tpu.memory_space<hbm>> -> memref<1000000x32xf32, #tpu.memory_space<hbm>>
      tpu.wait_indirect_dma semaphore(%arg7 : memref<!tpu.dma_semaphore, #tpu.memory_space<semaphore_mem>>) src(%dma_wait3A_129 : memref<1000000x32xf32, #tpu.memory_space<hbm>>) dst(%dma_wait3A_123 : memref<128x32xf32, #tpu.memory_space<vmem>>)
      %dma_wait3A_130 = arith.constant 1 : i32
      %dma_wait3A_131 = arith.constant 128 : i32
      %dma_wait3A_132 = arith.constant 0 : i32
      %dma_wait3A_133 = tpu.memref_slice %arg6[%dma_wait3A_131, %dma_wait3A_132] : memref<640x32xf32, #tpu.memory_space<vmem>> -> memref<128x32xf32, #tpu.memory_space<vmem>>
      %dma_wait3A_134 = arith.constant 0 : i32
      %dma_wait3A_135 = tpu.memref_slice %arg5[%dma_wait3A_130, %dma_wait3A_134] : memref<5x128xi32, #tpu.memory_space<vmem>> -> memref<1x128xi32, #tpu.memory_space<vmem>>
      %dma_wait3A_136 = tpu.memref_squeeze %dma_wait3A_135 : memref<1x128xi32, #tpu.memory_space<vmem>> -> memref<128xi32, #tpu.memory_space<vmem>>
      %dma_wait3A_137 = arith.constant 0 : i32
      %dma_wait3A_138 = arith.constant 0 : i32
      %dma_wait3A_139 = tpu.memref_slice %arg3[%dma_wait3A_137, %dma_wait3A_138] : memref<1000000x32xf32, #tpu.memory_space<hbm>> -> memref<1000000x32xf32, #tpu.memory_space<hbm>>
      tpu.wait_indirect_dma semaphore(%arg7 : memref<!tpu.dma_semaphore, #tpu.memory_space<semaphore_mem>>) src(%dma_wait3A_139 : memref<1000000x32xf32, #tpu.memory_space<hbm>>) dst(%dma_wait3A_133 : memref<128x32xf32, #tpu.memory_space<vmem>>)
      %dma_wait3A_140 = arith.constant 2 : i32
      %dma_wait3A_141 = arith.constant 256 : i32
      %dma_wait3A_142 = arith.constant 0 : i32
      %dma_wait3A_143 = tpu.memref_slice %arg6[%dma_wait3A_141, %dma_wait3A_142] : memref<640x32xf32, #tpu.memory_space<vmem>> -> memref<128x32xf32, #tpu.memory_space<vmem>>
      %dma_wait3A_144 = arith.constant 0 : i32
      %dma_wait3A_145 = tpu.memref_slice %arg5[%dma_wait3A_140, %dma_wait3A_144] : memref<5x128xi32, #tpu.memory_space<vmem>> -> memref<1x128xi32, #tpu.memory_space<vmem>>
      %dma_wait3A_146 = tpu.memref_squeeze %dma_wait3A_145 : memref<1x128xi32, #tpu.memory_space<vmem>> -> memref<128xi32, #tpu.memory_space<vmem>>
      %dma_wait3A_147 = arith.constant 0 : i32
      %dma_wait3A_148 = arith.constant 0 : i32
      %dma_wait3A_149 = tpu.memref_slice %arg3[%dma_wait3A_147, %dma_wait3A_148] : memref<1000000x32xf32, #tpu.memory_space<hbm>> -> memref<1000000x32xf32, #tpu.memory_space<hbm>>
      tpu.wait_indirect_dma semaphore(%arg7 : memref<!tpu.dma_semaphore, #tpu.memory_space<semaphore_mem>>) src(%dma_wait3A_149 : memref<1000000x32xf32, #tpu.memory_space<hbm>>) dst(%dma_wait3A_143 : memref<128x32xf32, #tpu.memory_space<vmem>>)
      %dma_wait3A_150 = arith.constant 3 : i32
      %dma_wait3A_151 = arith.constant 384 : i32
      %dma_wait3A_152 = arith.constant 0 : i32
      %dma_wait3A_153 = tpu.memref_slice %arg6[%dma_wait3A_151, %dma_wait3A_152] : memref<640x32xf32, #tpu.memory_space<vmem>> -> memref<128x32xf32, #tpu.memory_space<vmem>>
      %dma_wait3A_154 = arith.constant 0 : i32
      %dma_wait3A_155 = tpu.memref_slice %arg5[%dma_wait3A_150, %dma_wait3A_154] : memref<5x128xi32, #tpu.memory_space<vmem>> -> memref<1x128xi32, #tpu.memory_space<vmem>>
      %dma_wait3A_156 = tpu.memref_squeeze %dma_wait3A_155 : memref<1x128xi32, #tpu.memory_space<vmem>> -> memref<128xi32, #tpu.memory_space<vmem>>
      %dma_wait3A_157 = arith.constant 0 : i32
      %dma_wait3A_158 = arith.constant 0 : i32
      %dma_wait3A_159 = tpu.memref_slice %arg3[%dma_wait3A_157, %dma_wait3A_158] : memref<1000000x32xf32, #tpu.memory_space<hbm>> -> memref<1000000x32xf32, #tpu.memory_space<hbm>>
      tpu.wait_indirect_dma semaphore(%arg7 : memref<!tpu.dma_semaphore, #tpu.memory_space<semaphore_mem>>) src(%dma_wait3A_159 : memref<1000000x32xf32, #tpu.memory_space<hbm>>) dst(%dma_wait3A_153 : memref<128x32xf32, #tpu.memory_space<vmem>>)
      %dma_wait3A_160 = arith.constant 4 : i32
      %dma_wait3A_161 = arith.constant 512 : i32
      %dma_wait3A_162 = arith.constant 0 : i32
      %dma_wait3A_163 = tpu.memref_slice %arg6[%dma_wait3A_161, %dma_wait3A_162] : memref<640x32xf32, #tpu.memory_space<vmem>> -> memref<128x32xf32, #tpu.memory_space<vmem>>
      %dma_wait3A_164 = arith.constant 0 : i32
      %dma_wait3A_165 = tpu.memref_slice %arg5[%dma_wait3A_160, %dma_wait3A_164] : memref<5x128xi32, #tpu.memory_space<vmem>> -> memref<1x128xi32, #tpu.memory_space<vmem>>
      %dma_wait3A_166 = tpu.memref_squeeze %dma_wait3A_165 : memref<1x128xi32, #tpu.memory_space<vmem>> -> memref<128xi32, #tpu.memory_space<vmem>>
      %dma_wait3A_167 = arith.constant 0 : i32
      %dma_wait3A_168 = arith.constant 0 : i32
      %dma_wait3A_169 = tpu.memref_slice %arg3[%dma_wait3A_167, %dma_wait3A_168] : memref<1000000x32xf32, #tpu.memory_space<hbm>> -> memref<1000000x32xf32, #tpu.memory_space<hbm>>
      tpu.wait_indirect_dma semaphore(%arg7 : memref<!tpu.dma_semaphore, #tpu.memory_space<semaphore_mem>>) src(%dma_wait3A_169 : memref<1000000x32xf32, #tpu.memory_space<hbm>>) dst(%dma_wait3A_163 : memref<128x32xf32, #tpu.memory_space<vmem>>)
      %mul3A_170 = arith.constant 3200 : i32
      %mul3A_171 = arith.muli %select_n3A, %mul3A_170 : i32
      %mul3A_172 = arith.constant 640 : i32
      %mul3A_173 = arith.muli %scan3A_41, %mul3A_172 : i32
      %add3A_174 = arith.addi %mul3A_171, %mul3A_173 : i32
      %add3A_175 = arith.constant 0 : i32
      %add3A_176 = arith.addi %mul3A_34, %add3A_175 : i32
      %mul3A_177 = arith.constant 32 : i32
      %mul3A_178 = arith.muli %mul3A_177, %add3A_176 : i32
      "tpu.region"() ({
        %run_scoped3A = tpu.sem_alloc : memref<!tpu.dma_semaphore, #tpu.memory_space<semaphore_mem>>
        %dma_start3A_180 = tpu.memref_slice %arg4[%add3A_174, %mul3A_178] : memref<25600x128xf32, #tpu.memory_space<hbm>> -> memref<640x32xf32, #tpu.memory_space<hbm>>
        %dma_start3A_181 = tpu.memref_slice %arg4[%add3A_174, %mul3A_178] : memref<25600x128xf32, #tpu.memory_space<hbm>> -> memref<640x32xf32, #tpu.memory_space<hbm>>
        tpu.enqueue_dma source(%arg6 : memref<640x32xf32, #tpu.memory_space<vmem>>) target(%dma_start3A_181 : memref<640x32xf32, #tpu.memory_space<hbm>>) target_semaphore(%run_scoped3A : memref<!tpu.dma_semaphore, #tpu.memory_space<semaphore_mem>>)
        %dma_wait3A_182 = tpu.memref_slice %arg4[%add3A_174, %mul3A_178] : memref<25600x128xf32, #tpu.memory_space<hbm>> -> memref<640x32xf32, #tpu.memory_space<hbm>>
        %dma_wait3A_183 = tpu.memref_slice %arg4[%add3A_174, %mul3A_178] : memref<25600x128xf32, #tpu.memory_space<hbm>> -> memref<640x32xf32, #tpu.memory_space<hbm>>
        tpu.wait_dma2 semaphore(%run_scoped3A : memref<!tpu.dma_semaphore, #tpu.memory_space<semaphore_mem>>) src(%arg6 : memref<640x32xf32, #tpu.memory_space<vmem>>) dst(%dma_wait3A_183 : memref<640x32xf32, #tpu.memory_space<hbm>>)
        tpu.yield
      }) : () -> ()
      %scan3A_179 = arith.constant 0 : i32
      scf.yield %scan3A_179 : i32
    }
    %scan3A_40 = arith.constant 5 : i32
    return
  }
}

#map = affine_map<(d0, d1) -> (0, 0)>
module attributes {stable_mosaic.version = 14 : i64} {
  func.func @_sc_gather(%arg0: i32, %arg1: i32, %arg2: memref<800x128xi32, #tpu.memory_space<hbm>>, %arg3: memref<1000000x32xf32, #tpu.memory_space<hbm>>, %arg4: memref<25600x128xf32, #tpu.memory_space<hbm>>, %arg5: memref<5x128xi32, #tpu.memory_space<vmem>>, %arg6: memref<640x32xf32, #tpu.memory_space<vmem>>, %arg7: memref<!tpu.dma_semaphore, #tpu.memory_space<semaphore_mem>>) attributes {dimension_semantics = [#tpu.dimension_semantics<core_parallel>, #tpu.dimension_semantics<subcore_parallel>], iteration_bounds = array<i64: 2, 16>, scalar_prefetch = 0 : i64, scratch_operands = 3 : i64, tpu.core_type = #tpu.core_type<sc_vector_subcore>, window_params = [{transform_indices = #map}, {transform_indices = #map}, {transform_indices = #map}]} {
    %mul3A = arith.constant 2 : i32
    %mul3A_0 = arith.muli %arg1, %mul3A : i32
    %add3A = arith.addi %mul3A_0, %arg0 : i32
    %mul3A_1 = arith.constant 3200 : i32
    %mul3A_2 = arith.muli %add3A, %mul3A_1 : i32
    %jit3A = arith.constant 4 : i32
    %div3A = arith.divsi %add3A, %jit3A : i32
    %sign3A = arith.constant 0 : i32
    %sign3A_3 = arith.cmpi sgt, %add3A, %sign3A : i32
    %sign3A_4 = arith.extui %sign3A_3 : i1 to i32
    %sign3A_5 = arith.constant 0 : i32
    %sign3A_6 = arith.cmpi slt, %add3A, %sign3A_5 : i32
    %sign3A_7 = arith.extui %sign3A_6 : i1 to i32
    %sign3A_8 = arith.subi %sign3A_4, %sign3A_7 : i32
    %sign3A_9 = arith.constant 0 : i32
    %sign3A_10 = arith.cmpi sgt, %jit3A, %sign3A_9 : i32
    %sign3A_11 = arith.extui %sign3A_10 : i1 to i32
    %sign3A_12 = arith.constant 0 : i32
    %sign3A_13 = arith.cmpi slt, %jit3A, %sign3A_12 : i32
    %sign3A_14 = arith.extui %sign3A_13 : i1 to i32
    %sign3A_15 = arith.subi %sign3A_11, %sign3A_14 : i32
    %ne3A = arith.cmpi ne, %sign3A_8, %sign3A_15 : i32
    %rem3A = arith.remsi %add3A, %jit3A : i32
    %ne3A_16 = arith.constant 0 : i32
    %ne3A_17 = arith.cmpi ne, %rem3A, %ne3A_16 : i32
    %and3A = arith.andi %ne3A, %ne3A_17 : i1
    %sub3A = arith.constant 1 : i32
    %sub3A_18 = arith.subi %div3A, %sub3A : i32
    %select_n3A = arith.select %and3A, %sub3A_18, %div3A : i32
    %jit3A_19 = arith.constant 4 : i32
    %eq3A = arith.constant 0 : i32
    %eq3A_20 = arith.cmpi eq, %jit3A_19, %eq3A : i32
    %jit3A_21 = arith.constant 1 : i32
    %select_n3A_22 = arith.select %eq3A_20, %jit3A_21, %jit3A_19 : i32
    %rem3A_23 = arith.remsi %add3A, %select_n3A_22 : i32
    %ne3A_24 = arith.constant 0 : i32
    %ne3A_25 = arith.cmpi ne, %rem3A_23, %ne3A_24 : i32
    %lt3A = arith.constant 0 : i32
    %lt3A_26 = arith.cmpi slt, %rem3A_23, %lt3A : i32
    %lt3A_27 = arith.constant 0 : i32
    %lt3A_28 = arith.cmpi slt, %select_n3A_22, %lt3A_27 : i32
    %ne3A_29 = arith.xori %lt3A_26, %lt3A_28 : i1
    %and3A_30 = arith.andi %ne3A_29, %ne3A_25 : i1
    %add3A_31 = arith.addi %rem3A_23, %select_n3A_22 : i32
    %select_n3A_32 = arith.select %and3A_30, %add3A_31, %rem3A_23 : i32
    %mul3A_33 = arith.constant 1 : i32
    %mul3A_34 = arith.muli %mul3A_33, %select_n3A_32 : i32
    %scan3A = arith.constant 0 : i32
    %scan3A_35 = arith.constant 0 : i32
    %scan3A_36 = arith.constant 5 : i32
    %scan3A_37 = arith.addi %scan3A_35, %scan3A_36 : i32
    %scan3A_38 = arith.constant 1 : i32
    %scan3A_39 = scf.for %scan3A_41 = %scan3A_35 to %scan3A_37 step %scan3A_38 iter_args(%scan3A_42 = %scan3A) -> (i32)  : i32 {
      %add3A_43 = arith.constant 0 : i32
      %add3A_44 = arith.addi %mul3A_2, %add3A_43 : i32
      %mul3A_45 = arith.constant 640 : i32
      %mul3A_46 = arith.muli %scan3A_41, %mul3A_45 : i32
      %add3A_47 = arith.addi %add3A_44, %mul3A_46 : i32
      %jit3A_48 = arith.constant 128 : i32
      %div3A_49 = arith.divsi %add3A_47, %jit3A_48 : i32
      %sign3A_50 = arith.constant 0 : i32
      %sign3A_51 = arith.cmpi sgt, %add3A_47, %sign3A_50 : i32
      %sign3A_52 = arith.extui %sign3A_51 : i1 to i32
      %sign3A_53 = arith.constant 0 : i32
      %sign3A_54 = arith.cmpi slt, %add3A_47, %sign3A_53 : i32
      %sign3A_55 = arith.extui %sign3A_54 : i1 to i32
      %sign3A_56 = arith.subi %sign3A_52, %sign3A_55 : i32
      %sign3A_57 = arith.constant 0 : i32
      %sign3A_58 = arith.cmpi sgt, %jit3A_48, %sign3A_57 : i32
      %sign3A_59 = arith.extui %sign3A_58 : i1 to i32
      %sign3A_60 = arith.constant 0 : i32
      %sign3A_61 = arith.cmpi slt, %jit3A_48, %sign3A_60 : i32
      %sign3A_62 = arith.extui %sign3A_61 : i1 to i32
      %sign3A_63 = arith.subi %sign3A_59, %sign3A_62 : i32
      %ne3A_64 = arith.cmpi ne, %sign3A_56, %sign3A_63 : i32
      %rem3A_65 = arith.remsi %add3A_47, %jit3A_48 : i32
      %ne3A_66 = arith.constant 0 : i32
      %ne3A_67 = arith.cmpi ne, %rem3A_65, %ne3A_66 : i32
      %and3A_68 = arith.andi %ne3A_64, %ne3A_67 : i1
      %sub3A_69 = arith.constant 1 : i32
      %sub3A_70 = arith.subi %div3A_49, %sub3A_69 : i32
      %select_n3A_71 = arith.select %and3A_68, %sub3A_70, %div3A_49 : i32
      "tpu.region"() ({
        %run_scoped3A = tpu.sem_alloc : memref<!tpu.dma_semaphore, #tpu.memory_space<semaphore_mem>>
        %dma_start3A_180 = arith.constant 0 : i32
        %dma_start3A_181 = tpu.memref_slice %arg2[%select_n3A_71, %dma_start3A_180] : memref<800x128xi32, #tpu.memory_space<hbm>> -> memref<5x128xi32, #tpu.memory_space<hbm>>
        %dma_start3A_182 = arith.constant 0 : i32
        %dma_start3A_183 = tpu.memref_slice %arg2[%select_n3A_71, %dma_start3A_182] : memref<800x128xi32, #tpu.memory_space<hbm>> -> memref<5x128xi32, #tpu.memory_space<hbm>>
        tpu.enqueue_dma source(%dma_start3A_183 : memref<5x128xi32, #tpu.memory_space<hbm>>) target(%arg5 : memref<5x128xi32, #tpu.memory_space<vmem>>) target_semaphore(%run_scoped3A : memref<!tpu.dma_semaphore, #tpu.memory_space<semaphore_mem>>)
        %dma_wait3A_184 = arith.constant 0 : i32
        %dma_wait3A_185 = tpu.memref_slice %arg2[%select_n3A_71, %dma_wait3A_184] : memref<800x128xi32, #tpu.memory_space<hbm>> -> memref<5x128xi32, #tpu.memory_space<hbm>>
        %dma_wait3A_186 = arith.constant 0 : i32
        %dma_wait3A_187 = tpu.memref_slice %arg2[%select_n3A_71, %dma_wait3A_186] : memref<800x128xi32, #tpu.memory_space<hbm>> -> memref<5x128xi32, #tpu.memory_space<hbm>>
        tpu.wait_dma2 semaphore(%run_scoped3A : memref<!tpu.dma_semaphore, #tpu.memory_space<semaphore_mem>>) src(%dma_wait3A_187 : memref<5x128xi32, #tpu.memory_space<hbm>>) dst(%arg5 : memref<5x128xi32, #tpu.memory_space<vmem>>)
        tpu.yield
      }) : () -> ()
      %dma_start3A = arith.constant 0 : i32
      %dma_start3A_72 = arith.constant 0 : i32
      %dma_start3A_73 = arith.constant 0 : i32
      %dma_start3A_74 = tpu.memref_slice %arg6[%dma_start3A_72, %dma_start3A_73] : memref<640x32xf32, #tpu.memory_space<vmem>> -> memref<128x32xf32, #tpu.memory_space<vmem>>
      %dma_start3A_75 = arith.constant 0 : i32
      %dma_start3A_76 = tpu.memref_slice %arg5[%dma_start3A, %dma_start3A_75] : memref<5x128xi32, #tpu.memory_space<vmem>> -> memref<1x128xi32, #tpu.memory_space<vmem>>
      %dma_start3A_77 = tpu.memref_squeeze %dma_start3A_76 : memref<1x128xi32, #tpu.memory_space<vmem>> -> memref<128xi32, #tpu.memory_space<vmem>>
      %dma_start3A_78 = arith.constant 0 : i32
      %dma_start3A_79 = arith.constant 0 : i32
      %dma_start3A_80 = tpu.memref_slice %arg3[%dma_start3A_78, %dma_start3A_79] : memref<1000000x32xf32, #tpu.memory_space<hbm>> -> memref<1000000x32xf32, #tpu.memory_space<hbm>>
      tpu.enqueue_indirect_dma source(%dma_start3A_80 : memref<1000000x32xf32, #tpu.memory_space<hbm>>) target(%dma_start3A_74 : memref<128x32xf32, #tpu.memory_space<vmem>>) offsets(%dma_start3A_77 : memref<128xi32, #tpu.memory_space<vmem>>) semaphore(%arg7 : memref<!tpu.dma_semaphore, #tpu.memory_space<semaphore_mem>>)
      %dma_start3A_81 = arith.constant 1 : i32
      %dma_start3A_82 = arith.constant 128 : i32
      %dma_start3A_83 = arith.constant 0 : i32
      %dma_start3A_84 = tpu.memref_slice %arg6[%dma_start3A_82, %dma_start3A_83] : memref<640x32xf32, #tpu.memory_space<vmem>> -> memref<128x32xf32, #tpu.memory_space<vmem>>
      %dma_start3A_85 = arith.constant 0 : i32
      %dma_start3A_86 = tpu.memref_slice %arg5[%dma_start3A_81, %dma_start3A_85] : memref<5x128xi32, #tpu.memory_space<vmem>> -> memref<1x128xi32, #tpu.memory_space<vmem>>
      %dma_start3A_87 = tpu.memref_squeeze %dma_start3A_86 : memref<1x128xi32, #tpu.memory_space<vmem>> -> memref<128xi32, #tpu.memory_space<vmem>>
      %dma_start3A_88 = arith.constant 0 : i32
      %dma_start3A_89 = arith.constant 0 : i32
      %dma_start3A_90 = tpu.memref_slice %arg3[%dma_start3A_88, %dma_start3A_89] : memref<1000000x32xf32, #tpu.memory_space<hbm>> -> memref<1000000x32xf32, #tpu.memory_space<hbm>>
      tpu.enqueue_indirect_dma source(%dma_start3A_90 : memref<1000000x32xf32, #tpu.memory_space<hbm>>) target(%dma_start3A_84 : memref<128x32xf32, #tpu.memory_space<vmem>>) offsets(%dma_start3A_87 : memref<128xi32, #tpu.memory_space<vmem>>) semaphore(%arg7 : memref<!tpu.dma_semaphore, #tpu.memory_space<semaphore_mem>>)
      %dma_start3A_91 = arith.constant 2 : i32
      %dma_start3A_92 = arith.constant 256 : i32
      %dma_start3A_93 = arith.constant 0 : i32
      %dma_start3A_94 = tpu.memref_slice %arg6[%dma_start3A_92, %dma_start3A_93] : memref<640x32xf32, #tpu.memory_space<vmem>> -> memref<128x32xf32, #tpu.memory_space<vmem>>
      %dma_start3A_95 = arith.constant 0 : i32
      %dma_start3A_96 = tpu.memref_slice %arg5[%dma_start3A_91, %dma_start3A_95] : memref<5x128xi32, #tpu.memory_space<vmem>> -> memref<1x128xi32, #tpu.memory_space<vmem>>
      %dma_start3A_97 = tpu.memref_squeeze %dma_start3A_96 : memref<1x128xi32, #tpu.memory_space<vmem>> -> memref<128xi32, #tpu.memory_space<vmem>>
      %dma_start3A_98 = arith.constant 0 : i32
      %dma_start3A_99 = arith.constant 0 : i32
      %dma_start3A_100 = tpu.memref_slice %arg3[%dma_start3A_98, %dma_start3A_99] : memref<1000000x32xf32, #tpu.memory_space<hbm>> -> memref<1000000x32xf32, #tpu.memory_space<hbm>>
      tpu.enqueue_indirect_dma source(%dma_start3A_100 : memref<1000000x32xf32, #tpu.memory_space<hbm>>) target(%dma_start3A_94 : memref<128x32xf32, #tpu.memory_space<vmem>>) offsets(%dma_start3A_97 : memref<128xi32, #tpu.memory_space<vmem>>) semaphore(%arg7 : memref<!tpu.dma_semaphore, #tpu.memory_space<semaphore_mem>>)
      %dma_start3A_101 = arith.constant 3 : i32
      %dma_start3A_102 = arith.constant 384 : i32
      %dma_start3A_103 = arith.constant 0 : i32
      %dma_start3A_104 = tpu.memref_slice %arg6[%dma_start3A_102, %dma_start3A_103] : memref<640x32xf32, #tpu.memory_space<vmem>> -> memref<128x32xf32, #tpu.memory_space<vmem>>
      %dma_start3A_105 = arith.constant 0 : i32
      %dma_start3A_106 = tpu.memref_slice %arg5[%dma_start3A_101, %dma_start3A_105] : memref<5x128xi32, #tpu.memory_space<vmem>> -> memref<1x128xi32, #tpu.memory_space<vmem>>
      %dma_start3A_107 = tpu.memref_squeeze %dma_start3A_106 : memref<1x128xi32, #tpu.memory_space<vmem>> -> memref<128xi32, #tpu.memory_space<vmem>>
      %dma_start3A_108 = arith.constant 0 : i32
      %dma_start3A_109 = arith.constant 0 : i32
      %dma_start3A_110 = tpu.memref_slice %arg3[%dma_start3A_108, %dma_start3A_109] : memref<1000000x32xf32, #tpu.memory_space<hbm>> -> memref<1000000x32xf32, #tpu.memory_space<hbm>>
      tpu.enqueue_indirect_dma source(%dma_start3A_110 : memref<1000000x32xf32, #tpu.memory_space<hbm>>) target(%dma_start3A_104 : memref<128x32xf32, #tpu.memory_space<vmem>>) offsets(%dma_start3A_107 : memref<128xi32, #tpu.memory_space<vmem>>) semaphore(%arg7 : memref<!tpu.dma_semaphore, #tpu.memory_space<semaphore_mem>>)
      %dma_start3A_111 = arith.constant 4 : i32
      %dma_start3A_112 = arith.constant 512 : i32
      %dma_start3A_113 = arith.constant 0 : i32
      %dma_start3A_114 = tpu.memref_slice %arg6[%dma_start3A_112, %dma_start3A_113] : memref<640x32xf32, #tpu.memory_space<vmem>> -> memref<128x32xf32, #tpu.memory_space<vmem>>
      %dma_start3A_115 = arith.constant 0 : i32
      %dma_start3A_116 = tpu.memref_slice %arg5[%dma_start3A_111, %dma_start3A_115] : memref<5x128xi32, #tpu.memory_space<vmem>> -> memref<1x128xi32, #tpu.memory_space<vmem>>
      %dma_start3A_117 = tpu.memref_squeeze %dma_start3A_116 : memref<1x128xi32, #tpu.memory_space<vmem>> -> memref<128xi32, #tpu.memory_space<vmem>>
      %dma_start3A_118 = arith.constant 0 : i32
      %dma_start3A_119 = arith.constant 0 : i32
      %dma_start3A_120 = tpu.memref_slice %arg3[%dma_start3A_118, %dma_start3A_119] : memref<1000000x32xf32, #tpu.memory_space<hbm>> -> memref<1000000x32xf32, #tpu.memory_space<hbm>>
      tpu.enqueue_indirect_dma source(%dma_start3A_120 : memref<1000000x32xf32, #tpu.memory_space<hbm>>) target(%dma_start3A_114 : memref<128x32xf32, #tpu.memory_space<vmem>>) offsets(%dma_start3A_117 : memref<128xi32, #tpu.memory_space<vmem>>) semaphore(%arg7 : memref<!tpu.dma_semaphore, #tpu.memory_space<semaphore_mem>>)
      %dma_wait3A = arith.constant 0 : i32
      %dma_wait3A_121 = arith.constant 0 : i32
      %dma_wait3A_122 = arith.constant 0 : i32
      %dma_wait3A_123 = tpu.memref_slice %arg6[%dma_wait3A_121, %dma_wait3A_122] : memref<640x32xf32, #tpu.memory_space<vmem>> -> memref<128x32xf32, #tpu.memory_space<vmem>>
      %dma_wait3A_124 = arith.constant 0 : i32
      %dma_wait3A_125 = tpu.memref_slice %arg5[%dma_wait3A, %dma_wait3A_124] : memref<5x128xi32, #tpu.memory_space<vmem>> -> memref<1x128xi32, #tpu.memory_space<vmem>>
      %dma_wait3A_126 = tpu.memref_squeeze %dma_wait3A_125 : memref<1x128xi32, #tpu.memory_space<vmem>> -> memref<128xi32, #tpu.memory_space<vmem>>
      %dma_wait3A_127 = arith.constant 0 : i32
      %dma_wait3A_128 = arith.constant 0 : i32
      %dma_wait3A_129 = tpu.memref_slice %arg3[%dma_wait3A_127, %dma_wait3A_128] : memref<1000000x32xf32, #tpu.memory_space<hbm>> -> memref<1000000x32xf32, #tpu.memory_space<hbm>>
      tpu.wait_indirect_dma semaphore(%arg7 : memref<!tpu.dma_semaphore, #tpu.memory_space<semaphore_mem>>) src(%dma_wait3A_129 : memref<1000000x32xf32, #tpu.memory_space<hbm>>) dst(%dma_wait3A_123 : memref<128x32xf32, #tpu.memory_space<vmem>>)
      %dma_wait3A_130 = arith.constant 1 : i32
      %dma_wait3A_131 = arith.constant 128 : i32
      %dma_wait3A_132 = arith.constant 0 : i32
      %dma_wait3A_133 = tpu.memref_slice %arg6[%dma_wait3A_131, %dma_wait3A_132] : memref<640x32xf32, #tpu.memory_space<vmem>> -> memref<128x32xf32, #tpu.memory_space<vmem>>
      %dma_wait3A_134 = arith.constant 0 : i32
      %dma_wait3A_135 = tpu.memref_slice %arg5[%dma_wait3A_130, %dma_wait3A_134] : memref<5x128xi32, #tpu.memory_space<vmem>> -> memref<1x128xi32, #tpu.memory_space<vmem>>
      %dma_wait3A_136 = tpu.memref_squeeze %dma_wait3A_135 : memref<1x128xi32, #tpu.memory_space<vmem>> -> memref<128xi32, #tpu.memory_space<vmem>>
      %dma_wait3A_137 = arith.constant 0 : i32
      %dma_wait3A_138 = arith.constant 0 : i32
      %dma_wait3A_139 = tpu.memref_slice %arg3[%dma_wait3A_137, %dma_wait3A_138] : memref<1000000x32xf32, #tpu.memory_space<hbm>> -> memref<1000000x32xf32, #tpu.memory_space<hbm>>
      tpu.wait_indirect_dma semaphore(%arg7 : memref<!tpu.dma_semaphore, #tpu.memory_space<semaphore_mem>>) src(%dma_wait3A_139 : memref<1000000x32xf32, #tpu.memory_space<hbm>>) dst(%dma_wait3A_133 : memref<128x32xf32, #tpu.memory_space<vmem>>)
      %dma_wait3A_140 = arith.constant 2 : i32
      %dma_wait3A_141 = arith.constant 256 : i32
      %dma_wait3A_142 = arith.constant 0 : i32
      %dma_wait3A_143 = tpu.memref_slice %arg6[%dma_wait3A_141, %dma_wait3A_142] : memref<640x32xf32, #tpu.memory_space<vmem>> -> memref<128x32xf32, #tpu.memory_space<vmem>>
      %dma_wait3A_144 = arith.constant 0 : i32
      %dma_wait3A_145 = tpu.memref_slice %arg5[%dma_wait3A_140, %dma_wait3A_144] : memref<5x128xi32, #tpu.memory_space<vmem>> -> memref<1x128xi32, #tpu.memory_space<vmem>>
      %dma_wait3A_146 = tpu.memref_squeeze %dma_wait3A_145 : memref<1x128xi32, #tpu.memory_space<vmem>> -> memref<128xi32, #tpu.memory_space<vmem>>
      %dma_wait3A_147 = arith.constant 0 : i32
      %dma_wait3A_148 = arith.constant 0 : i32
      %dma_wait3A_149 = tpu.memref_slice %arg3[%dma_wait3A_147, %dma_wait3A_148] : memref<1000000x32xf32, #tpu.memory_space<hbm>> -> memref<1000000x32xf32, #tpu.memory_space<hbm>>
      tpu.wait_indirect_dma semaphore(%arg7 : memref<!tpu.dma_semaphore, #tpu.memory_space<semaphore_mem>>) src(%dma_wait3A_149 : memref<1000000x32xf32, #tpu.memory_space<hbm>>) dst(%dma_wait3A_143 : memref<128x32xf32, #tpu.memory_space<vmem>>)
      %dma_wait3A_150 = arith.constant 3 : i32
      %dma_wait3A_151 = arith.constant 384 : i32
      %dma_wait3A_152 = arith.constant 0 : i32
      %dma_wait3A_153 = tpu.memref_slice %arg6[%dma_wait3A_151, %dma_wait3A_152] : memref<640x32xf32, #tpu.memory_space<vmem>> -> memref<128x32xf32, #tpu.memory_space<vmem>>
      %dma_wait3A_154 = arith.constant 0 : i32
      %dma_wait3A_155 = tpu.memref_slice %arg5[%dma_wait3A_150, %dma_wait3A_154] : memref<5x128xi32, #tpu.memory_space<vmem>> -> memref<1x128xi32, #tpu.memory_space<vmem>>
      %dma_wait3A_156 = tpu.memref_squeeze %dma_wait3A_155 : memref<1x128xi32, #tpu.memory_space<vmem>> -> memref<128xi32, #tpu.memory_space<vmem>>
      %dma_wait3A_157 = arith.constant 0 : i32
      %dma_wait3A_158 = arith.constant 0 : i32
      %dma_wait3A_159 = tpu.memref_slice %arg3[%dma_wait3A_157, %dma_wait3A_158] : memref<1000000x32xf32, #tpu.memory_space<hbm>> -> memref<1000000x32xf32, #tpu.memory_space<hbm>>
      tpu.wait_indirect_dma semaphore(%arg7 : memref<!tpu.dma_semaphore, #tpu.memory_space<semaphore_mem>>) src(%dma_wait3A_159 : memref<1000000x32xf32, #tpu.memory_space<hbm>>) dst(%dma_wait3A_153 : memref<128x32xf32, #tpu.memory_space<vmem>>)
      %dma_wait3A_160 = arith.constant 4 : i32
      %dma_wait3A_161 = arith.constant 512 : i32
      %dma_wait3A_162 = arith.constant 0 : i32
      %dma_wait3A_163 = tpu.memref_slice %arg6[%dma_wait3A_161, %dma_wait3A_162] : memref<640x32xf32, #tpu.memory_space<vmem>> -> memref<128x32xf32, #tpu.memory_space<vmem>>
      %dma_wait3A_164 = arith.constant 0 : i32
      %dma_wait3A_165 = tpu.memref_slice %arg5[%dma_wait3A_160, %dma_wait3A_164] : memref<5x128xi32, #tpu.memory_space<vmem>> -> memref<1x128xi32, #tpu.memory_space<vmem>>
      %dma_wait3A_166 = tpu.memref_squeeze %dma_wait3A_165 : memref<1x128xi32, #tpu.memory_space<vmem>> -> memref<128xi32, #tpu.memory_space<vmem>>
      %dma_wait3A_167 = arith.constant 0 : i32
      %dma_wait3A_168 = arith.constant 0 : i32
      %dma_wait3A_169 = tpu.memref_slice %arg3[%dma_wait3A_167, %dma_wait3A_168] : memref<1000000x32xf32, #tpu.memory_space<hbm>> -> memref<1000000x32xf32, #tpu.memory_space<hbm>>
      tpu.wait_indirect_dma semaphore(%arg7 : memref<!tpu.dma_semaphore, #tpu.memory_space<semaphore_mem>>) src(%dma_wait3A_169 : memref<1000000x32xf32, #tpu.memory_space<hbm>>) dst(%dma_wait3A_163 : memref<128x32xf32, #tpu.memory_space<vmem>>)
      %mul3A_170 = arith.constant 3200 : i32
      %mul3A_171 = arith.muli %select_n3A, %mul3A_170 : i32
      %mul3A_172 = arith.constant 640 : i32
      %mul3A_173 = arith.muli %scan3A_41, %mul3A_172 : i32
      %add3A_174 = arith.addi %mul3A_171, %mul3A_173 : i32
      %add3A_175 = arith.constant 0 : i32
      %add3A_176 = arith.addi %mul3A_34, %add3A_175 : i32
      %mul3A_177 = arith.constant 32 : i32
      %mul3A_178 = arith.muli %mul3A_177, %add3A_176 : i32
      "tpu.region"() ({
        %run_scoped3A = tpu.sem_alloc : memref<!tpu.dma_semaphore, #tpu.memory_space<semaphore_mem>>
        %dma_start3A_180 = tpu.memref_slice %arg4[%add3A_174, %mul3A_178] : memref<25600x128xf32, #tpu.memory_space<hbm>> -> memref<640x32xf32, #tpu.memory_space<hbm>>
        %dma_start3A_181 = tpu.memref_slice %arg4[%add3A_174, %mul3A_178] : memref<25600x128xf32, #tpu.memory_space<hbm>> -> memref<640x32xf32, #tpu.memory_space<hbm>>
        tpu.enqueue_dma source(%arg6 : memref<640x32xf32, #tpu.memory_space<vmem>>) target(%dma_start3A_181 : memref<640x32xf32, #tpu.memory_space<hbm>>) target_semaphore(%run_scoped3A : memref<!tpu.dma_semaphore, #tpu.memory_space<semaphore_mem>>)
        %dma_wait3A_182 = tpu.memref_slice %arg4[%add3A_174, %mul3A_178] : memref<25600x128xf32, #tpu.memory_space<hbm>> -> memref<640x32xf32, #tpu.memory_space<hbm>>
        %dma_wait3A_183 = tpu.memref_slice %arg4[%add3A_174, %mul3A_178] : memref<25600x128xf32, #tpu.memory_space<hbm>> -> memref<640x32xf32, #tpu.memory_space<hbm>>
        tpu.wait_dma2 semaphore(%run_scoped3A : memref<!tpu.dma_semaphore, #tpu.memory_space<semaphore_mem>>) src(%arg6 : memref<640x32xf32, #tpu.memory_space<vmem>>) dst(%dma_wait3A_183 : memref<640x32xf32, #tpu.memory_space<hbm>>)
        tpu.yield
      }) : () -> ()
      %scan3A_179 = arith.constant 0 : i32
      scf.yield %scan3A_179 : i32
    }
    %scan3A_40 = arith.constant 5 : i32
    return
  }
}

#map = affine_map<(d0, d1) -> (0, 0)>
module attributes {stable_mosaic.version = 14 : i64} {
  func.func @_sc_gather(%arg0: i32, %arg1: i32, %arg2: memref<800x128xi32, #tpu.memory_space<hbm>>, %arg3: memref<1000000x32xf32, #tpu.memory_space<hbm>>, %arg4: memref<25600x128xf32, #tpu.memory_space<hbm>>, %arg5: memref<5x128xi32, #tpu.memory_space<vmem>>, %arg6: memref<640x32xf32, #tpu.memory_space<vmem>>, %arg7: memref<!tpu.dma_semaphore, #tpu.memory_space<semaphore_mem>>) attributes {dimension_semantics = [#tpu.dimension_semantics<core_parallel>, #tpu.dimension_semantics<subcore_parallel>], iteration_bounds = array<i64: 2, 16>, scalar_prefetch = 0 : i64, scratch_operands = 3 : i64, tpu.core_type = #tpu.core_type<sc_vector_subcore>, window_params = [{transform_indices = #map}, {transform_indices = #map}, {transform_indices = #map}]} {
    %mul3A = arith.constant 2 : i32
    %mul3A_0 = arith.muli %arg1, %mul3A : i32
    %add3A = arith.addi %mul3A_0, %arg0 : i32
    %mul3A_1 = arith.constant 3200 : i32
    %mul3A_2 = arith.muli %add3A, %mul3A_1 : i32
    %jit3A = arith.constant 4 : i32
    %div3A = arith.divsi %add3A, %jit3A : i32
    %sign3A = arith.constant 0 : i32
    %sign3A_3 = arith.cmpi sgt, %add3A, %sign3A : i32
    %sign3A_4 = arith.extui %sign3A_3 : i1 to i32
    %sign3A_5 = arith.constant 0 : i32
    %sign3A_6 = arith.cmpi slt, %add3A, %sign3A_5 : i32
    %sign3A_7 = arith.extui %sign3A_6 : i1 to i32
    %sign3A_8 = arith.subi %sign3A_4, %sign3A_7 : i32
    %sign3A_9 = arith.constant 0 : i32
    %sign3A_10 = arith.cmpi sgt, %jit3A, %sign3A_9 : i32
    %sign3A_11 = arith.extui %sign3A_10 : i1 to i32
    %sign3A_12 = arith.constant 0 : i32
    %sign3A_13 = arith.cmpi slt, %jit3A, %sign3A_12 : i32
    %sign3A_14 = arith.extui %sign3A_13 : i1 to i32
    %sign3A_15 = arith.subi %sign3A_11, %sign3A_14 : i32
    %ne3A = arith.cmpi ne, %sign3A_8, %sign3A_15 : i32
    %rem3A = arith.remsi %add3A, %jit3A : i32
    %ne3A_16 = arith.constant 0 : i32
    %ne3A_17 = arith.cmpi ne, %rem3A, %ne3A_16 : i32
    %and3A = arith.andi %ne3A, %ne3A_17 : i1
    %sub3A = arith.constant 1 : i32
    %sub3A_18 = arith.subi %div3A, %sub3A : i32
    %select_n3A = arith.select %and3A, %sub3A_18, %div3A : i32
    %jit3A_19 = arith.constant 4 : i32
    %eq3A = arith.constant 0 : i32
    %eq3A_20 = arith.cmpi eq, %jit3A_19, %eq3A : i32
    %jit3A_21 = arith.constant 1 : i32
    %select_n3A_22 = arith.select %eq3A_20, %jit3A_21, %jit3A_19 : i32
    %rem3A_23 = arith.remsi %add3A, %select_n3A_22 : i32
    %ne3A_24 = arith.constant 0 : i32
    %ne3A_25 = arith.cmpi ne, %rem3A_23, %ne3A_24 : i32
    %lt3A = arith.constant 0 : i32
    %lt3A_26 = arith.cmpi slt, %rem3A_23, %lt3A : i32
    %lt3A_27 = arith.constant 0 : i32
    %lt3A_28 = arith.cmpi slt, %select_n3A_22, %lt3A_27 : i32
    %ne3A_29 = arith.xori %lt3A_26, %lt3A_28 : i1
    %and3A_30 = arith.andi %ne3A_29, %ne3A_25 : i1
    %add3A_31 = arith.addi %rem3A_23, %select_n3A_22 : i32
    %select_n3A_32 = arith.select %and3A_30, %add3A_31, %rem3A_23 : i32
    %mul3A_33 = arith.constant 1 : i32
    %mul3A_34 = arith.muli %mul3A_33, %select_n3A_32 : i32
    %scan3A = arith.constant 0 : i32
    %scan3A_35 = arith.constant 0 : i32
    %scan3A_36 = arith.constant 5 : i32
    %scan3A_37 = arith.addi %scan3A_35, %scan3A_36 : i32
    %scan3A_38 = arith.constant 1 : i32
    %scan3A_39 = scf.for %scan3A_41 = %scan3A_35 to %scan3A_37 step %scan3A_38 iter_args(%scan3A_42 = %scan3A) -> (i32)  : i32 {
      %add3A_43 = arith.constant 0 : i32
      %add3A_44 = arith.addi %mul3A_2, %add3A_43 : i32
      %mul3A_45 = arith.constant 640 : i32
      %mul3A_46 = arith.muli %scan3A_41, %mul3A_45 : i32
      %add3A_47 = arith.addi %add3A_44, %mul3A_46 : i32
      %jit3A_48 = arith.constant 128 : i32
      %div3A_49 = arith.divsi %add3A_47, %jit3A_48 : i32
      %sign3A_50 = arith.constant 0 : i32
      %sign3A_51 = arith.cmpi sgt, %add3A_47, %sign3A_50 : i32
      %sign3A_52 = arith.extui %sign3A_51 : i1 to i32
      %sign3A_53 = arith.constant 0 : i32
      %sign3A_54 = arith.cmpi slt, %add3A_47, %sign3A_53 : i32
      %sign3A_55 = arith.extui %sign3A_54 : i1 to i32
      %sign3A_56 = arith.subi %sign3A_52, %sign3A_55 : i32
      %sign3A_57 = arith.constant 0 : i32
      %sign3A_58 = arith.cmpi sgt, %jit3A_48, %sign3A_57 : i32
      %sign3A_59 = arith.extui %sign3A_58 : i1 to i32
      %sign3A_60 = arith.constant 0 : i32
      %sign3A_61 = arith.cmpi slt, %jit3A_48, %sign3A_60 : i32
      %sign3A_62 = arith.extui %sign3A_61 : i1 to i32
      %sign3A_63 = arith.subi %sign3A_59, %sign3A_62 : i32
      %ne3A_64 = arith.cmpi ne, %sign3A_56, %sign3A_63 : i32
      %rem3A_65 = arith.remsi %add3A_47, %jit3A_48 : i32
      %ne3A_66 = arith.constant 0 : i32
      %ne3A_67 = arith.cmpi ne, %rem3A_65, %ne3A_66 : i32
      %and3A_68 = arith.andi %ne3A_64, %ne3A_67 : i1
      %sub3A_69 = arith.constant 1 : i32
      %sub3A_70 = arith.subi %div3A_49, %sub3A_69 : i32
      %select_n3A_71 = arith.select %and3A_68, %sub3A_70, %div3A_49 : i32
      "tpu.region"() ({
        %run_scoped3A = tpu.sem_alloc : memref<!tpu.dma_semaphore, #tpu.memory_space<semaphore_mem>>
        %dma_start3A_180 = arith.constant 0 : i32
        %dma_start3A_181 = tpu.memref_slice %arg2[%select_n3A_71, %dma_start3A_180] : memref<800x128xi32, #tpu.memory_space<hbm>> -> memref<5x128xi32, #tpu.memory_space<hbm>>
        %dma_start3A_182 = arith.constant 0 : i32
        %dma_start3A_183 = tpu.memref_slice %arg2[%select_n3A_71, %dma_start3A_182] : memref<800x128xi32, #tpu.memory_space<hbm>> -> memref<5x128xi32, #tpu.memory_space<hbm>>
        tpu.enqueue_dma source(%dma_start3A_183 : memref<5x128xi32, #tpu.memory_space<hbm>>) target(%arg5 : memref<5x128xi32, #tpu.memory_space<vmem>>) target_semaphore(%run_scoped3A : memref<!tpu.dma_semaphore, #tpu.memory_space<semaphore_mem>>)
        %dma_wait3A_184 = arith.constant 0 : i32
        %dma_wait3A_185 = tpu.memref_slice %arg2[%select_n3A_71, %dma_wait3A_184] : memref<800x128xi32, #tpu.memory_space<hbm>> -> memref<5x128xi32, #tpu.memory_space<hbm>>
        %dma_wait3A_186 = arith.constant 0 : i32
        %dma_wait3A_187 = tpu.memref_slice %arg2[%select_n3A_71, %dma_wait3A_186] : memref<800x128xi32, #tpu.memory_space<hbm>> -> memref<5x128xi32, #tpu.memory_space<hbm>>
        tpu.wait_dma2 semaphore(%run_scoped3A : memref<!tpu.dma_semaphore, #tpu.memory_space<semaphore_mem>>) src(%dma_wait3A_187 : memref<5x128xi32, #tpu.memory_space<hbm>>) dst(%arg5 : memref<5x128xi32, #tpu.memory_space<vmem>>)
        tpu.yield
      }) : () -> ()
      %dma_start3A = arith.constant 0 : i32
      %dma_start3A_72 = arith.constant 0 : i32
      %dma_start3A_73 = arith.constant 0 : i32
      %dma_start3A_74 = tpu.memref_slice %arg6[%dma_start3A_72, %dma_start3A_73] : memref<640x32xf32, #tpu.memory_space<vmem>> -> memref<128x32xf32, #tpu.memory_space<vmem>>
      %dma_start3A_75 = arith.constant 0 : i32
      %dma_start3A_76 = tpu.memref_slice %arg5[%dma_start3A, %dma_start3A_75] : memref<5x128xi32, #tpu.memory_space<vmem>> -> memref<1x128xi32, #tpu.memory_space<vmem>>
      %dma_start3A_77 = tpu.memref_squeeze %dma_start3A_76 : memref<1x128xi32, #tpu.memory_space<vmem>> -> memref<128xi32, #tpu.memory_space<vmem>>
      %dma_start3A_78 = arith.constant 0 : i32
      %dma_start3A_79 = arith.constant 0 : i32
      %dma_start3A_80 = tpu.memref_slice %arg3[%dma_start3A_78, %dma_start3A_79] : memref<1000000x32xf32, #tpu.memory_space<hbm>> -> memref<1000000x32xf32, #tpu.memory_space<hbm>>
      tpu.enqueue_indirect_dma source(%dma_start3A_80 : memref<1000000x32xf32, #tpu.memory_space<hbm>>) target(%dma_start3A_74 : memref<128x32xf32, #tpu.memory_space<vmem>>) offsets(%dma_start3A_77 : memref<128xi32, #tpu.memory_space<vmem>>) semaphore(%arg7 : memref<!tpu.dma_semaphore, #tpu.memory_space<semaphore_mem>>)
      %dma_start3A_81 = arith.constant 1 : i32
      %dma_start3A_82 = arith.constant 128 : i32
      %dma_start3A_83 = arith.constant 0 : i32
      %dma_start3A_84 = tpu.memref_slice %arg6[%dma_start3A_82, %dma_start3A_83] : memref<640x32xf32, #tpu.memory_space<vmem>> -> memref<128x32xf32, #tpu.memory_space<vmem>>
      %dma_start3A_85 = arith.constant 0 : i32
      %dma_start3A_86 = tpu.memref_slice %arg5[%dma_start3A_81, %dma_start3A_85] : memref<5x128xi32, #tpu.memory_space<vmem>> -> memref<1x128xi32, #tpu.memory_space<vmem>>
      %dma_start3A_87 = tpu.memref_squeeze %dma_start3A_86 : memref<1x128xi32, #tpu.memory_space<vmem>> -> memref<128xi32, #tpu.memory_space<vmem>>
      %dma_start3A_88 = arith.constant 0 : i32
      %dma_start3A_89 = arith.constant 0 : i32
      %dma_start3A_90 = tpu.memref_slice %arg3[%dma_start3A_88, %dma_start3A_89] : memref<1000000x32xf32, #tpu.memory_space<hbm>> -> memref<1000000x32xf32, #tpu.memory_space<hbm>>
      tpu.enqueue_indirect_dma source(%dma_start3A_90 : memref<1000000x32xf32, #tpu.memory_space<hbm>>) target(%dma_start3A_84 : memref<128x32xf32, #tpu.memory_space<vmem>>) offsets(%dma_start3A_87 : memref<128xi32, #tpu.memory_space<vmem>>) semaphore(%arg7 : memref<!tpu.dma_semaphore, #tpu.memory_space<semaphore_mem>>)
      %dma_start3A_91 = arith.constant 2 : i32
      %dma_start3A_92 = arith.constant 256 : i32
      %dma_start3A_93 = arith.constant 0 : i32
      %dma_start3A_94 = tpu.memref_slice %arg6[%dma_start3A_92, %dma_start3A_93] : memref<640x32xf32, #tpu.memory_space<vmem>> -> memref<128x32xf32, #tpu.memory_space<vmem>>
      %dma_start3A_95 = arith.constant 0 : i32
      %dma_start3A_96 = tpu.memref_slice %arg5[%dma_start3A_91, %dma_start3A_95] : memref<5x128xi32, #tpu.memory_space<vmem>> -> memref<1x128xi32, #tpu.memory_space<vmem>>
      %dma_start3A_97 = tpu.memref_squeeze %dma_start3A_96 : memref<1x128xi32, #tpu.memory_space<vmem>> -> memref<128xi32, #tpu.memory_space<vmem>>
      %dma_start3A_98 = arith.constant 0 : i32
      %dma_start3A_99 = arith.constant 0 : i32
      %dma_start3A_100 = tpu.memref_slice %arg3[%dma_start3A_98, %dma_start3A_99] : memref<1000000x32xf32, #tpu.memory_space<hbm>> -> memref<1000000x32xf32, #tpu.memory_space<hbm>>
      tpu.enqueue_indirect_dma source(%dma_start3A_100 : memref<1000000x32xf32, #tpu.memory_space<hbm>>) target(%dma_start3A_94 : memref<128x32xf32, #tpu.memory_space<vmem>>) offsets(%dma_start3A_97 : memref<128xi32, #tpu.memory_space<vmem>>) semaphore(%arg7 : memref<!tpu.dma_semaphore, #tpu.memory_space<semaphore_mem>>)
      %dma_start3A_101 = arith.constant 3 : i32
      %dma_start3A_102 = arith.constant 384 : i32
      %dma_start3A_103 = arith.constant 0 : i32
      %dma_start3A_104 = tpu.memref_slice %arg6[%dma_start3A_102, %dma_start3A_103] : memref<640x32xf32, #tpu.memory_space<vmem>> -> memref<128x32xf32, #tpu.memory_space<vmem>>
      %dma_start3A_105 = arith.constant 0 : i32
      %dma_start3A_106 = tpu.memref_slice %arg5[%dma_start3A_101, %dma_start3A_105] : memref<5x128xi32, #tpu.memory_space<vmem>> -> memref<1x128xi32, #tpu.memory_space<vmem>>
      %dma_start3A_107 = tpu.memref_squeeze %dma_start3A_106 : memref<1x128xi32, #tpu.memory_space<vmem>> -> memref<128xi32, #tpu.memory_space<vmem>>
      %dma_start3A_108 = arith.constant 0 : i32
      %dma_start3A_109 = arith.constant 0 : i32
      %dma_start3A_110 = tpu.memref_slice %arg3[%dma_start3A_108, %dma_start3A_109] : memref<1000000x32xf32, #tpu.memory_space<hbm>> -> memref<1000000x32xf32, #tpu.memory_space<hbm>>
      tpu.enqueue_indirect_dma source(%dma_start3A_110 : memref<1000000x32xf32, #tpu.memory_space<hbm>>) target(%dma_start3A_104 : memref<128x32xf32, #tpu.memory_space<vmem>>) offsets(%dma_start3A_107 : memref<128xi32, #tpu.memory_space<vmem>>) semaphore(%arg7 : memref<!tpu.dma_semaphore, #tpu.memory_space<semaphore_mem>>)
      %dma_start3A_111 = arith.constant 4 : i32
      %dma_start3A_112 = arith.constant 512 : i32
      %dma_start3A_113 = arith.constant 0 : i32
      %dma_start3A_114 = tpu.memref_slice %arg6[%dma_start3A_112, %dma_start3A_113] : memref<640x32xf32, #tpu.memory_space<vmem>> -> memref<128x32xf32, #tpu.memory_space<vmem>>
      %dma_start3A_115 = arith.constant 0 : i32
      %dma_start3A_116 = tpu.memref_slice %arg5[%dma_start3A_111, %dma_start3A_115] : memref<5x128xi32, #tpu.memory_space<vmem>> -> memref<1x128xi32, #tpu.memory_space<vmem>>
      %dma_start3A_117 = tpu.memref_squeeze %dma_start3A_116 : memref<1x128xi32, #tpu.memory_space<vmem>> -> memref<128xi32, #tpu.memory_space<vmem>>
      %dma_start3A_118 = arith.constant 0 : i32
      %dma_start3A_119 = arith.constant 0 : i32
      %dma_start3A_120 = tpu.memref_slice %arg3[%dma_start3A_118, %dma_start3A_119] : memref<1000000x32xf32, #tpu.memory_space<hbm>> -> memref<1000000x32xf32, #tpu.memory_space<hbm>>
      tpu.enqueue_indirect_dma source(%dma_start3A_120 : memref<1000000x32xf32, #tpu.memory_space<hbm>>) target(%dma_start3A_114 : memref<128x32xf32, #tpu.memory_space<vmem>>) offsets(%dma_start3A_117 : memref<128xi32, #tpu.memory_space<vmem>>) semaphore(%arg7 : memref<!tpu.dma_semaphore, #tpu.memory_space<semaphore_mem>>)
      %dma_wait3A = arith.constant 0 : i32
      %dma_wait3A_121 = arith.constant 0 : i32
      %dma_wait3A_122 = arith.constant 0 : i32
      %dma_wait3A_123 = tpu.memref_slice %arg6[%dma_wait3A_121, %dma_wait3A_122] : memref<640x32xf32, #tpu.memory_space<vmem>> -> memref<128x32xf32, #tpu.memory_space<vmem>>
      %dma_wait3A_124 = arith.constant 0 : i32
      %dma_wait3A_125 = tpu.memref_slice %arg5[%dma_wait3A, %dma_wait3A_124] : memref<5x128xi32, #tpu.memory_space<vmem>> -> memref<1x128xi32, #tpu.memory_space<vmem>>
      %dma_wait3A_126 = tpu.memref_squeeze %dma_wait3A_125 : memref<1x128xi32, #tpu.memory_space<vmem>> -> memref<128xi32, #tpu.memory_space<vmem>>
      %dma_wait3A_127 = arith.constant 0 : i32
      %dma_wait3A_128 = arith.constant 0 : i32
      %dma_wait3A_129 = tpu.memref_slice %arg3[%dma_wait3A_127, %dma_wait3A_128] : memref<1000000x32xf32, #tpu.memory_space<hbm>> -> memref<1000000x32xf32, #tpu.memory_space<hbm>>
      tpu.wait_indirect_dma semaphore(%arg7 : memref<!tpu.dma_semaphore, #tpu.memory_space<semaphore_mem>>) src(%dma_wait3A_129 : memref<1000000x32xf32, #tpu.memory_space<hbm>>) dst(%dma_wait3A_123 : memref<128x32xf32, #tpu.memory_space<vmem>>)
      %dma_wait3A_130 = arith.constant 1 : i32
      %dma_wait3A_131 = arith.constant 128 : i32
      %dma_wait3A_132 = arith.constant 0 : i32
      %dma_wait3A_133 = tpu.memref_slice %arg6[%dma_wait3A_131, %dma_wait3A_132] : memref<640x32xf32, #tpu.memory_space<vmem>> -> memref<128x32xf32, #tpu.memory_space<vmem>>
      %dma_wait3A_134 = arith.constant 0 : i32
      %dma_wait3A_135 = tpu.memref_slice %arg5[%dma_wait3A_130, %dma_wait3A_134] : memref<5x128xi32, #tpu.memory_space<vmem>> -> memref<1x128xi32, #tpu.memory_space<vmem>>
      %dma_wait3A_136 = tpu.memref_squeeze %dma_wait3A_135 : memref<1x128xi32, #tpu.memory_space<vmem>> -> memref<128xi32, #tpu.memory_space<vmem>>
      %dma_wait3A_137 = arith.constant 0 : i32
      %dma_wait3A_138 = arith.constant 0 : i32
      %dma_wait3A_139 = tpu.memref_slice %arg3[%dma_wait3A_137, %dma_wait3A_138] : memref<1000000x32xf32, #tpu.memory_space<hbm>> -> memref<1000000x32xf32, #tpu.memory_space<hbm>>
      tpu.wait_indirect_dma semaphore(%arg7 : memref<!tpu.dma_semaphore, #tpu.memory_space<semaphore_mem>>) src(%dma_wait3A_139 : memref<1000000x32xf32, #tpu.memory_space<hbm>>) dst(%dma_wait3A_133 : memref<128x32xf32, #tpu.memory_space<vmem>>)
      %dma_wait3A_140 = arith.constant 2 : i32
      %dma_wait3A_141 = arith.constant 256 : i32
      %dma_wait3A_142 = arith.constant 0 : i32
      %dma_wait3A_143 = tpu.memref_slice %arg6[%dma_wait3A_141, %dma_wait3A_142] : memref<640x32xf32, #tpu.memory_space<vmem>> -> memref<128x32xf32, #tpu.memory_space<vmem>>
      %dma_wait3A_144 = arith.constant 0 : i32
      %dma_wait3A_145 = tpu.memref_slice %arg5[%dma_wait3A_140, %dma_wait3A_144] : memref<5x128xi32, #tpu.memory_space<vmem>> -> memref<1x128xi32, #tpu.memory_space<vmem>>
      %dma_wait3A_146 = tpu.memref_squeeze %dma_wait3A_145 : memref<1x128xi32, #tpu.memory_space<vmem>> -> memref<128xi32, #tpu.memory_space<vmem>>
      %dma_wait3A_147 = arith.constant 0 : i32
      %dma_wait3A_148 = arith.constant 0 : i32
      %dma_wait3A_149 = tpu.memref_slice %arg3[%dma_wait3A_147, %dma_wait3A_148] : memref<1000000x32xf32, #tpu.memory_space<hbm>> -> memref<1000000x32xf32, #tpu.memory_space<hbm>>
      tpu.wait_indirect_dma semaphore(%arg7 : memref<!tpu.dma_semaphore, #tpu.memory_space<semaphore_mem>>) src(%dma_wait3A_149 : memref<1000000x32xf32, #tpu.memory_space<hbm>>) dst(%dma_wait3A_143 : memref<128x32xf32, #tpu.memory_space<vmem>>)
      %dma_wait3A_150 = arith.constant 3 : i32
      %dma_wait3A_151 = arith.constant 384 : i32
      %dma_wait3A_152 = arith.constant 0 : i32
      %dma_wait3A_153 = tpu.memref_slice %arg6[%dma_wait3A_151, %dma_wait3A_152] : memref<640x32xf32, #tpu.memory_space<vmem>> -> memref<128x32xf32, #tpu.memory_space<vmem>>
      %dma_wait3A_154 = arith.constant 0 : i32
      %dma_wait3A_155 = tpu.memref_slice %arg5[%dma_wait3A_150, %dma_wait3A_154] : memref<5x128xi32, #tpu.memory_space<vmem>> -> memref<1x128xi32, #tpu.memory_space<vmem>>
      %dma_wait3A_156 = tpu.memref_squeeze %dma_wait3A_155 : memref<1x128xi32, #tpu.memory_space<vmem>> -> memref<128xi32, #tpu.memory_space<vmem>>
      %dma_wait3A_157 = arith.constant 0 : i32
      %dma_wait3A_158 = arith.constant 0 : i32
      %dma_wait3A_159 = tpu.memref_slice %arg3[%dma_wait3A_157, %dma_wait3A_158] : memref<1000000x32xf32, #tpu.memory_space<hbm>> -> memref<1000000x32xf32, #tpu.memory_space<hbm>>
      tpu.wait_indirect_dma semaphore(%arg7 : memref<!tpu.dma_semaphore, #tpu.memory_space<semaphore_mem>>) src(%dma_wait3A_159 : memref<1000000x32xf32, #tpu.memory_space<hbm>>) dst(%dma_wait3A_153 : memref<128x32xf32, #tpu.memory_space<vmem>>)
      %dma_wait3A_160 = arith.constant 4 : i32
      %dma_wait3A_161 = arith.constant 512 : i32
      %dma_wait3A_162 = arith.constant 0 : i32
      %dma_wait3A_163 = tpu.memref_slice %arg6[%dma_wait3A_161, %dma_wait3A_162] : memref<640x32xf32, #tpu.memory_space<vmem>> -> memref<128x32xf32, #tpu.memory_space<vmem>>
      %dma_wait3A_164 = arith.constant 0 : i32
      %dma_wait3A_165 = tpu.memref_slice %arg5[%dma_wait3A_160, %dma_wait3A_164] : memref<5x128xi32, #tpu.memory_space<vmem>> -> memref<1x128xi32, #tpu.memory_space<vmem>>
      %dma_wait3A_166 = tpu.memref_squeeze %dma_wait3A_165 : memref<1x128xi32, #tpu.memory_space<vmem>> -> memref<128xi32, #tpu.memory_space<vmem>>
      %dma_wait3A_167 = arith.constant 0 : i32
      %dma_wait3A_168 = arith.constant 0 : i32
      %dma_wait3A_169 = tpu.memref_slice %arg3[%dma_wait3A_167, %dma_wait3A_168] : memref<1000000x32xf32, #tpu.memory_space<hbm>> -> memref<1000000x32xf32, #tpu.memory_space<hbm>>
      tpu.wait_indirect_dma semaphore(%arg7 : memref<!tpu.dma_semaphore, #tpu.memory_space<semaphore_mem>>) src(%dma_wait3A_169 : memref<1000000x32xf32, #tpu.memory_space<hbm>>) dst(%dma_wait3A_163 : memref<128x32xf32, #tpu.memory_space<vmem>>)
      %mul3A_170 = arith.constant 3200 : i32
      %mul3A_171 = arith.muli %select_n3A, %mul3A_170 : i32
      %mul3A_172 = arith.constant 640 : i32
      %mul3A_173 = arith.muli %scan3A_41, %mul3A_172 : i32
      %add3A_174 = arith.addi %mul3A_171, %mul3A_173 : i32
      %add3A_175 = arith.constant 0 : i32
      %add3A_176 = arith.addi %mul3A_34, %add3A_175 : i32
      %mul3A_177 = arith.constant 32 : i32
      %mul3A_178 = arith.muli %mul3A_177, %add3A_176 : i32
      "tpu.region"() ({
        %run_scoped3A = tpu.sem_alloc : memref<!tpu.dma_semaphore, #tpu.memory_space<semaphore_mem>>
        %dma_start3A_180 = tpu.memref_slice %arg4[%add3A_174, %mul3A_178] : memref<25600x128xf32, #tpu.memory_space<hbm>> -> memref<640x32xf32, #tpu.memory_space<hbm>>
        %dma_start3A_181 = tpu.memref_slice %arg4[%add3A_174, %mul3A_178] : memref<25600x128xf32, #tpu.memory_space<hbm>> -> memref<640x32xf32, #tpu.memory_space<hbm>>
        tpu.enqueue_dma source(%arg6 : memref<640x32xf32, #tpu.memory_space<vmem>>) target(%dma_start3A_181 : memref<640x32xf32, #tpu.memory_space<hbm>>) target_semaphore(%run_scoped3A : memref<!tpu.dma_semaphore, #tpu.memory_space<semaphore_mem>>)
        %dma_wait3A_182 = tpu.memref_slice %arg4[%add3A_174, %mul3A_178] : memref<25600x128xf32, #tpu.memory_space<hbm>> -> memref<640x32xf32, #tpu.memory_space<hbm>>
        %dma_wait3A_183 = tpu.memref_slice %arg4[%add3A_174, %mul3A_178] : memref<25600x128xf32, #tpu.memory_space<hbm>> -> memref<640x32xf32, #tpu.memory_space<hbm>>
        tpu.wait_dma2 semaphore(%run_scoped3A : memref<!tpu.dma_semaphore, #tpu.memory_space<semaphore_mem>>) src(%arg6 : memref<640x32xf32, #tpu.memory_space<vmem>>) dst(%dma_wait3A_183 : memref<640x32xf32, #tpu.memory_space<hbm>>)
        tpu.yield
      }) : () -> ()
      %scan3A_179 = arith.constant 0 : i32
      scf.yield %scan3A_179 : i32
    }
    %scan3A_40 = arith.constant 5 : i32
    return
  }
}

#map = affine_map<(d0, d1) -> (0, 0)>
module attributes {stable_mosaic.version = 14 : i64} {
  func.func @_sc_gather(%arg0: i32, %arg1: i32, %arg2: memref<800x128xi32, #tpu.memory_space<hbm>>, %arg3: memref<1000000x32xf32, #tpu.memory_space<hbm>>, %arg4: memref<25600x128xf32, #tpu.memory_space<hbm>>, %arg5: memref<5x128xi32, #tpu.memory_space<vmem>>, %arg6: memref<640x32xf32, #tpu.memory_space<vmem>>, %arg7: memref<!tpu.dma_semaphore, #tpu.memory_space<semaphore_mem>>) attributes {dimension_semantics = [#tpu.dimension_semantics<core_parallel>, #tpu.dimension_semantics<subcore_parallel>], iteration_bounds = array<i64: 2, 16>, scalar_prefetch = 0 : i64, scratch_operands = 3 : i64, tpu.core_type = #tpu.core_type<sc_vector_subcore>, window_params = [{transform_indices = #map}, {transform_indices = #map}, {transform_indices = #map}]} {
    %mul3A = arith.constant 2 : i32
    %mul3A_0 = arith.muli %arg1, %mul3A : i32
    %add3A = arith.addi %mul3A_0, %arg0 : i32
    %mul3A_1 = arith.constant 3200 : i32
    %mul3A_2 = arith.muli %add3A, %mul3A_1 : i32
    %jit3A = arith.constant 4 : i32
    %div3A = arith.divsi %add3A, %jit3A : i32
    %sign3A = arith.constant 0 : i32
    %sign3A_3 = arith.cmpi sgt, %add3A, %sign3A : i32
    %sign3A_4 = arith.extui %sign3A_3 : i1 to i32
    %sign3A_5 = arith.constant 0 : i32
    %sign3A_6 = arith.cmpi slt, %add3A, %sign3A_5 : i32
    %sign3A_7 = arith.extui %sign3A_6 : i1 to i32
    %sign3A_8 = arith.subi %sign3A_4, %sign3A_7 : i32
    %sign3A_9 = arith.constant 0 : i32
    %sign3A_10 = arith.cmpi sgt, %jit3A, %sign3A_9 : i32
    %sign3A_11 = arith.extui %sign3A_10 : i1 to i32
    %sign3A_12 = arith.constant 0 : i32
    %sign3A_13 = arith.cmpi slt, %jit3A, %sign3A_12 : i32
    %sign3A_14 = arith.extui %sign3A_13 : i1 to i32
    %sign3A_15 = arith.subi %sign3A_11, %sign3A_14 : i32
    %ne3A = arith.cmpi ne, %sign3A_8, %sign3A_15 : i32
    %rem3A = arith.remsi %add3A, %jit3A : i32
    %ne3A_16 = arith.constant 0 : i32
    %ne3A_17 = arith.cmpi ne, %rem3A, %ne3A_16 : i32
    %and3A = arith.andi %ne3A, %ne3A_17 : i1
    %sub3A = arith.constant 1 : i32
    %sub3A_18 = arith.subi %div3A, %sub3A : i32
    %select_n3A = arith.select %and3A, %sub3A_18, %div3A : i32
    %jit3A_19 = arith.constant 4 : i32
    %eq3A = arith.constant 0 : i32
    %eq3A_20 = arith.cmpi eq, %jit3A_19, %eq3A : i32
    %jit3A_21 = arith.constant 1 : i32
    %select_n3A_22 = arith.select %eq3A_20, %jit3A_21, %jit3A_19 : i32
    %rem3A_23 = arith.remsi %add3A, %select_n3A_22 : i32
    %ne3A_24 = arith.constant 0 : i32
    %ne3A_25 = arith.cmpi ne, %rem3A_23, %ne3A_24 : i32
    %lt3A = arith.constant 0 : i32
    %lt3A_26 = arith.cmpi slt, %rem3A_23, %lt3A : i32
    %lt3A_27 = arith.constant 0 : i32
    %lt3A_28 = arith.cmpi slt, %select_n3A_22, %lt3A_27 : i32
    %ne3A_29 = arith.xori %lt3A_26, %lt3A_28 : i1
    %and3A_30 = arith.andi %ne3A_29, %ne3A_25 : i1
    %add3A_31 = arith.addi %rem3A_23, %select_n3A_22 : i32
    %select_n3A_32 = arith.select %and3A_30, %add3A_31, %rem3A_23 : i32
    %mul3A_33 = arith.constant 1 : i32
    %mul3A_34 = arith.muli %mul3A_33, %select_n3A_32 : i32
    %scan3A = arith.constant 0 : i32
    %scan3A_35 = arith.constant 0 : i32
    %scan3A_36 = arith.constant 5 : i32
    %scan3A_37 = arith.addi %scan3A_35, %scan3A_36 : i32
    %scan3A_38 = arith.constant 1 : i32
    %scan3A_39 = scf.for %scan3A_41 = %scan3A_35 to %scan3A_37 step %scan3A_38 iter_args(%scan3A_42 = %scan3A) -> (i32)  : i32 {
      %add3A_43 = arith.constant 0 : i32
      %add3A_44 = arith.addi %mul3A_2, %add3A_43 : i32
      %mul3A_45 = arith.constant 640 : i32
      %mul3A_46 = arith.muli %scan3A_41, %mul3A_45 : i32
      %add3A_47 = arith.addi %add3A_44, %mul3A_46 : i32
      %jit3A_48 = arith.constant 128 : i32
      %div3A_49 = arith.divsi %add3A_47, %jit3A_48 : i32
      %sign3A_50 = arith.constant 0 : i32
      %sign3A_51 = arith.cmpi sgt, %add3A_47, %sign3A_50 : i32
      %sign3A_52 = arith.extui %sign3A_51 : i1 to i32
      %sign3A_53 = arith.constant 0 : i32
      %sign3A_54 = arith.cmpi slt, %add3A_47, %sign3A_53 : i32
      %sign3A_55 = arith.extui %sign3A_54 : i1 to i32
      %sign3A_56 = arith.subi %sign3A_52, %sign3A_55 : i32
      %sign3A_57 = arith.constant 0 : i32
      %sign3A_58 = arith.cmpi sgt, %jit3A_48, %sign3A_57 : i32
      %sign3A_59 = arith.extui %sign3A_58 : i1 to i32
      %sign3A_60 = arith.constant 0 : i32
      %sign3A_61 = arith.cmpi slt, %jit3A_48, %sign3A_60 : i32
      %sign3A_62 = arith.extui %sign3A_61 : i1 to i32
      %sign3A_63 = arith.subi %sign3A_59, %sign3A_62 : i32
      %ne3A_64 = arith.cmpi ne, %sign3A_56, %sign3A_63 : i32
      %rem3A_65 = arith.remsi %add3A_47, %jit3A_48 : i32
      %ne3A_66 = arith.constant 0 : i32
      %ne3A_67 = arith.cmpi ne, %rem3A_65, %ne3A_66 : i32
      %and3A_68 = arith.andi %ne3A_64, %ne3A_67 : i1
      %sub3A_69 = arith.constant 1 : i32
      %sub3A_70 = arith.subi %div3A_49, %sub3A_69 : i32
      %select_n3A_71 = arith.select %and3A_68, %sub3A_70, %div3A_49 : i32
      "tpu.region"() ({
        %run_scoped3A = tpu.sem_alloc : memref<!tpu.dma_semaphore, #tpu.memory_space<semaphore_mem>>
        %dma_start3A_180 = arith.constant 0 : i32
        %dma_start3A_181 = tpu.memref_slice %arg2[%select_n3A_71, %dma_start3A_180] : memref<800x128xi32, #tpu.memory_space<hbm>> -> memref<5x128xi32, #tpu.memory_space<hbm>>
        %dma_start3A_182 = arith.constant 0 : i32
        %dma_start3A_183 = tpu.memref_slice %arg2[%select_n3A_71, %dma_start3A_182] : memref<800x128xi32, #tpu.memory_space<hbm>> -> memref<5x128xi32, #tpu.memory_space<hbm>>
        tpu.enqueue_dma source(%dma_start3A_183 : memref<5x128xi32, #tpu.memory_space<hbm>>) target(%arg5 : memref<5x128xi32, #tpu.memory_space<vmem>>) target_semaphore(%run_scoped3A : memref<!tpu.dma_semaphore, #tpu.memory_space<semaphore_mem>>)
        %dma_wait3A_184 = arith.constant 0 : i32
        %dma_wait3A_185 = tpu.memref_slice %arg2[%select_n3A_71, %dma_wait3A_184] : memref<800x128xi32, #tpu.memory_space<hbm>> -> memref<5x128xi32, #tpu.memory_space<hbm>>
        %dma_wait3A_186 = arith.constant 0 : i32
        %dma_wait3A_187 = tpu.memref_slice %arg2[%select_n3A_71, %dma_wait3A_186] : memref<800x128xi32, #tpu.memory_space<hbm>> -> memref<5x128xi32, #tpu.memory_space<hbm>>
        tpu.wait_dma2 semaphore(%run_scoped3A : memref<!tpu.dma_semaphore, #tpu.memory_space<semaphore_mem>>) src(%dma_wait3A_187 : memref<5x128xi32, #tpu.memory_space<hbm>>) dst(%arg5 : memref<5x128xi32, #tpu.memory_space<vmem>>)
        tpu.yield
      }) : () -> ()
      %dma_start3A = arith.constant 0 : i32
      %dma_start3A_72 = arith.constant 0 : i32
      %dma_start3A_73 = arith.constant 0 : i32
      %dma_start3A_74 = tpu.memref_slice %arg6[%dma_start3A_72, %dma_start3A_73] : memref<640x32xf32, #tpu.memory_space<vmem>> -> memref<128x32xf32, #tpu.memory_space<vmem>>
      %dma_start3A_75 = arith.constant 0 : i32
      %dma_start3A_76 = tpu.memref_slice %arg5[%dma_start3A, %dma_start3A_75] : memref<5x128xi32, #tpu.memory_space<vmem>> -> memref<1x128xi32, #tpu.memory_space<vmem>>
      %dma_start3A_77 = tpu.memref_squeeze %dma_start3A_76 : memref<1x128xi32, #tpu.memory_space<vmem>> -> memref<128xi32, #tpu.memory_space<vmem>>
      %dma_start3A_78 = arith.constant 0 : i32
      %dma_start3A_79 = arith.constant 0 : i32
      %dma_start3A_80 = tpu.memref_slice %arg3[%dma_start3A_78, %dma_start3A_79] : memref<1000000x32xf32, #tpu.memory_space<hbm>> -> memref<1000000x32xf32, #tpu.memory_space<hbm>>
      tpu.enqueue_indirect_dma source(%dma_start3A_80 : memref<1000000x32xf32, #tpu.memory_space<hbm>>) target(%dma_start3A_74 : memref<128x32xf32, #tpu.memory_space<vmem>>) offsets(%dma_start3A_77 : memref<128xi32, #tpu.memory_space<vmem>>) semaphore(%arg7 : memref<!tpu.dma_semaphore, #tpu.memory_space<semaphore_mem>>)
      %dma_start3A_81 = arith.constant 1 : i32
      %dma_start3A_82 = arith.constant 128 : i32
      %dma_start3A_83 = arith.constant 0 : i32
      %dma_start3A_84 = tpu.memref_slice %arg6[%dma_start3A_82, %dma_start3A_83] : memref<640x32xf32, #tpu.memory_space<vmem>> -> memref<128x32xf32, #tpu.memory_space<vmem>>
      %dma_start3A_85 = arith.constant 0 : i32
      %dma_start3A_86 = tpu.memref_slice %arg5[%dma_start3A_81, %dma_start3A_85] : memref<5x128xi32, #tpu.memory_space<vmem>> -> memref<1x128xi32, #tpu.memory_space<vmem>>
      %dma_start3A_87 = tpu.memref_squeeze %dma_start3A_86 : memref<1x128xi32, #tpu.memory_space<vmem>> -> memref<128xi32, #tpu.memory_space<vmem>>
      %dma_start3A_88 = arith.constant 0 : i32
      %dma_start3A_89 = arith.constant 0 : i32
      %dma_start3A_90 = tpu.memref_slice %arg3[%dma_start3A_88, %dma_start3A_89] : memref<1000000x32xf32, #tpu.memory_space<hbm>> -> memref<1000000x32xf32, #tpu.memory_space<hbm>>
      tpu.enqueue_indirect_dma source(%dma_start3A_90 : memref<1000000x32xf32, #tpu.memory_space<hbm>>) target(%dma_start3A_84 : memref<128x32xf32, #tpu.memory_space<vmem>>) offsets(%dma_start3A_87 : memref<128xi32, #tpu.memory_space<vmem>>) semaphore(%arg7 : memref<!tpu.dma_semaphore, #tpu.memory_space<semaphore_mem>>)
      %dma_start3A_91 = arith.constant 2 : i32
      %dma_start3A_92 = arith.constant 256 : i32
      %dma_start3A_93 = arith.constant 0 : i32
      %dma_start3A_94 = tpu.memref_slice %arg6[%dma_start3A_92, %dma_start3A_93] : memref<640x32xf32, #tpu.memory_space<vmem>> -> memref<128x32xf32, #tpu.memory_space<vmem>>
      %dma_start3A_95 = arith.constant 0 : i32
      %dma_start3A_96 = tpu.memref_slice %arg5[%dma_start3A_91, %dma_start3A_95] : memref<5x128xi32, #tpu.memory_space<vmem>> -> memref<1x128xi32, #tpu.memory_space<vmem>>
      %dma_start3A_97 = tpu.memref_squeeze %dma_start3A_96 : memref<1x128xi32, #tpu.memory_space<vmem>> -> memref<128xi32, #tpu.memory_space<vmem>>
      %dma_start3A_98 = arith.constant 0 : i32
      %dma_start3A_99 = arith.constant 0 : i32
      %dma_start3A_100 = tpu.memref_slice %arg3[%dma_start3A_98, %dma_start3A_99] : memref<1000000x32xf32, #tpu.memory_space<hbm>> -> memref<1000000x32xf32, #tpu.memory_space<hbm>>
      tpu.enqueue_indirect_dma source(%dma_start3A_100 : memref<1000000x32xf32, #tpu.memory_space<hbm>>) target(%dma_start3A_94 : memref<128x32xf32, #tpu.memory_space<vmem>>) offsets(%dma_start3A_97 : memref<128xi32, #tpu.memory_space<vmem>>) semaphore(%arg7 : memref<!tpu.dma_semaphore, #tpu.memory_space<semaphore_mem>>)
      %dma_start3A_101 = arith.constant 3 : i32
      %dma_start3A_102 = arith.constant 384 : i32
      %dma_start3A_103 = arith.constant 0 : i32
      %dma_start3A_104 = tpu.memref_slice %arg6[%dma_start3A_102, %dma_start3A_103] : memref<640x32xf32, #tpu.memory_space<vmem>> -> memref<128x32xf32, #tpu.memory_space<vmem>>
      %dma_start3A_105 = arith.constant 0 : i32
      %dma_start3A_106 = tpu.memref_slice %arg5[%dma_start3A_101, %dma_start3A_105] : memref<5x128xi32, #tpu.memory_space<vmem>> -> memref<1x128xi32, #tpu.memory_space<vmem>>
      %dma_start3A_107 = tpu.memref_squeeze %dma_start3A_106 : memref<1x128xi32, #tpu.memory_space<vmem>> -> memref<128xi32, #tpu.memory_space<vmem>>
      %dma_start3A_108 = arith.constant 0 : i32
      %dma_start3A_109 = arith.constant 0 : i32
      %dma_start3A_110 = tpu.memref_slice %arg3[%dma_start3A_108, %dma_start3A_109] : memref<1000000x32xf32, #tpu.memory_space<hbm>> -> memref<1000000x32xf32, #tpu.memory_space<hbm>>
      tpu.enqueue_indirect_dma source(%dma_start3A_110 : memref<1000000x32xf32, #tpu.memory_space<hbm>>) target(%dma_start3A_104 : memref<128x32xf32, #tpu.memory_space<vmem>>) offsets(%dma_start3A_107 : memref<128xi32, #tpu.memory_space<vmem>>) semaphore(%arg7 : memref<!tpu.dma_semaphore, #tpu.memory_space<semaphore_mem>>)
      %dma_start3A_111 = arith.constant 4 : i32
      %dma_start3A_112 = arith.constant 512 : i32
      %dma_start3A_113 = arith.constant 0 : i32
      %dma_start3A_114 = tpu.memref_slice %arg6[%dma_start3A_112, %dma_start3A_113] : memref<640x32xf32, #tpu.memory_space<vmem>> -> memref<128x32xf32, #tpu.memory_space<vmem>>
      %dma_start3A_115 = arith.constant 0 : i32
      %dma_start3A_116 = tpu.memref_slice %arg5[%dma_start3A_111, %dma_start3A_115] : memref<5x128xi32, #tpu.memory_space<vmem>> -> memref<1x128xi32, #tpu.memory_space<vmem>>
      %dma_start3A_117 = tpu.memref_squeeze %dma_start3A_116 : memref<1x128xi32, #tpu.memory_space<vmem>> -> memref<128xi32, #tpu.memory_space<vmem>>
      %dma_start3A_118 = arith.constant 0 : i32
      %dma_start3A_119 = arith.constant 0 : i32
      %dma_start3A_120 = tpu.memref_slice %arg3[%dma_start3A_118, %dma_start3A_119] : memref<1000000x32xf32, #tpu.memory_space<hbm>> -> memref<1000000x32xf32, #tpu.memory_space<hbm>>
      tpu.enqueue_indirect_dma source(%dma_start3A_120 : memref<1000000x32xf32, #tpu.memory_space<hbm>>) target(%dma_start3A_114 : memref<128x32xf32, #tpu.memory_space<vmem>>) offsets(%dma_start3A_117 : memref<128xi32, #tpu.memory_space<vmem>>) semaphore(%arg7 : memref<!tpu.dma_semaphore, #tpu.memory_space<semaphore_mem>>)
      %dma_wait3A = arith.constant 0 : i32
      %dma_wait3A_121 = arith.constant 0 : i32
      %dma_wait3A_122 = arith.constant 0 : i32
      %dma_wait3A_123 = tpu.memref_slice %arg6[%dma_wait3A_121, %dma_wait3A_122] : memref<640x32xf32, #tpu.memory_space<vmem>> -> memref<128x32xf32, #tpu.memory_space<vmem>>
      %dma_wait3A_124 = arith.constant 0 : i32
      %dma_wait3A_125 = tpu.memref_slice %arg5[%dma_wait3A, %dma_wait3A_124] : memref<5x128xi32, #tpu.memory_space<vmem>> -> memref<1x128xi32, #tpu.memory_space<vmem>>
      %dma_wait3A_126 = tpu.memref_squeeze %dma_wait3A_125 : memref<1x128xi32, #tpu.memory_space<vmem>> -> memref<128xi32, #tpu.memory_space<vmem>>
      %dma_wait3A_127 = arith.constant 0 : i32
      %dma_wait3A_128 = arith.constant 0 : i32
      %dma_wait3A_129 = tpu.memref_slice %arg3[%dma_wait3A_127, %dma_wait3A_128] : memref<1000000x32xf32, #tpu.memory_space<hbm>> -> memref<1000000x32xf32, #tpu.memory_space<hbm>>
      tpu.wait_indirect_dma semaphore(%arg7 : memref<!tpu.dma_semaphore, #tpu.memory_space<semaphore_mem>>) src(%dma_wait3A_129 : memref<1000000x32xf32, #tpu.memory_space<hbm>>) dst(%dma_wait3A_123 : memref<128x32xf32, #tpu.memory_space<vmem>>)
      %dma_wait3A_130 = arith.constant 1 : i32
      %dma_wait3A_131 = arith.constant 128 : i32
      %dma_wait3A_132 = arith.constant 0 : i32
      %dma_wait3A_133 = tpu.memref_slice %arg6[%dma_wait3A_131, %dma_wait3A_132] : memref<640x32xf32, #tpu.memory_space<vmem>> -> memref<128x32xf32, #tpu.memory_space<vmem>>
      %dma_wait3A_134 = arith.constant 0 : i32
      %dma_wait3A_135 = tpu.memref_slice %arg5[%dma_wait3A_130, %dma_wait3A_134] : memref<5x128xi32, #tpu.memory_space<vmem>> -> memref<1x128xi32, #tpu.memory_space<vmem>>
      %dma_wait3A_136 = tpu.memref_squeeze %dma_wait3A_135 : memref<1x128xi32, #tpu.memory_space<vmem>> -> memref<128xi32, #tpu.memory_space<vmem>>
      %dma_wait3A_137 = arith.constant 0 : i32
      %dma_wait3A_138 = arith.constant 0 : i32
      %dma_wait3A_139 = tpu.memref_slice %arg3[%dma_wait3A_137, %dma_wait3A_138] : memref<1000000x32xf32, #tpu.memory_space<hbm>> -> memref<1000000x32xf32, #tpu.memory_space<hbm>>
      tpu.wait_indirect_dma semaphore(%arg7 : memref<!tpu.dma_semaphore, #tpu.memory_space<semaphore_mem>>) src(%dma_wait3A_139 : memref<1000000x32xf32, #tpu.memory_space<hbm>>) dst(%dma_wait3A_133 : memref<128x32xf32, #tpu.memory_space<vmem>>)
      %dma_wait3A_140 = arith.constant 2 : i32
      %dma_wait3A_141 = arith.constant 256 : i32
      %dma_wait3A_142 = arith.constant 0 : i32
      %dma_wait3A_143 = tpu.memref_slice %arg6[%dma_wait3A_141, %dma_wait3A_142] : memref<640x32xf32, #tpu.memory_space<vmem>> -> memref<128x32xf32, #tpu.memory_space<vmem>>
      %dma_wait3A_144 = arith.constant 0 : i32
      %dma_wait3A_145 = tpu.memref_slice %arg5[%dma_wait3A_140, %dma_wait3A_144] : memref<5x128xi32, #tpu.memory_space<vmem>> -> memref<1x128xi32, #tpu.memory_space<vmem>>
      %dma_wait3A_146 = tpu.memref_squeeze %dma_wait3A_145 : memref<1x128xi32, #tpu.memory_space<vmem>> -> memref<128xi32, #tpu.memory_space<vmem>>
      %dma_wait3A_147 = arith.constant 0 : i32
      %dma_wait3A_148 = arith.constant 0 : i32
      %dma_wait3A_149 = tpu.memref_slice %arg3[%dma_wait3A_147, %dma_wait3A_148] : memref<1000000x32xf32, #tpu.memory_space<hbm>> -> memref<1000000x32xf32, #tpu.memory_space<hbm>>
      tpu.wait_indirect_dma semaphore(%arg7 : memref<!tpu.dma_semaphore, #tpu.memory_space<semaphore_mem>>) src(%dma_wait3A_149 : memref<1000000x32xf32, #tpu.memory_space<hbm>>) dst(%dma_wait3A_143 : memref<128x32xf32, #tpu.memory_space<vmem>>)
      %dma_wait3A_150 = arith.constant 3 : i32
      %dma_wait3A_151 = arith.constant 384 : i32
      %dma_wait3A_152 = arith.constant 0 : i32
      %dma_wait3A_153 = tpu.memref_slice %arg6[%dma_wait3A_151, %dma_wait3A_152] : memref<640x32xf32, #tpu.memory_space<vmem>> -> memref<128x32xf32, #tpu.memory_space<vmem>>
      %dma_wait3A_154 = arith.constant 0 : i32
      %dma_wait3A_155 = tpu.memref_slice %arg5[%dma_wait3A_150, %dma_wait3A_154] : memref<5x128xi32, #tpu.memory_space<vmem>> -> memref<1x128xi32, #tpu.memory_space<vmem>>
      %dma_wait3A_156 = tpu.memref_squeeze %dma_wait3A_155 : memref<1x128xi32, #tpu.memory_space<vmem>> -> memref<128xi32, #tpu.memory_space<vmem>>
      %dma_wait3A_157 = arith.constant 0 : i32
      %dma_wait3A_158 = arith.constant 0 : i32
      %dma_wait3A_159 = tpu.memref_slice %arg3[%dma_wait3A_157, %dma_wait3A_158] : memref<1000000x32xf32, #tpu.memory_space<hbm>> -> memref<1000000x32xf32, #tpu.memory_space<hbm>>
      tpu.wait_indirect_dma semaphore(%arg7 : memref<!tpu.dma_semaphore, #tpu.memory_space<semaphore_mem>>) src(%dma_wait3A_159 : memref<1000000x32xf32, #tpu.memory_space<hbm>>) dst(%dma_wait3A_153 : memref<128x32xf32, #tpu.memory_space<vmem>>)
      %dma_wait3A_160 = arith.constant 4 : i32
      %dma_wait3A_161 = arith.constant 512 : i32
      %dma_wait3A_162 = arith.constant 0 : i32
      %dma_wait3A_163 = tpu.memref_slice %arg6[%dma_wait3A_161, %dma_wait3A_162] : memref<640x32xf32, #tpu.memory_space<vmem>> -> memref<128x32xf32, #tpu.memory_space<vmem>>
      %dma_wait3A_164 = arith.constant 0 : i32
      %dma_wait3A_165 = tpu.memref_slice %arg5[%dma_wait3A_160, %dma_wait3A_164] : memref<5x128xi32, #tpu.memory_space<vmem>> -> memref<1x128xi32, #tpu.memory_space<vmem>>
      %dma_wait3A_166 = tpu.memref_squeeze %dma_wait3A_165 : memref<1x128xi32, #tpu.memory_space<vmem>> -> memref<128xi32, #tpu.memory_space<vmem>>
      %dma_wait3A_167 = arith.constant 0 : i32
      %dma_wait3A_168 = arith.constant 0 : i32
      %dma_wait3A_169 = tpu.memref_slice %arg3[%dma_wait3A_167, %dma_wait3A_168] : memref<1000000x32xf32, #tpu.memory_space<hbm>> -> memref<1000000x32xf32, #tpu.memory_space<hbm>>
      tpu.wait_indirect_dma semaphore(%arg7 : memref<!tpu.dma_semaphore, #tpu.memory_space<semaphore_mem>>) src(%dma_wait3A_169 : memref<1000000x32xf32, #tpu.memory_space<hbm>>) dst(%dma_wait3A_163 : memref<128x32xf32, #tpu.memory_space<vmem>>)
      %mul3A_170 = arith.constant 3200 : i32
      %mul3A_171 = arith.muli %select_n3A, %mul3A_170 : i32
      %mul3A_172 = arith.constant 640 : i32
      %mul3A_173 = arith.muli %scan3A_41, %mul3A_172 : i32
      %add3A_174 = arith.addi %mul3A_171, %mul3A_173 : i32
      %add3A_175 = arith.constant 0 : i32
      %add3A_176 = arith.addi %mul3A_34, %add3A_175 : i32
      %mul3A_177 = arith.constant 32 : i32
      %mul3A_178 = arith.muli %mul3A_177, %add3A_176 : i32
      "tpu.region"() ({
        %run_scoped3A = tpu.sem_alloc : memref<!tpu.dma_semaphore, #tpu.memory_space<semaphore_mem>>
        %dma_start3A_180 = tpu.memref_slice %arg4[%add3A_174, %mul3A_178] : memref<25600x128xf32, #tpu.memory_space<hbm>> -> memref<640x32xf32, #tpu.memory_space<hbm>>
        %dma_start3A_181 = tpu.memref_slice %arg4[%add3A_174, %mul3A_178] : memref<25600x128xf32, #tpu.memory_space<hbm>> -> memref<640x32xf32, #tpu.memory_space<hbm>>
        tpu.enqueue_dma source(%arg6 : memref<640x32xf32, #tpu.memory_space<vmem>>) target(%dma_start3A_181 : memref<640x32xf32, #tpu.memory_space<hbm>>) target_semaphore(%run_scoped3A : memref<!tpu.dma_semaphore, #tpu.memory_space<semaphore_mem>>)
        %dma_wait3A_182 = tpu.memref_slice %arg4[%add3A_174, %mul3A_178] : memref<25600x128xf32, #tpu.memory_space<hbm>> -> memref<640x32xf32, #tpu.memory_space<hbm>>
        %dma_wait3A_183 = tpu.memref_slice %arg4[%add3A_174, %mul3A_178] : memref<25600x128xf32, #tpu.memory_space<hbm>> -> memref<640x32xf32, #tpu.memory_space<hbm>>
        tpu.wait_dma2 semaphore(%run_scoped3A : memref<!tpu.dma_semaphore, #tpu.memory_space<semaphore_mem>>) src(%arg6 : memref<640x32xf32, #tpu.memory_space<vmem>>) dst(%dma_wait3A_183 : memref<640x32xf32, #tpu.memory_space<hbm>>)
        tpu.yield
      }) : () -> ()
      %scan3A_179 = arith.constant 0 : i32
      scf.yield %scan3A_179 : i32
    }
    %scan3A_40 = arith.constant 5 : i32
    return
  }
}

#map = affine_map<(d0, d1) -> (0, 0)>
module attributes {stable_mosaic.version = 14 : i64} {
  func.func @_sc_gather(%arg0: i32, %arg1: i32, %arg2: memref<800x128xi32, #tpu.memory_space<hbm>>, %arg3: memref<1000000x32xf32, #tpu.memory_space<hbm>>, %arg4: memref<25600x128xf32, #tpu.memory_space<hbm>>, %arg5: memref<5x128xi32, #tpu.memory_space<vmem>>, %arg6: memref<640x32xf32, #tpu.memory_space<vmem>>, %arg7: memref<!tpu.dma_semaphore, #tpu.memory_space<semaphore_mem>>) attributes {dimension_semantics = [#tpu.dimension_semantics<core_parallel>, #tpu.dimension_semantics<subcore_parallel>], iteration_bounds = array<i64: 2, 16>, scalar_prefetch = 0 : i64, scratch_operands = 3 : i64, tpu.core_type = #tpu.core_type<sc_vector_subcore>, window_params = [{transform_indices = #map}, {transform_indices = #map}, {transform_indices = #map}]} {
    %mul3A = arith.constant 2 : i32
    %mul3A_0 = arith.muli %arg1, %mul3A : i32
    %add3A = arith.addi %mul3A_0, %arg0 : i32
    %mul3A_1 = arith.constant 3200 : i32
    %mul3A_2 = arith.muli %add3A, %mul3A_1 : i32
    %jit3A = arith.constant 4 : i32
    %div3A = arith.divsi %add3A, %jit3A : i32
    %sign3A = arith.constant 0 : i32
    %sign3A_3 = arith.cmpi sgt, %add3A, %sign3A : i32
    %sign3A_4 = arith.extui %sign3A_3 : i1 to i32
    %sign3A_5 = arith.constant 0 : i32
    %sign3A_6 = arith.cmpi slt, %add3A, %sign3A_5 : i32
    %sign3A_7 = arith.extui %sign3A_6 : i1 to i32
    %sign3A_8 = arith.subi %sign3A_4, %sign3A_7 : i32
    %sign3A_9 = arith.constant 0 : i32
    %sign3A_10 = arith.cmpi sgt, %jit3A, %sign3A_9 : i32
    %sign3A_11 = arith.extui %sign3A_10 : i1 to i32
    %sign3A_12 = arith.constant 0 : i32
    %sign3A_13 = arith.cmpi slt, %jit3A, %sign3A_12 : i32
    %sign3A_14 = arith.extui %sign3A_13 : i1 to i32
    %sign3A_15 = arith.subi %sign3A_11, %sign3A_14 : i32
    %ne3A = arith.cmpi ne, %sign3A_8, %sign3A_15 : i32
    %rem3A = arith.remsi %add3A, %jit3A : i32
    %ne3A_16 = arith.constant 0 : i32
    %ne3A_17 = arith.cmpi ne, %rem3A, %ne3A_16 : i32
    %and3A = arith.andi %ne3A, %ne3A_17 : i1
    %sub3A = arith.constant 1 : i32
    %sub3A_18 = arith.subi %div3A, %sub3A : i32
    %select_n3A = arith.select %and3A, %sub3A_18, %div3A : i32
    %jit3A_19 = arith.constant 4 : i32
    %eq3A = arith.constant 0 : i32
    %eq3A_20 = arith.cmpi eq, %jit3A_19, %eq3A : i32
    %jit3A_21 = arith.constant 1 : i32
    %select_n3A_22 = arith.select %eq3A_20, %jit3A_21, %jit3A_19 : i32
    %rem3A_23 = arith.remsi %add3A, %select_n3A_22 : i32
    %ne3A_24 = arith.constant 0 : i32
    %ne3A_25 = arith.cmpi ne, %rem3A_23, %ne3A_24 : i32
    %lt3A = arith.constant 0 : i32
    %lt3A_26 = arith.cmpi slt, %rem3A_23, %lt3A : i32
    %lt3A_27 = arith.constant 0 : i32
    %lt3A_28 = arith.cmpi slt, %select_n3A_22, %lt3A_27 : i32
    %ne3A_29 = arith.xori %lt3A_26, %lt3A_28 : i1
    %and3A_30 = arith.andi %ne3A_29, %ne3A_25 : i1
    %add3A_31 = arith.addi %rem3A_23, %select_n3A_22 : i32
    %select_n3A_32 = arith.select %and3A_30, %add3A_31, %rem3A_23 : i32
    %mul3A_33 = arith.constant 1 : i32
    %mul3A_34 = arith.muli %mul3A_33, %select_n3A_32 : i32
    %scan3A = arith.constant 0 : i32
    %scan3A_35 = arith.constant 0 : i32
    %scan3A_36 = arith.constant 5 : i32
    %scan3A_37 = arith.addi %scan3A_35, %scan3A_36 : i32
    %scan3A_38 = arith.constant 1 : i32
    %scan3A_39 = scf.for %scan3A_41 = %scan3A_35 to %scan3A_37 step %scan3A_38 iter_args(%scan3A_42 = %scan3A) -> (i32)  : i32 {
      %add3A_43 = arith.constant 0 : i32
      %add3A_44 = arith.addi %mul3A_2, %add3A_43 : i32
      %mul3A_45 = arith.constant 640 : i32
      %mul3A_46 = arith.muli %scan3A_41, %mul3A_45 : i32
      %add3A_47 = arith.addi %add3A_44, %mul3A_46 : i32
      %jit3A_48 = arith.constant 128 : i32
      %div3A_49 = arith.divsi %add3A_47, %jit3A_48 : i32
      %sign3A_50 = arith.constant 0 : i32
      %sign3A_51 = arith.cmpi sgt, %add3A_47, %sign3A_50 : i32
      %sign3A_52 = arith.extui %sign3A_51 : i1 to i32
      %sign3A_53 = arith.constant 0 : i32
      %sign3A_54 = arith.cmpi slt, %add3A_47, %sign3A_53 : i32
      %sign3A_55 = arith.extui %sign3A_54 : i1 to i32
      %sign3A_56 = arith.subi %sign3A_52, %sign3A_55 : i32
      %sign3A_57 = arith.constant 0 : i32
      %sign3A_58 = arith.cmpi sgt, %jit3A_48, %sign3A_57 : i32
      %sign3A_59 = arith.extui %sign3A_58 : i1 to i32
      %sign3A_60 = arith.constant 0 : i32
      %sign3A_61 = arith.cmpi slt, %jit3A_48, %sign3A_60 : i32
      %sign3A_62 = arith.extui %sign3A_61 : i1 to i32
      %sign3A_63 = arith.subi %sign3A_59, %sign3A_62 : i32
      %ne3A_64 = arith.cmpi ne, %sign3A_56, %sign3A_63 : i32
      %rem3A_65 = arith.remsi %add3A_47, %jit3A_48 : i32
      %ne3A_66 = arith.constant 0 : i32
      %ne3A_67 = arith.cmpi ne, %rem3A_65, %ne3A_66 : i32
      %and3A_68 = arith.andi %ne3A_64, %ne3A_67 : i1
      %sub3A_69 = arith.constant 1 : i32
      %sub3A_70 = arith.subi %div3A_49, %sub3A_69 : i32
      %select_n3A_71 = arith.select %and3A_68, %sub3A_70, %div3A_49 : i32
      "tpu.region"() ({
        %run_scoped3A = tpu.sem_alloc : memref<!tpu.dma_semaphore, #tpu.memory_space<semaphore_mem>>
        %dma_start3A_180 = arith.constant 0 : i32
        %dma_start3A_181 = tpu.memref_slice %arg2[%select_n3A_71, %dma_start3A_180] : memref<800x128xi32, #tpu.memory_space<hbm>> -> memref<5x128xi32, #tpu.memory_space<hbm>>
        %dma_start3A_182 = arith.constant 0 : i32
        %dma_start3A_183 = tpu.memref_slice %arg2[%select_n3A_71, %dma_start3A_182] : memref<800x128xi32, #tpu.memory_space<hbm>> -> memref<5x128xi32, #tpu.memory_space<hbm>>
        tpu.enqueue_dma source(%dma_start3A_183 : memref<5x128xi32, #tpu.memory_space<hbm>>) target(%arg5 : memref<5x128xi32, #tpu.memory_space<vmem>>) target_semaphore(%run_scoped3A : memref<!tpu.dma_semaphore, #tpu.memory_space<semaphore_mem>>)
        %dma_wait3A_184 = arith.constant 0 : i32
        %dma_wait3A_185 = tpu.memref_slice %arg2[%select_n3A_71, %dma_wait3A_184] : memref<800x128xi32, #tpu.memory_space<hbm>> -> memref<5x128xi32, #tpu.memory_space<hbm>>
        %dma_wait3A_186 = arith.constant 0 : i32
        %dma_wait3A_187 = tpu.memref_slice %arg2[%select_n3A_71, %dma_wait3A_186] : memref<800x128xi32, #tpu.memory_space<hbm>> -> memref<5x128xi32, #tpu.memory_space<hbm>>
        tpu.wait_dma2 semaphore(%run_scoped3A : memref<!tpu.dma_semaphore, #tpu.memory_space<semaphore_mem>>) src(%dma_wait3A_187 : memref<5x128xi32, #tpu.memory_space<hbm>>) dst(%arg5 : memref<5x128xi32, #tpu.memory_space<vmem>>)
        tpu.yield
      }) : () -> ()
      %dma_start3A = arith.constant 0 : i32
      %dma_start3A_72 = arith.constant 0 : i32
      %dma_start3A_73 = arith.constant 0 : i32
      %dma_start3A_74 = tpu.memref_slice %arg6[%dma_start3A_72, %dma_start3A_73] : memref<640x32xf32, #tpu.memory_space<vmem>> -> memref<128x32xf32, #tpu.memory_space<vmem>>
      %dma_start3A_75 = arith.constant 0 : i32
      %dma_start3A_76 = tpu.memref_slice %arg5[%dma_start3A, %dma_start3A_75] : memref<5x128xi32, #tpu.memory_space<vmem>> -> memref<1x128xi32, #tpu.memory_space<vmem>>
      %dma_start3A_77 = tpu.memref_squeeze %dma_start3A_76 : memref<1x128xi32, #tpu.memory_space<vmem>> -> memref<128xi32, #tpu.memory_space<vmem>>
      %dma_start3A_78 = arith.constant 0 : i32
      %dma_start3A_79 = arith.constant 0 : i32
      %dma_start3A_80 = tpu.memref_slice %arg3[%dma_start3A_78, %dma_start3A_79] : memref<1000000x32xf32, #tpu.memory_space<hbm>> -> memref<1000000x32xf32, #tpu.memory_space<hbm>>
      tpu.enqueue_indirect_dma source(%dma_start3A_80 : memref<1000000x32xf32, #tpu.memory_space<hbm>>) target(%dma_start3A_74 : memref<128x32xf32, #tpu.memory_space<vmem>>) offsets(%dma_start3A_77 : memref<128xi32, #tpu.memory_space<vmem>>) semaphore(%arg7 : memref<!tpu.dma_semaphore, #tpu.memory_space<semaphore_mem>>)
      %dma_start3A_81 = arith.constant 1 : i32
      %dma_start3A_82 = arith.constant 128 : i32
      %dma_start3A_83 = arith.constant 0 : i32
      %dma_start3A_84 = tpu.memref_slice %arg6[%dma_start3A_82, %dma_start3A_83] : memref<640x32xf32, #tpu.memory_space<vmem>> -> memref<128x32xf32, #tpu.memory_space<vmem>>
      %dma_start3A_85 = arith.constant 0 : i32
      %dma_start3A_86 = tpu.memref_slice %arg5[%dma_start3A_81, %dma_start3A_85] : memref<5x128xi32, #tpu.memory_space<vmem>> -> memref<1x128xi32, #tpu.memory_space<vmem>>
      %dma_start3A_87 = tpu.memref_squeeze %dma_start3A_86 : memref<1x128xi32, #tpu.memory_space<vmem>> -> memref<128xi32, #tpu.memory_space<vmem>>
      %dma_start3A_88 = arith.constant 0 : i32
      %dma_start3A_89 = arith.constant 0 : i32
      %dma_start3A_90 = tpu.memref_slice %arg3[%dma_start3A_88, %dma_start3A_89] : memref<1000000x32xf32, #tpu.memory_space<hbm>> -> memref<1000000x32xf32, #tpu.memory_space<hbm>>
      tpu.enqueue_indirect_dma source(%dma_start3A_90 : memref<1000000x32xf32, #tpu.memory_space<hbm>>) target(%dma_start3A_84 : memref<128x32xf32, #tpu.memory_space<vmem>>) offsets(%dma_start3A_87 : memref<128xi32, #tpu.memory_space<vmem>>) semaphore(%arg7 : memref<!tpu.dma_semaphore, #tpu.memory_space<semaphore_mem>>)
      %dma_start3A_91 = arith.constant 2 : i32
      %dma_start3A_92 = arith.constant 256 : i32
      %dma_start3A_93 = arith.constant 0 : i32
      %dma_start3A_94 = tpu.memref_slice %arg6[%dma_start3A_92, %dma_start3A_93] : memref<640x32xf32, #tpu.memory_space<vmem>> -> memref<128x32xf32, #tpu.memory_space<vmem>>
      %dma_start3A_95 = arith.constant 0 : i32
      %dma_start3A_96 = tpu.memref_slice %arg5[%dma_start3A_91, %dma_start3A_95] : memref<5x128xi32, #tpu.memory_space<vmem>> -> memref<1x128xi32, #tpu.memory_space<vmem>>
      %dma_start3A_97 = tpu.memref_squeeze %dma_start3A_96 : memref<1x128xi32, #tpu.memory_space<vmem>> -> memref<128xi32, #tpu.memory_space<vmem>>
      %dma_start3A_98 = arith.constant 0 : i32
      %dma_start3A_99 = arith.constant 0 : i32
      %dma_start3A_100 = tpu.memref_slice %arg3[%dma_start3A_98, %dma_start3A_99] : memref<1000000x32xf32, #tpu.memory_space<hbm>> -> memref<1000000x32xf32, #tpu.memory_space<hbm>>
      tpu.enqueue_indirect_dma source(%dma_start3A_100 : memref<1000000x32xf32, #tpu.memory_space<hbm>>) target(%dma_start3A_94 : memref<128x32xf32, #tpu.memory_space<vmem>>) offsets(%dma_start3A_97 : memref<128xi32, #tpu.memory_space<vmem>>) semaphore(%arg7 : memref<!tpu.dma_semaphore, #tpu.memory_space<semaphore_mem>>)
      %dma_start3A_101 = arith.constant 3 : i32
      %dma_start3A_102 = arith.constant 384 : i32
      %dma_start3A_103 = arith.constant 0 : i32
      %dma_start3A_104 = tpu.memref_slice %arg6[%dma_start3A_102, %dma_start3A_103] : memref<640x32xf32, #tpu.memory_space<vmem>> -> memref<128x32xf32, #tpu.memory_space<vmem>>
      %dma_start3A_105 = arith.constant 0 : i32
      %dma_start3A_106 = tpu.memref_slice %arg5[%dma_start3A_101, %dma_start3A_105] : memref<5x128xi32, #tpu.memory_space<vmem>> -> memref<1x128xi32, #tpu.memory_space<vmem>>
      %dma_start3A_107 = tpu.memref_squeeze %dma_start3A_106 : memref<1x128xi32, #tpu.memory_space<vmem>> -> memref<128xi32, #tpu.memory_space<vmem>>
      %dma_start3A_108 = arith.constant 0 : i32
      %dma_start3A_109 = arith.constant 0 : i32
      %dma_start3A_110 = tpu.memref_slice %arg3[%dma_start3A_108, %dma_start3A_109] : memref<1000000x32xf32, #tpu.memory_space<hbm>> -> memref<1000000x32xf32, #tpu.memory_space<hbm>>
      tpu.enqueue_indirect_dma source(%dma_start3A_110 : memref<1000000x32xf32, #tpu.memory_space<hbm>>) target(%dma_start3A_104 : memref<128x32xf32, #tpu.memory_space<vmem>>) offsets(%dma_start3A_107 : memref<128xi32, #tpu.memory_space<vmem>>) semaphore(%arg7 : memref<!tpu.dma_semaphore, #tpu.memory_space<semaphore_mem>>)
      %dma_start3A_111 = arith.constant 4 : i32
      %dma_start3A_112 = arith.constant 512 : i32
      %dma_start3A_113 = arith.constant 0 : i32
      %dma_start3A_114 = tpu.memref_slice %arg6[%dma_start3A_112, %dma_start3A_113] : memref<640x32xf32, #tpu.memory_space<vmem>> -> memref<128x32xf32, #tpu.memory_space<vmem>>
      %dma_start3A_115 = arith.constant 0 : i32
      %dma_start3A_116 = tpu.memref_slice %arg5[%dma_start3A_111, %dma_start3A_115] : memref<5x128xi32, #tpu.memory_space<vmem>> -> memref<1x128xi32, #tpu.memory_space<vmem>>
      %dma_start3A_117 = tpu.memref_squeeze %dma_start3A_116 : memref<1x128xi32, #tpu.memory_space<vmem>> -> memref<128xi32, #tpu.memory_space<vmem>>
      %dma_start3A_118 = arith.constant 0 : i32
      %dma_start3A_119 = arith.constant 0 : i32
      %dma_start3A_120 = tpu.memref_slice %arg3[%dma_start3A_118, %dma_start3A_119] : memref<1000000x32xf32, #tpu.memory_space<hbm>> -> memref<1000000x32xf32, #tpu.memory_space<hbm>>
      tpu.enqueue_indirect_dma source(%dma_start3A_120 : memref<1000000x32xf32, #tpu.memory_space<hbm>>) target(%dma_start3A_114 : memref<128x32xf32, #tpu.memory_space<vmem>>) offsets(%dma_start3A_117 : memref<128xi32, #tpu.memory_space<vmem>>) semaphore(%arg7 : memref<!tpu.dma_semaphore, #tpu.memory_space<semaphore_mem>>)
      %dma_wait3A = arith.constant 0 : i32
      %dma_wait3A_121 = arith.constant 0 : i32
      %dma_wait3A_122 = arith.constant 0 : i32
      %dma_wait3A_123 = tpu.memref_slice %arg6[%dma_wait3A_121, %dma_wait3A_122] : memref<640x32xf32, #tpu.memory_space<vmem>> -> memref<128x32xf32, #tpu.memory_space<vmem>>
      %dma_wait3A_124 = arith.constant 0 : i32
      %dma_wait3A_125 = tpu.memref_slice %arg5[%dma_wait3A, %dma_wait3A_124] : memref<5x128xi32, #tpu.memory_space<vmem>> -> memref<1x128xi32, #tpu.memory_space<vmem>>
      %dma_wait3A_126 = tpu.memref_squeeze %dma_wait3A_125 : memref<1x128xi32, #tpu.memory_space<vmem>> -> memref<128xi32, #tpu.memory_space<vmem>>
      %dma_wait3A_127 = arith.constant 0 : i32
      %dma_wait3A_128 = arith.constant 0 : i32
      %dma_wait3A_129 = tpu.memref_slice %arg3[%dma_wait3A_127, %dma_wait3A_128] : memref<1000000x32xf32, #tpu.memory_space<hbm>> -> memref<1000000x32xf32, #tpu.memory_space<hbm>>
      tpu.wait_indirect_dma semaphore(%arg7 : memref<!tpu.dma_semaphore, #tpu.memory_space<semaphore_mem>>) src(%dma_wait3A_129 : memref<1000000x32xf32, #tpu.memory_space<hbm>>) dst(%dma_wait3A_123 : memref<128x32xf32, #tpu.memory_space<vmem>>)
      %dma_wait3A_130 = arith.constant 1 : i32
      %dma_wait3A_131 = arith.constant 128 : i32
      %dma_wait3A_132 = arith.constant 0 : i32
      %dma_wait3A_133 = tpu.memref_slice %arg6[%dma_wait3A_131, %dma_wait3A_132] : memref<640x32xf32, #tpu.memory_space<vmem>> -> memref<128x32xf32, #tpu.memory_space<vmem>>
      %dma_wait3A_134 = arith.constant 0 : i32
      %dma_wait3A_135 = tpu.memref_slice %arg5[%dma_wait3A_130, %dma_wait3A_134] : memref<5x128xi32, #tpu.memory_space<vmem>> -> memref<1x128xi32, #tpu.memory_space<vmem>>
      %dma_wait3A_136 = tpu.memref_squeeze %dma_wait3A_135 : memref<1x128xi32, #tpu.memory_space<vmem>> -> memref<128xi32, #tpu.memory_space<vmem>>
      %dma_wait3A_137 = arith.constant 0 : i32
      %dma_wait3A_138 = arith.constant 0 : i32
      %dma_wait3A_139 = tpu.memref_slice %arg3[%dma_wait3A_137, %dma_wait3A_138] : memref<1000000x32xf32, #tpu.memory_space<hbm>> -> memref<1000000x32xf32, #tpu.memory_space<hbm>>
      tpu.wait_indirect_dma semaphore(%arg7 : memref<!tpu.dma_semaphore, #tpu.memory_space<semaphore_mem>>) src(%dma_wait3A_139 : memref<1000000x32xf32, #tpu.memory_space<hbm>>) dst(%dma_wait3A_133 : memref<128x32xf32, #tpu.memory_space<vmem>>)
      %dma_wait3A_140 = arith.constant 2 : i32
      %dma_wait3A_141 = arith.constant 256 : i32
      %dma_wait3A_142 = arith.constant 0 : i32
      %dma_wait3A_143 = tpu.memref_slice %arg6[%dma_wait3A_141, %dma_wait3A_142] : memref<640x32xf32, #tpu.memory_space<vmem>> -> memref<128x32xf32, #tpu.memory_space<vmem>>
      %dma_wait3A_144 = arith.constant 0 : i32
      %dma_wait3A_145 = tpu.memref_slice %arg5[%dma_wait3A_140, %dma_wait3A_144] : memref<5x128xi32, #tpu.memory_space<vmem>> -> memref<1x128xi32, #tpu.memory_space<vmem>>
      %dma_wait3A_146 = tpu.memref_squeeze %dma_wait3A_145 : memref<1x128xi32, #tpu.memory_space<vmem>> -> memref<128xi32, #tpu.memory_space<vmem>>
      %dma_wait3A_147 = arith.constant 0 : i32
      %dma_wait3A_148 = arith.constant 0 : i32
      %dma_wait3A_149 = tpu.memref_slice %arg3[%dma_wait3A_147, %dma_wait3A_148] : memref<1000000x32xf32, #tpu.memory_space<hbm>> -> memref<1000000x32xf32, #tpu.memory_space<hbm>>
      tpu.wait_indirect_dma semaphore(%arg7 : memref<!tpu.dma_semaphore, #tpu.memory_space<semaphore_mem>>) src(%dma_wait3A_149 : memref<1000000x32xf32, #tpu.memory_space<hbm>>) dst(%dma_wait3A_143 : memref<128x32xf32, #tpu.memory_space<vmem>>)
      %dma_wait3A_150 = arith.constant 3 : i32
      %dma_wait3A_151 = arith.constant 384 : i32
      %dma_wait3A_152 = arith.constant 0 : i32
      %dma_wait3A_153 = tpu.memref_slice %arg6[%dma_wait3A_151, %dma_wait3A_152] : memref<640x32xf32, #tpu.memory_space<vmem>> -> memref<128x32xf32, #tpu.memory_space<vmem>>
      %dma_wait3A_154 = arith.constant 0 : i32
      %dma_wait3A_155 = tpu.memref_slice %arg5[%dma_wait3A_150, %dma_wait3A_154] : memref<5x128xi32, #tpu.memory_space<vmem>> -> memref<1x128xi32, #tpu.memory_space<vmem>>
      %dma_wait3A_156 = tpu.memref_squeeze %dma_wait3A_155 : memref<1x128xi32, #tpu.memory_space<vmem>> -> memref<128xi32, #tpu.memory_space<vmem>>
      %dma_wait3A_157 = arith.constant 0 : i32
      %dma_wait3A_158 = arith.constant 0 : i32
      %dma_wait3A_159 = tpu.memref_slice %arg3[%dma_wait3A_157, %dma_wait3A_158] : memref<1000000x32xf32, #tpu.memory_space<hbm>> -> memref<1000000x32xf32, #tpu.memory_space<hbm>>
      tpu.wait_indirect_dma semaphore(%arg7 : memref<!tpu.dma_semaphore, #tpu.memory_space<semaphore_mem>>) src(%dma_wait3A_159 : memref<1000000x32xf32, #tpu.memory_space<hbm>>) dst(%dma_wait3A_153 : memref<128x32xf32, #tpu.memory_space<vmem>>)
      %dma_wait3A_160 = arith.constant 4 : i32
      %dma_wait3A_161 = arith.constant 512 : i32
      %dma_wait3A_162 = arith.constant 0 : i32
      %dma_wait3A_163 = tpu.memref_slice %arg6[%dma_wait3A_161, %dma_wait3A_162] : memref<640x32xf32, #tpu.memory_space<vmem>> -> memref<128x32xf32, #tpu.memory_space<vmem>>
      %dma_wait3A_164 = arith.constant 0 : i32
      %dma_wait3A_165 = tpu.memref_slice %arg5[%dma_wait3A_160, %dma_wait3A_164] : memref<5x128xi32, #tpu.memory_space<vmem>> -> memref<1x128xi32, #tpu.memory_space<vmem>>
      %dma_wait3A_166 = tpu.memref_squeeze %dma_wait3A_165 : memref<1x128xi32, #tpu.memory_space<vmem>> -> memref<128xi32, #tpu.memory_space<vmem>>
      %dma_wait3A_167 = arith.constant 0 : i32
      %dma_wait3A_168 = arith.constant 0 : i32
      %dma_wait3A_169 = tpu.memref_slice %arg3[%dma_wait3A_167, %dma_wait3A_168] : memref<1000000x32xf32, #tpu.memory_space<hbm>> -> memref<1000000x32xf32, #tpu.memory_space<hbm>>
      tpu.wait_indirect_dma semaphore(%arg7 : memref<!tpu.dma_semaphore, #tpu.memory_space<semaphore_mem>>) src(%dma_wait3A_169 : memref<1000000x32xf32, #tpu.memory_space<hbm>>) dst(%dma_wait3A_163 : memref<128x32xf32, #tpu.memory_space<vmem>>)
      %mul3A_170 = arith.constant 3200 : i32
      %mul3A_171 = arith.muli %select_n3A, %mul3A_170 : i32
      %mul3A_172 = arith.constant 640 : i32
      %mul3A_173 = arith.muli %scan3A_41, %mul3A_172 : i32
      %add3A_174 = arith.addi %mul3A_171, %mul3A_173 : i32
      %add3A_175 = arith.constant 0 : i32
      %add3A_176 = arith.addi %mul3A_34, %add3A_175 : i32
      %mul3A_177 = arith.constant 32 : i32
      %mul3A_178 = arith.muli %mul3A_177, %add3A_176 : i32
      "tpu.region"() ({
        %run_scoped3A = tpu.sem_alloc : memref<!tpu.dma_semaphore, #tpu.memory_space<semaphore_mem>>
        %dma_start3A_180 = tpu.memref_slice %arg4[%add3A_174, %mul3A_178] : memref<25600x128xf32, #tpu.memory_space<hbm>> -> memref<640x32xf32, #tpu.memory_space<hbm>>
        %dma_start3A_181 = tpu.memref_slice %arg4[%add3A_174, %mul3A_178] : memref<25600x128xf32, #tpu.memory_space<hbm>> -> memref<640x32xf32, #tpu.memory_space<hbm>>
        tpu.enqueue_dma source(%arg6 : memref<640x32xf32, #tpu.memory_space<vmem>>) target(%dma_start3A_181 : memref<640x32xf32, #tpu.memory_space<hbm>>) target_semaphore(%run_scoped3A : memref<!tpu.dma_semaphore, #tpu.memory_space<semaphore_mem>>)
        %dma_wait3A_182 = tpu.memref_slice %arg4[%add3A_174, %mul3A_178] : memref<25600x128xf32, #tpu.memory_space<hbm>> -> memref<640x32xf32, #tpu.memory_space<hbm>>
        %dma_wait3A_183 = tpu.memref_slice %arg4[%add3A_174, %mul3A_178] : memref<25600x128xf32, #tpu.memory_space<hbm>> -> memref<640x32xf32, #tpu.memory_space<hbm>>
        tpu.wait_dma2 semaphore(%run_scoped3A : memref<!tpu.dma_semaphore, #tpu.memory_space<semaphore_mem>>) src(%arg6 : memref<640x32xf32, #tpu.memory_space<vmem>>) dst(%dma_wait3A_183 : memref<640x32xf32, #tpu.memory_space<hbm>>)
        tpu.yield
      }) : () -> ()
      %scan3A_179 = arith.constant 0 : i32
      scf.yield %scan3A_179 : i32
    }
    %scan3A_40 = arith.constant 5 : i32
    return
  }
}

#map = affine_map<(d0, d1) -> (0, 0)>
module attributes {stable_mosaic.version = 14 : i64} {
  func.func @_sc_gather(%arg0: i32, %arg1: i32, %arg2: memref<800x128xi32, #tpu.memory_space<hbm>>, %arg3: memref<1000000x32xf32, #tpu.memory_space<hbm>>, %arg4: memref<25600x128xf32, #tpu.memory_space<hbm>>, %arg5: memref<5x128xi32, #tpu.memory_space<vmem>>, %arg6: memref<640x32xf32, #tpu.memory_space<vmem>>, %arg7: memref<!tpu.dma_semaphore, #tpu.memory_space<semaphore_mem>>) attributes {dimension_semantics = [#tpu.dimension_semantics<core_parallel>, #tpu.dimension_semantics<subcore_parallel>], iteration_bounds = array<i64: 2, 16>, scalar_prefetch = 0 : i64, scratch_operands = 3 : i64, tpu.core_type = #tpu.core_type<sc_vector_subcore>, window_params = [{transform_indices = #map}, {transform_indices = #map}, {transform_indices = #map}]} {
    %mul3A = arith.constant 2 : i32
    %mul3A_0 = arith.muli %arg1, %mul3A : i32
    %add3A = arith.addi %mul3A_0, %arg0 : i32
    %mul3A_1 = arith.constant 3200 : i32
    %mul3A_2 = arith.muli %add3A, %mul3A_1 : i32
    %jit3A = arith.constant 4 : i32
    %div3A = arith.divsi %add3A, %jit3A : i32
    %sign3A = arith.constant 0 : i32
    %sign3A_3 = arith.cmpi sgt, %add3A, %sign3A : i32
    %sign3A_4 = arith.extui %sign3A_3 : i1 to i32
    %sign3A_5 = arith.constant 0 : i32
    %sign3A_6 = arith.cmpi slt, %add3A, %sign3A_5 : i32
    %sign3A_7 = arith.extui %sign3A_6 : i1 to i32
    %sign3A_8 = arith.subi %sign3A_4, %sign3A_7 : i32
    %sign3A_9 = arith.constant 0 : i32
    %sign3A_10 = arith.cmpi sgt, %jit3A, %sign3A_9 : i32
    %sign3A_11 = arith.extui %sign3A_10 : i1 to i32
    %sign3A_12 = arith.constant 0 : i32
    %sign3A_13 = arith.cmpi slt, %jit3A, %sign3A_12 : i32
    %sign3A_14 = arith.extui %sign3A_13 : i1 to i32
    %sign3A_15 = arith.subi %sign3A_11, %sign3A_14 : i32
    %ne3A = arith.cmpi ne, %sign3A_8, %sign3A_15 : i32
    %rem3A = arith.remsi %add3A, %jit3A : i32
    %ne3A_16 = arith.constant 0 : i32
    %ne3A_17 = arith.cmpi ne, %rem3A, %ne3A_16 : i32
    %and3A = arith.andi %ne3A, %ne3A_17 : i1
    %sub3A = arith.constant 1 : i32
    %sub3A_18 = arith.subi %div3A, %sub3A : i32
    %select_n3A = arith.select %and3A, %sub3A_18, %div3A : i32
    %jit3A_19 = arith.constant 4 : i32
    %eq3A = arith.constant 0 : i32
    %eq3A_20 = arith.cmpi eq, %jit3A_19, %eq3A : i32
    %jit3A_21 = arith.constant 1 : i32
    %select_n3A_22 = arith.select %eq3A_20, %jit3A_21, %jit3A_19 : i32
    %rem3A_23 = arith.remsi %add3A, %select_n3A_22 : i32
    %ne3A_24 = arith.constant 0 : i32
    %ne3A_25 = arith.cmpi ne, %rem3A_23, %ne3A_24 : i32
    %lt3A = arith.constant 0 : i32
    %lt3A_26 = arith.cmpi slt, %rem3A_23, %lt3A : i32
    %lt3A_27 = arith.constant 0 : i32
    %lt3A_28 = arith.cmpi slt, %select_n3A_22, %lt3A_27 : i32
    %ne3A_29 = arith.xori %lt3A_26, %lt3A_28 : i1
    %and3A_30 = arith.andi %ne3A_29, %ne3A_25 : i1
    %add3A_31 = arith.addi %rem3A_23, %select_n3A_22 : i32
    %select_n3A_32 = arith.select %and3A_30, %add3A_31, %rem3A_23 : i32
    %mul3A_33 = arith.constant 1 : i32
    %mul3A_34 = arith.muli %mul3A_33, %select_n3A_32 : i32
    %scan3A = arith.constant 0 : i32
    %scan3A_35 = arith.constant 0 : i32
    %scan3A_36 = arith.constant 5 : i32
    %scan3A_37 = arith.addi %scan3A_35, %scan3A_36 : i32
    %scan3A_38 = arith.constant 1 : i32
    %scan3A_39 = scf.for %scan3A_41 = %scan3A_35 to %scan3A_37 step %scan3A_38 iter_args(%scan3A_42 = %scan3A) -> (i32)  : i32 {
      %add3A_43 = arith.constant 0 : i32
      %add3A_44 = arith.addi %mul3A_2, %add3A_43 : i32
      %mul3A_45 = arith.constant 640 : i32
      %mul3A_46 = arith.muli %scan3A_41, %mul3A_45 : i32
      %add3A_47 = arith.addi %add3A_44, %mul3A_46 : i32
      %jit3A_48 = arith.constant 128 : i32
      %div3A_49 = arith.divsi %add3A_47, %jit3A_48 : i32
      %sign3A_50 = arith.constant 0 : i32
      %sign3A_51 = arith.cmpi sgt, %add3A_47, %sign3A_50 : i32
      %sign3A_52 = arith.extui %sign3A_51 : i1 to i32
      %sign3A_53 = arith.constant 0 : i32
      %sign3A_54 = arith.cmpi slt, %add3A_47, %sign3A_53 : i32
      %sign3A_55 = arith.extui %sign3A_54 : i1 to i32
      %sign3A_56 = arith.subi %sign3A_52, %sign3A_55 : i32
      %sign3A_57 = arith.constant 0 : i32
      %sign3A_58 = arith.cmpi sgt, %jit3A_48, %sign3A_57 : i32
      %sign3A_59 = arith.extui %sign3A_58 : i1 to i32
      %sign3A_60 = arith.constant 0 : i32
      %sign3A_61 = arith.cmpi slt, %jit3A_48, %sign3A_60 : i32
      %sign3A_62 = arith.extui %sign3A_61 : i1 to i32
      %sign3A_63 = arith.subi %sign3A_59, %sign3A_62 : i32
      %ne3A_64 = arith.cmpi ne, %sign3A_56, %sign3A_63 : i32
      %rem3A_65 = arith.remsi %add3A_47, %jit3A_48 : i32
      %ne3A_66 = arith.constant 0 : i32
      %ne3A_67 = arith.cmpi ne, %rem3A_65, %ne3A_66 : i32
      %and3A_68 = arith.andi %ne3A_64, %ne3A_67 : i1
      %sub3A_69 = arith.constant 1 : i32
      %sub3A_70 = arith.subi %div3A_49, %sub3A_69 : i32
      %select_n3A_71 = arith.select %and3A_68, %sub3A_70, %div3A_49 : i32
      "tpu.region"() ({
        %run_scoped3A = tpu.sem_alloc : memref<!tpu.dma_semaphore, #tpu.memory_space<semaphore_mem>>
        %dma_start3A_180 = arith.constant 0 : i32
        %dma_start3A_181 = tpu.memref_slice %arg2[%select_n3A_71, %dma_start3A_180] : memref<800x128xi32, #tpu.memory_space<hbm>> -> memref<5x128xi32, #tpu.memory_space<hbm>>
        %dma_start3A_182 = arith.constant 0 : i32
        %dma_start3A_183 = tpu.memref_slice %arg2[%select_n3A_71, %dma_start3A_182] : memref<800x128xi32, #tpu.memory_space<hbm>> -> memref<5x128xi32, #tpu.memory_space<hbm>>
        tpu.enqueue_dma source(%dma_start3A_183 : memref<5x128xi32, #tpu.memory_space<hbm>>) target(%arg5 : memref<5x128xi32, #tpu.memory_space<vmem>>) target_semaphore(%run_scoped3A : memref<!tpu.dma_semaphore, #tpu.memory_space<semaphore_mem>>)
        %dma_wait3A_184 = arith.constant 0 : i32
        %dma_wait3A_185 = tpu.memref_slice %arg2[%select_n3A_71, %dma_wait3A_184] : memref<800x128xi32, #tpu.memory_space<hbm>> -> memref<5x128xi32, #tpu.memory_space<hbm>>
        %dma_wait3A_186 = arith.constant 0 : i32
        %dma_wait3A_187 = tpu.memref_slice %arg2[%select_n3A_71, %dma_wait3A_186] : memref<800x128xi32, #tpu.memory_space<hbm>> -> memref<5x128xi32, #tpu.memory_space<hbm>>
        tpu.wait_dma2 semaphore(%run_scoped3A : memref<!tpu.dma_semaphore, #tpu.memory_space<semaphore_mem>>) src(%dma_wait3A_187 : memref<5x128xi32, #tpu.memory_space<hbm>>) dst(%arg5 : memref<5x128xi32, #tpu.memory_space<vmem>>)
        tpu.yield
      }) : () -> ()
      %dma_start3A = arith.constant 0 : i32
      %dma_start3A_72 = arith.constant 0 : i32
      %dma_start3A_73 = arith.constant 0 : i32
      %dma_start3A_74 = tpu.memref_slice %arg6[%dma_start3A_72, %dma_start3A_73] : memref<640x32xf32, #tpu.memory_space<vmem>> -> memref<128x32xf32, #tpu.memory_space<vmem>>
      %dma_start3A_75 = arith.constant 0 : i32
      %dma_start3A_76 = tpu.memref_slice %arg5[%dma_start3A, %dma_start3A_75] : memref<5x128xi32, #tpu.memory_space<vmem>> -> memref<1x128xi32, #tpu.memory_space<vmem>>
      %dma_start3A_77 = tpu.memref_squeeze %dma_start3A_76 : memref<1x128xi32, #tpu.memory_space<vmem>> -> memref<128xi32, #tpu.memory_space<vmem>>
      %dma_start3A_78 = arith.constant 0 : i32
      %dma_start3A_79 = arith.constant 0 : i32
      %dma_start3A_80 = tpu.memref_slice %arg3[%dma_start3A_78, %dma_start3A_79] : memref<1000000x32xf32, #tpu.memory_space<hbm>> -> memref<1000000x32xf32, #tpu.memory_space<hbm>>
      tpu.enqueue_indirect_dma source(%dma_start3A_80 : memref<1000000x32xf32, #tpu.memory_space<hbm>>) target(%dma_start3A_74 : memref<128x32xf32, #tpu.memory_space<vmem>>) offsets(%dma_start3A_77 : memref<128xi32, #tpu.memory_space<vmem>>) semaphore(%arg7 : memref<!tpu.dma_semaphore, #tpu.memory_space<semaphore_mem>>)
      %dma_start3A_81 = arith.constant 1 : i32
      %dma_start3A_82 = arith.constant 128 : i32
      %dma_start3A_83 = arith.constant 0 : i32
      %dma_start3A_84 = tpu.memref_slice %arg6[%dma_start3A_82, %dma_start3A_83] : memref<640x32xf32, #tpu.memory_space<vmem>> -> memref<128x32xf32, #tpu.memory_space<vmem>>
      %dma_start3A_85 = arith.constant 0 : i32
      %dma_start3A_86 = tpu.memref_slice %arg5[%dma_start3A_81, %dma_start3A_85] : memref<5x128xi32, #tpu.memory_space<vmem>> -> memref<1x128xi32, #tpu.memory_space<vmem>>
      %dma_start3A_87 = tpu.memref_squeeze %dma_start3A_86 : memref<1x128xi32, #tpu.memory_space<vmem>> -> memref<128xi32, #tpu.memory_space<vmem>>
      %dma_start3A_88 = arith.constant 0 : i32
      %dma_start3A_89 = arith.constant 0 : i32
      %dma_start3A_90 = tpu.memref_slice %arg3[%dma_start3A_88, %dma_start3A_89] : memref<1000000x32xf32, #tpu.memory_space<hbm>> -> memref<1000000x32xf32, #tpu.memory_space<hbm>>
      tpu.enqueue_indirect_dma source(%dma_start3A_90 : memref<1000000x32xf32, #tpu.memory_space<hbm>>) target(%dma_start3A_84 : memref<128x32xf32, #tpu.memory_space<vmem>>) offsets(%dma_start3A_87 : memref<128xi32, #tpu.memory_space<vmem>>) semaphore(%arg7 : memref<!tpu.dma_semaphore, #tpu.memory_space<semaphore_mem>>)
      %dma_start3A_91 = arith.constant 2 : i32
      %dma_start3A_92 = arith.constant 256 : i32
      %dma_start3A_93 = arith.constant 0 : i32
      %dma_start3A_94 = tpu.memref_slice %arg6[%dma_start3A_92, %dma_start3A_93] : memref<640x32xf32, #tpu.memory_space<vmem>> -> memref<128x32xf32, #tpu.memory_space<vmem>>
      %dma_start3A_95 = arith.constant 0 : i32
      %dma_start3A_96 = tpu.memref_slice %arg5[%dma_start3A_91, %dma_start3A_95] : memref<5x128xi32, #tpu.memory_space<vmem>> -> memref<1x128xi32, #tpu.memory_space<vmem>>
      %dma_start3A_97 = tpu.memref_squeeze %dma_start3A_96 : memref<1x128xi32, #tpu.memory_space<vmem>> -> memref<128xi32, #tpu.memory_space<vmem>>
      %dma_start3A_98 = arith.constant 0 : i32
      %dma_start3A_99 = arith.constant 0 : i32
      %dma_start3A_100 = tpu.memref_slice %arg3[%dma_start3A_98, %dma_start3A_99] : memref<1000000x32xf32, #tpu.memory_space<hbm>> -> memref<1000000x32xf32, #tpu.memory_space<hbm>>
      tpu.enqueue_indirect_dma source(%dma_start3A_100 : memref<1000000x32xf32, #tpu.memory_space<hbm>>) target(%dma_start3A_94 : memref<128x32xf32, #tpu.memory_space<vmem>>) offsets(%dma_start3A_97 : memref<128xi32, #tpu.memory_space<vmem>>) semaphore(%arg7 : memref<!tpu.dma_semaphore, #tpu.memory_space<semaphore_mem>>)
      %dma_start3A_101 = arith.constant 3 : i32
      %dma_start3A_102 = arith.constant 384 : i32
      %dma_start3A_103 = arith.constant 0 : i32
      %dma_start3A_104 = tpu.memref_slice %arg6[%dma_start3A_102, %dma_start3A_103] : memref<640x32xf32, #tpu.memory_space<vmem>> -> memref<128x32xf32, #tpu.memory_space<vmem>>
      %dma_start3A_105 = arith.constant 0 : i32
      %dma_start3A_106 = tpu.memref_slice %arg5[%dma_start3A_101, %dma_start3A_105] : memref<5x128xi32, #tpu.memory_space<vmem>> -> memref<1x128xi32, #tpu.memory_space<vmem>>
      %dma_start3A_107 = tpu.memref_squeeze %dma_start3A_106 : memref<1x128xi32, #tpu.memory_space<vmem>> -> memref<128xi32, #tpu.memory_space<vmem>>
      %dma_start3A_108 = arith.constant 0 : i32
      %dma_start3A_109 = arith.constant 0 : i32
      %dma_start3A_110 = tpu.memref_slice %arg3[%dma_start3A_108, %dma_start3A_109] : memref<1000000x32xf32, #tpu.memory_space<hbm>> -> memref<1000000x32xf32, #tpu.memory_space<hbm>>
      tpu.enqueue_indirect_dma source(%dma_start3A_110 : memref<1000000x32xf32, #tpu.memory_space<hbm>>) target(%dma_start3A_104 : memref<128x32xf32, #tpu.memory_space<vmem>>) offsets(%dma_start3A_107 : memref<128xi32, #tpu.memory_space<vmem>>) semaphore(%arg7 : memref<!tpu.dma_semaphore, #tpu.memory_space<semaphore_mem>>)
      %dma_start3A_111 = arith.constant 4 : i32
      %dma_start3A_112 = arith.constant 512 : i32
      %dma_start3A_113 = arith.constant 0 : i32
      %dma_start3A_114 = tpu.memref_slice %arg6[%dma_start3A_112, %dma_start3A_113] : memref<640x32xf32, #tpu.memory_space<vmem>> -> memref<128x32xf32, #tpu.memory_space<vmem>>
      %dma_start3A_115 = arith.constant 0 : i32
      %dma_start3A_116 = tpu.memref_slice %arg5[%dma_start3A_111, %dma_start3A_115] : memref<5x128xi32, #tpu.memory_space<vmem>> -> memref<1x128xi32, #tpu.memory_space<vmem>>
      %dma_start3A_117 = tpu.memref_squeeze %dma_start3A_116 : memref<1x128xi32, #tpu.memory_space<vmem>> -> memref<128xi32, #tpu.memory_space<vmem>>
      %dma_start3A_118 = arith.constant 0 : i32
      %dma_start3A_119 = arith.constant 0 : i32
      %dma_start3A_120 = tpu.memref_slice %arg3[%dma_start3A_118, %dma_start3A_119] : memref<1000000x32xf32, #tpu.memory_space<hbm>> -> memref<1000000x32xf32, #tpu.memory_space<hbm>>
      tpu.enqueue_indirect_dma source(%dma_start3A_120 : memref<1000000x32xf32, #tpu.memory_space<hbm>>) target(%dma_start3A_114 : memref<128x32xf32, #tpu.memory_space<vmem>>) offsets(%dma_start3A_117 : memref<128xi32, #tpu.memory_space<vmem>>) semaphore(%arg7 : memref<!tpu.dma_semaphore, #tpu.memory_space<semaphore_mem>>)
      %dma_wait3A = arith.constant 0 : i32
      %dma_wait3A_121 = arith.constant 0 : i32
      %dma_wait3A_122 = arith.constant 0 : i32
      %dma_wait3A_123 = tpu.memref_slice %arg6[%dma_wait3A_121, %dma_wait3A_122] : memref<640x32xf32, #tpu.memory_space<vmem>> -> memref<128x32xf32, #tpu.memory_space<vmem>>
      %dma_wait3A_124 = arith.constant 0 : i32
      %dma_wait3A_125 = tpu.memref_slice %arg5[%dma_wait3A, %dma_wait3A_124] : memref<5x128xi32, #tpu.memory_space<vmem>> -> memref<1x128xi32, #tpu.memory_space<vmem>>
      %dma_wait3A_126 = tpu.memref_squeeze %dma_wait3A_125 : memref<1x128xi32, #tpu.memory_space<vmem>> -> memref<128xi32, #tpu.memory_space<vmem>>
      %dma_wait3A_127 = arith.constant 0 : i32
      %dma_wait3A_128 = arith.constant 0 : i32
      %dma_wait3A_129 = tpu.memref_slice %arg3[%dma_wait3A_127, %dma_wait3A_128] : memref<1000000x32xf32, #tpu.memory_space<hbm>> -> memref<1000000x32xf32, #tpu.memory_space<hbm>>
      tpu.wait_indirect_dma semaphore(%arg7 : memref<!tpu.dma_semaphore, #tpu.memory_space<semaphore_mem>>) src(%dma_wait3A_129 : memref<1000000x32xf32, #tpu.memory_space<hbm>>) dst(%dma_wait3A_123 : memref<128x32xf32, #tpu.memory_space<vmem>>)
      %dma_wait3A_130 = arith.constant 1 : i32
      %dma_wait3A_131 = arith.constant 128 : i32
      %dma_wait3A_132 = arith.constant 0 : i32
      %dma_wait3A_133 = tpu.memref_slice %arg6[%dma_wait3A_131, %dma_wait3A_132] : memref<640x32xf32, #tpu.memory_space<vmem>> -> memref<128x32xf32, #tpu.memory_space<vmem>>
      %dma_wait3A_134 = arith.constant 0 : i32
      %dma_wait3A_135 = tpu.memref_slice %arg5[%dma_wait3A_130, %dma_wait3A_134] : memref<5x128xi32, #tpu.memory_space<vmem>> -> memref<1x128xi32, #tpu.memory_space<vmem>>
      %dma_wait3A_136 = tpu.memref_squeeze %dma_wait3A_135 : memref<1x128xi32, #tpu.memory_space<vmem>> -> memref<128xi32, #tpu.memory_space<vmem>>
      %dma_wait3A_137 = arith.constant 0 : i32
      %dma_wait3A_138 = arith.constant 0 : i32
      %dma_wait3A_139 = tpu.memref_slice %arg3[%dma_wait3A_137, %dma_wait3A_138] : memref<1000000x32xf32, #tpu.memory_space<hbm>> -> memref<1000000x32xf32, #tpu.memory_space<hbm>>
      tpu.wait_indirect_dma semaphore(%arg7 : memref<!tpu.dma_semaphore, #tpu.memory_space<semaphore_mem>>) src(%dma_wait3A_139 : memref<1000000x32xf32, #tpu.memory_space<hbm>>) dst(%dma_wait3A_133 : memref<128x32xf32, #tpu.memory_space<vmem>>)
      %dma_wait3A_140 = arith.constant 2 : i32
      %dma_wait3A_141 = arith.constant 256 : i32
      %dma_wait3A_142 = arith.constant 0 : i32
      %dma_wait3A_143 = tpu.memref_slice %arg6[%dma_wait3A_141, %dma_wait3A_142] : memref<640x32xf32, #tpu.memory_space<vmem>> -> memref<128x32xf32, #tpu.memory_space<vmem>>
      %dma_wait3A_144 = arith.constant 0 : i32
      %dma_wait3A_145 = tpu.memref_slice %arg5[%dma_wait3A_140, %dma_wait3A_144] : memref<5x128xi32, #tpu.memory_space<vmem>> -> memref<1x128xi32, #tpu.memory_space<vmem>>
      %dma_wait3A_146 = tpu.memref_squeeze %dma_wait3A_145 : memref<1x128xi32, #tpu.memory_space<vmem>> -> memref<128xi32, #tpu.memory_space<vmem>>
      %dma_wait3A_147 = arith.constant 0 : i32
      %dma_wait3A_148 = arith.constant 0 : i32
      %dma_wait3A_149 = tpu.memref_slice %arg3[%dma_wait3A_147, %dma_wait3A_148] : memref<1000000x32xf32, #tpu.memory_space<hbm>> -> memref<1000000x32xf32, #tpu.memory_space<hbm>>
      tpu.wait_indirect_dma semaphore(%arg7 : memref<!tpu.dma_semaphore, #tpu.memory_space<semaphore_mem>>) src(%dma_wait3A_149 : memref<1000000x32xf32, #tpu.memory_space<hbm>>) dst(%dma_wait3A_143 : memref<128x32xf32, #tpu.memory_space<vmem>>)
      %dma_wait3A_150 = arith.constant 3 : i32
      %dma_wait3A_151 = arith.constant 384 : i32
      %dma_wait3A_152 = arith.constant 0 : i32
      %dma_wait3A_153 = tpu.memref_slice %arg6[%dma_wait3A_151, %dma_wait3A_152] : memref<640x32xf32, #tpu.memory_space<vmem>> -> memref<128x32xf32, #tpu.memory_space<vmem>>
      %dma_wait3A_154 = arith.constant 0 : i32
      %dma_wait3A_155 = tpu.memref_slice %arg5[%dma_wait3A_150, %dma_wait3A_154] : memref<5x128xi32, #tpu.memory_space<vmem>> -> memref<1x128xi32, #tpu.memory_space<vmem>>
      %dma_wait3A_156 = tpu.memref_squeeze %dma_wait3A_155 : memref<1x128xi32, #tpu.memory_space<vmem>> -> memref<128xi32, #tpu.memory_space<vmem>>
      %dma_wait3A_157 = arith.constant 0 : i32
      %dma_wait3A_158 = arith.constant 0 : i32
      %dma_wait3A_159 = tpu.memref_slice %arg3[%dma_wait3A_157, %dma_wait3A_158] : memref<1000000x32xf32, #tpu.memory_space<hbm>> -> memref<1000000x32xf32, #tpu.memory_space<hbm>>
      tpu.wait_indirect_dma semaphore(%arg7 : memref<!tpu.dma_semaphore, #tpu.memory_space<semaphore_mem>>) src(%dma_wait3A_159 : memref<1000000x32xf32, #tpu.memory_space<hbm>>) dst(%dma_wait3A_153 : memref<128x32xf32, #tpu.memory_space<vmem>>)
      %dma_wait3A_160 = arith.constant 4 : i32
      %dma_wait3A_161 = arith.constant 512 : i32
      %dma_wait3A_162 = arith.constant 0 : i32
      %dma_wait3A_163 = tpu.memref_slice %arg6[%dma_wait3A_161, %dma_wait3A_162] : memref<640x32xf32, #tpu.memory_space<vmem>> -> memref<128x32xf32, #tpu.memory_space<vmem>>
      %dma_wait3A_164 = arith.constant 0 : i32
      %dma_wait3A_165 = tpu.memref_slice %arg5[%dma_wait3A_160, %dma_wait3A_164] : memref<5x128xi32, #tpu.memory_space<vmem>> -> memref<1x128xi32, #tpu.memory_space<vmem>>
      %dma_wait3A_166 = tpu.memref_squeeze %dma_wait3A_165 : memref<1x128xi32, #tpu.memory_space<vmem>> -> memref<128xi32, #tpu.memory_space<vmem>>
      %dma_wait3A_167 = arith.constant 0 : i32
      %dma_wait3A_168 = arith.constant 0 : i32
      %dma_wait3A_169 = tpu.memref_slice %arg3[%dma_wait3A_167, %dma_wait3A_168] : memref<1000000x32xf32, #tpu.memory_space<hbm>> -> memref<1000000x32xf32, #tpu.memory_space<hbm>>
      tpu.wait_indirect_dma semaphore(%arg7 : memref<!tpu.dma_semaphore, #tpu.memory_space<semaphore_mem>>) src(%dma_wait3A_169 : memref<1000000x32xf32, #tpu.memory_space<hbm>>) dst(%dma_wait3A_163 : memref<128x32xf32, #tpu.memory_space<vmem>>)
      %mul3A_170 = arith.constant 3200 : i32
      %mul3A_171 = arith.muli %select_n3A, %mul3A_170 : i32
      %mul3A_172 = arith.constant 640 : i32
      %mul3A_173 = arith.muli %scan3A_41, %mul3A_172 : i32
      %add3A_174 = arith.addi %mul3A_171, %mul3A_173 : i32
      %add3A_175 = arith.constant 0 : i32
      %add3A_176 = arith.addi %mul3A_34, %add3A_175 : i32
      %mul3A_177 = arith.constant 32 : i32
      %mul3A_178 = arith.muli %mul3A_177, %add3A_176 : i32
      "tpu.region"() ({
        %run_scoped3A = tpu.sem_alloc : memref<!tpu.dma_semaphore, #tpu.memory_space<semaphore_mem>>
        %dma_start3A_180 = tpu.memref_slice %arg4[%add3A_174, %mul3A_178] : memref<25600x128xf32, #tpu.memory_space<hbm>> -> memref<640x32xf32, #tpu.memory_space<hbm>>
        %dma_start3A_181 = tpu.memref_slice %arg4[%add3A_174, %mul3A_178] : memref<25600x128xf32, #tpu.memory_space<hbm>> -> memref<640x32xf32, #tpu.memory_space<hbm>>
        tpu.enqueue_dma source(%arg6 : memref<640x32xf32, #tpu.memory_space<vmem>>) target(%dma_start3A_181 : memref<640x32xf32, #tpu.memory_space<hbm>>) target_semaphore(%run_scoped3A : memref<!tpu.dma_semaphore, #tpu.memory_space<semaphore_mem>>)
        %dma_wait3A_182 = tpu.memref_slice %arg4[%add3A_174, %mul3A_178] : memref<25600x128xf32, #tpu.memory_space<hbm>> -> memref<640x32xf32, #tpu.memory_space<hbm>>
        %dma_wait3A_183 = tpu.memref_slice %arg4[%add3A_174, %mul3A_178] : memref<25600x128xf32, #tpu.memory_space<hbm>> -> memref<640x32xf32, #tpu.memory_space<hbm>>
        tpu.wait_dma2 semaphore(%run_scoped3A : memref<!tpu.dma_semaphore, #tpu.memory_space<semaphore_mem>>) src(%arg6 : memref<640x32xf32, #tpu.memory_space<vmem>>) dst(%dma_wait3A_183 : memref<640x32xf32, #tpu.memory_space<hbm>>)
        tpu.yield
      }) : () -> ()
      %scan3A_179 = arith.constant 0 : i32
      scf.yield %scan3A_179 : i32
    }
    %scan3A_40 = arith.constant 5 : i32
    return
  }
}

#map = affine_map<(d0, d1) -> (0, 0)>
module attributes {stable_mosaic.version = 14 : i64} {
  func.func @_sc_gather(%arg0: i32, %arg1: i32, %arg2: memref<800x128xi32, #tpu.memory_space<hbm>>, %arg3: memref<1000000x32xf32, #tpu.memory_space<hbm>>, %arg4: memref<25600x128xf32, #tpu.memory_space<hbm>>, %arg5: memref<5x128xi32, #tpu.memory_space<vmem>>, %arg6: memref<640x32xf32, #tpu.memory_space<vmem>>, %arg7: memref<!tpu.dma_semaphore, #tpu.memory_space<semaphore_mem>>) attributes {dimension_semantics = [#tpu.dimension_semantics<core_parallel>, #tpu.dimension_semantics<subcore_parallel>], iteration_bounds = array<i64: 2, 16>, scalar_prefetch = 0 : i64, scratch_operands = 3 : i64, tpu.core_type = #tpu.core_type<sc_vector_subcore>, window_params = [{transform_indices = #map}, {transform_indices = #map}, {transform_indices = #map}]} {
    %mul3A = arith.constant 2 : i32
    %mul3A_0 = arith.muli %arg1, %mul3A : i32
    %add3A = arith.addi %mul3A_0, %arg0 : i32
    %mul3A_1 = arith.constant 3200 : i32
    %mul3A_2 = arith.muli %add3A, %mul3A_1 : i32
    %jit3A = arith.constant 4 : i32
    %div3A = arith.divsi %add3A, %jit3A : i32
    %sign3A = arith.constant 0 : i32
    %sign3A_3 = arith.cmpi sgt, %add3A, %sign3A : i32
    %sign3A_4 = arith.extui %sign3A_3 : i1 to i32
    %sign3A_5 = arith.constant 0 : i32
    %sign3A_6 = arith.cmpi slt, %add3A, %sign3A_5 : i32
    %sign3A_7 = arith.extui %sign3A_6 : i1 to i32
    %sign3A_8 = arith.subi %sign3A_4, %sign3A_7 : i32
    %sign3A_9 = arith.constant 0 : i32
    %sign3A_10 = arith.cmpi sgt, %jit3A, %sign3A_9 : i32
    %sign3A_11 = arith.extui %sign3A_10 : i1 to i32
    %sign3A_12 = arith.constant 0 : i32
    %sign3A_13 = arith.cmpi slt, %jit3A, %sign3A_12 : i32
    %sign3A_14 = arith.extui %sign3A_13 : i1 to i32
    %sign3A_15 = arith.subi %sign3A_11, %sign3A_14 : i32
    %ne3A = arith.cmpi ne, %sign3A_8, %sign3A_15 : i32
    %rem3A = arith.remsi %add3A, %jit3A : i32
    %ne3A_16 = arith.constant 0 : i32
    %ne3A_17 = arith.cmpi ne, %rem3A, %ne3A_16 : i32
    %and3A = arith.andi %ne3A, %ne3A_17 : i1
    %sub3A = arith.constant 1 : i32
    %sub3A_18 = arith.subi %div3A, %sub3A : i32
    %select_n3A = arith.select %and3A, %sub3A_18, %div3A : i32
    %jit3A_19 = arith.constant 4 : i32
    %eq3A = arith.constant 0 : i32
    %eq3A_20 = arith.cmpi eq, %jit3A_19, %eq3A : i32
    %jit3A_21 = arith.constant 1 : i32
    %select_n3A_22 = arith.select %eq3A_20, %jit3A_21, %jit3A_19 : i32
    %rem3A_23 = arith.remsi %add3A, %select_n3A_22 : i32
    %ne3A_24 = arith.constant 0 : i32
    %ne3A_25 = arith.cmpi ne, %rem3A_23, %ne3A_24 : i32
    %lt3A = arith.constant 0 : i32
    %lt3A_26 = arith.cmpi slt, %rem3A_23, %lt3A : i32
    %lt3A_27 = arith.constant 0 : i32
    %lt3A_28 = arith.cmpi slt, %select_n3A_22, %lt3A_27 : i32
    %ne3A_29 = arith.xori %lt3A_26, %lt3A_28 : i1
    %and3A_30 = arith.andi %ne3A_29, %ne3A_25 : i1
    %add3A_31 = arith.addi %rem3A_23, %select_n3A_22 : i32
    %select_n3A_32 = arith.select %and3A_30, %add3A_31, %rem3A_23 : i32
    %mul3A_33 = arith.constant 1 : i32
    %mul3A_34 = arith.muli %mul3A_33, %select_n3A_32 : i32
    %scan3A = arith.constant 0 : i32
    %scan3A_35 = arith.constant 0 : i32
    %scan3A_36 = arith.constant 5 : i32
    %scan3A_37 = arith.addi %scan3A_35, %scan3A_36 : i32
    %scan3A_38 = arith.constant 1 : i32
    %scan3A_39 = scf.for %scan3A_41 = %scan3A_35 to %scan3A_37 step %scan3A_38 iter_args(%scan3A_42 = %scan3A) -> (i32)  : i32 {
      %add3A_43 = arith.constant 0 : i32
      %add3A_44 = arith.addi %mul3A_2, %add3A_43 : i32
      %mul3A_45 = arith.constant 640 : i32
      %mul3A_46 = arith.muli %scan3A_41, %mul3A_45 : i32
      %add3A_47 = arith.addi %add3A_44, %mul3A_46 : i32
      %jit3A_48 = arith.constant 128 : i32
      %div3A_49 = arith.divsi %add3A_47, %jit3A_48 : i32
      %sign3A_50 = arith.constant 0 : i32
      %sign3A_51 = arith.cmpi sgt, %add3A_47, %sign3A_50 : i32
      %sign3A_52 = arith.extui %sign3A_51 : i1 to i32
      %sign3A_53 = arith.constant 0 : i32
      %sign3A_54 = arith.cmpi slt, %add3A_47, %sign3A_53 : i32
      %sign3A_55 = arith.extui %sign3A_54 : i1 to i32
      %sign3A_56 = arith.subi %sign3A_52, %sign3A_55 : i32
      %sign3A_57 = arith.constant 0 : i32
      %sign3A_58 = arith.cmpi sgt, %jit3A_48, %sign3A_57 : i32
      %sign3A_59 = arith.extui %sign3A_58 : i1 to i32
      %sign3A_60 = arith.constant 0 : i32
      %sign3A_61 = arith.cmpi slt, %jit3A_48, %sign3A_60 : i32
      %sign3A_62 = arith.extui %sign3A_61 : i1 to i32
      %sign3A_63 = arith.subi %sign3A_59, %sign3A_62 : i32
      %ne3A_64 = arith.cmpi ne, %sign3A_56, %sign3A_63 : i32
      %rem3A_65 = arith.remsi %add3A_47, %jit3A_48 : i32
      %ne3A_66 = arith.constant 0 : i32
      %ne3A_67 = arith.cmpi ne, %rem3A_65, %ne3A_66 : i32
      %and3A_68 = arith.andi %ne3A_64, %ne3A_67 : i1
      %sub3A_69 = arith.constant 1 : i32
      %sub3A_70 = arith.subi %div3A_49, %sub3A_69 : i32
      %select_n3A_71 = arith.select %and3A_68, %sub3A_70, %div3A_49 : i32
      "tpu.region"() ({
        %run_scoped3A = tpu.sem_alloc : memref<!tpu.dma_semaphore, #tpu.memory_space<semaphore_mem>>
        %dma_start3A_180 = arith.constant 0 : i32
        %dma_start3A_181 = tpu.memref_slice %arg2[%select_n3A_71, %dma_start3A_180] : memref<800x128xi32, #tpu.memory_space<hbm>> -> memref<5x128xi32, #tpu.memory_space<hbm>>
        %dma_start3A_182 = arith.constant 0 : i32
        %dma_start3A_183 = tpu.memref_slice %arg2[%select_n3A_71, %dma_start3A_182] : memref<800x128xi32, #tpu.memory_space<hbm>> -> memref<5x128xi32, #tpu.memory_space<hbm>>
        tpu.enqueue_dma source(%dma_start3A_183 : memref<5x128xi32, #tpu.memory_space<hbm>>) target(%arg5 : memref<5x128xi32, #tpu.memory_space<vmem>>) target_semaphore(%run_scoped3A : memref<!tpu.dma_semaphore, #tpu.memory_space<semaphore_mem>>)
        %dma_wait3A_184 = arith.constant 0 : i32
        %dma_wait3A_185 = tpu.memref_slice %arg2[%select_n3A_71, %dma_wait3A_184] : memref<800x128xi32, #tpu.memory_space<hbm>> -> memref<5x128xi32, #tpu.memory_space<hbm>>
        %dma_wait3A_186 = arith.constant 0 : i32
        %dma_wait3A_187 = tpu.memref_slice %arg2[%select_n3A_71, %dma_wait3A_186] : memref<800x128xi32, #tpu.memory_space<hbm>> -> memref<5x128xi32, #tpu.memory_space<hbm>>
        tpu.wait_dma2 semaphore(%run_scoped3A : memref<!tpu.dma_semaphore, #tpu.memory_space<semaphore_mem>>) src(%dma_wait3A_187 : memref<5x128xi32, #tpu.memory_space<hbm>>) dst(%arg5 : memref<5x128xi32, #tpu.memory_space<vmem>>)
        tpu.yield
      }) : () -> ()
      %dma_start3A = arith.constant 0 : i32
      %dma_start3A_72 = arith.constant 0 : i32
      %dma_start3A_73 = arith.constant 0 : i32
      %dma_start3A_74 = tpu.memref_slice %arg6[%dma_start3A_72, %dma_start3A_73] : memref<640x32xf32, #tpu.memory_space<vmem>> -> memref<128x32xf32, #tpu.memory_space<vmem>>
      %dma_start3A_75 = arith.constant 0 : i32
      %dma_start3A_76 = tpu.memref_slice %arg5[%dma_start3A, %dma_start3A_75] : memref<5x128xi32, #tpu.memory_space<vmem>> -> memref<1x128xi32, #tpu.memory_space<vmem>>
      %dma_start3A_77 = tpu.memref_squeeze %dma_start3A_76 : memref<1x128xi32, #tpu.memory_space<vmem>> -> memref<128xi32, #tpu.memory_space<vmem>>
      %dma_start3A_78 = arith.constant 0 : i32
      %dma_start3A_79 = arith.constant 0 : i32
      %dma_start3A_80 = tpu.memref_slice %arg3[%dma_start3A_78, %dma_start3A_79] : memref<1000000x32xf32, #tpu.memory_space<hbm>> -> memref<1000000x32xf32, #tpu.memory_space<hbm>>
      tpu.enqueue_indirect_dma source(%dma_start3A_80 : memref<1000000x32xf32, #tpu.memory_space<hbm>>) target(%dma_start3A_74 : memref<128x32xf32, #tpu.memory_space<vmem>>) offsets(%dma_start3A_77 : memref<128xi32, #tpu.memory_space<vmem>>) semaphore(%arg7 : memref<!tpu.dma_semaphore, #tpu.memory_space<semaphore_mem>>)
      %dma_start3A_81 = arith.constant 1 : i32
      %dma_start3A_82 = arith.constant 128 : i32
      %dma_start3A_83 = arith.constant 0 : i32
      %dma_start3A_84 = tpu.memref_slice %arg6[%dma_start3A_82, %dma_start3A_83] : memref<640x32xf32, #tpu.memory_space<vmem>> -> memref<128x32xf32, #tpu.memory_space<vmem>>
      %dma_start3A_85 = arith.constant 0 : i32
      %dma_start3A_86 = tpu.memref_slice %arg5[%dma_start3A_81, %dma_start3A_85] : memref<5x128xi32, #tpu.memory_space<vmem>> -> memref<1x128xi32, #tpu.memory_space<vmem>>
      %dma_start3A_87 = tpu.memref_squeeze %dma_start3A_86 : memref<1x128xi32, #tpu.memory_space<vmem>> -> memref<128xi32, #tpu.memory_space<vmem>>
      %dma_start3A_88 = arith.constant 0 : i32
      %dma_start3A_89 = arith.constant 0 : i32
      %dma_start3A_90 = tpu.memref_slice %arg3[%dma_start3A_88, %dma_start3A_89] : memref<1000000x32xf32, #tpu.memory_space<hbm>> -> memref<1000000x32xf32, #tpu.memory_space<hbm>>
      tpu.enqueue_indirect_dma source(%dma_start3A_90 : memref<1000000x32xf32, #tpu.memory_space<hbm>>) target(%dma_start3A_84 : memref<128x32xf32, #tpu.memory_space<vmem>>) offsets(%dma_start3A_87 : memref<128xi32, #tpu.memory_space<vmem>>) semaphore(%arg7 : memref<!tpu.dma_semaphore, #tpu.memory_space<semaphore_mem>>)
      %dma_start3A_91 = arith.constant 2 : i32
      %dma_start3A_92 = arith.constant 256 : i32
      %dma_start3A_93 = arith.constant 0 : i32
      %dma_start3A_94 = tpu.memref_slice %arg6[%dma_start3A_92, %dma_start3A_93] : memref<640x32xf32, #tpu.memory_space<vmem>> -> memref<128x32xf32, #tpu.memory_space<vmem>>
      %dma_start3A_95 = arith.constant 0 : i32
      %dma_start3A_96 = tpu.memref_slice %arg5[%dma_start3A_91, %dma_start3A_95] : memref<5x128xi32, #tpu.memory_space<vmem>> -> memref<1x128xi32, #tpu.memory_space<vmem>>
      %dma_start3A_97 = tpu.memref_squeeze %dma_start3A_96 : memref<1x128xi32, #tpu.memory_space<vmem>> -> memref<128xi32, #tpu.memory_space<vmem>>
      %dma_start3A_98 = arith.constant 0 : i32
      %dma_start3A_99 = arith.constant 0 : i32
      %dma_start3A_100 = tpu.memref_slice %arg3[%dma_start3A_98, %dma_start3A_99] : memref<1000000x32xf32, #tpu.memory_space<hbm>> -> memref<1000000x32xf32, #tpu.memory_space<hbm>>
      tpu.enqueue_indirect_dma source(%dma_start3A_100 : memref<1000000x32xf32, #tpu.memory_space<hbm>>) target(%dma_start3A_94 : memref<128x32xf32, #tpu.memory_space<vmem>>) offsets(%dma_start3A_97 : memref<128xi32, #tpu.memory_space<vmem>>) semaphore(%arg7 : memref<!tpu.dma_semaphore, #tpu.memory_space<semaphore_mem>>)
      %dma_start3A_101 = arith.constant 3 : i32
      %dma_start3A_102 = arith.constant 384 : i32
      %dma_start3A_103 = arith.constant 0 : i32
      %dma_start3A_104 = tpu.memref_slice %arg6[%dma_start3A_102, %dma_start3A_103] : memref<640x32xf32, #tpu.memory_space<vmem>> -> memref<128x32xf32, #tpu.memory_space<vmem>>
      %dma_start3A_105 = arith.constant 0 : i32
      %dma_start3A_106 = tpu.memref_slice %arg5[%dma_start3A_101, %dma_start3A_105] : memref<5x128xi32, #tpu.memory_space<vmem>> -> memref<1x128xi32, #tpu.memory_space<vmem>>
      %dma_start3A_107 = tpu.memref_squeeze %dma_start3A_106 : memref<1x128xi32, #tpu.memory_space<vmem>> -> memref<128xi32, #tpu.memory_space<vmem>>
      %dma_start3A_108 = arith.constant 0 : i32
      %dma_start3A_109 = arith.constant 0 : i32
      %dma_start3A_110 = tpu.memref_slice %arg3[%dma_start3A_108, %dma_start3A_109] : memref<1000000x32xf32, #tpu.memory_space<hbm>> -> memref<1000000x32xf32, #tpu.memory_space<hbm>>
      tpu.enqueue_indirect_dma source(%dma_start3A_110 : memref<1000000x32xf32, #tpu.memory_space<hbm>>) target(%dma_start3A_104 : memref<128x32xf32, #tpu.memory_space<vmem>>) offsets(%dma_start3A_107 : memref<128xi32, #tpu.memory_space<vmem>>) semaphore(%arg7 : memref<!tpu.dma_semaphore, #tpu.memory_space<semaphore_mem>>)
      %dma_start3A_111 = arith.constant 4 : i32
      %dma_start3A_112 = arith.constant 512 : i32
      %dma_start3A_113 = arith.constant 0 : i32
      %dma_start3A_114 = tpu.memref_slice %arg6[%dma_start3A_112, %dma_start3A_113] : memref<640x32xf32, #tpu.memory_space<vmem>> -> memref<128x32xf32, #tpu.memory_space<vmem>>
      %dma_start3A_115 = arith.constant 0 : i32
      %dma_start3A_116 = tpu.memref_slice %arg5[%dma_start3A_111, %dma_start3A_115] : memref<5x128xi32, #tpu.memory_space<vmem>> -> memref<1x128xi32, #tpu.memory_space<vmem>>
      %dma_start3A_117 = tpu.memref_squeeze %dma_start3A_116 : memref<1x128xi32, #tpu.memory_space<vmem>> -> memref<128xi32, #tpu.memory_space<vmem>>
      %dma_start3A_118 = arith.constant 0 : i32
      %dma_start3A_119 = arith.constant 0 : i32
      %dma_start3A_120 = tpu.memref_slice %arg3[%dma_start3A_118, %dma_start3A_119] : memref<1000000x32xf32, #tpu.memory_space<hbm>> -> memref<1000000x32xf32, #tpu.memory_space<hbm>>
      tpu.enqueue_indirect_dma source(%dma_start3A_120 : memref<1000000x32xf32, #tpu.memory_space<hbm>>) target(%dma_start3A_114 : memref<128x32xf32, #tpu.memory_space<vmem>>) offsets(%dma_start3A_117 : memref<128xi32, #tpu.memory_space<vmem>>) semaphore(%arg7 : memref<!tpu.dma_semaphore, #tpu.memory_space<semaphore_mem>>)
      %dma_wait3A = arith.constant 0 : i32
      %dma_wait3A_121 = arith.constant 0 : i32
      %dma_wait3A_122 = arith.constant 0 : i32
      %dma_wait3A_123 = tpu.memref_slice %arg6[%dma_wait3A_121, %dma_wait3A_122] : memref<640x32xf32, #tpu.memory_space<vmem>> -> memref<128x32xf32, #tpu.memory_space<vmem>>
      %dma_wait3A_124 = arith.constant 0 : i32
      %dma_wait3A_125 = tpu.memref_slice %arg5[%dma_wait3A, %dma_wait3A_124] : memref<5x128xi32, #tpu.memory_space<vmem>> -> memref<1x128xi32, #tpu.memory_space<vmem>>
      %dma_wait3A_126 = tpu.memref_squeeze %dma_wait3A_125 : memref<1x128xi32, #tpu.memory_space<vmem>> -> memref<128xi32, #tpu.memory_space<vmem>>
      %dma_wait3A_127 = arith.constant 0 : i32
      %dma_wait3A_128 = arith.constant 0 : i32
      %dma_wait3A_129 = tpu.memref_slice %arg3[%dma_wait3A_127, %dma_wait3A_128] : memref<1000000x32xf32, #tpu.memory_space<hbm>> -> memref<1000000x32xf32, #tpu.memory_space<hbm>>
      tpu.wait_indirect_dma semaphore(%arg7 : memref<!tpu.dma_semaphore, #tpu.memory_space<semaphore_mem>>) src(%dma_wait3A_129 : memref<1000000x32xf32, #tpu.memory_space<hbm>>) dst(%dma_wait3A_123 : memref<128x32xf32, #tpu.memory_space<vmem>>)
      %dma_wait3A_130 = arith.constant 1 : i32
      %dma_wait3A_131 = arith.constant 128 : i32
      %dma_wait3A_132 = arith.constant 0 : i32
      %dma_wait3A_133 = tpu.memref_slice %arg6[%dma_wait3A_131, %dma_wait3A_132] : memref<640x32xf32, #tpu.memory_space<vmem>> -> memref<128x32xf32, #tpu.memory_space<vmem>>
      %dma_wait3A_134 = arith.constant 0 : i32
      %dma_wait3A_135 = tpu.memref_slice %arg5[%dma_wait3A_130, %dma_wait3A_134] : memref<5x128xi32, #tpu.memory_space<vmem>> -> memref<1x128xi32, #tpu.memory_space<vmem>>
      %dma_wait3A_136 = tpu.memref_squeeze %dma_wait3A_135 : memref<1x128xi32, #tpu.memory_space<vmem>> -> memref<128xi32, #tpu.memory_space<vmem>>
      %dma_wait3A_137 = arith.constant 0 : i32
      %dma_wait3A_138 = arith.constant 0 : i32
      %dma_wait3A_139 = tpu.memref_slice %arg3[%dma_wait3A_137, %dma_wait3A_138] : memref<1000000x32xf32, #tpu.memory_space<hbm>> -> memref<1000000x32xf32, #tpu.memory_space<hbm>>
      tpu.wait_indirect_dma semaphore(%arg7 : memref<!tpu.dma_semaphore, #tpu.memory_space<semaphore_mem>>) src(%dma_wait3A_139 : memref<1000000x32xf32, #tpu.memory_space<hbm>>) dst(%dma_wait3A_133 : memref<128x32xf32, #tpu.memory_space<vmem>>)
      %dma_wait3A_140 = arith.constant 2 : i32
      %dma_wait3A_141 = arith.constant 256 : i32
      %dma_wait3A_142 = arith.constant 0 : i32
      %dma_wait3A_143 = tpu.memref_slice %arg6[%dma_wait3A_141, %dma_wait3A_142] : memref<640x32xf32, #tpu.memory_space<vmem>> -> memref<128x32xf32, #tpu.memory_space<vmem>>
      %dma_wait3A_144 = arith.constant 0 : i32
      %dma_wait3A_145 = tpu.memref_slice %arg5[%dma_wait3A_140, %dma_wait3A_144] : memref<5x128xi32, #tpu.memory_space<vmem>> -> memref<1x128xi32, #tpu.memory_space<vmem>>
      %dma_wait3A_146 = tpu.memref_squeeze %dma_wait3A_145 : memref<1x128xi32, #tpu.memory_space<vmem>> -> memref<128xi32, #tpu.memory_space<vmem>>
      %dma_wait3A_147 = arith.constant 0 : i32
      %dma_wait3A_148 = arith.constant 0 : i32
      %dma_wait3A_149 = tpu.memref_slice %arg3[%dma_wait3A_147, %dma_wait3A_148] : memref<1000000x32xf32, #tpu.memory_space<hbm>> -> memref<1000000x32xf32, #tpu.memory_space<hbm>>
      tpu.wait_indirect_dma semaphore(%arg7 : memref<!tpu.dma_semaphore, #tpu.memory_space<semaphore_mem>>) src(%dma_wait3A_149 : memref<1000000x32xf32, #tpu.memory_space<hbm>>) dst(%dma_wait3A_143 : memref<128x32xf32, #tpu.memory_space<vmem>>)
      %dma_wait3A_150 = arith.constant 3 : i32
      %dma_wait3A_151 = arith.constant 384 : i32
      %dma_wait3A_152 = arith.constant 0 : i32
      %dma_wait3A_153 = tpu.memref_slice %arg6[%dma_wait3A_151, %dma_wait3A_152] : memref<640x32xf32, #tpu.memory_space<vmem>> -> memref<128x32xf32, #tpu.memory_space<vmem>>
      %dma_wait3A_154 = arith.constant 0 : i32
      %dma_wait3A_155 = tpu.memref_slice %arg5[%dma_wait3A_150, %dma_wait3A_154] : memref<5x128xi32, #tpu.memory_space<vmem>> -> memref<1x128xi32, #tpu.memory_space<vmem>>
      %dma_wait3A_156 = tpu.memref_squeeze %dma_wait3A_155 : memref<1x128xi32, #tpu.memory_space<vmem>> -> memref<128xi32, #tpu.memory_space<vmem>>
      %dma_wait3A_157 = arith.constant 0 : i32
      %dma_wait3A_158 = arith.constant 0 : i32
      %dma_wait3A_159 = tpu.memref_slice %arg3[%dma_wait3A_157, %dma_wait3A_158] : memref<1000000x32xf32, #tpu.memory_space<hbm>> -> memref<1000000x32xf32, #tpu.memory_space<hbm>>
      tpu.wait_indirect_dma semaphore(%arg7 : memref<!tpu.dma_semaphore, #tpu.memory_space<semaphore_mem>>) src(%dma_wait3A_159 : memref<1000000x32xf32, #tpu.memory_space<hbm>>) dst(%dma_wait3A_153 : memref<128x32xf32, #tpu.memory_space<vmem>>)
      %dma_wait3A_160 = arith.constant 4 : i32
      %dma_wait3A_161 = arith.constant 512 : i32
      %dma_wait3A_162 = arith.constant 0 : i32
      %dma_wait3A_163 = tpu.memref_slice %arg6[%dma_wait3A_161, %dma_wait3A_162] : memref<640x32xf32, #tpu.memory_space<vmem>> -> memref<128x32xf32, #tpu.memory_space<vmem>>
      %dma_wait3A_164 = arith.constant 0 : i32
      %dma_wait3A_165 = tpu.memref_slice %arg5[%dma_wait3A_160, %dma_wait3A_164] : memref<5x128xi32, #tpu.memory_space<vmem>> -> memref<1x128xi32, #tpu.memory_space<vmem>>
      %dma_wait3A_166 = tpu.memref_squeeze %dma_wait3A_165 : memref<1x128xi32, #tpu.memory_space<vmem>> -> memref<128xi32, #tpu.memory_space<vmem>>
      %dma_wait3A_167 = arith.constant 0 : i32
      %dma_wait3A_168 = arith.constant 0 : i32
      %dma_wait3A_169 = tpu.memref_slice %arg3[%dma_wait3A_167, %dma_wait3A_168] : memref<1000000x32xf32, #tpu.memory_space<hbm>> -> memref<1000000x32xf32, #tpu.memory_space<hbm>>
      tpu.wait_indirect_dma semaphore(%arg7 : memref<!tpu.dma_semaphore, #tpu.memory_space<semaphore_mem>>) src(%dma_wait3A_169 : memref<1000000x32xf32, #tpu.memory_space<hbm>>) dst(%dma_wait3A_163 : memref<128x32xf32, #tpu.memory_space<vmem>>)
      %mul3A_170 = arith.constant 3200 : i32
      %mul3A_171 = arith.muli %select_n3A, %mul3A_170 : i32
      %mul3A_172 = arith.constant 640 : i32
      %mul3A_173 = arith.muli %scan3A_41, %mul3A_172 : i32
      %add3A_174 = arith.addi %mul3A_171, %mul3A_173 : i32
      %add3A_175 = arith.constant 0 : i32
      %add3A_176 = arith.addi %mul3A_34, %add3A_175 : i32
      %mul3A_177 = arith.constant 32 : i32
      %mul3A_178 = arith.muli %mul3A_177, %add3A_176 : i32
      "tpu.region"() ({
        %run_scoped3A = tpu.sem_alloc : memref<!tpu.dma_semaphore, #tpu.memory_space<semaphore_mem>>
        %dma_start3A_180 = tpu.memref_slice %arg4[%add3A_174, %mul3A_178] : memref<25600x128xf32, #tpu.memory_space<hbm>> -> memref<640x32xf32, #tpu.memory_space<hbm>>
        %dma_start3A_181 = tpu.memref_slice %arg4[%add3A_174, %mul3A_178] : memref<25600x128xf32, #tpu.memory_space<hbm>> -> memref<640x32xf32, #tpu.memory_space<hbm>>
        tpu.enqueue_dma source(%arg6 : memref<640x32xf32, #tpu.memory_space<vmem>>) target(%dma_start3A_181 : memref<640x32xf32, #tpu.memory_space<hbm>>) target_semaphore(%run_scoped3A : memref<!tpu.dma_semaphore, #tpu.memory_space<semaphore_mem>>)
        %dma_wait3A_182 = tpu.memref_slice %arg4[%add3A_174, %mul3A_178] : memref<25600x128xf32, #tpu.memory_space<hbm>> -> memref<640x32xf32, #tpu.memory_space<hbm>>
        %dma_wait3A_183 = tpu.memref_slice %arg4[%add3A_174, %mul3A_178] : memref<25600x128xf32, #tpu.memory_space<hbm>> -> memref<640x32xf32, #tpu.memory_space<hbm>>
        tpu.wait_dma2 semaphore(%run_scoped3A : memref<!tpu.dma_semaphore, #tpu.memory_space<semaphore_mem>>) src(%arg6 : memref<640x32xf32, #tpu.memory_space<vmem>>) dst(%dma_wait3A_183 : memref<640x32xf32, #tpu.memory_space<hbm>>)
        tpu.yield
      }) : () -> ()
      %scan3A_179 = arith.constant 0 : i32
      scf.yield %scan3A_179 : i32
    }
    %scan3A_40 = arith.constant 5 : i32
    return
  }
}

module attributes {stable_mosaic.version = 14 : i64} {
  func.func @_repack_body(%arg0: i32, %arg1: memref<32x16384xf32, #tpu.memory_space<vmem>>, %arg2: memref<4096x128xf32, #tpu.memory_space<vmem>>) attributes {dimension_semantics = [#tpu.dimension_semantics<arbitrary>], iteration_bounds = array<i64: 62>, scalar_prefetch = 0 : i64, scratch_operands = 0 : i64, tpu.core_type = #tpu.core_type<tc>, window_params = [{transform_indices = @transform_0, window_bounds = array<i64: 32, 16384>}, {transform_indices = @transform_1, window_bounds = array<i64: 4096, 128>}]} {
    %get3A = arith.constant 0 : index
    %get3A_0 = arith.constant 0 : index
    %get3A_1 = vector.load %arg1[%get3A, %get3A_0] : memref<32x16384xf32, #tpu.memory_space<vmem>>, vector<32x16384xf32>
    %transpose3A = tpu.transpose %get3A_1, [1, 0] : vector<32x16384xf32> -> vector<16384x32xf32>
    %reshape3A = vector.shape_cast %transpose3A : vector<16384x32xf32> to vector<4096x4x32xf32>
    %slice3A = vector.extract_strided_slice %reshape3A {offsets = [0, 0, 0], sizes = [4096, 1, 32], strides = [1, 1, 1]} : vector<4096x4x32xf32> to vector<4096x1x32xf32>
    %squeeze3A = vector.shape_cast %slice3A : vector<4096x1x32xf32> to vector<4096x32xf32>
    %swap3A = arith.constant 0 : index
    %swap3A_2 = arith.constant 0 : index
    %swap3A_3 = vector.load %arg2[%swap3A, %swap3A_2] : memref<4096x128xf32, #tpu.memory_space<vmem>>, vector<4096x32xf32>
    tpu.vector_store %arg2[%swap3A, %swap3A_2], %squeeze3A {strides = array<i32>} : memref<4096x128xf32, #tpu.memory_space<vmem>>, vector<4096x32xf32>,
    %slice3A_4 = vector.extract_strided_slice %reshape3A {offsets = [0, 1, 0], sizes = [4096, 1, 32], strides = [1, 1, 1]} : vector<4096x4x32xf32> to vector<4096x1x32xf32>
    %squeeze3A_5 = vector.shape_cast %slice3A_4 : vector<4096x1x32xf32> to vector<4096x32xf32>
    %swap3A_6 = arith.constant 0 : index
    %swap3A_7 = arith.constant 32 : index
    %swap3A_8 = vector.load %arg2[%swap3A_6, %swap3A_7] : memref<4096x128xf32, #tpu.memory_space<vmem>>, vector<4096x32xf32>
    tpu.vector_store %arg2[%swap3A_6, %swap3A_7], %squeeze3A_5 {strides = array<i32>} : memref<4096x128xf32, #tpu.memory_space<vmem>>, vector<4096x32xf32>,
    %slice3A_9 = vector.extract_strided_slice %reshape3A {offsets = [0, 2, 0], sizes = [4096, 1, 32], strides = [1, 1, 1]} : vector<4096x4x32xf32> to vector<4096x1x32xf32>
    %squeeze3A_10 = vector.shape_cast %slice3A_9 : vector<4096x1x32xf32> to vector<4096x32xf32>
    %swap3A_11 = arith.constant 0 : index
    %swap3A_12 = arith.constant 64 : index
    %swap3A_13 = vector.load %arg2[%swap3A_11, %swap3A_12] : memref<4096x128xf32, #tpu.memory_space<vmem>>, vector<4096x32xf32>
    tpu.vector_store %arg2[%swap3A_11, %swap3A_12], %squeeze3A_10 {strides = array<i32>} : memref<4096x128xf32, #tpu.memory_space<vmem>>, vector<4096x32xf32>,
    %slice3A_14 = vector.extract_strided_slice %reshape3A {offsets = [0, 3, 0], sizes = [4096, 1, 32], strides = [1, 1, 1]} : vector<4096x4x32xf32> to vector<4096x1x32xf32>
    %squeeze3A_15 = vector.shape_cast %slice3A_14 : vector<4096x1x32xf32> to vector<4096x32xf32>
    %swap3A_16 = arith.constant 0 : index
    %swap3A_17 = arith.constant 96 : index
    %swap3A_18 = vector.load %arg2[%swap3A_16, %swap3A_17] : memref<4096x128xf32, #tpu.memory_space<vmem>>, vector<4096x32xf32>
    tpu.vector_store %arg2[%swap3A_16, %swap3A_17], %squeeze3A_15 {strides = array<i32>} : memref<4096x128xf32, #tpu.memory_space<vmem>>, vector<4096x32xf32>,
    return
  }
  func.func @transform_0(%arg0: i32) -> (i32, i32) {
    %c0_i32 = arith.constant 0 : i32
    %c0_i32_0 = arith.constant 0 : i32
    return %c0_i32, %arg0 : i32, i32
  }
  func.func @transform_1(%arg0: i32) -> (i32, i32) {
    %c0_i32 = arith.constant 0 : i32
    %c0_i32_0 = arith.constant 0 : i32
    return %arg0, %c0_i32 : i32, i32
  }
}

module attributes {stable_mosaic.version = 14 : i64} {
  func.func @_tc_body(%arg0: i32, %arg1: memref<3200x128xf32, #tpu.memory_space<vmem>>, %arg2: memref<128x32xf32, #tpu.memory_space<vmem>>, %arg3: memref<200x128xf32, #tpu.memory_space<vmem>>, %arg4: memref<12800x128xf32, #tpu.memory_space<vmem>>) attributes {dimension_semantics = [#tpu.dimension_semantics<arbitrary>], iteration_bounds = array<i64: 8>, scalar_prefetch = 0 : i64, scratch_operands = 0 : i64, tpu.core_type = #tpu.core_type<tc>, window_params = [{transform_indices = @transform_0, window_bounds = array<i64: 3200, 128>}, {pipeline_mode = #tpu.pipeline_mode<synchronous>, transform_indices = @transform_1, window_bounds = array<i64: 128, 32>}, {pipeline_mode = #tpu.pipeline_mode<synchronous>, transform_indices = @transform_2, window_bounds = array<i64: 200, 128>}, {transform_indices = @transform_3, window_bounds = array<i64: 12800, 128>}]} {
    %get3A = arith.constant 0 : index
    %get3A_0 = arith.constant 0 : index
    %get3A_1 = vector.load %arg1[%get3A, %get3A_0] : memref<3200x128xf32, #tpu.memory_space<vmem>>, vector<3200x128xf32>
    %get3A_2 = arith.constant 0 : index
    %get3A_3 = arith.constant 0 : index
    %get3A_4 = vector.load %arg2[%get3A_2, %get3A_3] : memref<128x32xf32, #tpu.memory_space<vmem>>, vector<128x32xf32>
    %get3A_5 = arith.constant 0 : index
    %get3A_6 = arith.constant 0 : index
    %get3A_7 = vector.load %arg3[%get3A_5, %get3A_6] : memref<200x128xf32, #tpu.memory_space<vmem>>, vector<200x128xf32>
    %broadcast_in_dim3A = vector.shape_cast %get3A_7 : vector<200x128xf32> to vector<1x200x128xf32>
    %broadcast_in_dim3A_8 = vector.shape_cast %broadcast_in_dim3A : vector<1x200x128xf32> to vector<1x200x128xf32>
    %broadcast_in_dim3A_9 = vector.broadcast %broadcast_in_dim3A_8 : vector<1x200x128xf32> to vector<16x200x128xf32>
    %reshape3A = vector.shape_cast %broadcast_in_dim3A_9 : vector<16x200x128xf32> to vector<3200x128xf32>
    %slice3A = vector.extract_strided_slice %get3A_1 {offsets = [0, 0], sizes = [3200, 32], strides = [1, 1]} : vector<3200x128xf32> to vector<3200x32xf32>
    %dot_general3A = arith.constant dense<0.000000e+00> : vector<3200x128xf32>
    %dot_general3A_10 = tpu.matmul %slice3A, %get3A_4, %dot_general3A {dimension_numbers = #tpu.dot_dimension_numbers<[1], [1], [0], [0], [0, 0, 1, 0], [], []>, transpose_lhs_hint = false} : vector<3200x32xf32>, vector<128x32xf32>, vector<3200x128xf32> -> vector<3200x128xf32>
    %add3A = arith.addf %dot_general3A_10, %reshape3A : vector<3200x128xf32>
    %swap3A = arith.constant 0 : index
    %swap3A_11 = arith.constant 0 : index
    %swap3A_12 = vector.load %arg4[%swap3A, %swap3A_11] : memref<12800x128xf32, #tpu.memory_space<vmem>>, vector<3200x128xf32>
    tpu.vector_store %arg4[%swap3A, %swap3A_11], %add3A {strides = array<i32>} : memref<12800x128xf32, #tpu.memory_space<vmem>>, vector<3200x128xf32>,
    %slice3A_13 = vector.extract_strided_slice %get3A_1 {offsets = [0, 32], sizes = [3200, 32], strides = [1, 1]} : vector<3200x128xf32> to vector<3200x32xf32>
    %dot_general3A_14 = arith.constant dense<0.000000e+00> : vector<3200x128xf32>
    %dot_general3A_15 = tpu.matmul %slice3A_13, %get3A_4, %dot_general3A_14 {dimension_numbers = #tpu.dot_dimension_numbers<[1], [1], [0], [0], [0, 0, 1, 0], [], []>, transpose_lhs_hint = false} : vector<3200x32xf32>, vector<128x32xf32>, vector<3200x128xf32> -> vector<3200x128xf32>
    %add3A_16 = arith.addf %dot_general3A_15, %reshape3A : vector<3200x128xf32>
    %swap3A_17 = arith.constant 3200 : index
    %swap3A_18 = arith.constant 0 : index
    %swap3A_19 = vector.load %arg4[%swap3A_17, %swap3A_18] : memref<12800x128xf32, #tpu.memory_space<vmem>>, vector<3200x128xf32>
    tpu.vector_store %arg4[%swap3A_17, %swap3A_18], %add3A_16 {strides = array<i32>} : memref<12800x128xf32, #tpu.memory_space<vmem>>, vector<3200x128xf32>,
    %slice3A_20 = vector.extract_strided_slice %get3A_1 {offsets = [0, 64], sizes = [3200, 32], strides = [1, 1]} : vector<3200x128xf32> to vector<3200x32xf32>
    %dot_general3A_21 = arith.constant dense<0.000000e+00> : vector<3200x128xf32>
    %dot_general3A_22 = tpu.matmul %slice3A_20, %get3A_4, %dot_general3A_21 {dimension_numbers = #tpu.dot_dimension_numbers<[1], [1], [0], [0], [0, 0, 1, 0], [], []>, transpose_lhs_hint = false} : vector<3200x32xf32>, vector<128x32xf32>, vector<3200x128xf32> -> vector<3200x128xf32>
    %add3A_23 = arith.addf %dot_general3A_22, %reshape3A : vector<3200x128xf32>
    %swap3A_24 = arith.constant 6400 : index
    %swap3A_25 = arith.constant 0 : index
    %swap3A_26 = vector.load %arg4[%swap3A_24, %swap3A_25] : memref<12800x128xf32, #tpu.memory_space<vmem>>, vector<3200x128xf32>
    tpu.vector_store %arg4[%swap3A_24, %swap3A_25], %add3A_23 {strides = array<i32>} : memref<12800x128xf32, #tpu.memory_space<vmem>>, vector<3200x128xf32>,
    %slice3A_27 = vector.extract_strided_slice %get3A_1 {offsets = [0, 96], sizes = [3200, 32], strides = [1, 1]} : vector<3200x128xf32> to vector<3200x32xf32>
    %dot_general3A_28 = arith.constant dense<0.000000e+00> : vector<3200x128xf32>
    %dot_general3A_29 = tpu.matmul %slice3A_27, %get3A_4, %dot_general3A_28 {dimension_numbers = #tpu.dot_dimension_numbers<[1], [1], [0], [0], [0, 0, 1, 0], [], []>, transpose_lhs_hint = false} : vector<3200x32xf32>, vector<128x32xf32>, vector<3200x128xf32> -> vector<3200x128xf32>
    %add3A_30 = arith.addf %dot_general3A_29, %reshape3A : vector<3200x128xf32>
    %swap3A_31 = arith.constant 9600 : index
    %swap3A_32 = arith.constant 0 : index
    %swap3A_33 = vector.load %arg4[%swap3A_31, %swap3A_32] : memref<12800x128xf32, #tpu.memory_space<vmem>>, vector<3200x128xf32>
    tpu.vector_store %arg4[%swap3A_31, %swap3A_32], %add3A_30 {strides = array<i32>} : memref<12800x128xf32, #tpu.memory_space<vmem>>, vector<3200x128xf32>,
    return
  }
  func.func @transform_0(%arg0: i32) -> (i32, i32) {
    %c0_i32 = arith.constant 0 : i32
    %c0_i32_0 = arith.constant 0 : i32
    return %arg0, %c0_i32 : i32, i32
  }
  func.func @transform_1(%arg0: i32) -> (i32, i32) {
    %c0_i32 = arith.constant 0 : i32
    %c0_i32_0 = arith.constant 0 : i32
    %c0_i32_1 = arith.constant 0 : i32
    return %c0_i32, %c0_i32_0 : i32, i32
  }
  func.func @transform_2(%arg0: i32) -> (i32, i32) {
    %c0_i32 = arith.constant 0 : i32
    %c0_i32_0 = arith.constant 0 : i32
    %c0_i32_1 = arith.constant 0 : i32
    return %c0_i32, %c0_i32_0 : i32, i32
  }
  func.func @transform_3(%arg0: i32) -> (i32, i32) {
    %add3A = arith.constant 0 : i32
    %add3A_0 = arith.addi %add3A, %arg0 : i32
    %c0_i32 = arith.constant 0 : i32
    %c0_i32_1 = arith.constant 0 : i32
    return %add3A_0, %c0_i32 : i32, i32
  }
}

module attributes {stable_mosaic.version = 14 : i64} {
  func.func @_tc_body_chain(%arg0: i32, %arg1: memref<3200x128xf32, #tpu.memory_space<vmem>>, %arg2: memref<128x32xf32, #tpu.memory_space<vmem>>, %arg3: memref<200x128xf32, #tpu.memory_space<vmem>>, %arg4: memref<819200x128xf32, #tpu.memory_space<any>>, %arg5: memref<12800x128xf32, #tpu.memory_space<vmem>>) attributes {dimension_semantics = [#tpu.dimension_semantics<arbitrary>], iteration_bounds = array<i64: 8>, scalar_prefetch = 0 : i64, scratch_operands = 0 : i64, tpu.core_type = #tpu.core_type<tc>, window_params = [{transform_indices = @transform_0, window_bounds = array<i64: 3200, 128>}, {pipeline_mode = #tpu.pipeline_mode<synchronous>, transform_indices = @transform_1, window_bounds = array<i64: 128, 32>}, {pipeline_mode = #tpu.pipeline_mode<synchronous>, transform_indices = @transform_2, window_bounds = array<i64: 200, 128>}, {}, {transform_indices = @transform_4, window_bounds = array<i64: 12800, 128>}]} {
    %get3A = arith.constant 0 : index
    %get3A_0 = arith.constant 0 : index
    %get3A_1 = vector.load %arg1[%get3A, %get3A_0] : memref<3200x128xf32, #tpu.memory_space<vmem>>, vector<3200x128xf32>
    %get3A_2 = arith.constant 0 : index
    %get3A_3 = arith.constant 0 : index
    %get3A_4 = vector.load %arg2[%get3A_2, %get3A_3] : memref<128x32xf32, #tpu.memory_space<vmem>>, vector<128x32xf32>
    %get3A_5 = arith.constant 0 : index
    %get3A_6 = arith.constant 0 : index
    %get3A_7 = vector.load %arg3[%get3A_5, %get3A_6] : memref<200x128xf32, #tpu.memory_space<vmem>>, vector<200x128xf32>
    %broadcast_in_dim3A = vector.shape_cast %get3A_7 : vector<200x128xf32> to vector<1x200x128xf32>
    %broadcast_in_dim3A_8 = vector.shape_cast %broadcast_in_dim3A : vector<1x200x128xf32> to vector<1x200x128xf32>
    %broadcast_in_dim3A_9 = vector.broadcast %broadcast_in_dim3A_8 : vector<1x200x128xf32> to vector<16x200x128xf32>
    %reshape3A = vector.shape_cast %broadcast_in_dim3A_9 : vector<16x200x128xf32> to vector<3200x128xf32>
    %slice3A = vector.extract_strided_slice %get3A_1 {offsets = [0, 0], sizes = [3200, 32], strides = [1, 1]} : vector<3200x128xf32> to vector<3200x32xf32>
    %dot_general3A = arith.constant dense<0.000000e+00> : vector<3200x128xf32>
    %dot_general3A_10 = tpu.matmul %slice3A, %get3A_4, %dot_general3A {dimension_numbers = #tpu.dot_dimension_numbers<[1], [1], [0], [0], [0, 0, 1, 0], [], []>, transpose_lhs_hint = false} : vector<3200x32xf32>, vector<128x32xf32>, vector<3200x128xf32> -> vector<3200x128xf32>
    %add3A = arith.addf %dot_general3A_10, %reshape3A : vector<3200x128xf32>
    %swap3A = arith.constant 0 : index
    %swap3A_11 = arith.constant 0 : index
    %swap3A_12 = vector.load %arg5[%swap3A, %swap3A_11] : memref<12800x128xf32, #tpu.memory_space<vmem>>, vector<3200x128xf32>
    tpu.vector_store %arg5[%swap3A, %swap3A_11], %add3A {strides = array<i32>} : memref<12800x128xf32, #tpu.memory_space<vmem>>, vector<3200x128xf32>,
    %slice3A_13 = vector.extract_strided_slice %get3A_1 {offsets = [0, 32], sizes = [3200, 32], strides = [1, 1]} : vector<3200x128xf32> to vector<3200x32xf32>
    %dot_general3A_14 = arith.constant dense<0.000000e+00> : vector<3200x128xf32>
    %dot_general3A_15 = tpu.matmul %slice3A_13, %get3A_4, %dot_general3A_14 {dimension_numbers = #tpu.dot_dimension_numbers<[1], [1], [0], [0], [0, 0, 1, 0], [], []>, transpose_lhs_hint = false} : vector<3200x32xf32>, vector<128x32xf32>, vector<3200x128xf32> -> vector<3200x128xf32>
    %add3A_16 = arith.addf %dot_general3A_15, %reshape3A : vector<3200x128xf32>
    %swap3A_17 = arith.constant 3200 : index
    %swap3A_18 = arith.constant 0 : index
    %swap3A_19 = vector.load %arg5[%swap3A_17, %swap3A_18] : memref<12800x128xf32, #tpu.memory_space<vmem>>, vector<3200x128xf32>
    tpu.vector_store %arg5[%swap3A_17, %swap3A_18], %add3A_16 {strides = array<i32>} : memref<12800x128xf32, #tpu.memory_space<vmem>>, vector<3200x128xf32>,
    %slice3A_20 = vector.extract_strided_slice %get3A_1 {offsets = [0, 64], sizes = [3200, 32], strides = [1, 1]} : vector<3200x128xf32> to vector<3200x32xf32>
    %dot_general3A_21 = arith.constant dense<0.000000e+00> : vector<3200x128xf32>
    %dot_general3A_22 = tpu.matmul %slice3A_20, %get3A_4, %dot_general3A_21 {dimension_numbers = #tpu.dot_dimension_numbers<[1], [1], [0], [0], [0, 0, 1, 0], [], []>, transpose_lhs_hint = false} : vector<3200x32xf32>, vector<128x32xf32>, vector<3200x128xf32> -> vector<3200x128xf32>
    %add3A_23 = arith.addf %dot_general3A_22, %reshape3A : vector<3200x128xf32>
    %swap3A_24 = arith.constant 6400 : index
    %swap3A_25 = arith.constant 0 : index
    %swap3A_26 = vector.load %arg5[%swap3A_24, %swap3A_25] : memref<12800x128xf32, #tpu.memory_space<vmem>>, vector<3200x128xf32>
    tpu.vector_store %arg5[%swap3A_24, %swap3A_25], %add3A_23 {strides = array<i32>} : memref<12800x128xf32, #tpu.memory_space<vmem>>, vector<3200x128xf32>,
    %slice3A_27 = vector.extract_strided_slice %get3A_1 {offsets = [0, 96], sizes = [3200, 32], strides = [1, 1]} : vector<3200x128xf32> to vector<3200x32xf32>
    %dot_general3A_28 = arith.constant dense<0.000000e+00> : vector<3200x128xf32>
    %dot_general3A_29 = tpu.matmul %slice3A_27, %get3A_4, %dot_general3A_28 {dimension_numbers = #tpu.dot_dimension_numbers<[1], [1], [0], [0], [0, 0, 1, 0], [], []>, transpose_lhs_hint = false} : vector<3200x32xf32>, vector<128x32xf32>, vector<3200x128xf32> -> vector<3200x128xf32>
    %add3A_30 = arith.addf %dot_general3A_29, %reshape3A : vector<3200x128xf32>
    %swap3A_31 = arith.constant 9600 : index
    %swap3A_32 = arith.constant 0 : index
    %swap3A_33 = vector.load %arg5[%swap3A_31, %swap3A_32] : memref<12800x128xf32, #tpu.memory_space<vmem>>, vector<3200x128xf32>
    tpu.vector_store %arg5[%swap3A_31, %swap3A_32], %add3A_30 {strides = array<i32>} : memref<12800x128xf32, #tpu.memory_space<vmem>>, vector<3200x128xf32>,
    return
  }
  func.func @transform_0(%arg0: i32) -> (i32, i32) {
    %c0_i32 = arith.constant 0 : i32
    %c0_i32_0 = arith.constant 0 : i32
    return %arg0, %c0_i32 : i32, i32
  }
  func.func @transform_1(%arg0: i32) -> (i32, i32) {
    %c0_i32 = arith.constant 0 : i32
    %c0_i32_0 = arith.constant 0 : i32
    %c0_i32_1 = arith.constant 0 : i32
    return %c0_i32, %c0_i32_0 : i32, i32
  }
  func.func @transform_2(%arg0: i32) -> (i32, i32) {
    %c0_i32 = arith.constant 0 : i32
    %c0_i32_0 = arith.constant 0 : i32
    %c0_i32_1 = arith.constant 0 : i32
    return %c0_i32, %c0_i32_0 : i32, i32
  }
  func.func @transform_4(%arg0: i32) -> (i32, i32) {
    %add3A = arith.constant 8 : i32
    %add3A_0 = arith.addi %add3A, %arg0 : i32
    %c0_i32 = arith.constant 0 : i32
    %c0_i32_1 = arith.constant 0 : i32
    return %add3A_0, %c0_i32 : i32, i32
  }
}

module attributes {stable_mosaic.version = 14 : i64} {
  func.func @_tc_body_chain(%arg0: i32, %arg1: memref<3200x128xf32, #tpu.memory_space<vmem>>, %arg2: memref<128x32xf32, #tpu.memory_space<vmem>>, %arg3: memref<200x128xf32, #tpu.memory_space<vmem>>, %arg4: memref<819200x128xf32, #tpu.memory_space<any>>, %arg5: memref<12800x128xf32, #tpu.memory_space<vmem>>) attributes {dimension_semantics = [#tpu.dimension_semantics<arbitrary>], iteration_bounds = array<i64: 8>, scalar_prefetch = 0 : i64, scratch_operands = 0 : i64, tpu.core_type = #tpu.core_type<tc>, window_params = [{transform_indices = @transform_0, window_bounds = array<i64: 3200, 128>}, {pipeline_mode = #tpu.pipeline_mode<synchronous>, transform_indices = @transform_1, window_bounds = array<i64: 128, 32>}, {pipeline_mode = #tpu.pipeline_mode<synchronous>, transform_indices = @transform_2, window_bounds = array<i64: 200, 128>}, {}, {transform_indices = @transform_4, window_bounds = array<i64: 12800, 128>}]} {
    %get3A = arith.constant 0 : index
    %get3A_0 = arith.constant 0 : index
    %get3A_1 = vector.load %arg1[%get3A, %get3A_0] : memref<3200x128xf32, #tpu.memory_space<vmem>>, vector<3200x128xf32>
    %get3A_2 = arith.constant 0 : index
    %get3A_3 = arith.constant 0 : index
    %get3A_4 = vector.load %arg2[%get3A_2, %get3A_3] : memref<128x32xf32, #tpu.memory_space<vmem>>, vector<128x32xf32>
    %get3A_5 = arith.constant 0 : index
    %get3A_6 = arith.constant 0 : index
    %get3A_7 = vector.load %arg3[%get3A_5, %get3A_6] : memref<200x128xf32, #tpu.memory_space<vmem>>, vector<200x128xf32>
    %broadcast_in_dim3A = vector.shape_cast %get3A_7 : vector<200x128xf32> to vector<1x200x128xf32>
    %broadcast_in_dim3A_8 = vector.shape_cast %broadcast_in_dim3A : vector<1x200x128xf32> to vector<1x200x128xf32>
    %broadcast_in_dim3A_9 = vector.broadcast %broadcast_in_dim3A_8 : vector<1x200x128xf32> to vector<16x200x128xf32>
    %reshape3A = vector.shape_cast %broadcast_in_dim3A_9 : vector<16x200x128xf32> to vector<3200x128xf32>
    %slice3A = vector.extract_strided_slice %get3A_1 {offsets = [0, 0], sizes = [3200, 32], strides = [1, 1]} : vector<3200x128xf32> to vector<3200x32xf32>
    %dot_general3A = arith.constant dense<0.000000e+00> : vector<3200x128xf32>
    %dot_general3A_10 = tpu.matmul %slice3A, %get3A_4, %dot_general3A {dimension_numbers = #tpu.dot_dimension_numbers<[1], [1], [0], [0], [0, 0, 1, 0], [], []>, transpose_lhs_hint = false} : vector<3200x32xf32>, vector<128x32xf32>, vector<3200x128xf32> -> vector<3200x128xf32>
    %add3A = arith.addf %dot_general3A_10, %reshape3A : vector<3200x128xf32>
    %swap3A = arith.constant 0 : index
    %swap3A_11 = arith.constant 0 : index
    %swap3A_12 = vector.load %arg5[%swap3A, %swap3A_11] : memref<12800x128xf32, #tpu.memory_space<vmem>>, vector<3200x128xf32>
    tpu.vector_store %arg5[%swap3A, %swap3A_11], %add3A {strides = array<i32>} : memref<12800x128xf32, #tpu.memory_space<vmem>>, vector<3200x128xf32>,
    %slice3A_13 = vector.extract_strided_slice %get3A_1 {offsets = [0, 32], sizes = [3200, 32], strides = [1, 1]} : vector<3200x128xf32> to vector<3200x32xf32>
    %dot_general3A_14 = arith.constant dense<0.000000e+00> : vector<3200x128xf32>
    %dot_general3A_15 = tpu.matmul %slice3A_13, %get3A_4, %dot_general3A_14 {dimension_numbers = #tpu.dot_dimension_numbers<[1], [1], [0], [0], [0, 0, 1, 0], [], []>, transpose_lhs_hint = false} : vector<3200x32xf32>, vector<128x32xf32>, vector<3200x128xf32> -> vector<3200x128xf32>
    %add3A_16 = arith.addf %dot_general3A_15, %reshape3A : vector<3200x128xf32>
    %swap3A_17 = arith.constant 3200 : index
    %swap3A_18 = arith.constant 0 : index
    %swap3A_19 = vector.load %arg5[%swap3A_17, %swap3A_18] : memref<12800x128xf32, #tpu.memory_space<vmem>>, vector<3200x128xf32>
    tpu.vector_store %arg5[%swap3A_17, %swap3A_18], %add3A_16 {strides = array<i32>} : memref<12800x128xf32, #tpu.memory_space<vmem>>, vector<3200x128xf32>,
    %slice3A_20 = vector.extract_strided_slice %get3A_1 {offsets = [0, 64], sizes = [3200, 32], strides = [1, 1]} : vector<3200x128xf32> to vector<3200x32xf32>
    %dot_general3A_21 = arith.constant dense<0.000000e+00> : vector<3200x128xf32>
    %dot_general3A_22 = tpu.matmul %slice3A_20, %get3A_4, %dot_general3A_21 {dimension_numbers = #tpu.dot_dimension_numbers<[1], [1], [0], [0], [0, 0, 1, 0], [], []>, transpose_lhs_hint = false} : vector<3200x32xf32>, vector<128x32xf32>, vector<3200x128xf32> -> vector<3200x128xf32>
    %add3A_23 = arith.addf %dot_general3A_22, %reshape3A : vector<3200x128xf32>
    %swap3A_24 = arith.constant 6400 : index
    %swap3A_25 = arith.constant 0 : index
    %swap3A_26 = vector.load %arg5[%swap3A_24, %swap3A_25] : memref<12800x128xf32, #tpu.memory_space<vmem>>, vector<3200x128xf32>
    tpu.vector_store %arg5[%swap3A_24, %swap3A_25], %add3A_23 {strides = array<i32>} : memref<12800x128xf32, #tpu.memory_space<vmem>>, vector<3200x128xf32>,
    %slice3A_27 = vector.extract_strided_slice %get3A_1 {offsets = [0, 96], sizes = [3200, 32], strides = [1, 1]} : vector<3200x128xf32> to vector<3200x32xf32>
    %dot_general3A_28 = arith.constant dense<0.000000e+00> : vector<3200x128xf32>
    %dot_general3A_29 = tpu.matmul %slice3A_27, %get3A_4, %dot_general3A_28 {dimension_numbers = #tpu.dot_dimension_numbers<[1], [1], [0], [0], [0, 0, 1, 0], [], []>, transpose_lhs_hint = false} : vector<3200x32xf32>, vector<128x32xf32>, vector<3200x128xf32> -> vector<3200x128xf32>
    %add3A_30 = arith.addf %dot_general3A_29, %reshape3A : vector<3200x128xf32>
    %swap3A_31 = arith.constant 9600 : index
    %swap3A_32 = arith.constant 0 : index
    %swap3A_33 = vector.load %arg5[%swap3A_31, %swap3A_32] : memref<12800x128xf32, #tpu.memory_space<vmem>>, vector<3200x128xf32>
    tpu.vector_store %arg5[%swap3A_31, %swap3A_32], %add3A_30 {strides = array<i32>} : memref<12800x128xf32, #tpu.memory_space<vmem>>, vector<3200x128xf32>,
    return
  }
  func.func @transform_0(%arg0: i32) -> (i32, i32) {
    %c0_i32 = arith.constant 0 : i32
    %c0_i32_0 = arith.constant 0 : i32
    return %arg0, %c0_i32 : i32, i32
  }
  func.func @transform_1(%arg0: i32) -> (i32, i32) {
    %c0_i32 = arith.constant 0 : i32
    %c0_i32_0 = arith.constant 0 : i32
    %c0_i32_1 = arith.constant 0 : i32
    return %c0_i32, %c0_i32_0 : i32, i32
  }
  func.func @transform_2(%arg0: i32) -> (i32, i32) {
    %c0_i32 = arith.constant 0 : i32
    %c0_i32_0 = arith.constant 0 : i32
    %c0_i32_1 = arith.constant 0 : i32
    return %c0_i32, %c0_i32_0 : i32, i32
  }
  func.func @transform_4(%arg0: i32) -> (i32, i32) {
    %add3A = arith.constant 16 : i32
    %add3A_0 = arith.addi %add3A, %arg0 : i32
    %c0_i32 = arith.constant 0 : i32
    %c0_i32_1 = arith.constant 0 : i32
    return %add3A_0, %c0_i32 : i32, i32
  }
}

module attributes {stable_mosaic.version = 14 : i64} {
  func.func @_tc_body_chain(%arg0: i32, %arg1: memref<3200x128xf32, #tpu.memory_space<vmem>>, %arg2: memref<128x32xf32, #tpu.memory_space<vmem>>, %arg3: memref<200x128xf32, #tpu.memory_space<vmem>>, %arg4: memref<819200x128xf32, #tpu.memory_space<any>>, %arg5: memref<12800x128xf32, #tpu.memory_space<vmem>>) attributes {dimension_semantics = [#tpu.dimension_semantics<arbitrary>], iteration_bounds = array<i64: 8>, scalar_prefetch = 0 : i64, scratch_operands = 0 : i64, tpu.core_type = #tpu.core_type<tc>, window_params = [{transform_indices = @transform_0, window_bounds = array<i64: 3200, 128>}, {pipeline_mode = #tpu.pipeline_mode<synchronous>, transform_indices = @transform_1, window_bounds = array<i64: 128, 32>}, {pipeline_mode = #tpu.pipeline_mode<synchronous>, transform_indices = @transform_2, window_bounds = array<i64: 200, 128>}, {}, {transform_indices = @transform_4, window_bounds = array<i64: 12800, 128>}]} {
    %get3A = arith.constant 0 : index
    %get3A_0 = arith.constant 0 : index
    %get3A_1 = vector.load %arg1[%get3A, %get3A_0] : memref<3200x128xf32, #tpu.memory_space<vmem>>, vector<3200x128xf32>
    %get3A_2 = arith.constant 0 : index
    %get3A_3 = arith.constant 0 : index
    %get3A_4 = vector.load %arg2[%get3A_2, %get3A_3] : memref<128x32xf32, #tpu.memory_space<vmem>>, vector<128x32xf32>
    %get3A_5 = arith.constant 0 : index
    %get3A_6 = arith.constant 0 : index
    %get3A_7 = vector.load %arg3[%get3A_5, %get3A_6] : memref<200x128xf32, #tpu.memory_space<vmem>>, vector<200x128xf32>
    %broadcast_in_dim3A = vector.shape_cast %get3A_7 : vector<200x128xf32> to vector<1x200x128xf32>
    %broadcast_in_dim3A_8 = vector.shape_cast %broadcast_in_dim3A : vector<1x200x128xf32> to vector<1x200x128xf32>
    %broadcast_in_dim3A_9 = vector.broadcast %broadcast_in_dim3A_8 : vector<1x200x128xf32> to vector<16x200x128xf32>
    %reshape3A = vector.shape_cast %broadcast_in_dim3A_9 : vector<16x200x128xf32> to vector<3200x128xf32>
    %slice3A = vector.extract_strided_slice %get3A_1 {offsets = [0, 0], sizes = [3200, 32], strides = [1, 1]} : vector<3200x128xf32> to vector<3200x32xf32>
    %dot_general3A = arith.constant dense<0.000000e+00> : vector<3200x128xf32>
    %dot_general3A_10 = tpu.matmul %slice3A, %get3A_4, %dot_general3A {dimension_numbers = #tpu.dot_dimension_numbers<[1], [1], [0], [0], [0, 0, 1, 0], [], []>, transpose_lhs_hint = false} : vector<3200x32xf32>, vector<128x32xf32>, vector<3200x128xf32> -> vector<3200x128xf32>
    %add3A = arith.addf %dot_general3A_10, %reshape3A : vector<3200x128xf32>
    %swap3A = arith.constant 0 : index
    %swap3A_11 = arith.constant 0 : index
    %swap3A_12 = vector.load %arg5[%swap3A, %swap3A_11] : memref<12800x128xf32, #tpu.memory_space<vmem>>, vector<3200x128xf32>
    tpu.vector_store %arg5[%swap3A, %swap3A_11], %add3A {strides = array<i32>} : memref<12800x128xf32, #tpu.memory_space<vmem>>, vector<3200x128xf32>,
    %slice3A_13 = vector.extract_strided_slice %get3A_1 {offsets = [0, 32], sizes = [3200, 32], strides = [1, 1]} : vector<3200x128xf32> to vector<3200x32xf32>
    %dot_general3A_14 = arith.constant dense<0.000000e+00> : vector<3200x128xf32>
    %dot_general3A_15 = tpu.matmul %slice3A_13, %get3A_4, %dot_general3A_14 {dimension_numbers = #tpu.dot_dimension_numbers<[1], [1], [0], [0], [0, 0, 1, 0], [], []>, transpose_lhs_hint = false} : vector<3200x32xf32>, vector<128x32xf32>, vector<3200x128xf32> -> vector<3200x128xf32>
    %add3A_16 = arith.addf %dot_general3A_15, %reshape3A : vector<3200x128xf32>
    %swap3A_17 = arith.constant 3200 : index
    %swap3A_18 = arith.constant 0 : index
    %swap3A_19 = vector.load %arg5[%swap3A_17, %swap3A_18] : memref<12800x128xf32, #tpu.memory_space<vmem>>, vector<3200x128xf32>
    tpu.vector_store %arg5[%swap3A_17, %swap3A_18], %add3A_16 {strides = array<i32>} : memref<12800x128xf32, #tpu.memory_space<vmem>>, vector<3200x128xf32>,
    %slice3A_20 = vector.extract_strided_slice %get3A_1 {offsets = [0, 64], sizes = [3200, 32], strides = [1, 1]} : vector<3200x128xf32> to vector<3200x32xf32>
    %dot_general3A_21 = arith.constant dense<0.000000e+00> : vector<3200x128xf32>
    %dot_general3A_22 = tpu.matmul %slice3A_20, %get3A_4, %dot_general3A_21 {dimension_numbers = #tpu.dot_dimension_numbers<[1], [1], [0], [0], [0, 0, 1, 0], [], []>, transpose_lhs_hint = false} : vector<3200x32xf32>, vector<128x32xf32>, vector<3200x128xf32> -> vector<3200x128xf32>
    %add3A_23 = arith.addf %dot_general3A_22, %reshape3A : vector<3200x128xf32>
    %swap3A_24 = arith.constant 6400 : index
    %swap3A_25 = arith.constant 0 : index
    %swap3A_26 = vector.load %arg5[%swap3A_24, %swap3A_25] : memref<12800x128xf32, #tpu.memory_space<vmem>>, vector<3200x128xf32>
    tpu.vector_store %arg5[%swap3A_24, %swap3A_25], %add3A_23 {strides = array<i32>} : memref<12800x128xf32, #tpu.memory_space<vmem>>, vector<3200x128xf32>,
    %slice3A_27 = vector.extract_strided_slice %get3A_1 {offsets = [0, 96], sizes = [3200, 32], strides = [1, 1]} : vector<3200x128xf32> to vector<3200x32xf32>
    %dot_general3A_28 = arith.constant dense<0.000000e+00> : vector<3200x128xf32>
    %dot_general3A_29 = tpu.matmul %slice3A_27, %get3A_4, %dot_general3A_28 {dimension_numbers = #tpu.dot_dimension_numbers<[1], [1], [0], [0], [0, 0, 1, 0], [], []>, transpose_lhs_hint = false} : vector<3200x32xf32>, vector<128x32xf32>, vector<3200x128xf32> -> vector<3200x128xf32>
    %add3A_30 = arith.addf %dot_general3A_29, %reshape3A : vector<3200x128xf32>
    %swap3A_31 = arith.constant 9600 : index
    %swap3A_32 = arith.constant 0 : index
    %swap3A_33 = vector.load %arg5[%swap3A_31, %swap3A_32] : memref<12800x128xf32, #tpu.memory_space<vmem>>, vector<3200x128xf32>
    tpu.vector_store %arg5[%swap3A_31, %swap3A_32], %add3A_30 {strides = array<i32>} : memref<12800x128xf32, #tpu.memory_space<vmem>>, vector<3200x128xf32>,
    return
  }
  func.func @transform_0(%arg0: i32) -> (i32, i32) {
    %c0_i32 = arith.constant 0 : i32
    %c0_i32_0 = arith.constant 0 : i32
    return %arg0, %c0_i32 : i32, i32
  }
  func.func @transform_1(%arg0: i32) -> (i32, i32) {
    %c0_i32 = arith.constant 0 : i32
    %c0_i32_0 = arith.constant 0 : i32
    %c0_i32_1 = arith.constant 0 : i32
    return %c0_i32, %c0_i32_0 : i32, i32
  }
  func.func @transform_2(%arg0: i32) -> (i32, i32) {
    %c0_i32 = arith.constant 0 : i32
    %c0_i32_0 = arith.constant 0 : i32
    %c0_i32_1 = arith.constant 0 : i32
    return %c0_i32, %c0_i32_0 : i32, i32
  }
  func.func @transform_4(%arg0: i32) -> (i32, i32) {
    %add3A = arith.constant 24 : i32
    %add3A_0 = arith.addi %add3A, %arg0 : i32
    %c0_i32 = arith.constant 0 : i32
    %c0_i32_1 = arith.constant 0 : i32
    return %add3A_0, %c0_i32 : i32, i32
  }
}

module attributes {stable_mosaic.version = 14 : i64} {
  func.func @_tc_body_chain(%arg0: i32, %arg1: memref<3200x128xf32, #tpu.memory_space<vmem>>, %arg2: memref<128x32xf32, #tpu.memory_space<vmem>>, %arg3: memref<200x128xf32, #tpu.memory_space<vmem>>, %arg4: memref<819200x128xf32, #tpu.memory_space<any>>, %arg5: memref<12800x128xf32, #tpu.memory_space<vmem>>) attributes {dimension_semantics = [#tpu.dimension_semantics<arbitrary>], iteration_bounds = array<i64: 8>, scalar_prefetch = 0 : i64, scratch_operands = 0 : i64, tpu.core_type = #tpu.core_type<tc>, window_params = [{transform_indices = @transform_0, window_bounds = array<i64: 3200, 128>}, {pipeline_mode = #tpu.pipeline_mode<synchronous>, transform_indices = @transform_1, window_bounds = array<i64: 128, 32>}, {pipeline_mode = #tpu.pipeline_mode<synchronous>, transform_indices = @transform_2, window_bounds = array<i64: 200, 128>}, {}, {transform_indices = @transform_4, window_bounds = array<i64: 12800, 128>}]} {
    %get3A = arith.constant 0 : index
    %get3A_0 = arith.constant 0 : index
    %get3A_1 = vector.load %arg1[%get3A, %get3A_0] : memref<3200x128xf32, #tpu.memory_space<vmem>>, vector<3200x128xf32>
    %get3A_2 = arith.constant 0 : index
    %get3A_3 = arith.constant 0 : index
    %get3A_4 = vector.load %arg2[%get3A_2, %get3A_3] : memref<128x32xf32, #tpu.memory_space<vmem>>, vector<128x32xf32>
    %get3A_5 = arith.constant 0 : index
    %get3A_6 = arith.constant 0 : index
    %get3A_7 = vector.load %arg3[%get3A_5, %get3A_6] : memref<200x128xf32, #tpu.memory_space<vmem>>, vector<200x128xf32>
    %broadcast_in_dim3A = vector.shape_cast %get3A_7 : vector<200x128xf32> to vector<1x200x128xf32>
    %broadcast_in_dim3A_8 = vector.shape_cast %broadcast_in_dim3A : vector<1x200x128xf32> to vector<1x200x128xf32>
    %broadcast_in_dim3A_9 = vector.broadcast %broadcast_in_dim3A_8 : vector<1x200x128xf32> to vector<16x200x128xf32>
    %reshape3A = vector.shape_cast %broadcast_in_dim3A_9 : vector<16x200x128xf32> to vector<3200x128xf32>
    %slice3A = vector.extract_strided_slice %get3A_1 {offsets = [0, 0], sizes = [3200, 32], strides = [1, 1]} : vector<3200x128xf32> to vector<3200x32xf32>
    %dot_general3A = arith.constant dense<0.000000e+00> : vector<3200x128xf32>
    %dot_general3A_10 = tpu.matmul %slice3A, %get3A_4, %dot_general3A {dimension_numbers = #tpu.dot_dimension_numbers<[1], [1], [0], [0], [0, 0, 1, 0], [], []>, transpose_lhs_hint = false} : vector<3200x32xf32>, vector<128x32xf32>, vector<3200x128xf32> -> vector<3200x128xf32>
    %add3A = arith.addf %dot_general3A_10, %reshape3A : vector<3200x128xf32>
    %swap3A = arith.constant 0 : index
    %swap3A_11 = arith.constant 0 : index
    %swap3A_12 = vector.load %arg5[%swap3A, %swap3A_11] : memref<12800x128xf32, #tpu.memory_space<vmem>>, vector<3200x128xf32>
    tpu.vector_store %arg5[%swap3A, %swap3A_11], %add3A {strides = array<i32>} : memref<12800x128xf32, #tpu.memory_space<vmem>>, vector<3200x128xf32>,
    %slice3A_13 = vector.extract_strided_slice %get3A_1 {offsets = [0, 32], sizes = [3200, 32], strides = [1, 1]} : vector<3200x128xf32> to vector<3200x32xf32>
    %dot_general3A_14 = arith.constant dense<0.000000e+00> : vector<3200x128xf32>
    %dot_general3A_15 = tpu.matmul %slice3A_13, %get3A_4, %dot_general3A_14 {dimension_numbers = #tpu.dot_dimension_numbers<[1], [1], [0], [0], [0, 0, 1, 0], [], []>, transpose_lhs_hint = false} : vector<3200x32xf32>, vector<128x32xf32>, vector<3200x128xf32> -> vector<3200x128xf32>
    %add3A_16 = arith.addf %dot_general3A_15, %reshape3A : vector<3200x128xf32>
    %swap3A_17 = arith.constant 3200 : index
    %swap3A_18 = arith.constant 0 : index
    %swap3A_19 = vector.load %arg5[%swap3A_17, %swap3A_18] : memref<12800x128xf32, #tpu.memory_space<vmem>>, vector<3200x128xf32>
    tpu.vector_store %arg5[%swap3A_17, %swap3A_18], %add3A_16 {strides = array<i32>} : memref<12800x128xf32, #tpu.memory_space<vmem>>, vector<3200x128xf32>,
    %slice3A_20 = vector.extract_strided_slice %get3A_1 {offsets = [0, 64], sizes = [3200, 32], strides = [1, 1]} : vector<3200x128xf32> to vector<3200x32xf32>
    %dot_general3A_21 = arith.constant dense<0.000000e+00> : vector<3200x128xf32>
    %dot_general3A_22 = tpu.matmul %slice3A_20, %get3A_4, %dot_general3A_21 {dimension_numbers = #tpu.dot_dimension_numbers<[1], [1], [0], [0], [0, 0, 1, 0], [], []>, transpose_lhs_hint = false} : vector<3200x32xf32>, vector<128x32xf32>, vector<3200x128xf32> -> vector<3200x128xf32>
    %add3A_23 = arith.addf %dot_general3A_22, %reshape3A : vector<3200x128xf32>
    %swap3A_24 = arith.constant 6400 : index
    %swap3A_25 = arith.constant 0 : index
    %swap3A_26 = vector.load %arg5[%swap3A_24, %swap3A_25] : memref<12800x128xf32, #tpu.memory_space<vmem>>, vector<3200x128xf32>
    tpu.vector_store %arg5[%swap3A_24, %swap3A_25], %add3A_23 {strides = array<i32>} : memref<12800x128xf32, #tpu.memory_space<vmem>>, vector<3200x128xf32>,
    %slice3A_27 = vector.extract_strided_slice %get3A_1 {offsets = [0, 96], sizes = [3200, 32], strides = [1, 1]} : vector<3200x128xf32> to vector<3200x32xf32>
    %dot_general3A_28 = arith.constant dense<0.000000e+00> : vector<3200x128xf32>
    %dot_general3A_29 = tpu.matmul %slice3A_27, %get3A_4, %dot_general3A_28 {dimension_numbers = #tpu.dot_dimension_numbers<[1], [1], [0], [0], [0, 0, 1, 0], [], []>, transpose_lhs_hint = false} : vector<3200x32xf32>, vector<128x32xf32>, vector<3200x128xf32> -> vector<3200x128xf32>
    %add3A_30 = arith.addf %dot_general3A_29, %reshape3A : vector<3200x128xf32>
    %swap3A_31 = arith.constant 9600 : index
    %swap3A_32 = arith.constant 0 : index
    %swap3A_33 = vector.load %arg5[%swap3A_31, %swap3A_32] : memref<12800x128xf32, #tpu.memory_space<vmem>>, vector<3200x128xf32>
    tpu.vector_store %arg5[%swap3A_31, %swap3A_32], %add3A_30 {strides = array<i32>} : memref<12800x128xf32, #tpu.memory_space<vmem>>, vector<3200x128xf32>,
    return
  }
  func.func @transform_0(%arg0: i32) -> (i32, i32) {
    %c0_i32 = arith.constant 0 : i32
    %c0_i32_0 = arith.constant 0 : i32
    return %arg0, %c0_i32 : i32, i32
  }
  func.func @transform_1(%arg0: i32) -> (i32, i32) {
    %c0_i32 = arith.constant 0 : i32
    %c0_i32_0 = arith.constant 0 : i32
    %c0_i32_1 = arith.constant 0 : i32
    return %c0_i32, %c0_i32_0 : i32, i32
  }
  func.func @transform_2(%arg0: i32) -> (i32, i32) {
    %c0_i32 = arith.constant 0 : i32
    %c0_i32_0 = arith.constant 0 : i32
    %c0_i32_1 = arith.constant 0 : i32
    return %c0_i32, %c0_i32_0 : i32, i32
  }
  func.func @transform_4(%arg0: i32) -> (i32, i32) {
    %add3A = arith.constant 32 : i32
    %add3A_0 = arith.addi %add3A, %arg0 : i32
    %c0_i32 = arith.constant 0 : i32
    %c0_i32_1 = arith.constant 0 : i32
    return %add3A_0, %c0_i32 : i32, i32
  }
}

module attributes {stable_mosaic.version = 14 : i64} {
  func.func @_tc_body_chain(%arg0: i32, %arg1: memref<3200x128xf32, #tpu.memory_space<vmem>>, %arg2: memref<128x32xf32, #tpu.memory_space<vmem>>, %arg3: memref<200x128xf32, #tpu.memory_space<vmem>>, %arg4: memref<819200x128xf32, #tpu.memory_space<any>>, %arg5: memref<12800x128xf32, #tpu.memory_space<vmem>>) attributes {dimension_semantics = [#tpu.dimension_semantics<arbitrary>], iteration_bounds = array<i64: 8>, scalar_prefetch = 0 : i64, scratch_operands = 0 : i64, tpu.core_type = #tpu.core_type<tc>, window_params = [{transform_indices = @transform_0, window_bounds = array<i64: 3200, 128>}, {pipeline_mode = #tpu.pipeline_mode<synchronous>, transform_indices = @transform_1, window_bounds = array<i64: 128, 32>}, {pipeline_mode = #tpu.pipeline_mode<synchronous>, transform_indices = @transform_2, window_bounds = array<i64: 200, 128>}, {}, {transform_indices = @transform_4, window_bounds = array<i64: 12800, 128>}]} {
    %get3A = arith.constant 0 : index
    %get3A_0 = arith.constant 0 : index
    %get3A_1 = vector.load %arg1[%get3A, %get3A_0] : memref<3200x128xf32, #tpu.memory_space<vmem>>, vector<3200x128xf32>
    %get3A_2 = arith.constant 0 : index
    %get3A_3 = arith.constant 0 : index
    %get3A_4 = vector.load %arg2[%get3A_2, %get3A_3] : memref<128x32xf32, #tpu.memory_space<vmem>>, vector<128x32xf32>
    %get3A_5 = arith.constant 0 : index
    %get3A_6 = arith.constant 0 : index
    %get3A_7 = vector.load %arg3[%get3A_5, %get3A_6] : memref<200x128xf32, #tpu.memory_space<vmem>>, vector<200x128xf32>
    %broadcast_in_dim3A = vector.shape_cast %get3A_7 : vector<200x128xf32> to vector<1x200x128xf32>
    %broadcast_in_dim3A_8 = vector.shape_cast %broadcast_in_dim3A : vector<1x200x128xf32> to vector<1x200x128xf32>
    %broadcast_in_dim3A_9 = vector.broadcast %broadcast_in_dim3A_8 : vector<1x200x128xf32> to vector<16x200x128xf32>
    %reshape3A = vector.shape_cast %broadcast_in_dim3A_9 : vector<16x200x128xf32> to vector<3200x128xf32>
    %slice3A = vector.extract_strided_slice %get3A_1 {offsets = [0, 0], sizes = [3200, 32], strides = [1, 1]} : vector<3200x128xf32> to vector<3200x32xf32>
    %dot_general3A = arith.constant dense<0.000000e+00> : vector<3200x128xf32>
    %dot_general3A_10 = tpu.matmul %slice3A, %get3A_4, %dot_general3A {dimension_numbers = #tpu.dot_dimension_numbers<[1], [1], [0], [0], [0, 0, 1, 0], [], []>, transpose_lhs_hint = false} : vector<3200x32xf32>, vector<128x32xf32>, vector<3200x128xf32> -> vector<3200x128xf32>
    %add3A = arith.addf %dot_general3A_10, %reshape3A : vector<3200x128xf32>
    %swap3A = arith.constant 0 : index
    %swap3A_11 = arith.constant 0 : index
    %swap3A_12 = vector.load %arg5[%swap3A, %swap3A_11] : memref<12800x128xf32, #tpu.memory_space<vmem>>, vector<3200x128xf32>
    tpu.vector_store %arg5[%swap3A, %swap3A_11], %add3A {strides = array<i32>} : memref<12800x128xf32, #tpu.memory_space<vmem>>, vector<3200x128xf32>,
    %slice3A_13 = vector.extract_strided_slice %get3A_1 {offsets = [0, 32], sizes = [3200, 32], strides = [1, 1]} : vector<3200x128xf32> to vector<3200x32xf32>
    %dot_general3A_14 = arith.constant dense<0.000000e+00> : vector<3200x128xf32>
    %dot_general3A_15 = tpu.matmul %slice3A_13, %get3A_4, %dot_general3A_14 {dimension_numbers = #tpu.dot_dimension_numbers<[1], [1], [0], [0], [0, 0, 1, 0], [], []>, transpose_lhs_hint = false} : vector<3200x32xf32>, vector<128x32xf32>, vector<3200x128xf32> -> vector<3200x128xf32>
    %add3A_16 = arith.addf %dot_general3A_15, %reshape3A : vector<3200x128xf32>
    %swap3A_17 = arith.constant 3200 : index
    %swap3A_18 = arith.constant 0 : index
    %swap3A_19 = vector.load %arg5[%swap3A_17, %swap3A_18] : memref<12800x128xf32, #tpu.memory_space<vmem>>, vector<3200x128xf32>
    tpu.vector_store %arg5[%swap3A_17, %swap3A_18], %add3A_16 {strides = array<i32>} : memref<12800x128xf32, #tpu.memory_space<vmem>>, vector<3200x128xf32>,
    %slice3A_20 = vector.extract_strided_slice %get3A_1 {offsets = [0, 64], sizes = [3200, 32], strides = [1, 1]} : vector<3200x128xf32> to vector<3200x32xf32>
    %dot_general3A_21 = arith.constant dense<0.000000e+00> : vector<3200x128xf32>
    %dot_general3A_22 = tpu.matmul %slice3A_20, %get3A_4, %dot_general3A_21 {dimension_numbers = #tpu.dot_dimension_numbers<[1], [1], [0], [0], [0, 0, 1, 0], [], []>, transpose_lhs_hint = false} : vector<3200x32xf32>, vector<128x32xf32>, vector<3200x128xf32> -> vector<3200x128xf32>
    %add3A_23 = arith.addf %dot_general3A_22, %reshape3A : vector<3200x128xf32>
    %swap3A_24 = arith.constant 6400 : index
    %swap3A_25 = arith.constant 0 : index
    %swap3A_26 = vector.load %arg5[%swap3A_24, %swap3A_25] : memref<12800x128xf32, #tpu.memory_space<vmem>>, vector<3200x128xf32>
    tpu.vector_store %arg5[%swap3A_24, %swap3A_25], %add3A_23 {strides = array<i32>} : memref<12800x128xf32, #tpu.memory_space<vmem>>, vector<3200x128xf32>,
    %slice3A_27 = vector.extract_strided_slice %get3A_1 {offsets = [0, 96], sizes = [3200, 32], strides = [1, 1]} : vector<3200x128xf32> to vector<3200x32xf32>
    %dot_general3A_28 = arith.constant dense<0.000000e+00> : vector<3200x128xf32>
    %dot_general3A_29 = tpu.matmul %slice3A_27, %get3A_4, %dot_general3A_28 {dimension_numbers = #tpu.dot_dimension_numbers<[1], [1], [0], [0], [0, 0, 1, 0], [], []>, transpose_lhs_hint = false} : vector<3200x32xf32>, vector<128x32xf32>, vector<3200x128xf32> -> vector<3200x128xf32>
    %add3A_30 = arith.addf %dot_general3A_29, %reshape3A : vector<3200x128xf32>
    %swap3A_31 = arith.constant 9600 : index
    %swap3A_32 = arith.constant 0 : index
    %swap3A_33 = vector.load %arg5[%swap3A_31, %swap3A_32] : memref<12800x128xf32, #tpu.memory_space<vmem>>, vector<3200x128xf32>
    tpu.vector_store %arg5[%swap3A_31, %swap3A_32], %add3A_30 {strides = array<i32>} : memref<12800x128xf32, #tpu.memory_space<vmem>>, vector<3200x128xf32>,
    return
  }
  func.func @transform_0(%arg0: i32) -> (i32, i32) {
    %c0_i32 = arith.constant 0 : i32
    %c0_i32_0 = arith.constant 0 : i32
    return %arg0, %c0_i32 : i32, i32
  }
  func.func @transform_1(%arg0: i32) -> (i32, i32) {
    %c0_i32 = arith.constant 0 : i32
    %c0_i32_0 = arith.constant 0 : i32
    %c0_i32_1 = arith.constant 0 : i32
    return %c0_i32, %c0_i32_0 : i32, i32
  }
  func.func @transform_2(%arg0: i32) -> (i32, i32) {
    %c0_i32 = arith.constant 0 : i32
    %c0_i32_0 = arith.constant 0 : i32
    %c0_i32_1 = arith.constant 0 : i32
    return %c0_i32, %c0_i32_0 : i32, i32
  }
  func.func @transform_4(%arg0: i32) -> (i32, i32) {
    %add3A = arith.constant 40 : i32
    %add3A_0 = arith.addi %add3A, %arg0 : i32
    %c0_i32 = arith.constant 0 : i32
    %c0_i32_1 = arith.constant 0 : i32
    return %add3A_0, %c0_i32 : i32, i32
  }
}

module attributes {stable_mosaic.version = 14 : i64} {
  func.func @_tc_body_chain(%arg0: i32, %arg1: memref<3200x128xf32, #tpu.memory_space<vmem>>, %arg2: memref<128x32xf32, #tpu.memory_space<vmem>>, %arg3: memref<200x128xf32, #tpu.memory_space<vmem>>, %arg4: memref<819200x128xf32, #tpu.memory_space<any>>, %arg5: memref<12800x128xf32, #tpu.memory_space<vmem>>) attributes {dimension_semantics = [#tpu.dimension_semantics<arbitrary>], iteration_bounds = array<i64: 8>, scalar_prefetch = 0 : i64, scratch_operands = 0 : i64, tpu.core_type = #tpu.core_type<tc>, window_params = [{transform_indices = @transform_0, window_bounds = array<i64: 3200, 128>}, {pipeline_mode = #tpu.pipeline_mode<synchronous>, transform_indices = @transform_1, window_bounds = array<i64: 128, 32>}, {pipeline_mode = #tpu.pipeline_mode<synchronous>, transform_indices = @transform_2, window_bounds = array<i64: 200, 128>}, {}, {transform_indices = @transform_4, window_bounds = array<i64: 12800, 128>}]} {
    %get3A = arith.constant 0 : index
    %get3A_0 = arith.constant 0 : index
    %get3A_1 = vector.load %arg1[%get3A, %get3A_0] : memref<3200x128xf32, #tpu.memory_space<vmem>>, vector<3200x128xf32>
    %get3A_2 = arith.constant 0 : index
    %get3A_3 = arith.constant 0 : index
    %get3A_4 = vector.load %arg2[%get3A_2, %get3A_3] : memref<128x32xf32, #tpu.memory_space<vmem>>, vector<128x32xf32>
    %get3A_5 = arith.constant 0 : index
    %get3A_6 = arith.constant 0 : index
    %get3A_7 = vector.load %arg3[%get3A_5, %get3A_6] : memref<200x128xf32, #tpu.memory_space<vmem>>, vector<200x128xf32>
    %broadcast_in_dim3A = vector.shape_cast %get3A_7 : vector<200x128xf32> to vector<1x200x128xf32>
    %broadcast_in_dim3A_8 = vector.shape_cast %broadcast_in_dim3A : vector<1x200x128xf32> to vector<1x200x128xf32>
    %broadcast_in_dim3A_9 = vector.broadcast %broadcast_in_dim3A_8 : vector<1x200x128xf32> to vector<16x200x128xf32>
    %reshape3A = vector.shape_cast %broadcast_in_dim3A_9 : vector<16x200x128xf32> to vector<3200x128xf32>
    %slice3A = vector.extract_strided_slice %get3A_1 {offsets = [0, 0], sizes = [3200, 32], strides = [1, 1]} : vector<3200x128xf32> to vector<3200x32xf32>
    %dot_general3A = arith.constant dense<0.000000e+00> : vector<3200x128xf32>
    %dot_general3A_10 = tpu.matmul %slice3A, %get3A_4, %dot_general3A {dimension_numbers = #tpu.dot_dimension_numbers<[1], [1], [0], [0], [0, 0, 1, 0], [], []>, transpose_lhs_hint = false} : vector<3200x32xf32>, vector<128x32xf32>, vector<3200x128xf32> -> vector<3200x128xf32>
    %add3A = arith.addf %dot_general3A_10, %reshape3A : vector<3200x128xf32>
    %swap3A = arith.constant 0 : index
    %swap3A_11 = arith.constant 0 : index
    %swap3A_12 = vector.load %arg5[%swap3A, %swap3A_11] : memref<12800x128xf32, #tpu.memory_space<vmem>>, vector<3200x128xf32>
    tpu.vector_store %arg5[%swap3A, %swap3A_11], %add3A {strides = array<i32>} : memref<12800x128xf32, #tpu.memory_space<vmem>>, vector<3200x128xf32>,
    %slice3A_13 = vector.extract_strided_slice %get3A_1 {offsets = [0, 32], sizes = [3200, 32], strides = [1, 1]} : vector<3200x128xf32> to vector<3200x32xf32>
    %dot_general3A_14 = arith.constant dense<0.000000e+00> : vector<3200x128xf32>
    %dot_general3A_15 = tpu.matmul %slice3A_13, %get3A_4, %dot_general3A_14 {dimension_numbers = #tpu.dot_dimension_numbers<[1], [1], [0], [0], [0, 0, 1, 0], [], []>, transpose_lhs_hint = false} : vector<3200x32xf32>, vector<128x32xf32>, vector<3200x128xf32> -> vector<3200x128xf32>
    %add3A_16 = arith.addf %dot_general3A_15, %reshape3A : vector<3200x128xf32>
    %swap3A_17 = arith.constant 3200 : index
    %swap3A_18 = arith.constant 0 : index
    %swap3A_19 = vector.load %arg5[%swap3A_17, %swap3A_18] : memref<12800x128xf32, #tpu.memory_space<vmem>>, vector<3200x128xf32>
    tpu.vector_store %arg5[%swap3A_17, %swap3A_18], %add3A_16 {strides = array<i32>} : memref<12800x128xf32, #tpu.memory_space<vmem>>, vector<3200x128xf32>,
    %slice3A_20 = vector.extract_strided_slice %get3A_1 {offsets = [0, 64], sizes = [3200, 32], strides = [1, 1]} : vector<3200x128xf32> to vector<3200x32xf32>
    %dot_general3A_21 = arith.constant dense<0.000000e+00> : vector<3200x128xf32>
    %dot_general3A_22 = tpu.matmul %slice3A_20, %get3A_4, %dot_general3A_21 {dimension_numbers = #tpu.dot_dimension_numbers<[1], [1], [0], [0], [0, 0, 1, 0], [], []>, transpose_lhs_hint = false} : vector<3200x32xf32>, vector<128x32xf32>, vector<3200x128xf32> -> vector<3200x128xf32>
    %add3A_23 = arith.addf %dot_general3A_22, %reshape3A : vector<3200x128xf32>
    %swap3A_24 = arith.constant 6400 : index
    %swap3A_25 = arith.constant 0 : index
    %swap3A_26 = vector.load %arg5[%swap3A_24, %swap3A_25] : memref<12800x128xf32, #tpu.memory_space<vmem>>, vector<3200x128xf32>
    tpu.vector_store %arg5[%swap3A_24, %swap3A_25], %add3A_23 {strides = array<i32>} : memref<12800x128xf32, #tpu.memory_space<vmem>>, vector<3200x128xf32>,
    %slice3A_27 = vector.extract_strided_slice %get3A_1 {offsets = [0, 96], sizes = [3200, 32], strides = [1, 1]} : vector<3200x128xf32> to vector<3200x32xf32>
    %dot_general3A_28 = arith.constant dense<0.000000e+00> : vector<3200x128xf32>
    %dot_general3A_29 = tpu.matmul %slice3A_27, %get3A_4, %dot_general3A_28 {dimension_numbers = #tpu.dot_dimension_numbers<[1], [1], [0], [0], [0, 0, 1, 0], [], []>, transpose_lhs_hint = false} : vector<3200x32xf32>, vector<128x32xf32>, vector<3200x128xf32> -> vector<3200x128xf32>
    %add3A_30 = arith.addf %dot_general3A_29, %reshape3A : vector<3200x128xf32>
    %swap3A_31 = arith.constant 9600 : index
    %swap3A_32 = arith.constant 0 : index
    %swap3A_33 = vector.load %arg5[%swap3A_31, %swap3A_32] : memref<12800x128xf32, #tpu.memory_space<vmem>>, vector<3200x128xf32>
    tpu.vector_store %arg5[%swap3A_31, %swap3A_32], %add3A_30 {strides = array<i32>} : memref<12800x128xf32, #tpu.memory_space<vmem>>, vector<3200x128xf32>,
    return
  }
  func.func @transform_0(%arg0: i32) -> (i32, i32) {
    %c0_i32 = arith.constant 0 : i32
    %c0_i32_0 = arith.constant 0 : i32
    return %arg0, %c0_i32 : i32, i32
  }
  func.func @transform_1(%arg0: i32) -> (i32, i32) {
    %c0_i32 = arith.constant 0 : i32
    %c0_i32_0 = arith.constant 0 : i32
    %c0_i32_1 = arith.constant 0 : i32
    return %c0_i32, %c0_i32_0 : i32, i32
  }
  func.func @transform_2(%arg0: i32) -> (i32, i32) {
    %c0_i32 = arith.constant 0 : i32
    %c0_i32_0 = arith.constant 0 : i32
    %c0_i32_1 = arith.constant 0 : i32
    return %c0_i32, %c0_i32_0 : i32, i32
  }
  func.func @transform_4(%arg0: i32) -> (i32, i32) {
    %add3A = arith.constant 48 : i32
    %add3A_0 = arith.addi %add3A, %arg0 : i32
    %c0_i32 = arith.constant 0 : i32
    %c0_i32_1 = arith.constant 0 : i32
    return %add3A_0, %c0_i32 : i32, i32
  }
}

module attributes {stable_mosaic.version = 14 : i64} {
  func.func @_tc_body_chain(%arg0: i32, %arg1: memref<3200x128xf32, #tpu.memory_space<vmem>>, %arg2: memref<128x32xf32, #tpu.memory_space<vmem>>, %arg3: memref<200x128xf32, #tpu.memory_space<vmem>>, %arg4: memref<819200x128xf32, #tpu.memory_space<any>>, %arg5: memref<12800x128xf32, #tpu.memory_space<vmem>>) attributes {dimension_semantics = [#tpu.dimension_semantics<arbitrary>], iteration_bounds = array<i64: 8>, scalar_prefetch = 0 : i64, scratch_operands = 0 : i64, tpu.core_type = #tpu.core_type<tc>, window_params = [{transform_indices = @transform_0, window_bounds = array<i64: 3200, 128>}, {pipeline_mode = #tpu.pipeline_mode<synchronous>, transform_indices = @transform_1, window_bounds = array<i64: 128, 32>}, {pipeline_mode = #tpu.pipeline_mode<synchronous>, transform_indices = @transform_2, window_bounds = array<i64: 200, 128>}, {}, {transform_indices = @transform_4, window_bounds = array<i64: 12800, 128>}]} {
    %get3A = arith.constant 0 : index
    %get3A_0 = arith.constant 0 : index
    %get3A_1 = vector.load %arg1[%get3A, %get3A_0] : memref<3200x128xf32, #tpu.memory_space<vmem>>, vector<3200x128xf32>
    %get3A_2 = arith.constant 0 : index
    %get3A_3 = arith.constant 0 : index
    %get3A_4 = vector.load %arg2[%get3A_2, %get3A_3] : memref<128x32xf32, #tpu.memory_space<vmem>>, vector<128x32xf32>
    %get3A_5 = arith.constant 0 : index
    %get3A_6 = arith.constant 0 : index
    %get3A_7 = vector.load %arg3[%get3A_5, %get3A_6] : memref<200x128xf32, #tpu.memory_space<vmem>>, vector<200x128xf32>
    %broadcast_in_dim3A = vector.shape_cast %get3A_7 : vector<200x128xf32> to vector<1x200x128xf32>
    %broadcast_in_dim3A_8 = vector.shape_cast %broadcast_in_dim3A : vector<1x200x128xf32> to vector<1x200x128xf32>
    %broadcast_in_dim3A_9 = vector.broadcast %broadcast_in_dim3A_8 : vector<1x200x128xf32> to vector<16x200x128xf32>
    %reshape3A = vector.shape_cast %broadcast_in_dim3A_9 : vector<16x200x128xf32> to vector<3200x128xf32>
    %slice3A = vector.extract_strided_slice %get3A_1 {offsets = [0, 0], sizes = [3200, 32], strides = [1, 1]} : vector<3200x128xf32> to vector<3200x32xf32>
    %dot_general3A = arith.constant dense<0.000000e+00> : vector<3200x128xf32>
    %dot_general3A_10 = tpu.matmul %slice3A, %get3A_4, %dot_general3A {dimension_numbers = #tpu.dot_dimension_numbers<[1], [1], [0], [0], [0, 0, 1, 0], [], []>, transpose_lhs_hint = false} : vector<3200x32xf32>, vector<128x32xf32>, vector<3200x128xf32> -> vector<3200x128xf32>
    %add3A = arith.addf %dot_general3A_10, %reshape3A : vector<3200x128xf32>
    %swap3A = arith.constant 0 : index
    %swap3A_11 = arith.constant 0 : index
    %swap3A_12 = vector.load %arg5[%swap3A, %swap3A_11] : memref<12800x128xf32, #tpu.memory_space<vmem>>, vector<3200x128xf32>
    tpu.vector_store %arg5[%swap3A, %swap3A_11], %add3A {strides = array<i32>} : memref<12800x128xf32, #tpu.memory_space<vmem>>, vector<3200x128xf32>,
    %slice3A_13 = vector.extract_strided_slice %get3A_1 {offsets = [0, 32], sizes = [3200, 32], strides = [1, 1]} : vector<3200x128xf32> to vector<3200x32xf32>
    %dot_general3A_14 = arith.constant dense<0.000000e+00> : vector<3200x128xf32>
    %dot_general3A_15 = tpu.matmul %slice3A_13, %get3A_4, %dot_general3A_14 {dimension_numbers = #tpu.dot_dimension_numbers<[1], [1], [0], [0], [0, 0, 1, 0], [], []>, transpose_lhs_hint = false} : vector<3200x32xf32>, vector<128x32xf32>, vector<3200x128xf32> -> vector<3200x128xf32>
    %add3A_16 = arith.addf %dot_general3A_15, %reshape3A : vector<3200x128xf32>
    %swap3A_17 = arith.constant 3200 : index
    %swap3A_18 = arith.constant 0 : index
    %swap3A_19 = vector.load %arg5[%swap3A_17, %swap3A_18] : memref<12800x128xf32, #tpu.memory_space<vmem>>, vector<3200x128xf32>
    tpu.vector_store %arg5[%swap3A_17, %swap3A_18], %add3A_16 {strides = array<i32>} : memref<12800x128xf32, #tpu.memory_space<vmem>>, vector<3200x128xf32>,
    %slice3A_20 = vector.extract_strided_slice %get3A_1 {offsets = [0, 64], sizes = [3200, 32], strides = [1, 1]} : vector<3200x128xf32> to vector<3200x32xf32>
    %dot_general3A_21 = arith.constant dense<0.000000e+00> : vector<3200x128xf32>
    %dot_general3A_22 = tpu.matmul %slice3A_20, %get3A_4, %dot_general3A_21 {dimension_numbers = #tpu.dot_dimension_numbers<[1], [1], [0], [0], [0, 0, 1, 0], [], []>, transpose_lhs_hint = false} : vector<3200x32xf32>, vector<128x32xf32>, vector<3200x128xf32> -> vector<3200x128xf32>
    %add3A_23 = arith.addf %dot_general3A_22, %reshape3A : vector<3200x128xf32>
    %swap3A_24 = arith.constant 6400 : index
    %swap3A_25 = arith.constant 0 : index
    %swap3A_26 = vector.load %arg5[%swap3A_24, %swap3A_25] : memref<12800x128xf32, #tpu.memory_space<vmem>>, vector<3200x128xf32>
    tpu.vector_store %arg5[%swap3A_24, %swap3A_25], %add3A_23 {strides = array<i32>} : memref<12800x128xf32, #tpu.memory_space<vmem>>, vector<3200x128xf32>,
    %slice3A_27 = vector.extract_strided_slice %get3A_1 {offsets = [0, 96], sizes = [3200, 32], strides = [1, 1]} : vector<3200x128xf32> to vector<3200x32xf32>
    %dot_general3A_28 = arith.constant dense<0.000000e+00> : vector<3200x128xf32>
    %dot_general3A_29 = tpu.matmul %slice3A_27, %get3A_4, %dot_general3A_28 {dimension_numbers = #tpu.dot_dimension_numbers<[1], [1], [0], [0], [0, 0, 1, 0], [], []>, transpose_lhs_hint = false} : vector<3200x32xf32>, vector<128x32xf32>, vector<3200x128xf32> -> vector<3200x128xf32>
    %add3A_30 = arith.addf %dot_general3A_29, %reshape3A : vector<3200x128xf32>
    %swap3A_31 = arith.constant 9600 : index
    %swap3A_32 = arith.constant 0 : index
    %swap3A_33 = vector.load %arg5[%swap3A_31, %swap3A_32] : memref<12800x128xf32, #tpu.memory_space<vmem>>, vector<3200x128xf32>
    tpu.vector_store %arg5[%swap3A_31, %swap3A_32], %add3A_30 {strides = array<i32>} : memref<12800x128xf32, #tpu.memory_space<vmem>>, vector<3200x128xf32>,
    return
  }
  func.func @transform_0(%arg0: i32) -> (i32, i32) {
    %c0_i32 = arith.constant 0 : i32
    %c0_i32_0 = arith.constant 0 : i32
    return %arg0, %c0_i32 : i32, i32
  }
  func.func @transform_1(%arg0: i32) -> (i32, i32) {
    %c0_i32 = arith.constant 0 : i32
    %c0_i32_0 = arith.constant 0 : i32
    %c0_i32_1 = arith.constant 0 : i32
    return %c0_i32, %c0_i32_0 : i32, i32
  }
  func.func @transform_2(%arg0: i32) -> (i32, i32) {
    %c0_i32 = arith.constant 0 : i32
    %c0_i32_0 = arith.constant 0 : i32
    %c0_i32_1 = arith.constant 0 : i32
    return %c0_i32, %c0_i32_0 : i32, i32
  }
  func.func @transform_4(%arg0: i32) -> (i32, i32) {
    %add3A = arith.constant 56 : i32
    %add3A_0 = arith.addi %add3A, %arg0 : i32
    %c0_i32 = arith.constant 0 : i32
    %c0_i32_1 = arith.constant 0 : i32
    return %add3A_0, %c0_i32 : i32, i32
  }
}

</mosaic_0001>

<sc_bundles>
// kernel: kernel.19.cloned.1.call-start
scs
__scs_entry_jumppad:
0x0: {  	(pc) =	sbr.rel $0x88, $3  }
0x1: {  	(tag) =	ssettag $0x0;
	lr =	simm.s32 $0x1  }
0x2: {  	[smem:$0x3F9C] =	sst lr;
	_ =	strace $0xD0000000  }
0x3: {  	_ = 	snop  }
0x4: {  	_ = 	snop  }
0x5: {  	_ = 	snop  }
0x6: {  	_ = 	snop  }
0x7: {  	_ = 	snop  }
__scs_overlays_trampoline_lowered:
0x8: {  	[smem:$0x3FAB] =	sst s0  }
0x9: {  	[smem:$0x3FAC] =	sst s1  }
0xa: {  	[smem:$0x3FAD] =	sst s2  }
0xb: {  	[smem:$0x3FAE] =	sst s3  }
0xc: {  	[smem:$0x3FAF] =	sst s4  }
0xd: {  	[smem:$0x3FB0] =	sst s5  }
0xe: {  	[smem:$0x3FB1] =	sst s6  }
0xf: {  	[smem:$0x3FB2] =	sst s7  }
0x10: {  	[smem:$0x3FB3] =	sst s8  }
0x11: {  	[smem:$0x3FB4] =	sst s9;
	s0 =	simm.s32 @!p0 $0x0  }
0x12: {  	s1 =	sld [smem:$0x3F9A];
	s0 =	simm.s32 @p0 $0x1  }
0x13: {  	[smem:$0x3FB5] =	sst s0;
	s0 =	simm.s32 @!p1 $0x0  }
0x14: {  	s2 =	sld [smem:$0x3F99];
	s0 =	simm.s32 @p1 $0x1  }
0x15: {  	[smem:$0x3FB6] =	sst s0;
	s0 =	simm.s32 @!p2 $0x0  }
0x16: {  	s3 =	sld [smem:$0x3FDB];
	s0 =	simm.s32 @p2 $0x1  }
0x17: {  	s4 =	simm.s32 $0x1BF5;
	[smem:$0x3FB8] =	sst s0  }
0x18: {  	s0 =	sld [smem:$0x3F9B];
	_ =	swait.ge [sflag:s4], $0x0  }
0x19: {  	s7 =	sld [smem:$0x3F9C]  }
0x1a: {  	s8 =	sadd.s32 $0xFFFFE003, lr  }
0x1b: {  	s9 =	sadd.s32 $0xFFFFFEF7, lr;
	s5 =	simm.s32 $0xFFFFFFFF;
	p2 =	slt.u32 s8, $0xFFFFF086  }
0x1c: {  	p1 =	slt.u32 s9, $0xF7A;
	s5 =	simm.s32 @!p2 $0x0  }
0x1d: {  	s5 =	simm.s32 @p1 $0x1;
	p0 =	seq.s32 s7, s2  }
0x1e: {  	s7 =	smul.u32 @!p0 $0xF7A, s2;
	p2 =	seq.s32 @!p0 s5, $0x0  }
0x1f: {  	s9 =	smul.u32 $0xF7A, s1;
	s8 =	simm.s32 @!p0 $0x1BF5;
	p2 =	por !p2, p0  }
0x20: {  	[sflag:s8] =	ssyncset.s32 @!p0 $0xFFFFF086;
	s6 =	sadd.s32 @!p0 s3, s7;
	s7 =	simm.s32 @!p0 $0x108  }
0x21: {  	s3 =	sadd.s32 s3, s9;
	s6 =	sadd.s32 @!p0 $0x88, s6;
	s7 =	simm.s32 @p2 $0x1082  }
0x22: {  	[simem:s7], [sflag:s8] =	dma.local @!p0 [hbm:s6], $0xF7A  }
0x23: {  	s9 =	sor.u32 $0xD0000000, s2;
	s6 =	simm.s32 $0x108;
	_ =	swait.ge @!p0 [sflag:s8], $0x0  }
0x24: {  	s3 =	sadd.s32 $0x88, s3;
	s6 =	simm.s32 @!p1 $0x1082;
	[sflag:s4] =	ssyncset.s32 $0xFFFFF086  }
0x25: {  	[simem:s6], [sflag:s4] =	dma.local [hbm:s3], $0xF7A  }
0x26: {  	[smem:$0x3F9C] =	sst s1;
	(tag) =	ssettag s2;
	_ =	strace s9  }
0x27: {  	s1 =	sld [smem:$0x3FAC]  }
0x28: {  	s2 =	sld [smem:$0x3FAD]  }
0x29: {  	s4 =	sld [smem:$0x3FAF]  }
0x2a: {  	p0 =	seq.s32 s5, $0x0;
	s5 =	sld [smem:$0x3FB0]  }
0x2b: {  	s6 =	sld [smem:$0x3FB1]  }
0x2c: {  	s7 =	sld [smem:$0x3FB2]  }
0x2d: {  	s3 =	simm.s32 $0x108;
	s8 =	sld [smem:$0x3FB3]  }
0x2e: {  	s3 =	simm.s32 @!p0 $0x1082;
	s9 =	sld [smem:$0x3FB4]  }
0x2f: {  	lr =	sadd.s32 s0, s3;
	s0 =	sld [smem:$0x3FAB]  }
0x30: {  	s3 =	sld [smem:$0x3FAE]  }
0x31: {  	[smem:$0x3FB7] =	sst s10  }
0x32: {  	s10 =	sld [smem:$0x3FB5];
	_ =	sdelay $0x3  }
0x33: {  	p0 =	seq.s32 s10, $0x1;
	s10 =	sld [smem:$0x3FB7];
	_ =	sdelay $0x3  }
0x34: {  	[smem:$0x3FB7] =	sst s10  }
0x35: {  	s10 =	sld [smem:$0x3FB6];
	_ =	sdelay $0x3  }
0x36: {  	p1 =	seq.s32 s10, $0x1;
	s10 =	sld [smem:$0x3FB7];
	_ =	sdelay $0x3  }
0x37: {  	[smem:$0x3FB7] =	sst s10  }
0x38: {  	s10 =	sld [smem:$0x3FB8]  }
0x39: {  	_ = 	snop;
	(pc) =	sbr.ind lr, $3  }
0x3a: {  	_ = 	snop  }
0x3b: {  	_ = 	snop  }
0x3c: {  	p2 =	seq.s32 s10, $0x1;
	s10 =	sld [smem:$0x3FB7]  }
0x3d: {  	_ =	shalt  }
0x3e: {  	_ =	shalt  }
0x3f: {  	_ =	shalt  }
0x40: {  	_ =	shalt  }
0x41: {  	_ =	shalt  }
0x42: {  	_ =	shalt  }
0x43: {  	_ =	shalt  }
0x44: {  	_ =	shalt  }
0x45: {  	_ =	shalt  }
0x46: {  	_ =	shalt  }
0x47: {  	_ =	shalt  }
0x48: {  	_ =	shalt  }
0x49: {  	_ =	shalt  }
0x4a: {  	_ =	shalt  }
0x4b: {  	_ =	shalt  }
0x4c: {  	_ =	shalt  }
0x4d: {  	_ =	shalt  }
0x4e: {  	_ =	shalt  }
0x4f: {  	_ =	shalt  }
0x50: {  	_ =	shalt  }
0x51: {  	_ =	shalt  }
0x52: {  	_ =	shalt  }
0x53: {  	_ =	shalt  }
0x54: {  	_ =	shalt  }
0x55: {  	_ =	shalt  }
0x56: {  	_ =	shalt  }
0x57: {  	_ =	shalt  }
0x58: {  	_ =	shalt  }
0x59: {  	_ =	shalt  }
0x5a: {  	_ =	shalt  }
0x5b: {  	_ =	shalt  }
0x5c: {  	_ =	shalt  }
0x5d: {  	_ =	shalt  }
0x5e: {  	_ =	shalt  }
0x5f: {  	_ =	shalt  }
0x60: {  	_ =	shalt  }
0x61: {  	_ =	shalt  }
0x62: {  	_ =	shalt  }
0x63: {  	_ =	shalt  }
0x64: {  	_ =	shalt  }
0x65: {  	_ =	shalt  }
0x66: {  	_ =	shalt  }
0x67: {  	_ =	shalt  }
0x68: {  	_ =	shalt  }
0x69: {  	_ =	shalt  }
0x6a: {  	_ =	shalt  }
0x6b: {  	_ =	shalt  }
0x6c: {  	_ =	shalt  }
0x6d: {  	_ =	shalt  }
0x6e: {  	_ =	shalt  }
0x6f: {  	_ =	shalt  }
0x70: {  	_ =	shalt  }
0x71: {  	_ =	shalt  }
0x72: {  	_ =	shalt  }
0x73: {  	_ =	shalt  }
0x74: {  	_ =	shalt  }
0x75: {  	_ =	shalt  }
0x76: {  	_ =	shalt  }
0x77: {  	_ =	shalt  }
0x78: {  	_ =	shalt  }
0x79: {  	_ =	shalt  }
0x7a: {  	_ =	shalt  }
0x7b: {  	_ =	shalt  }
0x7c: {  	_ =	shalt  }
0x7d: {  	_ =	shalt  }
0x7e: {  	_ =	shalt  }
0x7f: {  	_ =	shalt  }
0x80: {  	_ =	shalt  }
0x81: {  	_ =	shalt  }
0x82: {  	_ =	shalt  }
0x83: {  	_ =	shalt  }
0x84: {  	_ =	shalt  }
0x85: {  	_ =	shalt  }
0x86: {  	_ =	shalt  }
0x87: {  	_ =	shalt  }
.Lfunc_end0:
.L_simem_size_0:
called_computation_lowered:
.L_overlay_start_0:
0x88: {  	s2 =	sld [smem:$0x3FD9]  }
0x89: {  	s3 =	sld [smem:$0x3FFE];
	_ =	sdelay $0x1  }
0x8a: {  	s1 =	srdreg.scid  }
0x8b: {  	s0 =	sand.u32 $0x1, s1  }
0x8c: {  	s17 =	sshll.u32 s0, $0xA;
	s2 =	sadd.s32 s3, s2  }
0x8d: {  	s2 =	sadd.s32 s2, s17  }
0x8e: {  	[smem:$0x3FC3] =	sst s2  }
0x8f: {  	_ = 	snop  }
0x90: {  	s2 =	sld [smem:$0x3FD0];
	(tm) =	ssettm $0x1  }
0x91: {  	s18 =	sld [smem:$0x3FFB];
	_ =	sdelay $0x3  }
0x92: {  	_ =	strace s18  }
0x93: {  	s3 =	sld [smem:$0x3FFC];
	_ =	sdelay $0x3  }
0x94: {  	_ =	strace s3  }
0x95: {  	s3 =	sld [smem:$0x3FFD];
	_ =	sdelay $0x3  }
0x96: {  	_ =	strace s3  }
0x97: {  	_ =	strace $0x8FFFFFFF  }
0x98: {  	s19 =	sld [smem:$0x3FDB];
	_ =	sdelay $0x1  }
0x99: {  	s4 =	simm.s32 $_scs_section_size  }
0x9a: {  	s5 =	simm.s32 $_size__tile_overlayer_lowered;
	s6 =	simm.s32 $_tile_overlayer_lowered  }
0x9b: {  	s22 =	simm.s32 $0x1BFF;
	s21 =	sshll.u32 s6, $0x1;
	s3 =	sadd.s32 s4, s19  }
0x9c: {  	s7 =	simm.s32 $0x0;
	s20 =	sshll.u32 s5, $0x1;
	s5 =	sadd.s32 s21, s3  }
0x9d: {  	[timem:s7], [sflag:s22] =	dma.local [hbm:s5], s20  }
0x9e: {  	_ =	swait.ge [sflag:s22], s20  }
0x9f: {  	s4 =	ssub.s32 $0x0, s20;
	[sflag:s22] =	ssyncset.done $0x0  }
0xa0: {  	[sflag:s22] =	ssyncadd.s32 s4;
	_ =	sdelay $0x1  }
0xa1: {  	s23 =	simm.s32 $0x1B8B  }
0xa2: {  	_ =	swait.ge [sflag:s23], $0x1  }
0xa3: {  	[sflag:s23] =	ssyncset.done $0x0  }
0xa4: {  	s25 =	simm.s32 $0x1B8E;
	s24 =	sld [smem:$0x3FFE];
	[sflag:s23] =	ssyncadd.s32 $0xFFFFFFFF  }
0xa5: {  	s26 =	simm.s32 $execute0_lowered;
	[smem:$0x3FD2] =	sst s25  }
0xa6: {  	s5 =	sshll.u32 s26, $0x1;
	_ =	strace $0x80000046;
	[dreg:$0x1] =	wrdreg $0xFFFFFFFF  }
0xa7: {  	s28 =	simm.s32 $_size_execute0_lowered;
	s3 =	sadd.s32 s3, s5;
	[dreg:$0x0] =	wrdreg $0x0  }
0xa8: {  	s5 =	sshll.u32 s28, $0x1;
	[dreg:$0x2] =	wrdreg s3  }
0xa9: {  	[dreg:$0x3] =	wrdreg s5  }
0xaa: {  	[dreg:$0x4] =	wrdreg $0xC0  }
0xab: {  	_ =	task [dreg:s7], $0x5FFFF  }
0xac: {  	[dreg:$0x1] =	wrdreg $0xFFFFFFFF  }
0xad: {  	[dreg:$0x0] =	wrdreg $0x60  }
0xae: {  	[dreg:$0x2] =	wrdreg s24  }
0xaf: {  	[dreg:$0x3] =	wrdreg s2  }
0xb0: {  	[dreg:$0x4] =	wrdreg $0x9  }
0xb1: {  	_ =	task.clear_ibuf [dreg:s7], $0x5FFFF;
	_ =	strace $0x90000046  }
0xb2: {  	s29 =	simm.s32 $0x9;
	_ =	strace $0x80000048  }
0xb3: {  	_ =	swait.ge [sflag:s29], $0x1  }
0xb4: {  	[sflag:s29] =	ssyncadd.s32 $0xFFFFFFFF  }
0xb5: {  	_ =	strace $0x90000048  }
0xb6: {  	_ =	sfence  }
0xb7: {  	s30 =	sld [smem:$0x0];
	_ =	sdelay $0x2  }
0xb8: {  	s31 =	sshll.u32 s1, $0xD;
	s1 =	sshrl.u32 s1, $0x2  }
0xb9: {  	s3 =	sand.u32 $0x4000, s31;
	s1 =	sadd.s32 s1, s30  }
0xba: {  	s0 =	sor.u32 s3, s0;
	s1 =	sshll.u32 s1, $0x11  }
0xbb: {  	s0 =	sor.u32 s1, s0  }
0xbc: {  	s0 =	sadd.s32 $0x8F2B, s0  }
0xbd: {  	[sflag:s0] =	ssyncadd.remote.s32 $0x1  }
0xbe: {  	_ =	sfence.sel $0xFFFF  }
0xbf: {  	[dreg:$0x0] =	wrdreg $0xFFFFFFFF;
	(pc) =	sbr.abs _section_cstart, $3  }
0xc0: {  	[dreg:$0x1] =	wrdreg $0xFFFFFFFF  }
0xc1: {  	_ =	task.clear_ibuf [dreg:s7], $0x2FFFF;
	_ =	strace $0x9FFFFFFF  }
0xc2: {  	(tm) =	ssettm $0x7FFFFFFF  }
0xc3: {  	_ =	shalt  }
tec
execute0_lowered:
.L_overlay_start_1:
0x0: {  	(tag) =	ssettag $0x1  }
0x1: {  	s1 =	srdreg.scid;
	s3 =	rddreg [dreg:$0x0]  }
0x2: {  	s0 =	stileid.u32;
	s6 =	rddreg [dreg:$0x1];
	s2 =	simm.s32 $0x0  }
0x3: {  	s11 =	simm.s32 $0x100;
	s12 =	simm.s32 $0x2280;
	s13 =	simm.s32 $0x180  }
0x4: {  	s14 =	simm.s32 $0x3280;
	s15 =	simm.s32 $0x200;
	s16 =	simm.s32 $0x4280  }
0x5: {  	s17 =	simm.s32 $0x1;
	s18 =	simm.s32 $0x20;
	s19 =	simm.s32 $0x0  }
0x6: {  	s4 =	sand.u32 $0x1, s1;
	s5 =	smul.u32 $0x1900, s0;
	s1 =	rddreg [dreg:$0x2]  }
0x7: {  	[smem:$0x7FF] =	sst s2;
	s9 =	sshrl.u32 s0, $0x1;
	s10 =	sshll.u32 s0, $0x3  }
0x8: {  	s7 =	smul.u32 $0xC80, s4;
	_ =	strace $0x80000047;
	s26 =	ssub.s32 $0x2, s4  }
0x9: {  	s9 =	smul.u32 $0xC800, s9;
	s4 =	sshll.u32 s4, $0x2;
	s28 =	sshrl.u32 s26, $0x1  }
0xa: {  	s29 =	sor.u32 s4, s10;
	s10 =	simm.s32 $0x1280;
	s5 =	sadd.s32 s7, s5  }
0xb: {  	s30 =	sadd.s32 s9, s6;
	s31 =	sand.u32 $0xC, s29;
	s5 =	sshrl.u32 s5, $0x3  }
0xc: {  	s7 =	simm.s32 $0x2;
	s8 =	sadd.s32 s5, s3;
	s5 =	ssub.s32 s26, s28  }
0xd: {  	s9 =	simm.s32 $0x280;
	s3 =	sadd.s32 $0x6C00, s3;
	s4 =	smax.u32 s5, $0x1  }
0xe: {  	s5 =	sadd.s32 s31, s30;
	s6 =	sadd.s32 $0x3A00, s8;
	s8 =	simm.s32 $0x80  }
.LBB2_1:
0xf: {  	s20 =	sadd.s32 $0x0, s6  }
0x10: {  	[tilespmem:s2], [sflag:$0x2] =	stream.linear.gather [hbm4b:s20+s2], $0x280, $0x38;
	[tilespmem:$0x5280] =	vst v63  }
0x11: {  	_ =	swait.ge [sflag:s7], $0x280  }
0x12: {  	[sflag:s7] =	ssyncset.done $0x0  }
0x13: {  	[sflag:s7] =	ssyncadd.s32 $0xFFFFFD80  }
0x14: {  	[tilespmem:s9], [sflag:$0x1] =	stream.indirect.gather [hbm4b:s3+s8], $0x20, s2, s8, $0xb8;
	[tilespmem:$0x5280] =	vst v63  }
0x15: {  	_ = 	snop  }
0x16: {  	[tilespmem:s10], [sflag:$0x1] =	stream.indirect.gather [hbm4b:s3+s8], $0x20, s8, s8, $0xb8;
	[tilespmem:$0x5280] =	vst v63  }
0x17: {  	_ = 	snop  }
0x18: {  	[tilespmem:s12], [sflag:$0x1] =	stream.indirect.gather [hbm4b:s3+s8], $0x20, s11, s8, $0xb8;
	[tilespmem:$0x5280] =	vst v63  }
0x19: {  	_ = 	snop  }
0x1a: {  	[tilespmem:s14], [sflag:$0x1] =	stream.indirect.gather [hbm4b:s3+s8], $0x20, s13, s8, $0xb8;
	[tilespmem:$0x5280] =	vst v63  }
0x1b: {  	_ = 	snop  }
0x1c: {  	[tilespmem:s16], [sflag:$0x1] =	stream.indirect.gather [hbm4b:s3+s8], $0x20, s15, s8, $0xb8;
	[tilespmem:$0x5280] =	vst v63  }
0x1d: {  	_ =	swait.ge [sflag:s17], $0x1000  }
0x1e: {  	[sflag:s17] =	ssyncset.done $0x0  }
0x1f: {  	[sflag:s17] =	ssyncadd.s32 $0xFFFFF000  }
0x20: {  	_ =	swait.ge [sflag:s17], $0x1000  }
0x21: {  	[sflag:s17] =	ssyncset.done $0x0  }
0x22: {  	[sflag:s17] =	ssyncadd.s32 $0xFFFFF000  }
0x23: {  	_ =	swait.ge [sflag:s17], $0x1000  }
0x24: {  	[sflag:s17] =	ssyncset.done $0x0  }
0x25: {  	[sflag:s17] =	ssyncadd.s32 $0xFFFFF000  }
0x26: {  	_ =	swait.ge [sflag:s17], $0x1000  }
0x27: {  	[sflag:s17] =	ssyncset.done $0x0  }
0x28: {  	[sflag:s17] =	ssyncadd.s32 $0xFFFFF000  }
0x29: {  	_ =	swait.ge [sflag:s17], $0x1000  }
0x2a: {  	[sflag:s17] =	ssyncset.done $0x0  }
0x2b: {  	[sflag:s17] =	ssyncadd.s32 $0xFFFFF000  }
0x2c: {  	[hbm4b:s5+s18] =	stream.strided.scatter [tilespmem:s9], [sflag:$0x2], $0x5000, s8, s18, $0x38;
	[tilespmem:$0x5280] =	vst v63  }
0x2d: {  	s21 =	simm.s32 $0x50;
	_ =	swait.ge [sflag:s7], $0x5000  }
0x2e: {  	s22 =	simm.s32 $0xA0;
	s20 =	sadd.s32 $0x2800, s5;
	[sflag:s7] =	ssyncset.done $0x0  }
.LBB2_2:
0x2f: {  	s23 =	sadd.s32 s21, s6  }
0x30: {  	[sflag:s7] =	ssyncadd.s32 $0xFFFFB000;
	s21 =	smov.u32 s22;
	s24 =	sadd.s32 $0x50, s22  }
0x31: {  	[tilespmem:s2], [sflag:$0x2] =	stream.linear.gather [hbm4b:s23+s2], $0x280, $0x38;
	[tilespmem:$0x5280] =	vst v63  }
0x32: {  	p0 =	sne.s32 s22, $0x140;
	_ =	swait.ge [sflag:s7], $0x280  }
0x33: {  	[sflag:s7] =	ssyncset.done $0x0  }
0x34: {  	[sflag:s7] =	ssyncadd.s32 $0xFFFFFD80  }
0x35: {  	[tilespmem:s9], [sflag:$0x1] =	stream.indirect.gather [hbm4b:s3+s8], $0x20, s2, s8, $0xb8;
	[tilespmem:$0x5280] =	vst v63  }
0x36: {  	_ = 	snop  }
0x37: {  	[tilespmem:s10], [sflag:$0x1] =	stream.indirect.gather [hbm4b:s3+s8], $0x20, s8, s8, $0xb8;
	[tilespmem:$0x5280] =	vst v63  }
0x38: {  	_ = 	snop  }
0x39: {  	[tilespmem:s12], [sflag:$0x1] =	stream.indirect.gather [hbm4b:s3+s8], $0x20, s11, s8, $0xb8;
	[tilespmem:$0x5280] =	vst v63  }
0x3a: {  	_ = 	snop  }
0x3b: {  	[tilespmem:s14], [sflag:$0x1] =	stream.indirect.gather [hbm4b:s3+s8], $0x20, s13, s8, $0xb8;
	[tilespmem:$0x5280] =	vst v63  }
0x3c: {  	_ = 	snop  }
0x3d: {  	[tilespmem:s16], [sflag:$0x1] =	stream.indirect.gather [hbm4b:s3+s8], $0x20, s15, s8, $0xb8;
	[tilespmem:$0x5280] =	vst v63  }
0x3e: {  	_ =	swait.ge [sflag:s17], $0x1000  }
0x3f: {  	[sflag:s17] =	ssyncset.done $0x0  }
0x40: {  	[sflag:s17] =	ssyncadd.s32 $0xFFFFF000  }
0x41: {  	_ =	swait.ge [sflag:s17], $0x1000  }
0x42: {  	[sflag:s17] =	ssyncset.done $0x0  }
0x43: {  	[sflag:s17] =	ssyncadd.s32 $0xFFFFF000  }
0x44: {  	_ =	swait.ge [sflag:s17], $0x1000  }
0x45: {  	[sflag:s17] =	ssyncset.done $0x0  }
0x46: {  	[sflag:s17] =	ssyncadd.s32 $0xFFFFF000  }
0x47: {  	_ =	swait.ge [sflag:s17], $0x1000  }
0x48: {  	[sflag:s17] =	ssyncset.done $0x0  }
0x49: {  	[sflag:s17] =	ssyncadd.s32 $0xFFFFF000  }
0x4a: {  	_ =	swait.ge [sflag:s17], $0x1000  }
.Ltmp0:
0x4b: {  	[sflag:s17] =	ssyncset.done $0x0;
	(pc) =	sbr.rel @p0 .LBB2_2-.Ltmp0, $4  }
0x4c: {  	[sflag:s17] =	ssyncadd.s32 $0xFFFFF000  }
0x4d: {  	[hbm4b:s20+s18] =	stream.strided.scatter [tilespmem:s9], [sflag:$0x2], $0x5000, s8, s18, $0x38;
	[tilespmem:$0x5280] =	vst v63  }
0x4e: {  	_ =	swait.ge [sflag:s7], $0x5000  }
0x4f: {  	s22 =	smov.u32 s24;
	s20 =	sadd.s32 $0x2800, s20;
	[sflag:s7] =	ssyncset.done $0x0  }
0x50: {  	s21 =	sadd.s32 s21, s6;
	[sflag:s7] =	ssyncadd.s32 $0xFFFFB000  }
0x51: {  	[tilespmem:s2], [sflag:$0x2] =	stream.linear.gather [hbm4b:s21+s2], $0x280, $0x38;
	[tilespmem:$0x5280] =	vst v63  }
0x52: {  	_ =	swait.ge [sflag:s7], $0x280  }
0x53: {  	[sflag:s7] =	ssyncset.done $0x0  }
0x54: {  	[sflag:s7] =	ssyncadd.s32 $0xFFFFFD80  }
0x55: {  	[tilespmem:s9], [sflag:$0x1] =	stream.indirect.gather [hbm4b:s3+s8], $0x20, s2, s8, $0xb8;
	[tilespmem:$0x5280] =	vst v63  }
0x56: {  	_ = 	snop  }
0x57: {  	[tilespmem:s10], [sflag:$0x1] =	stream.indirect.gather [hbm4b:s3+s8], $0x20, s8, s8, $0xb8;
	[tilespmem:$0x5280] =	vst v63  }
0x58: {  	_ = 	snop  }
0x59: {  	[tilespmem:s12], [sflag:$0x1] =	stream.indirect.gather [hbm4b:s3+s8], $0x20, s11, s8, $0xb8;
	[tilespmem:$0x5280] =	vst v63  }
0x5a: {  	_ = 	snop  }
0x5b: {  	[tilespmem:s14], [sflag:$0x1] =	stream.indirect.gather [hbm4b:s3+s8], $0x20, s13, s8, $0xb8;
	[tilespmem:$0x5280] =	vst v63  }
0x5c: {  	_ = 	snop  }
0x5d: {  	[tilespmem:s16], [sflag:$0x1] =	stream.indirect.gather [hbm4b:s3+s8], $0x20, s15, s8, $0xb8;
	[tilespmem:$0x5280] =	vst v63  }
0x5e: {  	_ =	swait.ge [sflag:s17], $0x1000  }
0x5f: {  	[sflag:s17] =	ssyncset.done $0x0  }
0x60: {  	[sflag:s17] =	ssyncadd.s32 $0xFFFFF000  }
0x61: {  	_ =	swait.ge [sflag:s17], $0x1000  }
0x62: {  	[sflag:s17] =	ssyncset.done $0x0  }
0x63: {  	[sflag:s17] =	ssyncadd.s32 $0xFFFFF000  }
0x64: {  	_ =	swait.ge [sflag:s17], $0x1000  }
0x65: {  	[sflag:s17] =	ssyncset.done $0x0  }
0x66: {  	[sflag:s17] =	ssyncadd.s32 $0xFFFFF000  }
0x67: {  	_ =	swait.ge [sflag:s17], $0x1000  }
0x68: {  	[sflag:s17] =	ssyncset.done $0x0  }
0x69: {  	[sflag:s17] =	ssyncadd.s32 $0xFFFFF000  }
0x6a: {  	s19 =	sadd.s32 $0x1, s19;
	_ =	swait.ge [sflag:s17], $0x1000  }
0x6b: {  	p0 =	sne.s32 s19, s4;
	[sflag:s17] =	ssyncset.done $0x0  }
.Ltmp1:
0x6c: {  	[sflag:s17] =	ssyncadd.s32 $0xFFFFF000;
	(pc) =	sbr.rel @p0 .LBB2_1-.Ltmp1, $4  }
0x6d: {  	[hbm4b:s20+s18] =	stream.strided.scatter [tilespmem:s9], [sflag:$0x2], $0x5000, s8, s18, $0x38;
	[tilespmem:$0x5280] =	vst v63  }
0x6e: {  	_ =	swait.ge [sflag:s7], $0x5000  }
0x6f: {  	[sflag:s7] =	ssyncset.done $0x0  }
0x70: {  	[sflag:s7] =	ssyncadd.s32 $0xFFFFB000  }
0x71: {  	_ =	sfence.sel $0x180000  }
0x72: {  	[bflag:$0x0] =	sbarrier.arrive $0xFFFF  }
0x73: {  	p0 =	sne.s32 s0, $0x0;
	_ =	strace $0x90000047  }
0x74: {  	s0 =	sadd.s32 @!p0 $0x100000, s1;
	[bflag:$0x2] =	sbarrier.arrive $0xFFFF  }
0x75: {  	[sflag:s0] =	ssyncadd.tile.s32 @!p0 $0x1;
	_ =	shalt  }
.Lfunc_end2:
_tile_overlayer_lowered:
.L_overlay_start_2:
0x76: {  	(tag) =	ssettag $0x2  }
0x77: {  	s0 =	rddreg [dreg:$0x0];
	s2 =	stileid.u32  }
0x78: {  	s1 =	rddreg [dreg:$0x1];
	p0 =	sne.s32 s2, $0x0  }
0x79: {  	s3 =	rddreg [dreg:$0x2];
	[bflag:$0x3] =	sbarrier.arrive $0xFFFF;
	s2 =	simm.s32 @!p0 $0x1C02  }
0x7a: {  	[timem:s3], [sflag:s2] =	dma.local @!p0 [hbm:s0], s1  }
0x7b: {  	s0 =	simm.s32 @!p0 $0x2  }
0x7c: {  	_ =	swait.ge @!p0 [sflag:s0], s1  }
0x7d: {  	s1 =	ssub.s32 @!p0 $0x0, s1;
	[sflag:s0] =	ssyncset.done @!p0 $0x0  }
0x7e: {  	[sflag:s0] =	ssyncadd.s32 @!p0 s1  }
0x7f: {  	[bflag:$0x3] =	sbarrier.arrive $0xFFFF  }
0x80: {  	_ =	shalt  }

// kernel: kernel.22.cloned.1.call-start
scs
__scs_entry_jumppad:
0x0: {  	(pc) =	sbr.rel $0x88, $3  }
0x1: {  	(tag) =	ssettag $0x0;
	lr =	simm.s32 $0x1  }
0x2: {  	[smem:$0x3F9C] =	sst lr;
	_ =	strace $0xD0000000  }
0x3: {  	_ = 	snop  }
0x4: {  	_ = 	snop  }
0x5: {  	_ = 	snop  }
0x6: {  	_ = 	snop  }
0x7: {  	_ = 	snop  }
__scs_overlays_trampoline_lowered:
0x8: {  	[smem:$0x3FAB] =	sst s0  }
0x9: {  	[smem:$0x3FAC] =	sst s1  }
0xa: {  	[smem:$0x3FAD] =	sst s2  }
0xb: {  	[smem:$0x3FAE] =	sst s3  }
0xc: {  	[smem:$0x3FAF] =	sst s4  }
0xd: {  	[smem:$0x3FB0] =	sst s5  }
0xe: {  	[smem:$0x3FB1] =	sst s6  }
0xf: {  	[smem:$0x3FB2] =	sst s7  }
0x10: {  	[smem:$0x3FB3] =	sst s8  }
0x11: {  	[smem:$0x3FB4] =	sst s9;
	s0 =	simm.s32 @!p0 $0x0  }
0x12: {  	s1 =	sld [smem:$0x3F9A];
	s0 =	simm.s32 @p0 $0x1  }
0x13: {  	[smem:$0x3FB5] =	sst s0;
	s0 =	simm.s32 @!p1 $0x0  }
0x14: {  	s2 =	sld [smem:$0x3F99];
	s0 =	simm.s32 @p1 $0x1  }
0x15: {  	[smem:$0x3FB6] =	sst s0;
	s0 =	simm.s32 @!p2 $0x0  }
0x16: {  	s3 =	sld [smem:$0x3FDB];
	s0 =	simm.s32 @p2 $0x1  }
0x17: {  	s4 =	simm.s32 $0x1BF5;
	[smem:$0x3FB8] =	sst s0  }
0x18: {  	s0 =	sld [smem:$0x3F9B];
	_ =	swait.ge [sflag:s4], $0x0  }
0x19: {  	s7 =	sld [smem:$0x3F9C]  }
0x1a: {  	s8 =	sadd.s32 $0xFFFFE003, lr  }
0x1b: {  	s9 =	sadd.s32 $0xFFFFFEF7, lr;
	s5 =	simm.s32 $0xFFFFFFFF;
	p2 =	slt.u32 s8, $0xFFFFF086  }
0x1c: {  	p1 =	slt.u32 s9, $0xF7A;
	s5 =	simm.s32 @!p2 $0x0  }
0x1d: {  	s5 =	simm.s32 @p1 $0x1;
	p0 =	seq.s32 s7, s2  }
0x1e: {  	s7 =	smul.u32 @!p0 $0xF7A, s2;
	p2 =	seq.s32 @!p0 s5, $0x0  }
0x1f: {  	s9 =	smul.u32 $0xF7A, s1;
	s8 =	simm.s32 @!p0 $0x1BF5;
	p2 =	por !p2, p0  }
0x20: {  	[sflag:s8] =	ssyncset.s32 @!p0 $0xFFFFF086;
	s6 =	sadd.s32 @!p0 s3, s7;
	s7 =	simm.s32 @!p0 $0x108  }
0x21: {  	s3 =	sadd.s32 s3, s9;
	s6 =	sadd.s32 @!p0 $0x88, s6;
	s7 =	simm.s32 @p2 $0x1082  }
0x22: {  	[simem:s7], [sflag:s8] =	dma.local @!p0 [hbm:s6], $0xF7A  }
0x23: {  	s9 =	sor.u32 $0xD0000000, s2;
	s6 =	simm.s32 $0x108;
	_ =	swait.ge @!p0 [sflag:s8], $0x0  }
0x24: {  	s3 =	sadd.s32 $0x88, s3;
	s6 =	simm.s32 @!p1 $0x1082;
	[sflag:s4] =	ssyncset.s32 $0xFFFFF086  }
0x25: {  	[simem:s6], [sflag:s4] =	dma.local [hbm:s3], $0xF7A  }
0x26: {  	[smem:$0x3F9C] =	sst s1;
	(tag) =	ssettag s2;
	_ =	strace s9  }
0x27: {  	s1 =	sld [smem:$0x3FAC]  }
0x28: {  	s2 =	sld [smem:$0x3FAD]  }
0x29: {  	s4 =	sld [smem:$0x3FAF]  }
0x2a: {  	p0 =	seq.s32 s5, $0x0;
	s5 =	sld [smem:$0x3FB0]  }
0x2b: {  	s6 =	sld [smem:$0x3FB1]  }
0x2c: {  	s7 =	sld [smem:$0x3FB2]  }
0x2d: {  	s3 =	simm.s32 $0x108;
	s8 =	sld [smem:$0x3FB3]  }
0x2e: {  	s3 =	simm.s32 @!p0 $0x1082;
	s9 =	sld [smem:$0x3FB4]  }
0x2f: {  	lr =	sadd.s32 s0, s3;
	s0 =	sld [smem:$0x3FAB]  }
0x30: {  	s3 =	sld [smem:$0x3FAE]  }
0x31: {  	[smem:$0x3FB7] =	sst s10  }
0x32: {  	s10 =	sld [smem:$0x3FB5];
	_ =	sdelay $0x3  }
0x33: {  	p0 =	seq.s32 s10, $0x1;
	s10 =	sld [smem:$0x3FB7];
	_ =	sdelay $0x3  }
0x34: {  	[smem:$0x3FB7] =	sst s10  }
0x35: {  	s10 =	sld [smem:$0x3FB6];
	_ =	sdelay $0x3  }
0x36: {  	p1 =	seq.s32 s10, $0x1;
	s10 =	sld [smem:$0x3FB7];
	_ =	sdelay $0x3  }
0x37: {  	[smem:$0x3FB7] =	sst s10  }
0x38: {  	s10 =	sld [smem:$0x3FB8]  }
0x39: {  	_ = 	snop;
	(pc) =	sbr.ind lr, $3  }
0x3a: {  	_ = 	snop  }
0x3b: {  	_ = 	snop  }
0x3c: {  	p2 =	seq.s32 s10, $0x1;
	s10 =	sld [smem:$0x3FB7]  }
0x3d: {  	_ =	shalt  }
0x3e: {  	_ =	shalt  }
0x3f: {  	_ =	shalt  }
0x40: {  	_ =	shalt  }
0x41: {  	_ =	shalt  }
0x42: {  	_ =	shalt  }
0x43: {  	_ =	shalt  }
0x44: {  	_ =	shalt  }
0x45: {  	_ =	shalt  }
0x46: {  	_ =	shalt  }
0x47: {  	_ =	shalt  }
0x48: {  	_ =	shalt  }
0x49: {  	_ =	shalt  }
0x4a: {  	_ =	shalt  }
0x4b: {  	_ =	shalt  }
0x4c: {  	_ =	shalt  }
0x4d: {  	_ =	shalt  }
0x4e: {  	_ =	shalt  }
0x4f: {  	_ =	shalt  }
0x50: {  	_ =	shalt  }
0x51: {  	_ =	shalt  }
0x52: {  	_ =	shalt  }
0x53: {  	_ =	shalt  }
0x54: {  	_ =	shalt  }
0x55: {  	_ =	shalt  }
0x56: {  	_ =	shalt  }
0x57: {  	_ =	shalt  }
0x58: {  	_ =	shalt  }
0x59: {  	_ =	shalt  }
0x5a: {  	_ =	shalt  }
0x5b: {  	_ =	shalt  }
0x5c: {  	_ =	shalt  }
0x5d: {  	_ =	shalt  }
0x5e: {  	_ =	shalt  }
0x5f: {  	_ =	shalt  }
0x60: {  	_ =	shalt  }
0x61: {  	_ =	shalt  }
0x62: {  	_ =	shalt  }
0x63: {  	_ =	shalt  }
0x64: {  	_ =	shalt  }
0x65: {  	_ =	shalt  }
0x66: {  	_ =	shalt  }
0x67: {  	_ =	shalt  }
0x68: {  	_ =	shalt  }
0x69: {  	_ =	shalt  }
0x6a: {  	_ =	shalt  }
0x6b: {  	_ =	shalt  }
0x6c: {  	_ =	shalt  }
0x6d: {  	_ =	shalt  }
0x6e: {  	_ =	shalt  }
0x6f: {  	_ =	shalt  }
0x70: {  	_ =	shalt  }
0x71: {  	_ =	shalt  }
0x72: {  	_ =	shalt  }
0x73: {  	_ =	shalt  }
0x74: {  	_ =	shalt  }
0x75: {  	_ =	shalt  }
0x76: {  	_ =	shalt  }
0x77: {  	_ =	shalt  }
0x78: {  	_ =	shalt  }
0x79: {  	_ =	shalt  }
0x7a: {  	_ =	shalt  }
0x7b: {  	_ =	shalt  }
0x7c: {  	_ =	shalt  }
0x7d: {  	_ =	shalt  }
0x7e: {  	_ =	shalt  }
0x7f: {  	_ =	shalt  }
0x80: {  	_ =	shalt  }
0x81: {  	_ =	shalt  }
0x82: {  	_ =	shalt  }
0x83: {  	_ =	shalt  }
0x84: {  	_ =	shalt  }
0x85: {  	_ =	shalt  }
0x86: {  	_ =	shalt  }
0x87: {  	_ =	shalt  }
.Lfunc_end0:
.L_simem_size_0:
called_computation.1_lowered:
.L_overlay_start_0:
0x88: {  	s2 =	sld [smem:$0x3FD9]  }
0x89: {  	s3 =	sld [smem:$0x3FFE];
	_ =	sdelay $0x1  }
0x8a: {  	s1 =	srdreg.scid  }
0x8b: {  	s0 =	sand.u32 $0x1, s1  }
0x8c: {  	s17 =	sshll.u32 s0, $0xA;
	s2 =	sadd.s32 s3, s2  }
0x8d: {  	s2 =	sadd.s32 s2, s17  }
0x8e: {  	[smem:$0x3FC3] =	sst s2  }
0x8f: {  	_ = 	snop  }
0x90: {  	(tm) =	ssettm $0x1  }
0x91: {  	s18 =	sld [smem:$0x3FFB];
	_ =	sdelay $0x3  }
0x92: {  	_ =	strace s18  }
0x93: {  	s2 =	sld [smem:$0x3FFC];
	_ =	sdelay $0x3  }
0x94: {  	_ =	strace s2  }
0x95: {  	s2 =	sld [smem:$0x3FFD];
	_ =	sdelay $0x3  }
0x96: {  	_ =	strace s2  }
0x97: {  	_ =	strace $0x8FFFFFFF  }
0x98: {  	s19 =	sld [smem:$0x3FDB];
	_ =	sdelay $0x1  }
0x99: {  	s20 =	simm.s32 $_scs_section_size  }
0x9a: {  	s4 =	simm.s32 $_size__tile_overlayer_lowered;
	s5 =	simm.s32 $_tile_overlayer_lowered  }
0x9b: {  	s6 =	simm.s32 $0x1BFF;
	s21 =	sshll.u32 s5, $0x1;
	s3 =	sadd.s32 s20, s19  }
0x9c: {  	s22 =	simm.s32 $0x0;
	s4 =	sshll.u32 s4, $0x1;
	s5 =	sadd.s32 s21, s3  }
0x9d: {  	[timem:s22], [sflag:s6] =	dma.local [hbm:s5], s4  }
0x9e: {  	_ =	swait.ge [sflag:s6], s4  }
0x9f: {  	s4 =	ssub.s32 $0x0, s4;
	[sflag:s6] =	ssyncset.done $0x0  }
0xa0: {  	[sflag:s6] =	ssyncadd.s32 s4;
	_ =	sdelay $0x1  }
0xa1: {  	s23 =	simm.s32 $0x1B8B  }
0xa2: {  	_ =	swait.ge [sflag:s23], $0x1  }
0xa3: {  	[sflag:s23] =	ssyncset.done $0x0  }
0xa4: {  	[sflag:s23] =	ssyncadd.s32 $0xFFFFFFFF  }
0xa5: {  	s4 =	sld [smem:$0x0]  }
0xa6: {  	s5 =	sand.u32 $0xFFFFFFFE, s1  }
0xa7: {  	p0 =	sne.s32 s1, s5  }
0xa8: {  	s5 =	sshll.u32 @p0 s5, $0xE  }
0xa9: {  	s5 =	sadd.s32 @p0 $0x11B8D, s5;
	s6 =	sshll.u32 @p0 s4, $0x11  }
0xaa: {  	s5 =	sor.u32 @p0 s6, s5  }
0xab: {  	[sflag:s5] =	ssyncadd.remote.s32 @p0 $0x1;
	_ =	sdelay $0x1  }
0xac: {  	s5 =	simm.s32 @p0 $0x1B8D  }
0xad: {  	_ =	swait.eq @p0 [sflag:s5], $0x1  }
0xae: {  	[sflag:s5] =	ssyncadd.s32 @p0 $0xFFFFFFFF  }
0xaf: {  	s6 =	sshll.u32 @!p0 s1, $0xE  }
0xb0: {  	s6 =	sor.u32 @!p0 $0x4000, s6;
	s5 =	simm.s32 @!p0 $0x1B8D  }
0xb1: {  	s4 =	sshll.u32 @!p0 s4, $0x11;
	s6 =	sadd.s32 @!p0 $0x11B8D, s6;
	_ =	swait.eq @!p0 [sflag:s5], $0x1  }
0xb2: {  	s4 =	sor.u32 @!p0 s4, s6;
	[sflag:s5] =	ssyncadd.s32 @!p0 $0xFFFFFFFF  }
0xb3: {  	s25 =	simm.s32 $0x1B8E;
	s24 =	sld [smem:$0x3FFE];
	[sflag:s4] =	ssyncadd.remote.s32 @!p0 $0x1  }
0xb4: {  	s26 =	simm.s32 $execute0_lowered;
	[smem:$0x3FD2] =	sst s25  }
0xb5: {  	s5 =	sshll.u32 s26, $0x1;
	_ =	strace $0x80000049;
	[dreg:$0x1] =	wrdreg $0xFFFFFFFF  }
0xb6: {  	s28 =	simm.s32 $_size_execute0_lowered;
	s3 =	sadd.s32 s3, s5;
	[dreg:$0x0] =	wrdreg $0x0  }
0xb7: {  	s5 =	sshll.u32 s28, $0x1;
	[dreg:$0x2] =	wrdreg s3  }
0xb8: {  	[dreg:$0x3] =	wrdreg s5  }
0xb9: {  	[dreg:$0x4] =	wrdreg $0xC0  }
0xba: {  	_ =	task [dreg:s22], $0x5FFFF  }
0xbb: {  	[dreg:$0x1] =	wrdreg $0xFFFFFFFF  }
0xbc: {  	[dreg:$0x0] =	wrdreg $0x60  }
0xbd: {  	[dreg:$0x2] =	wrdreg s24  }
0xbe: {  	[dreg:$0x3] =	wrdreg $0xA  }
0xbf: {  	_ =	task.clear_ibuf [dreg:s22], $0x4FFFF;
	_ =	strace $0x90000049  }
0xc0: {  	s29 =	simm.s32 $0xA;
	_ =	strace $0x8000004B  }
0xc1: {  	_ =	swait.ge [sflag:s29], $0x1  }
0xc2: {  	[sflag:s29] =	ssyncadd.s32 $0xFFFFFFFF  }
0xc3: {  	_ =	strace $0x9000004B  }
0xc4: {  	_ =	sfence  }
0xc5: {  	s30 =	sld [smem:$0x0];
	_ =	sdelay $0x2  }
0xc6: {  	s31 =	sshll.u32 s1, $0xD;
	s1 =	sshrl.u32 s1, $0x2  }
0xc7: {  	s4 =	sand.u32 $0x4000, s31;
	s1 =	sadd.s32 s1, s30  }
0xc8: {  	s0 =	sor.u32 s4, s0;
	s1 =	sshll.u32 s1, $0x11  }
0xc9: {  	s0 =	sor.u32 s1, s0  }
0xca: {  	s0 =	sadd.s32 $0x8F2B, s0  }
0xcb: {  	[sflag:s0] =	ssyncadd.remote.s32 $0x1  }
0xcc: {  	_ =	sfence.sel $0xFFFF  }
0xcd: {  	[dreg:$0x0] =	wrdreg $0xFFFFFFFF;
	(pc) =	sbr.abs _section_cstart, $3  }
0xce: {  	[dreg:$0x1] =	wrdreg $0xFFFFFFFF  }
0xcf: {  	_ =	task.clear_ibuf [dreg:s22], $0x2FFFF;
	_ =	strace $0x9FFFFFFF  }
0xd0: {  	(tm) =	ssettm $0x7FFFFFFF  }
0xd1: {  	_ =	shalt  }
tec
execute0_lowered:
.L_overlay_start_1:
0x0: {  	(tag) =	ssettag $0x1  }
0x1: {  	s1 =	srdreg.scid;
	s0 =	stileid.u32  }
0x2: {  	s5 =	rddreg [dreg:$0x0];
	s2 =	simm.s32 $0x0;
	s10 =	simm.s32 $0x1280  }
0x3: {  	s11 =	simm.s32 $0x100;
	s12 =	simm.s32 $0x2280;
	s13 =	simm.s32 $0x180  }
0x4: {  	s14 =	simm.s32 $0x3280;
	s15 =	simm.s32 $0x200;
	s16 =	simm.s32 $0x4280  }
0x5: {  	s17 =	simm.s32 $0x1;
	s18 =	simm.s32 $0x20;
	s19 =	simm.s32 $0x0  }
0x6: {  	s3 =	sand.u32 $0x1, s1;
	s4 =	smul.u32 $0x1900, s0;
	s1 =	rddreg [dreg:$0x1]  }
0x7: {  	[smem:$0x7FF] =	sst s2;
	s28 =	sshrl.u32 s0, $0x1;
	s8 =	sshll.u32 s0, $0x3  }
0x8: {  	s6 =	smul.u32 $0xC80, s3;
	s7 =	ssub.s32 $0x2, s3;
	s3 =	sshll.u32 s3, $0x2  }
0x9: {  	_ =	strace $0x8000004A;
	s29 =	sshrl.u32 s7, $0x1;
	s3 =	sor.u32 s3, s8  }
0xa: {  	s8 =	simm.s32 $0x80;
	s4 =	sadd.s32 s6, s4;
	s6 =	smul.u32 $0xC800, s28  }
0xb: {  	s30 =	sand.u32 $0xC, s3;
	s3 =	sadd.s32 $0x6C00, s5;
	s4 =	sshrl.u32 s4, $0x3  }
0xc: {  	s9 =	sadd.s32 s4, s5;
	s6 =	sadd.s32 s6, s5;
	s4 =	ssub.s32 s7, s29  }
0xd: {  	s7 =	simm.s32 $0x2;
	s31 =	sadd.s32 s30, s6;
	s6 =	sadd.s32 $0x3D7600, s9  }
0xe: {  	s4 =	smax.u32 s4, $0x1;
	s9 =	simm.s32 $0x280;
	s5 =	sadd.s32 $0x3ED400, s31  }
.LBB2_1:
0xf: {  	s20 =	sadd.s32 $0x0, s6  }
0x10: {  	[tilespmem:s2], [sflag:$0x2] =	stream.linear.gather [hbm4b:s20+s2], $0x280, $0x38;
	[tilespmem:$0x5280] =	vst v63  }
0x11: {  	_ =	swait.ge [sflag:s7], $0x280  }
0x12: {  	[sflag:s7] =	ssyncset.done $0x0  }
0x13: {  	[sflag:s7] =	ssyncadd.s32 $0xFFFFFD80  }
0x14: {  	[tilespmem:s9], [sflag:$0x1] =	stream.indirect.gather [hbm4b:s3+s8], $0x20, s2, s8, $0xb8;
	[tilespmem:$0x5280] =	vst v63  }
0x15: {  	_ = 	snop  }
0x16: {  	[tilespmem:s10], [sflag:$0x1] =	stream.indirect.gather [hbm4b:s3+s8], $0x20, s8, s8, $0xb8;
	[tilespmem:$0x5280] =	vst v63  }
0x17: {  	_ = 	snop  }
0x18: {  	[tilespmem:s12], [sflag:$0x1] =	stream.indirect.gather [hbm4b:s3+s8], $0x20, s11, s8, $0xb8;
	[tilespmem:$0x5280] =	vst v63  }
0x19: {  	_ = 	snop  }
0x1a: {  	[tilespmem:s14], [sflag:$0x1] =	stream.indirect.gather [hbm4b:s3+s8], $0x20, s13, s8, $0xb8;
	[tilespmem:$0x5280] =	vst v63  }
0x1b: {  	_ = 	snop  }
0x1c: {  	[tilespmem:s16], [sflag:$0x1] =	stream.indirect.gather [hbm4b:s3+s8], $0x20, s15, s8, $0xb8;
	[tilespmem:$0x5280] =	vst v63  }
0x1d: {  	_ =	swait.ge [sflag:s17], $0x1000  }
0x1e: {  	[sflag:s17] =	ssyncset.done $0x0  }
0x1f: {  	[sflag:s17] =	ssyncadd.s32 $0xFFFFF000  }
0x20: {  	_ =	swait.ge [sflag:s17], $0x1000  }
0x21: {  	[sflag:s17] =	ssyncset.done $0x0  }
0x22: {  	[sflag:s17] =	ssyncadd.s32 $0xFFFFF000  }
0x23: {  	_ =	swait.ge [sflag:s17], $0x1000  }
0x24: {  	[sflag:s17] =	ssyncset.done $0x0  }
0x25: {  	[sflag:s17] =	ssyncadd.s32 $0xFFFFF000  }
0x26: {  	_ =	swait.ge [sflag:s17], $0x1000  }
0x27: {  	[sflag:s17] =	ssyncset.done $0x0  }
0x28: {  	[sflag:s17] =	ssyncadd.s32 $0xFFFFF000  }
0x29: {  	_ =	swait.ge [sflag:s17], $0x1000  }
0x2a: {  	[sflag:s17] =	ssyncset.done $0x0  }
0x2b: {  	[sflag:s17] =	ssyncadd.s32 $0xFFFFF000  }
0x2c: {  	[hbm4b:s5+s18] =	stream.strided.scatter [tilespmem:s9], [sflag:$0x2], $0x5000, s8, s18, $0x38;
	[tilespmem:$0x5280] =	vst v63  }
0x2d: {  	s21 =	simm.s32 $0x50;
	_ =	swait.ge [sflag:s7], $0x5000  }
0x2e: {  	s22 =	simm.s32 $0xA0;
	s20 =	sadd.s32 $0x2800, s5;
	[sflag:s7] =	ssyncset.done $0x0  }
.LBB2_2:
0x2f: {  	s23 =	sadd.s32 s21, s6  }
0x30: {  	[sflag:s7] =	ssyncadd.s32 $0xFFFFB000;
	s21 =	smov.u32 s22;
	s24 =	sadd.s32 $0x50, s22  }
0x31: {  	[tilespmem:s2], [sflag:$0x2] =	stream.linear.gather [hbm4b:s23+s2], $0x280, $0x38;
	[tilespmem:$0x5280] =	vst v63  }
0x32: {  	p0 =	sne.s32 s22, $0x140;
	_ =	swait.ge [sflag:s7], $0x280  }
0x33: {  	[sflag:s7] =	ssyncset.done $0x0  }
0x34: {  	[sflag:s7] =	ssyncadd.s32 $0xFFFFFD80  }
0x35: {  	[tilespmem:s9], [sflag:$0x1] =	stream.indirect.gather [hbm4b:s3+s8], $0x20, s2, s8, $0xb8;
	[tilespmem:$0x5280] =	vst v63  }
0x36: {  	_ = 	snop  }
0x37: {  	[tilespmem:s10], [sflag:$0x1] =	stream.indirect.gather [hbm4b:s3+s8], $0x20, s8, s8, $0xb8;
	[tilespmem:$0x5280] =	vst v63  }
0x38: {  	_ = 	snop  }
0x39: {  	[tilespmem:s12], [sflag:$0x1] =	stream.indirect.gather [hbm4b:s3+s8], $0x20, s11, s8, $0xb8;
	[tilespmem:$0x5280] =	vst v63  }
0x3a: {  	_ = 	snop  }
0x3b: {  	[tilespmem:s14], [sflag:$0x1] =	stream.indirect.gather [hbm4b:s3+s8], $0x20, s13, s8, $0xb8;
	[tilespmem:$0x5280] =	vst v63  }
0x3c: {  	_ = 	snop  }
0x3d: {  	[tilespmem:s16], [sflag:$0x1] =	stream.indirect.gather [hbm4b:s3+s8], $0x20, s15, s8, $0xb8;
	[tilespmem:$0x5280] =	vst v63  }
0x3e: {  	_ =	swait.ge [sflag:s17], $0x1000  }
0x3f: {  	[sflag:s17] =	ssyncset.done $0x0  }
0x40: {  	[sflag:s17] =	ssyncadd.s32 $0xFFFFF000  }
0x41: {  	_ =	swait.ge [sflag:s17], $0x1000  }
0x42: {  	[sflag:s17] =	ssyncset.done $0x0  }
0x43: {  	[sflag:s17] =	ssyncadd.s32 $0xFFFFF000  }
0x44: {  	_ =	swait.ge [sflag:s17], $0x1000  }
0x45: {  	[sflag:s17] =	ssyncset.done $0x0  }
0x46: {  	[sflag:s17] =	ssyncadd.s32 $0xFFFFF000  }
0x47: {  	_ =	swait.ge [sflag:s17], $0x1000  }
0x48: {  	[sflag:s17] =	ssyncset.done $0x0  }
0x49: {  	[sflag:s17] =	ssyncadd.s32 $0xFFFFF000  }
0x4a: {  	_ =	swait.ge [sflag:s17], $0x1000  }
.Ltmp0:
0x4b: {  	[sflag:s17] =	ssyncset.done $0x0;
	(pc) =	sbr.rel @p0 .LBB2_2-.Ltmp0, $4  }
0x4c: {  	[sflag:s17] =	ssyncadd.s32 $0xFFFFF000  }
0x4d: {  	[hbm4b:s20+s18] =	stream.strided.scatter [tilespmem:s9], [sflag:$0x2], $0x5000, s8, s18, $0x38;
	[tilespmem:$0x5280] =	vst v63  }
0x4e: {  	_ =	swait.ge [sflag:s7], $0x5000  }
0x4f: {  	s22 =	smov.u32 s24;
	s20 =	sadd.s32 $0x2800, s20;
	[sflag:s7] =	ssyncset.done $0x0  }
0x50: {  	s21 =	sadd.s32 s21, s6;
	[sflag:s7] =	ssyncadd.s32 $0xFFFFB000  }
0x51: {  	[tilespmem:s2], [sflag:$0x2] =	stream.linear.gather [hbm4b:s21+s2], $0x280, $0x38;
	[tilespmem:$0x5280] =	vst v63  }
0x52: {  	_ =	swait.ge [sflag:s7], $0x280  }
0x53: {  	[sflag:s7] =	ssyncset.done $0x0  }
0x54: {  	[sflag:s7] =	ssyncadd.s32 $0xFFFFFD80  }
0x55: {  	[tilespmem:s9], [sflag:$0x1] =	stream.indirect.gather [hbm4b:s3+s8], $0x20, s2, s8, $0xb8;
	[tilespmem:$0x5280] =	vst v63  }
0x56: {  	_ = 	snop  }
0x57: {  	[tilespmem:s10], [sflag:$0x1] =	stream.indirect.gather [hbm4b:s3+s8], $0x20, s8, s8, $0xb8;
	[tilespmem:$0x5280] =	vst v63  }
0x58: {  	_ = 	snop  }
0x59: {  	[tilespmem:s12], [sflag:$0x1] =	stream.indirect.gather [hbm4b:s3+s8], $0x20, s11, s8, $0xb8;
	[tilespmem:$0x5280] =	vst v63  }
0x5a: {  	_ = 	snop  }
0x5b: {  	[tilespmem:s14], [sflag:$0x1] =	stream.indirect.gather [hbm4b:s3+s8], $0x20, s13, s8, $0xb8;
	[tilespmem:$0x5280] =	vst v63  }
0x5c: {  	_ = 	snop  }
0x5d: {  	[tilespmem:s16], [sflag:$0x1] =	stream.indirect.gather [hbm4b:s3+s8], $0x20, s15, s8, $0xb8;
	[tilespmem:$0x5280] =	vst v63  }
0x5e: {  	_ =	swait.ge [sflag:s17], $0x1000  }
0x5f: {  	[sflag:s17] =	ssyncset.done $0x0  }
0x60: {  	[sflag:s17] =	ssyncadd.s32 $0xFFFFF000  }
0x61: {  	_ =	swait.ge [sflag:s17], $0x1000  }
0x62: {  	[sflag:s17] =	ssyncset.done $0x0  }
0x63: {  	[sflag:s17] =	ssyncadd.s32 $0xFFFFF000  }
0x64: {  	_ =	swait.ge [sflag:s17], $0x1000  }
0x65: {  	[sflag:s17] =	ssyncset.done $0x0  }
0x66: {  	[sflag:s17] =	ssyncadd.s32 $0xFFFFF000  }
0x67: {  	_ =	swait.ge [sflag:s17], $0x1000  }
0x68: {  	[sflag:s17] =	ssyncset.done $0x0  }
0x69: {  	[sflag:s17] =	ssyncadd.s32 $0xFFFFF000  }
0x6a: {  	s19 =	sadd.s32 $0x1, s19;
	_ =	swait.ge [sflag:s17], $0x1000  }
0x6b: {  	p0 =	sne.s32 s19, s4;
	[sflag:s17] =	ssyncset.done $0x0  }
.Ltmp1:
0x6c: {  	[sflag:s17] =	ssyncadd.s32 $0xFFFFF000;
	(pc) =	sbr.rel @p0 .LBB2_1-.Ltmp1, $4  }
0x6d: {  	[hbm4b:s20+s18] =	stream.strided.scatter [tilespmem:s9], [sflag:$0x2], $0x5000, s8, s18, $0x38;
	[tilespmem:$0x5280] =	vst v63  }
0x6e: {  	_ =	swait.ge [sflag:s7], $0x5000  }
0x6f: {  	[sflag:s7] =	ssyncset.done $0x0  }
0x70: {  	[sflag:s7] =	ssyncadd.s32 $0xFFFFB000  }
0x71: {  	_ =	sfence.sel $0x180000  }
0x72: {  	[bflag:$0x0] =	sbarrier.arrive $0xFFFF  }
0x73: {  	p0 =	sne.s32 s0, $0x0;
	_ =	strace $0x9000004A  }
0x74: {  	s0 =	sadd.s32 @!p0 $0x100000, s1;
	[bflag:$0x2] =	sbarrier.arrive $0xFFFF  }
0x75: {  	[sflag:s0] =	ssyncadd.tile.s32 @!p0 $0x1;
	_ =	shalt  }
.Lfunc_end2:
_tile_overlayer_lowered:
.L_overlay_start_2:
0x76: {  	(tag) =	ssettag $0x2  }
0x77: {  	s0 =	rddreg [dreg:$0x0];
	s2 =	stileid.u32  }
0x78: {  	s1 =	rddreg [dreg:$0x1];
	p0 =	sne.s32 s2, $0x0  }
0x79: {  	s3 =	rddreg [dreg:$0x2];
	[bflag:$0x3] =	sbarrier.arrive $0xFFFF;
	s2 =	simm.s32 @!p0 $0x1C02  }
0x7a: {  	[timem:s3], [sflag:s2] =	dma.local @!p0 [hbm:s0], s1  }
0x7b: {  	s0 =	simm.s32 @!p0 $0x2  }
0x7c: {  	_ =	swait.ge @!p0 [sflag:s0], s1  }
0x7d: {  	s1 =	ssub.s32 @!p0 $0x0, s1;
	[sflag:s0] =	ssyncset.done @!p0 $0x0  }
0x7e: {  	[sflag:s0] =	ssyncadd.s32 @!p0 s1  }
0x7f: {  	[bflag:$0x3] =	sbarrier.arrive $0xFFFF  }
0x80: {  	_ =	shalt  }

// kernel: kernel.25.cloned.1.call-start
scs
__scs_entry_jumppad:
0x0: {  	(pc) =	sbr.rel $0x88, $3  }
0x1: {  	(tag) =	ssettag $0x0;
	lr =	simm.s32 $0x1  }
0x2: {  	[smem:$0x3F9C] =	sst lr;
	_ =	strace $0xD0000000  }
0x3: {  	_ = 	snop  }
0x4: {  	_ = 	snop  }
0x5: {  	_ = 	snop  }
0x6: {  	_ = 	snop  }
0x7: {  	_ = 	snop  }
__scs_overlays_trampoline_lowered:
0x8: {  	[smem:$0x3FAB] =	sst s0  }
0x9: {  	[smem:$0x3FAC] =	sst s1  }
0xa: {  	[smem:$0x3FAD] =	sst s2  }
0xb: {  	[smem:$0x3FAE] =	sst s3  }
0xc: {  	[smem:$0x3FAF] =	sst s4  }
0xd: {  	[smem:$0x3FB0] =	sst s5  }
0xe: {  	[smem:$0x3FB1] =	sst s6  }
0xf: {  	[smem:$0x3FB2] =	sst s7  }
0x10: {  	[smem:$0x3FB3] =	sst s8  }
0x11: {  	[smem:$0x3FB4] =	sst s9;
	s0 =	simm.s32 @!p0 $0x0  }
0x12: {  	s1 =	sld [smem:$0x3F9A];
	s0 =	simm.s32 @p0 $0x1  }
0x13: {  	[smem:$0x3FB5] =	sst s0;
	s0 =	simm.s32 @!p1 $0x0  }
0x14: {  	s2 =	sld [smem:$0x3F99];
	s0 =	simm.s32 @p1 $0x1  }
0x15: {  	[smem:$0x3FB6] =	sst s0;
	s0 =	simm.s32 @!p2 $0x0  }
0x16: {  	s3 =	sld [smem:$0x3FDB];
	s0 =	simm.s32 @p2 $0x1  }
0x17: {  	s4 =	simm.s32 $0x1BF5;
	[smem:$0x3FB8] =	sst s0  }
0x18: {  	s0 =	sld [smem:$0x3F9B];
	_ =	swait.ge [sflag:s4], $0x0  }
0x19: {  	s7 =	sld [smem:$0x3F9C]  }
0x1a: {  	s8 =	sadd.s32 $0xFFFFE003, lr  }
0x1b: {  	s9 =	sadd.s32 $0xFFFFFEF7, lr;
	s5 =	simm.s32 $0xFFFFFFFF;
	p2 =	slt.u32 s8, $0xFFFFF086  }
0x1c: {  	p1 =	slt.u32 s9, $0xF7A;
	s5 =	simm.s32 @!p2 $0x0  }
0x1d: {  	s5 =	simm.s32 @p1 $0x1;
	p0 =	seq.s32 s7, s2  }
0x1e: {  	s7 =	smul.u32 @!p0 $0xF7A, s2;
	p2 =	seq.s32 @!p0 s5, $0x0  }
0x1f: {  	s9 =	smul.u32 $0xF7A, s1;
	s8 =	simm.s32 @!p0 $0x1BF5;
	p2 =	por !p2, p0  }
0x20: {  	[sflag:s8] =	ssyncset.s32 @!p0 $0xFFFFF086;
	s6 =	sadd.s32 @!p0 s3, s7;
	s7 =	simm.s32 @!p0 $0x108  }
0x21: {  	s3 =	sadd.s32 s3, s9;
	s6 =	sadd.s32 @!p0 $0x88, s6;
	s7 =	simm.s32 @p2 $0x1082  }
0x22: {  	[simem:s7], [sflag:s8] =	dma.local @!p0 [hbm:s6], $0xF7A  }
0x23: {  	s9 =	sor.u32 $0xD0000000, s2;
	s6 =	simm.s32 $0x108;
	_ =	swait.ge @!p0 [sflag:s8], $0x0  }
0x24: {  	s3 =	sadd.s32 $0x88, s3;
	s6 =	simm.s32 @!p1 $0x1082;
	[sflag:s4] =	ssyncset.s32 $0xFFFFF086  }
0x25: {  	[simem:s6], [sflag:s4] =	dma.local [hbm:s3], $0xF7A  }
0x26: {  	[smem:$0x3F9C] =	sst s1;
	(tag) =	ssettag s2;
	_ =	strace s9  }
0x27: {  	s1 =	sld [smem:$0x3FAC]  }
0x28: {  	s2 =	sld [smem:$0x3FAD]  }
0x29: {  	s4 =	sld [smem:$0x3FAF]  }
0x2a: {  	p0 =	seq.s32 s5, $0x0;
	s5 =	sld [smem:$0x3FB0]  }
0x2b: {  	s6 =	sld [smem:$0x3FB1]  }
0x2c: {  	s7 =	sld [smem:$0x3FB2]  }
0x2d: {  	s3 =	simm.s32 $0x108;
	s8 =	sld [smem:$0x3FB3]  }
0x2e: {  	s3 =	simm.s32 @!p0 $0x1082;
	s9 =	sld [smem:$0x3FB4]  }
0x2f: {  	lr =	sadd.s32 s0, s3;
	s0 =	sld [smem:$0x3FAB]  }
0x30: {  	s3 =	sld [smem:$0x3FAE]  }
0x31: {  	[smem:$0x3FB7] =	sst s10  }
0x32: {  	s10 =	sld [smem:$0x3FB5];
	_ =	sdelay $0x3  }
0x33: {  	p0 =	seq.s32 s10, $0x1;
	s10 =	sld [smem:$0x3FB7];
	_ =	sdelay $0x3  }
0x34: {  	[smem:$0x3FB7] =	sst s10  }
0x35: {  	s10 =	sld [smem:$0x3FB6];
	_ =	sdelay $0x3  }
0x36: {  	p1 =	seq.s32 s10, $0x1;
	s10 =	sld [smem:$0x3FB7];
	_ =	sdelay $0x3  }
0x37: {  	[smem:$0x3FB7] =	sst s10  }
0x38: {  	s10 =	sld [smem:$0x3FB8]  }
0x39: {  	_ = 	snop;
	(pc) =	sbr.ind lr, $3  }
0x3a: {  	_ = 	snop  }
0x3b: {  	_ = 	snop  }
0x3c: {  	p2 =	seq.s32 s10, $0x1;
	s10 =	sld [smem:$0x3FB7]  }
0x3d: {  	_ =	shalt  }
0x3e: {  	_ =	shalt  }
0x3f: {  	_ =	shalt  }
0x40: {  	_ =	shalt  }
0x41: {  	_ =	shalt  }
0x42: {  	_ =	shalt  }
0x43: {  	_ =	shalt  }
0x44: {  	_ =	shalt  }
0x45: {  	_ =	shalt  }
0x46: {  	_ =	shalt  }
0x47: {  	_ =	shalt  }
0x48: {  	_ =	shalt  }
0x49: {  	_ =	shalt  }
0x4a: {  	_ =	shalt  }
0x4b: {  	_ =	shalt  }
0x4c: {  	_ =	shalt  }
0x4d: {  	_ =	shalt  }
0x4e: {  	_ =	shalt  }
0x4f: {  	_ =	shalt  }
0x50: {  	_ =	shalt  }
0x51: {  	_ =	shalt  }
0x52: {  	_ =	shalt  }
0x53: {  	_ =	shalt  }
0x54: {  	_ =	shalt  }
0x55: {  	_ =	shalt  }
0x56: {  	_ =	shalt  }
0x57: {  	_ =	shalt  }
0x58: {  	_ =	shalt  }
0x59: {  	_ =	shalt  }
0x5a: {  	_ =	shalt  }
0x5b: {  	_ =	shalt  }
0x5c: {  	_ =	shalt  }
0x5d: {  	_ =	shalt  }
0x5e: {  	_ =	shalt  }
0x5f: {  	_ =	shalt  }
0x60: {  	_ =	shalt  }
0x61: {  	_ =	shalt  }
0x62: {  	_ =	shalt  }
0x63: {  	_ =	shalt  }
0x64: {  	_ =	shalt  }
0x65: {  	_ =	shalt  }
0x66: {  	_ =	shalt  }
0x67: {  	_ =	shalt  }
0x68: {  	_ =	shalt  }
0x69: {  	_ =	shalt  }
0x6a: {  	_ =	shalt  }
0x6b: {  	_ =	shalt  }
0x6c: {  	_ =	shalt  }
0x6d: {  	_ =	shalt  }
0x6e: {  	_ =	shalt  }
0x6f: {  	_ =	shalt  }
0x70: {  	_ =	shalt  }
0x71: {  	_ =	shalt  }
0x72: {  	_ =	shalt  }
0x73: {  	_ =	shalt  }
0x74: {  	_ =	shalt  }
0x75: {  	_ =	shalt  }
0x76: {  	_ =	shalt  }
0x77: {  	_ =	shalt  }
0x78: {  	_ =	shalt  }
0x79: {  	_ =	shalt  }
0x7a: {  	_ =	shalt  }
0x7b: {  	_ =	shalt  }
0x7c: {  	_ =	shalt  }
0x7d: {  	_ =	shalt  }
0x7e: {  	_ =	shalt  }
0x7f: {  	_ =	shalt  }
0x80: {  	_ =	shalt  }
0x81: {  	_ =	shalt  }
0x82: {  	_ =	shalt  }
0x83: {  	_ =	shalt  }
0x84: {  	_ =	shalt  }
0x85: {  	_ =	shalt  }
0x86: {  	_ =	shalt  }
0x87: {  	_ =	shalt  }
.Lfunc_end0:
.L_simem_size_0:
called_computation.2_lowered:
.L_overlay_start_0:
0x88: {  	s2 =	sld [smem:$0x3FD9]  }
0x89: {  	s3 =	sld [smem:$0x3FFE];
	_ =	sdelay $0x1  }
0x8a: {  	s1 =	srdreg.scid  }
0x8b: {  	s0 =	sand.u32 $0x1, s1  }
0x8c: {  	s17 =	sshll.u32 s0, $0xA;
	s2 =	sadd.s32 s3, s2  }
0x8d: {  	s2 =	sadd.s32 s2, s17  }
0x8e: {  	[smem:$0x3FC3] =	sst s2  }
0x8f: {  	_ = 	snop  }
0x90: {  	(tm) =	ssettm $0x1  }
0x91: {  	s18 =	sld [smem:$0x3FFB];
	_ =	sdelay $0x3  }
0x92: {  	_ =	strace s18  }
0x93: {  	s2 =	sld [smem:$0x3FFC];
	_ =	sdelay $0x3  }
0x94: {  	_ =	strace s2  }
0x95: {  	s2 =	sld [smem:$0x3FFD];
	_ =	sdelay $0x3  }
0x96: {  	_ =	strace s2  }
0x97: {  	_ =	strace $0x8FFFFFFF  }
0x98: {  	s19 =	sld [smem:$0x3FDB];
	_ =	sdelay $0x1  }
0x99: {  	s20 =	simm.s32 $_scs_section_size  }
0x9a: {  	s4 =	simm.s32 $_size__tile_overlayer_lowered;
	s5 =	simm.s32 $_tile_overlayer_lowered  }
0x9b: {  	s6 =	simm.s32 $0x1BFF;
	s21 =	sshll.u32 s5, $0x1;
	s3 =	sadd.s32 s20, s19  }
0x9c: {  	s22 =	simm.s32 $0x0;
	s4 =	sshll.u32 s4, $0x1;
	s5 =	sadd.s32 s21, s3  }
0x9d: {  	[timem:s22], [sflag:s6] =	dma.local [hbm:s5], s4  }
0x9e: {  	_ =	swait.ge [sflag:s6], s4  }
0x9f: {  	s4 =	ssub.s32 $0x0, s4;
	[sflag:s6] =	ssyncset.done $0x0  }
0xa0: {  	[sflag:s6] =	ssyncadd.s32 s4;
	_ =	sdelay $0x1  }
0xa1: {  	s23 =	simm.s32 $0x1B8B  }
0xa2: {  	_ =	swait.ge [sflag:s23], $0x1  }
0xa3: {  	[sflag:s23] =	ssyncset.done $0x0  }
0xa4: {  	[sflag:s23] =	ssyncadd.s32 $0xFFFFFFFF  }
0xa5: {  	s4 =	sld [smem:$0x0]  }
0xa6: {  	s5 =	sand.u32 $0xFFFFFFFE, s1  }
0xa7: {  	p0 =	sne.s32 s1, s5  }
0xa8: {  	s5 =	sshll.u32 @p0 s5, $0xE  }
0xa9: {  	s5 =	sadd.s32 @p0 $0x11B8D, s5;
	s6 =	sshll.u32 @p0 s4, $0x11  }
0xaa: {  	s5 =	sor.u32 @p0 s6, s5  }
0xab: {  	[sflag:s5] =	ssyncadd.remote.s32 @p0 $0x1;
	_ =	sdelay $0x1  }
0xac: {  	s5 =	simm.s32 @p0 $0x1B8D  }
0xad: {  	_ =	swait.eq @p0 [sflag:s5], $0x1  }
0xae: {  	[sflag:s5] =	ssyncadd.s32 @p0 $0xFFFFFFFF  }
0xaf: {  	s6 =	sshll.u32 @!p0 s1, $0xE  }
0xb0: {  	s6 =	sor.u32 @!p0 $0x4000, s6;
	s5 =	simm.s32 @!p0 $0x1B8D  }
0xb1: {  	s4 =	sshll.u32 @!p0 s4, $0x11;
	s6 =	sadd.s32 @!p0 $0x11B8D, s6;
	_ =	swait.eq @!p0 [sflag:s5], $0x1  }
0xb2: {  	s4 =	sor.u32 @!p0 s4, s6;
	[sflag:s5] =	ssyncadd.s32 @!p0 $0xFFFFFFFF  }
0xb3: {  	s25 =	simm.s32 $0x1B8E;
	s24 =	sld [smem:$0x3FFE];
	[sflag:s4] =	ssyncadd.remote.s32 @!p0 $0x1  }
0xb4: {  	s26 =	simm.s32 $execute0_lowered;
	[smem:$0x3FD2] =	sst s25  }
0xb5: {  	s5 =	sshll.u32 s26, $0x1;
	_ =	strace $0x8000004C;
	[dreg:$0x1] =	wrdreg $0xFFFFFFFF  }
0xb6: {  	s28 =	simm.s32 $_size_execute0_lowered;
	s3 =	sadd.s32 s3, s5;
	[dreg:$0x0] =	wrdreg $0x0  }
0xb7: {  	s5 =	sshll.u32 s28, $0x1;
	[dreg:$0x2] =	wrdreg s3  }
0xb8: {  	[dreg:$0x3] =	wrdreg s5  }
0xb9: {  	[dreg:$0x4] =	wrdreg $0xC0  }
0xba: {  	_ =	task [dreg:s22], $0x5FFFF  }
0xbb: {  	[dreg:$0x1] =	wrdreg $0xFFFFFFFF  }
0xbc: {  	[dreg:$0x0] =	wrdreg $0x60  }
0xbd: {  	[dreg:$0x2] =	wrdreg s24  }
0xbe: {  	[dreg:$0x3] =	wrdreg $0xB  }
0xbf: {  	_ =	task.clear_ibuf [dreg:s22], $0x4FFFF;
	_ =	strace $0x9000004C  }
0xc0: {  	s29 =	simm.s32 $0xB;
	_ =	strace $0x8000004E  }
0xc1: {  	_ =	swait.ge [sflag:s29], $0x1  }
0xc2: {  	[sflag:s29] =	ssyncadd.s32 $0xFFFFFFFF  }
0xc3: {  	_ =	strace $0x9000004E  }
0xc4: {  	_ =	sfence  }
0xc5: {  	s30 =	sld [smem:$0x0];
	_ =	sdelay $0x2  }
0xc6: {  	s31 =	sshll.u32 s1, $0xD;
	s1 =	sshrl.u32 s1, $0x2  }
0xc7: {  	s4 =	sand.u32 $0x4000, s31;
	s1 =	sadd.s32 s1, s30  }
0xc8: {  	s0 =	sor.u32 s4, s0;
	s1 =	sshll.u32 s1, $0x11  }
0xc9: {  	s0 =	sor.u32 s1, s0  }
0xca: {  	s0 =	sadd.s32 $0x8F2B, s0  }
0xcb: {  	[sflag:s0] =	ssyncadd.remote.s32 $0x1  }
0xcc: {  	_ =	sfence.sel $0xFFFF  }
0xcd: {  	[dreg:$0x0] =	wrdreg $0xFFFFFFFF;
	(pc) =	sbr.abs _section_cstart, $3  }
0xce: {  	[dreg:$0x1] =	wrdreg $0xFFFFFFFF  }
0xcf: {  	_ =	task.clear_ibuf [dreg:s22], $0x2FFFF;
	_ =	strace $0x9FFFFFFF  }
0xd0: {  	(tm) =	ssettm $0x7FFFFFFF  }
0xd1: {  	_ =	shalt  }
tec
execute0_lowered:
.L_overlay_start_1:
0x0: {  	(tag) =	ssettag $0x1  }
0x1: {  	s1 =	srdreg.scid;
	s0 =	stileid.u32  }
0x2: {  	s5 =	rddreg [dreg:$0x0];
	s2 =	simm.s32 $0x0;
	s10 =	simm.s32 $0x1280  }
0x3: {  	s11 =	simm.s32 $0x100;
	s12 =	simm.s32 $0x2280;
	s13 =	simm.s32 $0x180  }
0x4: {  	s14 =	simm.s32 $0x3280;
	s15 =	simm.s32 $0x200;
	s16 =	simm.s32 $0x4280  }
0x5: {  	s17 =	simm.s32 $0x1;
	s18 =	simm.s32 $0x20;
	s19 =	simm.s32 $0x0  }
0x6: {  	s3 =	sand.u32 $0x1, s1;
	s4 =	smul.u32 $0x1900, s0;
	s1 =	rddreg [dreg:$0x1]  }
0x7: {  	[smem:$0x7FF] =	sst s2;
	s28 =	sshrl.u32 s0, $0x1;
	s8 =	sshll.u32 s0, $0x3  }
0x8: {  	s6 =	smul.u32 $0xC80, s3;
	s7 =	ssub.s32 $0x2, s3;
	s3 =	sshll.u32 s3, $0x2  }
0x9: {  	_ =	strace $0x8000004D;
	s29 =	sshrl.u32 s7, $0x1;
	s3 =	sor.u32 s3, s8  }
0xa: {  	s8 =	simm.s32 $0x80;
	s4 =	sadd.s32 s6, s4;
	s6 =	smul.u32 $0xC800, s28  }
0xb: {  	s30 =	sand.u32 $0xC, s3;
	s3 =	sadd.s32 $0x6C00, s5;
	s4 =	sshrl.u32 s4, $0x3  }
0xc: {  	s9 =	sadd.s32 s4, s5;
	s6 =	sadd.s32 s6, s5;
	s4 =	ssub.s32 s7, s29  }
0xd: {  	s7 =	simm.s32 $0x2;
	s31 =	sadd.s32 s30, s6;
	s6 =	sadd.s32 $0x3DA800, s9  }
0xe: {  	s4 =	smax.u32 s4, $0x1;
	s9 =	simm.s32 $0x280;
	s5 =	sadd.s32 $0x451400, s31  }
.LBB2_1:
0xf: {  	s20 =	sadd.s32 $0x0, s6  }
0x10: {  	[tilespmem:s2], [sflag:$0x2] =	stream.linear.gather [hbm4b:s20+s2], $0x280, $0x38;
	[tilespmem:$0x5280] =	vst v63  }
0x11: {  	_ =	swait.ge [sflag:s7], $0x280  }
0x12: {  	[sflag:s7] =	ssyncset.done $0x0  }
0x13: {  	[sflag:s7] =	ssyncadd.s32 $0xFFFFFD80  }
0x14: {  	[tilespmem:s9], [sflag:$0x1] =	stream.indirect.gather [hbm4b:s3+s8], $0x20, s2, s8, $0xb8;
	[tilespmem:$0x5280] =	vst v63  }
0x15: {  	_ = 	snop  }
0x16: {  	[tilespmem:s10], [sflag:$0x1] =	stream.indirect.gather [hbm4b:s3+s8], $0x20, s8, s8, $0xb8;
	[tilespmem:$0x5280] =	vst v63  }
0x17: {  	_ = 	snop  }
0x18: {  	[tilespmem:s12], [sflag:$0x1] =	stream.indirect.gather [hbm4b:s3+s8], $0x20, s11, s8, $0xb8;
	[tilespmem:$0x5280] =	vst v63  }
0x19: {  	_ = 	snop  }
0x1a: {  	[tilespmem:s14], [sflag:$0x1] =	stream.indirect.gather [hbm4b:s3+s8], $0x20, s13, s8, $0xb8;
	[tilespmem:$0x5280] =	vst v63  }
0x1b: {  	_ = 	snop  }
0x1c: {  	[tilespmem:s16], [sflag:$0x1] =	stream.indirect.gather [hbm4b:s3+s8], $0x20, s15, s8, $0xb8;
	[tilespmem:$0x5280] =	vst v63  }
0x1d: {  	_ =	swait.ge [sflag:s17], $0x1000  }
0x1e: {  	[sflag:s17] =	ssyncset.done $0x0  }
0x1f: {  	[sflag:s17] =	ssyncadd.s32 $0xFFFFF000  }
0x20: {  	_ =	swait.ge [sflag:s17], $0x1000  }
0x21: {  	[sflag:s17] =	ssyncset.done $0x0  }
0x22: {  	[sflag:s17] =	ssyncadd.s32 $0xFFFFF000  }
0x23: {  	_ =	swait.ge [sflag:s17], $0x1000  }
0x24: {  	[sflag:s17] =	ssyncset.done $0x0  }
0x25: {  	[sflag:s17] =	ssyncadd.s32 $0xFFFFF000  }
0x26: {  	_ =	swait.ge [sflag:s17], $0x1000  }
0x27: {  	[sflag:s17] =	ssyncset.done $0x0  }
0x28: {  	[sflag:s17] =	ssyncadd.s32 $0xFFFFF000  }
0x29: {  	_ =	swait.ge [sflag:s17], $0x1000  }
0x2a: {  	[sflag:s17] =	ssyncset.done $0x0  }
0x2b: {  	[sflag:s17] =	ssyncadd.s32 $0xFFFFF000  }
0x2c: {  	[hbm4b:s5+s18] =	stream.strided.scatter [tilespmem:s9], [sflag:$0x2], $0x5000, s8, s18, $0x38;
	[tilespmem:$0x5280] =	vst v63  }
0x2d: {  	s21 =	simm.s32 $0x50;
	_ =	swait.ge [sflag:s7], $0x5000  }
0x2e: {  	s22 =	simm.s32 $0xA0;
	s20 =	sadd.s32 $0x2800, s5;
	[sflag:s7] =	ssyncset.done $0x0  }
.LBB2_2:
0x2f: {  	s23 =	sadd.s32 s21, s6  }
0x30: {  	[sflag:s7] =	ssyncadd.s32 $0xFFFFB000;
	s21 =	smov.u32 s22;
	s24 =	sadd.s32 $0x50, s22  }
0x31: {  	[tilespmem:s2], [sflag:$0x2] =	stream.linear.gather [hbm4b:s23+s2], $0x280, $0x38;
	[tilespmem:$0x5280] =	vst v63  }
0x32: {  	p0 =	sne.s32 s22, $0x140;
	_ =	swait.ge [sflag:s7], $0x280  }
0x33: {  	[sflag:s7] =	ssyncset.done $0x0  }
0x34: {  	[sflag:s7] =	ssyncadd.s32 $0xFFFFFD80  }
0x35: {  	[tilespmem:s9], [sflag:$0x1] =	stream.indirect.gather [hbm4b:s3+s8], $0x20, s2, s8, $0xb8;
	[tilespmem:$0x5280] =	vst v63  }
0x36: {  	_ = 	snop  }
0x37: {  	[tilespmem:s10], [sflag:$0x1] =	stream.indirect.gather [hbm4b:s3+s8], $0x20, s8, s8, $0xb8;
	[tilespmem:$0x5280] =	vst v63  }
0x38: {  	_ = 	snop  }
0x39: {  	[tilespmem:s12], [sflag:$0x1] =	stream.indirect.gather [hbm4b:s3+s8], $0x20, s11, s8, $0xb8;
	[tilespmem:$0x5280] =	vst v63  }
0x3a: {  	_ = 	snop  }
0x3b: {  	[tilespmem:s14], [sflag:$0x1] =	stream.indirect.gather [hbm4b:s3+s8], $0x20, s13, s8, $0xb8;
	[tilespmem:$0x5280] =	vst v63  }
0x3c: {  	_ = 	snop  }
0x3d: {  	[tilespmem:s16], [sflag:$0x1] =	stream.indirect.gather [hbm4b:s3+s8], $0x20, s15, s8, $0xb8;
	[tilespmem:$0x5280] =	vst v63  }
0x3e: {  	_ =	swait.ge [sflag:s17], $0x1000  }
0x3f: {  	[sflag:s17] =	ssyncset.done $0x0  }
0x40: {  	[sflag:s17] =	ssyncadd.s32 $0xFFFFF000  }
0x41: {  	_ =	swait.ge [sflag:s17], $0x1000  }
0x42: {  	[sflag:s17] =	ssyncset.done $0x0  }
0x43: {  	[sflag:s17] =	ssyncadd.s32 $0xFFFFF000  }
0x44: {  	_ =	swait.ge [sflag:s17], $0x1000  }
0x45: {  	[sflag:s17] =	ssyncset.done $0x0  }
0x46: {  	[sflag:s17] =	ssyncadd.s32 $0xFFFFF000  }
0x47: {  	_ =	swait.ge [sflag:s17], $0x1000  }
0x48: {  	[sflag:s17] =	ssyncset.done $0x0  }
0x49: {  	[sflag:s17] =	ssyncadd.s32 $0xFFFFF000  }
0x4a: {  	_ =	swait.ge [sflag:s17], $0x1000  }
.Ltmp0:
0x4b: {  	[sflag:s17] =	ssyncset.done $0x0;
	(pc) =	sbr.rel @p0 .LBB2_2-.Ltmp0, $4  }
0x4c: {  	[sflag:s17] =	ssyncadd.s32 $0xFFFFF000  }
0x4d: {  	[hbm4b:s20+s18] =	stream.strided.scatter [tilespmem:s9], [sflag:$0x2], $0x5000, s8, s18, $0x38;
	[tilespmem:$0x5280] =	vst v63  }
0x4e: {  	_ =	swait.ge [sflag:s7], $0x5000  }
0x4f: {  	s22 =	smov.u32 s24;
	s20 =	sadd.s32 $0x2800, s20;
	[sflag:s7] =	ssyncset.done $0x0  }
0x50: {  	s21 =	sadd.s32 s21, s6;
	[sflag:s7] =	ssyncadd.s32 $0xFFFFB000  }
0x51: {  	[tilespmem:s2], [sflag:$0x2] =	stream.linear.gather [hbm4b:s21+s2], $0x280, $0x38;
	[tilespmem:$0x5280] =	vst v63  }
0x52: {  	_ =	swait.ge [sflag:s7], $0x280  }
0x53: {  	[sflag:s7] =	ssyncset.done $0x0  }
0x54: {  	[sflag:s7] =	ssyncadd.s32 $0xFFFFFD80  }
0x55: {  	[tilespmem:s9], [sflag:$0x1] =	stream.indirect.gather [hbm4b:s3+s8], $0x20, s2, s8, $0xb8;
	[tilespmem:$0x5280] =	vst v63  }
0x56: {  	_ = 	snop  }
0x57: {  	[tilespmem:s10], [sflag:$0x1] =	stream.indirect.gather [hbm4b:s3+s8], $0x20, s8, s8, $0xb8;
	[tilespmem:$0x5280] =	vst v63  }
0x58: {  	_ = 	snop  }
0x59: {  	[tilespmem:s12], [sflag:$0x1] =	stream.indirect.gather [hbm4b:s3+s8], $0x20, s11, s8, $0xb8;
	[tilespmem:$0x5280] =	vst v63  }
0x5a: {  	_ = 	snop  }
0x5b: {  	[tilespmem:s14], [sflag:$0x1] =	stream.indirect.gather [hbm4b:s3+s8], $0x20, s13, s8, $0xb8;
	[tilespmem:$0x5280] =	vst v63  }
0x5c: {  	_ = 	snop  }
0x5d: {  	[tilespmem:s16], [sflag:$0x1] =	stream.indirect.gather [hbm4b:s3+s8], $0x20, s15, s8, $0xb8;
	[tilespmem:$0x5280] =	vst v63  }
0x5e: {  	_ =	swait.ge [sflag:s17], $0x1000  }
0x5f: {  	[sflag:s17] =	ssyncset.done $0x0  }
0x60: {  	[sflag:s17] =	ssyncadd.s32 $0xFFFFF000  }
0x61: {  	_ =	swait.ge [sflag:s17], $0x1000  }
0x62: {  	[sflag:s17] =	ssyncset.done $0x0  }
0x63: {  	[sflag:s17] =	ssyncadd.s32 $0xFFFFF000  }
0x64: {  	_ =	swait.ge [sflag:s17], $0x1000  }
0x65: {  	[sflag:s17] =	ssyncset.done $0x0  }
0x66: {  	[sflag:s17] =	ssyncadd.s32 $0xFFFFF000  }
0x67: {  	_ =	swait.ge [sflag:s17], $0x1000  }
0x68: {  	[sflag:s17] =	ssyncset.done $0x0  }
0x69: {  	[sflag:s17] =	ssyncadd.s32 $0xFFFFF000  }
0x6a: {  	s19 =	sadd.s32 $0x1, s19;
	_ =	swait.ge [sflag:s17], $0x1000  }
0x6b: {  	p0 =	sne.s32 s19, s4;
	[sflag:s17] =	ssyncset.done $0x0  }
.Ltmp1:
0x6c: {  	[sflag:s17] =	ssyncadd.s32 $0xFFFFF000;
	(pc) =	sbr.rel @p0 .LBB2_1-.Ltmp1, $4  }
0x6d: {  	[hbm4b:s20+s18] =	stream.strided.scatter [tilespmem:s9], [sflag:$0x2], $0x5000, s8, s18, $0x38;
	[tilespmem:$0x5280] =	vst v63  }
0x6e: {  	_ =	swait.ge [sflag:s7], $0x5000  }
0x6f: {  	[sflag:s7] =	ssyncset.done $0x0  }
0x70: {  	[sflag:s7] =	ssyncadd.s32 $0xFFFFB000  }
0x71: {  	_ =	sfence.sel $0x180000  }
0x72: {  	[bflag:$0x0] =	sbarrier.arrive $0xFFFF  }
0x73: {  	p0 =	sne.s32 s0, $0x0;
	_ =	strace $0x9000004D  }
0x74: {  	s0 =	sadd.s32 @!p0 $0x100000, s1;
	[bflag:$0x2] =	sbarrier.arrive $0xFFFF  }
0x75: {  	[sflag:s0] =	ssyncadd.tile.s32 @!p0 $0x1;
	_ =	shalt  }
.Lfunc_end2:
_tile_overlayer_lowered:
.L_overlay_start_2:
0x76: {  	(tag) =	ssettag $0x2  }
0x77: {  	s0 =	rddreg [dreg:$0x0];
	s2 =	stileid.u32  }
0x78: {  	s1 =	rddreg [dreg:$0x1];
	p0 =	sne.s32 s2, $0x0  }
0x79: {  	s3 =	rddreg [dreg:$0x2];
	[bflag:$0x3] =	sbarrier.arrive $0xFFFF;
	s2 =	simm.s32 @!p0 $0x1C02  }
0x7a: {  	[timem:s3], [sflag:s2] =	dma.local @!p0 [hbm:s0], s1  }
0x7b: {  	s0 =	simm.s32 @!p0 $0x2  }
0x7c: {  	_ =	swait.ge @!p0 [sflag:s0], s1  }
0x7d: {  	s1 =	ssub.s32 @!p0 $0x0, s1;
	[sflag:s0] =	ssyncset.done @!p0 $0x0  }
0x7e: {  	[sflag:s0] =	ssyncadd.s32 @!p0 s1  }
0x7f: {  	[bflag:$0x3] =	sbarrier.arrive $0xFFFF  }
0x80: {  	_ =	shalt  }

// kernel: kernel.28.cloned.1.call-start
scs
__scs_entry_jumppad:
0x0: {  	(pc) =	sbr.rel $0x88, $3  }
0x1: {  	(tag) =	ssettag $0x0;
	lr =	simm.s32 $0x1  }
0x2: {  	[smem:$0x3F9C] =	sst lr;
	_ =	strace $0xD0000000  }
0x3: {  	_ = 	snop  }
0x4: {  	_ = 	snop  }
0x5: {  	_ = 	snop  }
0x6: {  	_ = 	snop  }
0x7: {  	_ = 	snop  }
__scs_overlays_trampoline_lowered:
0x8: {  	[smem:$0x3FAB] =	sst s0  }
0x9: {  	[smem:$0x3FAC] =	sst s1  }
0xa: {  	[smem:$0x3FAD] =	sst s2  }
0xb: {  	[smem:$0x3FAE] =	sst s3  }
0xc: {  	[smem:$0x3FAF] =	sst s4  }
0xd: {  	[smem:$0x3FB0] =	sst s5  }
0xe: {  	[smem:$0x3FB1] =	sst s6  }
0xf: {  	[smem:$0x3FB2] =	sst s7  }
0x10: {  	[smem:$0x3FB3] =	sst s8  }
0x11: {  	[smem:$0x3FB4] =	sst s9;
	s0 =	simm.s32 @!p0 $0x0  }
0x12: {  	s1 =	sld [smem:$0x3F9A];
	s0 =	simm.s32 @p0 $0x1  }
0x13: {  	[smem:$0x3FB5] =	sst s0;
	s0 =	simm.s32 @!p1 $0x0  }
0x14: {  	s2 =	sld [smem:$0x3F99];
	s0 =	simm.s32 @p1 $0x1  }
0x15: {  	[smem:$0x3FB6] =	sst s0;
	s0 =	simm.s32 @!p2 $0x0  }
0x16: {  	s3 =	sld [smem:$0x3FDB];
	s0 =	simm.s32 @p2 $0x1  }
0x17: {  	s4 =	simm.s32 $0x1BF5;
	[smem:$0x3FB8] =	sst s0  }
0x18: {  	s0 =	sld [smem:$0x3F9B];
	_ =	swait.ge [sflag:s4], $0x0  }
0x19: {  	s7 =	sld [smem:$0x3F9C]  }
0x1a: {  	s8 =	sadd.s32 $0xFFFFE003, lr  }
0x1b: {  	s9 =	sadd.s32 $0xFFFFFEF7, lr;
	s5 =	simm.s32 $0xFFFFFFFF;
	p2 =	slt.u32 s8, $0xFFFFF086  }
0x1c: {  	p1 =	slt.u32 s9, $0xF7A;
	s5 =	simm.s32 @!p2 $0x0  }
0x1d: {  	s5 =	simm.s32 @p1 $0x1;
	p0 =	seq.s32 s7, s2  }
0x1e: {  	s7 =	smul.u32 @!p0 $0xF7A, s2;
	p2 =	seq.s32 @!p0 s5, $0x0  }
0x1f: {  	s9 =	smul.u32 $0xF7A, s1;
	s8 =	simm.s32 @!p0 $0x1BF5;
	p2 =	por !p2, p0  }
0x20: {  	[sflag:s8] =	ssyncset.s32 @!p0 $0xFFFFF086;
	s6 =	sadd.s32 @!p0 s3, s7;
	s7 =	simm.s32 @!p0 $0x108  }
0x21: {  	s3 =	sadd.s32 s3, s9;
	s6 =	sadd.s32 @!p0 $0x88, s6;
	s7 =	simm.s32 @p2 $0x1082  }
0x22: {  	[simem:s7], [sflag:s8] =	dma.local @!p0 [hbm:s6], $0xF7A  }
0x23: {  	s9 =	sor.u32 $0xD0000000, s2;
	s6 =	simm.s32 $0x108;
	_ =	swait.ge @!p0 [sflag:s8], $0x0  }
0x24: {  	s3 =	sadd.s32 $0x88, s3;
	s6 =	simm.s32 @!p1 $0x1082;
	[sflag:s4] =	ssyncset.s32 $0xFFFFF086  }
0x25: {  	[simem:s6], [sflag:s4] =	dma.local [hbm:s3], $0xF7A  }
0x26: {  	[smem:$0x3F9C] =	sst s1;
	(tag) =	ssettag s2;
	_ =	strace s9  }
0x27: {  	s1 =	sld [smem:$0x3FAC]  }
0x28: {  	s2 =	sld [smem:$0x3FAD]  }
0x29: {  	s4 =	sld [smem:$0x3FAF]  }
0x2a: {  	p0 =	seq.s32 s5, $0x0;
	s5 =	sld [smem:$0x3FB0]  }
0x2b: {  	s6 =	sld [smem:$0x3FB1]  }
0x2c: {  	s7 =	sld [smem:$0x3FB2]  }
0x2d: {  	s3 =	simm.s32 $0x108;
	s8 =	sld [smem:$0x3FB3]  }
0x2e: {  	s3 =	simm.s32 @!p0 $0x1082;
	s9 =	sld [smem:$0x3FB4]  }
0x2f: {  	lr =	sadd.s32 s0, s3;
	s0 =	sld [smem:$0x3FAB]  }
0x30: {  	s3 =	sld [smem:$0x3FAE]  }
0x31: {  	[smem:$0x3FB7] =	sst s10  }
0x32: {  	s10 =	sld [smem:$0x3FB5];
	_ =	sdelay $0x3  }
0x33: {  	p0 =	seq.s32 s10, $0x1;
	s10 =	sld [smem:$0x3FB7];
	_ =	sdelay $0x3  }
0x34: {  	[smem:$0x3FB7] =	sst s10  }
0x35: {  	s10 =	sld [smem:$0x3FB6];
	_ =	sdelay $0x3  }
0x36: {  	p1 =	seq.s32 s10, $0x1;
	s10 =	sld [smem:$0x3FB7];
	_ =	sdelay $0x3  }
0x37: {  	[smem:$0x3FB7] =	sst s10  }
0x38: {  	s10 =	sld [smem:$0x3FB8]  }
0x39: {  	_ = 	snop;
	(pc) =	sbr.ind lr, $3  }
0x3a: {  	_ = 	snop  }
0x3b: {  	_ = 	snop  }
0x3c: {  	p2 =	seq.s32 s10, $0x1;
	s10 =	sld [smem:$0x3FB7]  }
0x3d: {  	_ =	shalt  }
0x3e: {  	_ =	shalt  }
0x3f: {  	_ =	shalt  }
0x40: {  	_ =	shalt  }
0x41: {  	_ =	shalt  }
0x42: {  	_ =	shalt  }
0x43: {  	_ =	shalt  }
0x44: {  	_ =	shalt  }
0x45: {  	_ =	shalt  }
0x46: {  	_ =	shalt  }
0x47: {  	_ =	shalt  }
0x48: {  	_ =	shalt  }
0x49: {  	_ =	shalt  }
0x4a: {  	_ =	shalt  }
0x4b: {  	_ =	shalt  }
0x4c: {  	_ =	shalt  }
0x4d: {  	_ =	shalt  }
0x4e: {  	_ =	shalt  }
0x4f: {  	_ =	shalt  }
0x50: {  	_ =	shalt  }
0x51: {  	_ =	shalt  }
0x52: {  	_ =	shalt  }
0x53: {  	_ =	shalt  }
0x54: {  	_ =	shalt  }
0x55: {  	_ =	shalt  }
0x56: {  	_ =	shalt  }
0x57: {  	_ =	shalt  }
0x58: {  	_ =	shalt  }
0x59: {  	_ =	shalt  }
0x5a: {  	_ =	shalt  }
0x5b: {  	_ =	shalt  }
0x5c: {  	_ =	shalt  }
0x5d: {  	_ =	shalt  }
0x5e: {  	_ =	shalt  }
0x5f: {  	_ =	shalt  }
0x60: {  	_ =	shalt  }
0x61: {  	_ =	shalt  }
0x62: {  	_ =	shalt  }
0x63: {  	_ =	shalt  }
0x64: {  	_ =	shalt  }
0x65: {  	_ =	shalt  }
0x66: {  	_ =	shalt  }
0x67: {  	_ =	shalt  }
0x68: {  	_ =	shalt  }
0x69: {  	_ =	shalt  }
0x6a: {  	_ =	shalt  }
0x6b: {  	_ =	shalt  }
0x6c: {  	_ =	shalt  }
0x6d: {  	_ =	shalt  }
0x6e: {  	_ =	shalt  }
0x6f: {  	_ =	shalt  }
0x70: {  	_ =	shalt  }
0x71: {  	_ =	shalt  }
0x72: {  	_ =	shalt  }
0x73: {  	_ =	shalt  }
0x74: {  	_ =	shalt  }
0x75: {  	_ =	shalt  }
0x76: {  	_ =	shalt  }
0x77: {  	_ =	shalt  }
0x78: {  	_ =	shalt  }
0x79: {  	_ =	shalt  }
0x7a: {  	_ =	shalt  }
0x7b: {  	_ =	shalt  }
0x7c: {  	_ =	shalt  }
0x7d: {  	_ =	shalt  }
0x7e: {  	_ =	shalt  }
0x7f: {  	_ =	shalt  }
0x80: {  	_ =	shalt  }
0x81: {  	_ =	shalt  }
0x82: {  	_ =	shalt  }
0x83: {  	_ =	shalt  }
0x84: {  	_ =	shalt  }
0x85: {  	_ =	shalt  }
0x86: {  	_ =	shalt  }
0x87: {  	_ =	shalt  }
.Lfunc_end0:
.L_simem_size_0:
called_computation.3_lowered:
.L_overlay_start_0:
0x88: {  	s2 =	sld [smem:$0x3FD9]  }
0x89: {  	s3 =	sld [smem:$0x3FFE];
	_ =	sdelay $0x1  }
0x8a: {  	s1 =	srdreg.scid  }
0x8b: {  	s0 =	sand.u32 $0x1, s1  }
0x8c: {  	s17 =	sshll.u32 s0, $0xA;
	s2 =	sadd.s32 s3, s2  }
0x8d: {  	s2 =	sadd.s32 s2, s17  }
0x8e: {  	[smem:$0x3FC3] =	sst s2  }
0x8f: {  	_ = 	snop  }
0x90: {  	(tm) =	ssettm $0x1  }
0x91: {  	s18 =	sld [smem:$0x3FFB];
	_ =	sdelay $0x3  }
0x92: {  	_ =	strace s18  }
0x93: {  	s2 =	sld [smem:$0x3FFC];
	_ =	sdelay $0x3  }
0x94: {  	_ =	strace s2  }
0x95: {  	s2 =	sld [smem:$0x3FFD];
	_ =	sdelay $0x3  }
0x96: {  	_ =	strace s2  }
0x97: {  	_ =	strace $0x8FFFFFFF  }
0x98: {  	s19 =	sld [smem:$0x3FDB];
	_ =	sdelay $0x1  }
0x99: {  	s20 =	simm.s32 $_scs_section_size  }
0x9a: {  	s4 =	simm.s32 $_size__tile_overlayer_lowered;
	s5 =	simm.s32 $_tile_overlayer_lowered  }
0x9b: {  	s6 =	simm.s32 $0x1BFF;
	s21 =	sshll.u32 s5, $0x1;
	s3 =	sadd.s32 s20, s19  }
0x9c: {  	s22 =	simm.s32 $0x0;
	s4 =	sshll.u32 s4, $0x1;
	s5 =	sadd.s32 s21, s3  }
0x9d: {  	[timem:s22], [sflag:s6] =	dma.local [hbm:s5], s4  }
0x9e: {  	_ =	swait.ge [sflag:s6], s4  }
0x9f: {  	s4 =	ssub.s32 $0x0, s4;
	[sflag:s6] =	ssyncset.done $0x0  }
0xa0: {  	[sflag:s6] =	ssyncadd.s32 s4;
	_ =	sdelay $0x1  }
0xa1: {  	s23 =	simm.s32 $0x1B8B  }
0xa2: {  	_ =	swait.ge [sflag:s23], $0x1  }
0xa3: {  	[sflag:s23] =	ssyncset.done $0x0  }
0xa4: {  	[sflag:s23] =	ssyncadd.s32 $0xFFFFFFFF  }
0xa5: {  	s4 =	sld [smem:$0x0]  }
0xa6: {  	s5 =	sand.u32 $0xFFFFFFFE, s1  }
0xa7: {  	p0 =	sne.s32 s1, s5  }
0xa8: {  	s5 =	sshll.u32 @p0 s5, $0xE  }
0xa9: {  	s5 =	sadd.s32 @p0 $0x11B8D, s5;
	s6 =	sshll.u32 @p0 s4, $0x11  }
0xaa: {  	s5 =	sor.u32 @p0 s6, s5  }
0xab: {  	[sflag:s5] =	ssyncadd.remote.s32 @p0 $0x1;
	_ =	sdelay $0x1  }
0xac: {  	s5 =	simm.s32 @p0 $0x1B8D  }
0xad: {  	_ =	swait.eq @p0 [sflag:s5], $0x1  }
0xae: {  	[sflag:s5] =	ssyncadd.s32 @p0 $0xFFFFFFFF  }
0xaf: {  	s6 =	sshll.u32 @!p0 s1, $0xE  }
0xb0: {  	s6 =	sor.u32 @!p0 $0x4000, s6;
	s5 =	simm.s32 @!p0 $0x1B8D  }
0xb1: {  	s4 =	sshll.u32 @!p0 s4, $0x11;
	s6 =	sadd.s32 @!p0 $0x11B8D, s6;
	_ =	swait.eq @!p0 [sflag:s5], $0x1  }
0xb2: {  	s4 =	sor.u32 @!p0 s4, s6;
	[sflag:s5] =	ssyncadd.s32 @!p0 $0xFFFFFFFF  }
0xb3: {  	s25 =	simm.s32 $0x1B8E;
	s24 =	sld [smem:$0x3FFE];
	[sflag:s4] =	ssyncadd.remote.s32 @!p0 $0x1  }
0xb4: {  	s26 =	simm.s32 $execute0_lowered;
	[smem:$0x3FD2] =	sst s25  }
0xb5: {  	s5 =	sshll.u32 s26, $0x1;
	_ =	strace $0x8000004F;
	[dreg:$0x1] =	wrdreg $0xFFFFFFFF  }
0xb6: {  	s28 =	simm.s32 $_size_execute0_lowered;
	s3 =	sadd.s32 s3, s5;
	[dreg:$0x0] =	wrdreg $0x0  }
0xb7: {  	s5 =	sshll.u32 s28, $0x1;
	[dreg:$0x2] =	wrdreg s3  }
0xb8: {  	[dreg:$0x3] =	wrdreg s5  }
0xb9: {  	[dreg:$0x4] =	wrdreg $0xC0  }
0xba: {  	_ =	task [dreg:s22], $0x5FFFF  }
0xbb: {  	[dreg:$0x1] =	wrdreg $0xFFFFFFFF  }
0xbc: {  	[dreg:$0x0] =	wrdreg $0x60  }
0xbd: {  	[dreg:$0x2] =	wrdreg s24  }
0xbe: {  	[dreg:$0x3] =	wrdreg $0xC  }
0xbf: {  	_ =	task.clear_ibuf [dreg:s22], $0x4FFFF;
	_ =	strace $0x9000004F  }
0xc0: {  	s29 =	simm.s32 $0xC;
	_ =	strace $0x80000051  }
0xc1: {  	_ =	swait.ge [sflag:s29], $0x1  }
0xc2: {  	[sflag:s29] =	ssyncadd.s32 $0xFFFFFFFF  }
0xc3: {  	_ =	strace $0x90000051  }
0xc4: {  	_ =	sfence  }
0xc5: {  	s30 =	sld [smem:$0x0];
	_ =	sdelay $0x2  }
0xc6: {  	s31 =	sshll.u32 s1, $0xD;
	s1 =	sshrl.u32 s1, $0x2  }
0xc7: {  	s4 =	sand.u32 $0x4000, s31;
	s1 =	sadd.s32 s1, s30  }
0xc8: {  	s0 =	sor.u32 s4, s0;
	s1 =	sshll.u32 s1, $0x11  }
0xc9: {  	s0 =	sor.u32 s1, s0  }
0xca: {  	s0 =	sadd.s32 $0x8F2B, s0  }
0xcb: {  	[sflag:s0] =	ssyncadd.remote.s32 $0x1  }
0xcc: {  	_ =	sfence.sel $0xFFFF  }
0xcd: {  	[dreg:$0x0] =	wrdreg $0xFFFFFFFF;
	(pc) =	sbr.abs _section_cstart, $3  }
0xce: {  	[dreg:$0x1] =	wrdreg $0xFFFFFFFF  }
0xcf: {  	_ =	task.clear_ibuf [dreg:s22], $0x2FFFF;
	_ =	strace $0x9FFFFFFF  }
0xd0: {  	(tm) =	ssettm $0x7FFFFFFF  }
0xd1: {  	_ =	shalt  }
tec
execute0_lowered:
.L_overlay_start_1:
0x0: {  	(tag) =	ssettag $0x1  }
0x1: {  	s1 =	srdreg.scid;
	s0 =	stileid.u32  }
0x2: {  	s5 =	rddreg [dreg:$0x0];
	s2 =	simm.s32 $0x0;
	s10 =	simm.s32 $0x1280  }
0x3: {  	s11 =	simm.s32 $0x100;
	s12 =	simm.s32 $0x2280;
	s13 =	simm.s32 $0x180  }
0x4: {  	s14 =	simm.s32 $0x3280;
	s15 =	simm.s32 $0x200;
	s16 =	simm.s32 $0x4280  }
0x5: {  	s17 =	simm.s32 $0x1;
	s18 =	simm.s32 $0x20;
	s19 =	simm.s32 $0x0  }
0x6: {  	s3 =	sand.u32 $0x1, s1;
	s4 =	smul.u32 $0x1900, s0;
	s1 =	rddreg [dreg:$0x1]  }
0x7: {  	[smem:$0x7FF] =	sst s2;
	s28 =	sshrl.u32 s0, $0x1;
	s8 =	sshll.u32 s0, $0x3  }
0x8: {  	s6 =	smul.u32 $0xC80, s3;
	s7 =	ssub.s32 $0x2, s3;
	s3 =	sshll.u32 s3, $0x2  }
0x9: {  	_ =	strace $0x80000050;
	s29 =	sshrl.u32 s7, $0x1;
	s3 =	sor.u32 s3, s8  }
0xa: {  	s8 =	simm.s32 $0x80;
	s4 =	sadd.s32 s6, s4;
	s6 =	smul.u32 $0xC800, s28  }
0xb: {  	s30 =	sand.u32 $0xC, s3;
	s3 =	sadd.s32 $0x6C00, s5;
	s4 =	sshrl.u32 s4, $0x3  }
0xc: {  	s9 =	sadd.s32 s4, s5;
	s6 =	sadd.s32 s6, s5;
	s4 =	ssub.s32 s7, s29  }
0xd: {  	s7 =	simm.s32 $0x2;
	s31 =	sadd.s32 s30, s6;
	s6 =	sadd.s32 $0x3DDA00, s9  }
0xe: {  	s4 =	smax.u32 s4, $0x1;
	s9 =	simm.s32 $0x280;
	s5 =	sadd.s32 $0x4B5400, s31  }
.LBB2_1:
0xf: {  	s20 =	sadd.s32 $0x0, s6  }
0x10: {  	[tilespmem:s2], [sflag:$0x2] =	stream.linear.gather [hbm4b:s20+s2], $0x280, $0x38;
	[tilespmem:$0x5280] =	vst v63  }
0x11: {  	_ =	swait.ge [sflag:s7], $0x280  }
0x12: {  	[sflag:s7] =	ssyncset.done $0x0  }
0x13: {  	[sflag:s7] =	ssyncadd.s32 $0xFFFFFD80  }
0x14: {  	[tilespmem:s9], [sflag:$0x1] =	stream.indirect.gather [hbm4b:s3+s8], $0x20, s2, s8, $0xb8;
	[tilespmem:$0x5280] =	vst v63  }
0x15: {  	_ = 	snop  }
0x16: {  	[tilespmem:s10], [sflag:$0x1] =	stream.indirect.gather [hbm4b:s3+s8], $0x20, s8, s8, $0xb8;
	[tilespmem:$0x5280] =	vst v63  }
0x17: {  	_ = 	snop  }
0x18: {  	[tilespmem:s12], [sflag:$0x1] =	stream.indirect.gather [hbm4b:s3+s8], $0x20, s11, s8, $0xb8;
	[tilespmem:$0x5280] =	vst v63  }
0x19: {  	_ = 	snop  }
0x1a: {  	[tilespmem:s14], [sflag:$0x1] =	stream.indirect.gather [hbm4b:s3+s8], $0x20, s13, s8, $0xb8;
	[tilespmem:$0x5280] =	vst v63  }
0x1b: {  	_ = 	snop  }
0x1c: {  	[tilespmem:s16], [sflag:$0x1] =	stream.indirect.gather [hbm4b:s3+s8], $0x20, s15, s8, $0xb8;
	[tilespmem:$0x5280] =	vst v63  }
0x1d: {  	_ =	swait.ge [sflag:s17], $0x1000  }
0x1e: {  	[sflag:s17] =	ssyncset.done $0x0  }
0x1f: {  	[sflag:s17] =	ssyncadd.s32 $0xFFFFF000  }
0x20: {  	_ =	swait.ge [sflag:s17], $0x1000  }
0x21: {  	[sflag:s17] =	ssyncset.done $0x0  }
0x22: {  	[sflag:s17] =	ssyncadd.s32 $0xFFFFF000  }
0x23: {  	_ =	swait.ge [sflag:s17], $0x1000  }
0x24: {  	[sflag:s17] =	ssyncset.done $0x0  }
0x25: {  	[sflag:s17] =	ssyncadd.s32 $0xFFFFF000  }
0x26: {  	_ =	swait.ge [sflag:s17], $0x1000  }
0x27: {  	[sflag:s17] =	ssyncset.done $0x0  }
0x28: {  	[sflag:s17] =	ssyncadd.s32 $0xFFFFF000  }
0x29: {  	_ =	swait.ge [sflag:s17], $0x1000  }
0x2a: {  	[sflag:s17] =	ssyncset.done $0x0  }
0x2b: {  	[sflag:s17] =	ssyncadd.s32 $0xFFFFF000  }
0x2c: {  	[hbm4b:s5+s18] =	stream.strided.scatter [tilespmem:s9], [sflag:$0x2], $0x5000, s8, s18, $0x38;
	[tilespmem:$0x5280] =	vst v63  }
0x2d: {  	s21 =	simm.s32 $0x50;
	_ =	swait.ge [sflag:s7], $0x5000  }
0x2e: {  	s22 =	simm.s32 $0xA0;
	s20 =	sadd.s32 $0x2800, s5;
	[sflag:s7] =	ssyncset.done $0x0  }
.LBB2_2:
0x2f: {  	s23 =	sadd.s32 s21, s6  }
0x30: {  	[sflag:s7] =	ssyncadd.s32 $0xFFFFB000;
	s21 =	smov.u32 s22;
	s24 =	sadd.s32 $0x50, s22  }
0x31: {  	[tilespmem:s2], [sflag:$0x2] =	stream.linear.gather [hbm4b:s23+s2], $0x280, $0x38;
	[tilespmem:$0x5280] =	vst v63  }
0x32: {  	p0 =	sne.s32 s22, $0x140;
	_ =	swait.ge [sflag:s7], $0x280  }
0x33: {  	[sflag:s7] =	ssyncset.done $0x0  }
0x34: {  	[sflag:s7] =	ssyncadd.s32 $0xFFFFFD80  }
0x35: {  	[tilespmem:s9], [sflag:$0x1] =	stream.indirect.gather [hbm4b:s3+s8], $0x20, s2, s8, $0xb8;
	[tilespmem:$0x5280] =	vst v63  }
0x36: {  	_ = 	snop  }
0x37: {  	[tilespmem:s10], [sflag:$0x1] =	stream.indirect.gather [hbm4b:s3+s8], $0x20, s8, s8, $0xb8;
	[tilespmem:$0x5280] =	vst v63  }
0x38: {  	_ = 	snop  }
0x39: {  	[tilespmem:s12], [sflag:$0x1] =	stream.indirect.gather [hbm4b:s3+s8], $0x20, s11, s8, $0xb8;
	[tilespmem:$0x5280] =	vst v63  }
0x3a: {  	_ = 	snop  }
0x3b: {  	[tilespmem:s14], [sflag:$0x1] =	stream.indirect.gather [hbm4b:s3+s8], $0x20, s13, s8, $0xb8;
	[tilespmem:$0x5280] =	vst v63  }
0x3c: {  	_ = 	snop  }
0x3d: {  	[tilespmem:s16], [sflag:$0x1] =	stream.indirect.gather [hbm4b:s3+s8], $0x20, s15, s8, $0xb8;
	[tilespmem:$0x5280] =	vst v63  }
0x3e: {  	_ =	swait.ge [sflag:s17], $0x1000  }
0x3f: {  	[sflag:s17] =	ssyncset.done $0x0  }
0x40: {  	[sflag:s17] =	ssyncadd.s32 $0xFFFFF000  }
0x41: {  	_ =	swait.ge [sflag:s17], $0x1000  }
0x42: {  	[sflag:s17] =	ssyncset.done $0x0  }
0x43: {  	[sflag:s17] =	ssyncadd.s32 $0xFFFFF000  }
0x44: {  	_ =	swait.ge [sflag:s17], $0x1000  }
0x45: {  	[sflag:s17] =	ssyncset.done $0x0  }
0x46: {  	[sflag:s17] =	ssyncadd.s32 $0xFFFFF000  }
0x47: {  	_ =	swait.ge [sflag:s17], $0x1000  }
0x48: {  	[sflag:s17] =	ssyncset.done $0x0  }
0x49: {  	[sflag:s17] =	ssyncadd.s32 $0xFFFFF000  }
0x4a: {  	_ =	swait.ge [sflag:s17], $0x1000  }
.Ltmp0:
0x4b: {  	[sflag:s17] =	ssyncset.done $0x0;
	(pc) =	sbr.rel @p0 .LBB2_2-.Ltmp0, $4  }
0x4c: {  	[sflag:s17] =	ssyncadd.s32 $0xFFFFF000  }
0x4d: {  	[hbm4b:s20+s18] =	stream.strided.scatter [tilespmem:s9], [sflag:$0x2], $0x5000, s8, s18, $0x38;
	[tilespmem:$0x5280] =	vst v63  }
0x4e: {  	_ =	swait.ge [sflag:s7], $0x5000  }
0x4f: {  	s22 =	smov.u32 s24;
	s20 =	sadd.s32 $0x2800, s20;
	[sflag:s7] =	ssyncset.done $0x0  }
0x50: {  	s21 =	sadd.s32 s21, s6;
	[sflag:s7] =	ssyncadd.s32 $0xFFFFB000  }
0x51: {  	[tilespmem:s2], [sflag:$0x2] =	stream.linear.gather [hbm4b:s21+s2], $0x280, $0x38;
	[tilespmem:$0x5280] =	vst v63  }
0x52: {  	_ =	swait.ge [sflag:s7], $0x280  }
0x53: {  	[sflag:s7] =	ssyncset.done $0x0  }
0x54: {  	[sflag:s7] =	ssyncadd.s32 $0xFFFFFD80  }
0x55: {  	[tilespmem:s9], [sflag:$0x1] =	stream.indirect.gather [hbm4b:s3+s8], $0x20, s2, s8, $0xb8;
	[tilespmem:$0x5280] =	vst v63  }
0x56: {  	_ = 	snop  }
0x57: {  	[tilespmem:s10], [sflag:$0x1] =	stream.indirect.gather [hbm4b:s3+s8], $0x20, s8, s8, $0xb8;
	[tilespmem:$0x5280] =	vst v63  }
0x58: {  	_ = 	snop  }
0x59: {  	[tilespmem:s12], [sflag:$0x1] =	stream.indirect.gather [hbm4b:s3+s8], $0x20, s11, s8, $0xb8;
	[tilespmem:$0x5280] =	vst v63  }
0x5a: {  	_ = 	snop  }
0x5b: {  	[tilespmem:s14], [sflag:$0x1] =	stream.indirect.gather [hbm4b:s3+s8], $0x20, s13, s8, $0xb8;
	[tilespmem:$0x5280] =	vst v63  }
0x5c: {  	_ = 	snop  }
0x5d: {  	[tilespmem:s16], [sflag:$0x1] =	stream.indirect.gather [hbm4b:s3+s8], $0x20, s15, s8, $0xb8;
	[tilespmem:$0x5280] =	vst v63  }
0x5e: {  	_ =	swait.ge [sflag:s17], $0x1000  }
0x5f: {  	[sflag:s17] =	ssyncset.done $0x0  }
0x60: {  	[sflag:s17] =	ssyncadd.s32 $0xFFFFF000  }
0x61: {  	_ =	swait.ge [sflag:s17], $0x1000  }
0x62: {  	[sflag:s17] =	ssyncset.done $0x0  }
0x63: {  	[sflag:s17] =	ssyncadd.s32 $0xFFFFF000  }
0x64: {  	_ =	swait.ge [sflag:s17], $0x1000  }
0x65: {  	[sflag:s17] =	ssyncset.done $0x0  }
0x66: {  	[sflag:s17] =	ssyncadd.s32 $0xFFFFF000  }
0x67: {  	_ =	swait.ge [sflag:s17], $0x1000  }
0x68: {  	[sflag:s17] =	ssyncset.done $0x0  }
0x69: {  	[sflag:s17] =	ssyncadd.s32 $0xFFFFF000  }
0x6a: {  	s19 =	sadd.s32 $0x1, s19;
	_ =	swait.ge [sflag:s17], $0x1000  }
0x6b: {  	p0 =	sne.s32 s19, s4;
	[sflag:s17] =	ssyncset.done $0x0  }
.Ltmp1:
0x6c: {  	[sflag:s17] =	ssyncadd.s32 $0xFFFFF000;
	(pc) =	sbr.rel @p0 .LBB2_1-.Ltmp1, $4  }
0x6d: {  	[hbm4b:s20+s18] =	stream.strided.scatter [tilespmem:s9], [sflag:$0x2], $0x5000, s8, s18, $0x38;
	[tilespmem:$0x5280] =	vst v63  }
0x6e: {  	_ =	swait.ge [sflag:s7], $0x5000  }
0x6f: {  	[sflag:s7] =	ssyncset.done $0x0  }
0x70: {  	[sflag:s7] =	ssyncadd.s32 $0xFFFFB000  }
0x71: {  	_ =	sfence.sel $0x180000  }
0x72: {  	[bflag:$0x0] =	sbarrier.arrive $0xFFFF  }
0x73: {  	p0 =	sne.s32 s0, $0x0;
	_ =	strace $0x90000050  }
0x74: {  	s0 =	sadd.s32 @!p0 $0x100000, s1;
	[bflag:$0x2] =	sbarrier.arrive $0xFFFF  }
0x75: {  	[sflag:s0] =	ssyncadd.tile.s32 @!p0 $0x1;
	_ =	shalt  }
.Lfunc_end2:
_tile_overlayer_lowered:
.L_overlay_start_2:
0x76: {  	(tag) =	ssettag $0x2  }
0x77: {  	s0 =	rddreg [dreg:$0x0];
	s2 =	stileid.u32  }
0x78: {  	s1 =	rddreg [dreg:$0x1];
	p0 =	sne.s32 s2, $0x0  }
0x79: {  	s3 =	rddreg [dreg:$0x2];
	[bflag:$0x3] =	sbarrier.arrive $0xFFFF;
	s2 =	simm.s32 @!p0 $0x1C02  }
0x7a: {  	[timem:s3], [sflag:s2] =	dma.local @!p0 [hbm:s0], s1  }
0x7b: {  	s0 =	simm.s32 @!p0 $0x2  }
0x7c: {  	_ =	swait.ge @!p0 [sflag:s0], s1  }
0x7d: {  	s1 =	ssub.s32 @!p0 $0x0, s1;
	[sflag:s0] =	ssyncset.done @!p0 $0x0  }
0x7e: {  	[sflag:s0] =	ssyncadd.s32 @!p0 s1  }
0x7f: {  	[bflag:$0x3] =	sbarrier.arrive $0xFFFF  }
0x80: {  	_ =	shalt  }

// kernel: kernel.31.cloned.1.call-start
scs
__scs_entry_jumppad:
0x0: {  	(pc) =	sbr.rel $0x88, $3  }
0x1: {  	(tag) =	ssettag $0x0;
	lr =	simm.s32 $0x1  }
0x2: {  	[smem:$0x3F9C] =	sst lr;
	_ =	strace $0xD0000000  }
0x3: {  	_ = 	snop  }
0x4: {  	_ = 	snop  }
0x5: {  	_ = 	snop  }
0x6: {  	_ = 	snop  }
0x7: {  	_ = 	snop  }
__scs_overlays_trampoline_lowered:
0x8: {  	[smem:$0x3FAB] =	sst s0  }
0x9: {  	[smem:$0x3FAC] =	sst s1  }
0xa: {  	[smem:$0x3FAD] =	sst s2  }
0xb: {  	[smem:$0x3FAE] =	sst s3  }
0xc: {  	[smem:$0x3FAF] =	sst s4  }
0xd: {  	[smem:$0x3FB0] =	sst s5  }
0xe: {  	[smem:$0x3FB1] =	sst s6  }
0xf: {  	[smem:$0x3FB2] =	sst s7  }
0x10: {  	[smem:$0x3FB3] =	sst s8  }
0x11: {  	[smem:$0x3FB4] =	sst s9;
	s0 =	simm.s32 @!p0 $0x0  }
0x12: {  	s1 =	sld [smem:$0x3F9A];
	s0 =	simm.s32 @p0 $0x1  }
0x13: {  	[smem:$0x3FB5] =	sst s0;
	s0 =	simm.s32 @!p1 $0x0  }
0x14: {  	s2 =	sld [smem:$0x3F99];
	s0 =	simm.s32 @p1 $0x1  }
0x15: {  	[smem:$0x3FB6] =	sst s0;
	s0 =	simm.s32 @!p2 $0x0  }
0x16: {  	s3 =	sld [smem:$0x3FDB];
	s0 =	simm.s32 @p2 $0x1  }
0x17: {  	s4 =	simm.s32 $0x1BF5;
	[smem:$0x3FB8] =	sst s0  }
0x18: {  	s0 =	sld [smem:$0x3F9B];
	_ =	swait.ge [sflag:s4], $0x0  }
0x19: {  	s7 =	sld [smem:$0x3F9C]  }
0x1a: {  	s8 =	sadd.s32 $0xFFFFE003, lr  }
0x1b: {  	s9 =	sadd.s32 $0xFFFFFEF7, lr;
	s5 =	simm.s32 $0xFFFFFFFF;
	p2 =	slt.u32 s8, $0xFFFFF086  }
0x1c: {  	p1 =	slt.u32 s9, $0xF7A;
	s5 =	simm.s32 @!p2 $0x0  }
0x1d: {  	s5 =	simm.s32 @p1 $0x1;
	p0 =	seq.s32 s7, s2  }
0x1e: {  	s7 =	smul.u32 @!p0 $0xF7A, s2;
	p2 =	seq.s32 @!p0 s5, $0x0  }
0x1f: {  	s9 =	smul.u32 $0xF7A, s1;
	s8 =	simm.s32 @!p0 $0x1BF5;
	p2 =	por !p2, p0  }
0x20: {  	[sflag:s8] =	ssyncset.s32 @!p0 $0xFFFFF086;
	s6 =	sadd.s32 @!p0 s3, s7;
	s7 =	simm.s32 @!p0 $0x108  }
0x21: {  	s3 =	sadd.s32 s3, s9;
	s6 =	sadd.s32 @!p0 $0x88, s6;
	s7 =	simm.s32 @p2 $0x1082  }
0x22: {  	[simem:s7], [sflag:s8] =	dma.local @!p0 [hbm:s6], $0xF7A  }
0x23: {  	s9 =	sor.u32 $0xD0000000, s2;
	s6 =	simm.s32 $0x108;
	_ =	swait.ge @!p0 [sflag:s8], $0x0  }
0x24: {  	s3 =	sadd.s32 $0x88, s3;
	s6 =	simm.s32 @!p1 $0x1082;
	[sflag:s4] =	ssyncset.s32 $0xFFFFF086  }
0x25: {  	[simem:s6], [sflag:s4] =	dma.local [hbm:s3], $0xF7A  }
0x26: {  	[smem:$0x3F9C] =	sst s1;
	(tag) =	ssettag s2;
	_ =	strace s9  }
0x27: {  	s1 =	sld [smem:$0x3FAC]  }
0x28: {  	s2 =	sld [smem:$0x3FAD]  }
0x29: {  	s4 =	sld [smem:$0x3FAF]  }
0x2a: {  	p0 =	seq.s32 s5, $0x0;
	s5 =	sld [smem:$0x3FB0]  }
0x2b: {  	s6 =	sld [smem:$0x3FB1]  }
0x2c: {  	s7 =	sld [smem:$0x3FB2]  }
0x2d: {  	s3 =	simm.s32 $0x108;
	s8 =	sld [smem:$0x3FB3]  }
0x2e: {  	s3 =	simm.s32 @!p0 $0x1082;
	s9 =	sld [smem:$0x3FB4]  }
0x2f: {  	lr =	sadd.s32 s0, s3;
	s0 =	sld [smem:$0x3FAB]  }
0x30: {  	s3 =	sld [smem:$0x3FAE]  }
0x31: {  	[smem:$0x3FB7] =	sst s10  }
0x32: {  	s10 =	sld [smem:$0x3FB5];
	_ =	sdelay $0x3  }
0x33: {  	p0 =	seq.s32 s10, $0x1;
	s10 =	sld [smem:$0x3FB7];
	_ =	sdelay $0x3  }
0x34: {  	[smem:$0x3FB7] =	sst s10  }
0x35: {  	s10 =	sld [smem:$0x3FB6];
	_ =	sdelay $0x3  }
0x36: {  	p1 =	seq.s32 s10, $0x1;
	s10 =	sld [smem:$0x3FB7];
	_ =	sdelay $0x3  }
0x37: {  	[smem:$0x3FB7] =	sst s10  }
0x38: {  	s10 =	sld [smem:$0x3FB8]  }
0x39: {  	_ = 	snop;
	(pc) =	sbr.ind lr, $3  }
0x3a: {  	_ = 	snop  }
0x3b: {  	_ = 	snop  }
0x3c: {  	p2 =	seq.s32 s10, $0x1;
	s10 =	sld [smem:$0x3FB7]  }
0x3d: {  	_ =	shalt  }
0x3e: {  	_ =	shalt  }
0x3f: {  	_ =	shalt  }
0x40: {  	_ =	shalt  }
0x41: {  	_ =	shalt  }
0x42: {  	_ =	shalt  }
0x43: {  	_ =	shalt  }
0x44: {  	_ =	shalt  }
0x45: {  	_ =	shalt  }
0x46: {  	_ =	shalt  }
0x47: {  	_ =	shalt  }
0x48: {  	_ =	shalt  }
0x49: {  	_ =	shalt  }
0x4a: {  	_ =	shalt  }
0x4b: {  	_ =	shalt  }
0x4c: {  	_ =	shalt  }
0x4d: {  	_ =	shalt  }
0x4e: {  	_ =	shalt  }
0x4f: {  	_ =	shalt  }
0x50: {  	_ =	shalt  }
0x51: {  	_ =	shalt  }
0x52: {  	_ =	shalt  }
0x53: {  	_ =	shalt  }
0x54: {  	_ =	shalt  }
0x55: {  	_ =	shalt  }
0x56: {  	_ =	shalt  }
0x57: {  	_ =	shalt  }
0x58: {  	_ =	shalt  }
0x59: {  	_ =	shalt  }
0x5a: {  	_ =	shalt  }
0x5b: {  	_ =	shalt  }
0x5c: {  	_ =	shalt  }
0x5d: {  	_ =	shalt  }
0x5e: {  	_ =	shalt  }
0x5f: {  	_ =	shalt  }
0x60: {  	_ =	shalt  }
0x61: {  	_ =	shalt  }
0x62: {  	_ =	shalt  }
0x63: {  	_ =	shalt  }
0x64: {  	_ =	shalt  }
0x65: {  	_ =	shalt  }
0x66: {  	_ =	shalt  }
0x67: {  	_ =	shalt  }
0x68: {  	_ =	shalt  }
0x69: {  	_ =	shalt  }
0x6a: {  	_ =	shalt  }
0x6b: {  	_ =	shalt  }
0x6c: {  	_ =	shalt  }
0x6d: {  	_ =	shalt  }
0x6e: {  	_ =	shalt  }
0x6f: {  	_ =	shalt  }
0x70: {  	_ =	shalt  }
0x71: {  	_ =	shalt  }
0x72: {  	_ =	shalt  }
0x73: {  	_ =	shalt  }
0x74: {  	_ =	shalt  }
0x75: {  	_ =	shalt  }
0x76: {  	_ =	shalt  }
0x77: {  	_ =	shalt  }
0x78: {  	_ =	shalt  }
0x79: {  	_ =	shalt  }
0x7a: {  	_ =	shalt  }
0x7b: {  	_ =	shalt  }
0x7c: {  	_ =	shalt  }
0x7d: {  	_ =	shalt  }
0x7e: {  	_ =	shalt  }
0x7f: {  	_ =	shalt  }
0x80: {  	_ =	shalt  }
0x81: {  	_ =	shalt  }
0x82: {  	_ =	shalt  }
0x83: {  	_ =	shalt  }
0x84: {  	_ =	shalt  }
0x85: {  	_ =	shalt  }
0x86: {  	_ =	shalt  }
0x87: {  	_ =	shalt  }
.Lfunc_end0:
.L_simem_size_0:
called_computation.4_lowered:
.L_overlay_start_0:
0x88: {  	s2 =	sld [smem:$0x3FD9]  }
0x89: {  	s3 =	sld [smem:$0x3FFE];
	_ =	sdelay $0x1  }
0x8a: {  	s1 =	srdreg.scid  }
0x8b: {  	s0 =	sand.u32 $0x1, s1  }
0x8c: {  	s17 =	sshll.u32 s0, $0xA;
	s2 =	sadd.s32 s3, s2  }
0x8d: {  	s2 =	sadd.s32 s2, s17  }
0x8e: {  	[smem:$0x3FC3] =	sst s2  }
0x8f: {  	_ = 	snop  }
0x90: {  	(tm) =	ssettm $0x1  }
0x91: {  	s18 =	sld [smem:$0x3FFB];
	_ =	sdelay $0x3  }
0x92: {  	_ =	strace s18  }
0x93: {  	s2 =	sld [smem:$0x3FFC];
	_ =	sdelay $0x3  }
0x94: {  	_ =	strace s2  }
0x95: {  	s2 =	sld [smem:$0x3FFD];
	_ =	sdelay $0x3  }
0x96: {  	_ =	strace s2  }
0x97: {  	_ =	strace $0x8FFFFFFF  }
0x98: {  	s19 =	sld [smem:$0x3FDB];
	_ =	sdelay $0x1  }
0x99: {  	s20 =	simm.s32 $_scs_section_size  }
0x9a: {  	s4 =	simm.s32 $_size__tile_overlayer_lowered;
	s5 =	simm.s32 $_tile_overlayer_lowered  }
0x9b: {  	s6 =	simm.s32 $0x1BFF;
	s21 =	sshll.u32 s5, $0x1;
	s3 =	sadd.s32 s20, s19  }
0x9c: {  	s22 =	simm.s32 $0x0;
	s4 =	sshll.u32 s4, $0x1;
	s5 =	sadd.s32 s21, s3  }
0x9d: {  	[timem:s22], [sflag:s6] =	dma.local [hbm:s5], s4  }
0x9e: {  	_ =	swait.ge [sflag:s6], s4  }
0x9f: {  	s4 =	ssub.s32 $0x0, s4;
	[sflag:s6] =	ssyncset.done $0x0  }
0xa0: {  	[sflag:s6] =	ssyncadd.s32 s4;
	_ =	sdelay $0x1  }
0xa1: {  	s23 =	simm.s32 $0x1B8B  }
0xa2: {  	_ =	swait.ge [sflag:s23], $0x1  }
0xa3: {  	[sflag:s23] =	ssyncset.done $0x0  }
0xa4: {  	[sflag:s23] =	ssyncadd.s32 $0xFFFFFFFF  }
0xa5: {  	s4 =	sld [smem:$0x0]  }
0xa6: {  	s5 =	sand.u32 $0xFFFFFFFE, s1  }
0xa7: {  	p0 =	sne.s32 s1, s5  }
0xa8: {  	s5 =	sshll.u32 @p0 s5, $0xE  }
0xa9: {  	s5 =	sadd.s32 @p0 $0x11B8D, s5;
	s6 =	sshll.u32 @p0 s4, $0x11  }
0xaa: {  	s5 =	sor.u32 @p0 s6, s5  }
0xab: {  	[sflag:s5] =	ssyncadd.remote.s32 @p0 $0x1;
	_ =	sdelay $0x1  }
0xac: {  	s5 =	simm.s32 @p0 $0x1B8D  }
0xad: {  	_ =	swait.eq @p0 [sflag:s5], $0x1  }
0xae: {  	[sflag:s5] =	ssyncadd.s32 @p0 $0xFFFFFFFF  }
0xaf: {  	s6 =	sshll.u32 @!p0 s1, $0xE  }
0xb0: {  	s6 =	sor.u32 @!p0 $0x4000, s6;
	s5 =	simm.s32 @!p0 $0x1B8D  }
0xb1: {  	s4 =	sshll.u32 @!p0 s4, $0x11;
	s6 =	sadd.s32 @!p0 $0x11B8D, s6;
	_ =	swait.eq @!p0 [sflag:s5], $0x1  }
0xb2: {  	s4 =	sor.u32 @!p0 s4, s6;
	[sflag:s5] =	ssyncadd.s32 @!p0 $0xFFFFFFFF  }
0xb3: {  	s25 =	simm.s32 $0x1B8E;
	s24 =	sld [smem:$0x3FFE];
	[sflag:s4] =	ssyncadd.remote.s32 @!p0 $0x1  }
0xb4: {  	s26 =	simm.s32 $execute0_lowered;
	[smem:$0x3FD2] =	sst s25  }
0xb5: {  	s5 =	sshll.u32 s26, $0x1;
	_ =	strace $0x80000052;
	[dreg:$0x1] =	wrdreg $0xFFFFFFFF  }
0xb6: {  	s28 =	simm.s32 $_size_execute0_lowered;
	s3 =	sadd.s32 s3, s5;
	[dreg:$0x0] =	wrdreg $0x0  }
0xb7: {  	s5 =	sshll.u32 s28, $0x1;
	[dreg:$0x2] =	wrdreg s3  }
0xb8: {  	[dreg:$0x3] =	wrdreg s5  }
0xb9: {  	[dreg:$0x4] =	wrdreg $0xC0  }
0xba: {  	_ =	task [dreg:s22], $0x5FFFF  }
0xbb: {  	[dreg:$0x1] =	wrdreg $0xFFFFFFFF  }
0xbc: {  	[dreg:$0x0] =	wrdreg $0x60  }
0xbd: {  	[dreg:$0x2] =	wrdreg s24  }
0xbe: {  	[dreg:$0x3] =	wrdreg $0xD  }
0xbf: {  	_ =	task.clear_ibuf [dreg:s22], $0x4FFFF;
	_ =	strace $0x90000052  }
0xc0: {  	s29 =	simm.s32 $0xD;
	_ =	strace $0x80000054  }
0xc1: {  	_ =	swait.ge [sflag:s29], $0x1  }
0xc2: {  	[sflag:s29] =	ssyncadd.s32 $0xFFFFFFFF  }
0xc3: {  	_ =	strace $0x90000054  }
0xc4: {  	_ =	sfence  }
0xc5: {  	s30 =	sld [smem:$0x0];
	_ =	sdelay $0x2  }
0xc6: {  	s31 =	sshll.u32 s1, $0xD;
	s1 =	sshrl.u32 s1, $0x2  }
0xc7: {  	s4 =	sand.u32 $0x4000, s31;
	s1 =	sadd.s32 s1, s30  }
0xc8: {  	s0 =	sor.u32 s4, s0;
	s1 =	sshll.u32 s1, $0x11  }
0xc9: {  	s0 =	sor.u32 s1, s0  }
0xca: {  	s0 =	sadd.s32 $0x8F2B, s0  }
0xcb: {  	[sflag:s0] =	ssyncadd.remote.s32 $0x1  }
0xcc: {  	_ =	sfence.sel $0xFFFF  }
0xcd: {  	[dreg:$0x0] =	wrdreg $0xFFFFFFFF;
	(pc) =	sbr.abs _section_cstart, $3  }
0xce: {  	[dreg:$0x1] =	wrdreg $0xFFFFFFFF  }
0xcf: {  	_ =	task.clear_ibuf [dreg:s22], $0x2FFFF;
	_ =	strace $0x9FFFFFFF  }
0xd0: {  	(tm) =	ssettm $0x7FFFFFFF  }
0xd1: {  	_ =	shalt  }
tec
execute0_lowered:
.L_overlay_start_1:
0x0: {  	(tag) =	ssettag $0x1  }
0x1: {  	s1 =	srdreg.scid;
	s0 =	stileid.u32  }
0x2: {  	s5 =	rddreg [dreg:$0x0];
	s2 =	simm.s32 $0x0;
	s10 =	simm.s32 $0x1280  }
0x3: {  	s11 =	simm.s32 $0x100;
	s12 =	simm.s32 $0x2280;
	s13 =	simm.s32 $0x180  }
0x4: {  	s14 =	simm.s32 $0x3280;
	s15 =	simm.s32 $0x200;
	s16 =	simm.s32 $0x4280  }
0x5: {  	s17 =	simm.s32 $0x1;
	s18 =	simm.s32 $0x20;
	s19 =	simm.s32 $0x0  }
0x6: {  	s3 =	sand.u32 $0x1, s1;
	s4 =	smul.u32 $0x1900, s0;
	s1 =	rddreg [dreg:$0x1]  }
0x7: {  	[smem:$0x7FF] =	sst s2;
	s28 =	sshrl.u32 s0, $0x1;
	s8 =	sshll.u32 s0, $0x3  }
0x8: {  	s6 =	smul.u32 $0xC80, s3;
	s7 =	ssub.s32 $0x2, s3;
	s3 =	sshll.u32 s3, $0x2  }
0x9: {  	_ =	strace $0x80000053;
	s29 =	sshrl.u32 s7, $0x1;
	s3 =	sor.u32 s3, s8  }
0xa: {  	s8 =	simm.s32 $0x80;
	s4 =	sadd.s32 s6, s4;
	s6 =	smul.u32 $0xC800, s28  }
0xb: {  	s30 =	sand.u32 $0xC, s3;
	s3 =	sadd.s32 $0x6C00, s5;
	s4 =	sshrl.u32 s4, $0x3  }
0xc: {  	s9 =	sadd.s32 s4, s5;
	s6 =	sadd.s32 s6, s5;
	s4 =	ssub.s32 s7, s29  }
0xd: {  	s7 =	simm.s32 $0x2;
	s31 =	sadd.s32 s30, s6;
	s6 =	sadd.s32 $0x3E0C00, s9  }
0xe: {  	s4 =	smax.u32 s4, $0x1;
	s9 =	simm.s32 $0x280;
	s5 =	sadd.s32 $0x519400, s31  }
.LBB2_1:
0xf: {  	s20 =	sadd.s32 $0x0, s6  }
0x10: {  	[tilespmem:s2], [sflag:$0x2] =	stream.linear.gather [hbm4b:s20+s2], $0x280, $0x38;
	[tilespmem:$0x5280] =	vst v63  }
0x11: {  	_ =	swait.ge [sflag:s7], $0x280  }
0x12: {  	[sflag:s7] =	ssyncset.done $0x0  }
0x13: {  	[sflag:s7] =	ssyncadd.s32 $0xFFFFFD80  }
0x14: {  	[tilespmem:s9], [sflag:$0x1] =	stream.indirect.gather [hbm4b:s3+s8], $0x20, s2, s8, $0xb8;
	[tilespmem:$0x5280] =	vst v63  }
0x15: {  	_ = 	snop  }
0x16: {  	[tilespmem:s10], [sflag:$0x1] =	stream.indirect.gather [hbm4b:s3+s8], $0x20, s8, s8, $0xb8;
	[tilespmem:$0x5280] =	vst v63  }
0x17: {  	_ = 	snop  }
0x18: {  	[tilespmem:s12], [sflag:$0x1] =	stream.indirect.gather [hbm4b:s3+s8], $0x20, s11, s8, $0xb8;
	[tilespmem:$0x5280] =	vst v63  }
0x19: {  	_ = 	snop  }
0x1a: {  	[tilespmem:s14], [sflag:$0x1] =	stream.indirect.gather [hbm4b:s3+s8], $0x20, s13, s8, $0xb8;
	[tilespmem:$0x5280] =	vst v63  }
0x1b: {  	_ = 	snop  }
0x1c: {  	[tilespmem:s16], [sflag:$0x1] =	stream.indirect.gather [hbm4b:s3+s8], $0x20, s15, s8, $0xb8;
	[tilespmem:$0x5280] =	vst v63  }
0x1d: {  	_ =	swait.ge [sflag:s17], $0x1000  }
0x1e: {  	[sflag:s17] =	ssyncset.done $0x0  }
0x1f: {  	[sflag:s17] =	ssyncadd.s32 $0xFFFFF000  }
0x20: {  	_ =	swait.ge [sflag:s17], $0x1000  }
0x21: {  	[sflag:s17] =	ssyncset.done $0x0  }
0x22: {  	[sflag:s17] =	ssyncadd.s32 $0xFFFFF000  }
0x23: {  	_ =	swait.ge [sflag:s17], $0x1000  }
0x24: {  	[sflag:s17] =	ssyncset.done $0x0  }
0x25: {  	[sflag:s17] =	ssyncadd.s32 $0xFFFFF000  }
0x26: {  	_ =	swait.ge [sflag:s17], $0x1000  }
0x27: {  	[sflag:s17] =	ssyncset.done $0x0  }
0x28: {  	[sflag:s17] =	ssyncadd.s32 $0xFFFFF000  }
0x29: {  	_ =	swait.ge [sflag:s17], $0x1000  }
0x2a: {  	[sflag:s17] =	ssyncset.done $0x0  }
0x2b: {  	[sflag:s17] =	ssyncadd.s32 $0xFFFFF000  }
0x2c: {  	[hbm4b:s5+s18] =	stream.strided.scatter [tilespmem:s9], [sflag:$0x2], $0x5000, s8, s18, $0x38;
	[tilespmem:$0x5280] =	vst v63  }
0x2d: {  	s21 =	simm.s32 $0x50;
	_ =	swait.ge [sflag:s7], $0x5000  }
0x2e: {  	s22 =	simm.s32 $0xA0;
	s20 =	sadd.s32 $0x2800, s5;
	[sflag:s7] =	ssyncset.done $0x0  }
.LBB2_2:
0x2f: {  	s23 =	sadd.s32 s21, s6  }
0x30: {  	[sflag:s7] =	ssyncadd.s32 $0xFFFFB000;
	s21 =	smov.u32 s22;
	s24 =	sadd.s32 $0x50, s22  }
0x31: {  	[tilespmem:s2], [sflag:$0x2] =	stream.linear.gather [hbm4b:s23+s2], $0x280, $0x38;
	[tilespmem:$0x5280] =	vst v63  }
0x32: {  	p0 =	sne.s32 s22, $0x140;
	_ =	swait.ge [sflag:s7], $0x280  }
0x33: {  	[sflag:s7] =	ssyncset.done $0x0  }
0x34: {  	[sflag:s7] =	ssyncadd.s32 $0xFFFFFD80  }
0x35: {  	[tilespmem:s9], [sflag:$0x1] =	stream.indirect.gather [hbm4b:s3+s8], $0x20, s2, s8, $0xb8;
	[tilespmem:$0x5280] =	vst v63  }
0x36: {  	_ = 	snop  }
0x37: {  	[tilespmem:s10], [sflag:$0x1] =	stream.indirect.gather [hbm4b:s3+s8], $0x20, s8, s8, $0xb8;
	[tilespmem:$0x5280] =	vst v63  }
0x38: {  	_ = 	snop  }
0x39: {  	[tilespmem:s12], [sflag:$0x1] =	stream.indirect.gather [hbm4b:s3+s8], $0x20, s11, s8, $0xb8;
	[tilespmem:$0x5280] =	vst v63  }
0x3a: {  	_ = 	snop  }
0x3b: {  	[tilespmem:s14], [sflag:$0x1] =	stream.indirect.gather [hbm4b:s3+s8], $0x20, s13, s8, $0xb8;
	[tilespmem:$0x5280] =	vst v63  }
0x3c: {  	_ = 	snop  }
0x3d: {  	[tilespmem:s16], [sflag:$0x1] =	stream.indirect.gather [hbm4b:s3+s8], $0x20, s15, s8, $0xb8;
	[tilespmem:$0x5280] =	vst v63  }
0x3e: {  	_ =	swait.ge [sflag:s17], $0x1000  }
0x3f: {  	[sflag:s17] =	ssyncset.done $0x0  }
0x40: {  	[sflag:s17] =	ssyncadd.s32 $0xFFFFF000  }
0x41: {  	_ =	swait.ge [sflag:s17], $0x1000  }
0x42: {  	[sflag:s17] =	ssyncset.done $0x0  }
0x43: {  	[sflag:s17] =	ssyncadd.s32 $0xFFFFF000  }
0x44: {  	_ =	swait.ge [sflag:s17], $0x1000  }
0x45: {  	[sflag:s17] =	ssyncset.done $0x0  }
0x46: {  	[sflag:s17] =	ssyncadd.s32 $0xFFFFF000  }
0x47: {  	_ =	swait.ge [sflag:s17], $0x1000  }
0x48: {  	[sflag:s17] =	ssyncset.done $0x0  }
0x49: {  	[sflag:s17] =	ssyncadd.s32 $0xFFFFF000  }
0x4a: {  	_ =	swait.ge [sflag:s17], $0x1000  }
.Ltmp0:
0x4b: {  	[sflag:s17] =	ssyncset.done $0x0;
	(pc) =	sbr.rel @p0 .LBB2_2-.Ltmp0, $4  }
0x4c: {  	[sflag:s17] =	ssyncadd.s32 $0xFFFFF000  }
0x4d: {  	[hbm4b:s20+s18] =	stream.strided.scatter [tilespmem:s9], [sflag:$0x2], $0x5000, s8, s18, $0x38;
	[tilespmem:$0x5280] =	vst v63  }
0x4e: {  	_ =	swait.ge [sflag:s7], $0x5000  }
0x4f: {  	s22 =	smov.u32 s24;
	s20 =	sadd.s32 $0x2800, s20;
	[sflag:s7] =	ssyncset.done $0x0  }
0x50: {  	s21 =	sadd.s32 s21, s6;
	[sflag:s7] =	ssyncadd.s32 $0xFFFFB000  }
0x51: {  	[tilespmem:s2], [sflag:$0x2] =	stream.linear.gather [hbm4b:s21+s2], $0x280, $0x38;
	[tilespmem:$0x5280] =	vst v63  }
0x52: {  	_ =	swait.ge [sflag:s7], $0x280  }
0x53: {  	[sflag:s7] =	ssyncset.done $0x0  }
0x54: {  	[sflag:s7] =	ssyncadd.s32 $0xFFFFFD80  }
0x55: {  	[tilespmem:s9], [sflag:$0x1] =	stream.indirect.gather [hbm4b:s3+s8], $0x20, s2, s8, $0xb8;
	[tilespmem:$0x5280] =	vst v63  }
0x56: {  	_ = 	snop  }
0x57: {  	[tilespmem:s10], [sflag:$0x1] =	stream.indirect.gather [hbm4b:s3+s8], $0x20, s8, s8, $0xb8;
	[tilespmem:$0x5280] =	vst v63  }
0x58: {  	_ = 	snop  }
0x59: {  	[tilespmem:s12], [sflag:$0x1] =	stream.indirect.gather [hbm4b:s3+s8], $0x20, s11, s8, $0xb8;
	[tilespmem:$0x5280] =	vst v63  }
0x5a: {  	_ = 	snop  }
0x5b: {  	[tilespmem:s14], [sflag:$0x1] =	stream.indirect.gather [hbm4b:s3+s8], $0x20, s13, s8, $0xb8;
	[tilespmem:$0x5280] =	vst v63  }
0x5c: {  	_ = 	snop  }
0x5d: {  	[tilespmem:s16], [sflag:$0x1] =	stream.indirect.gather [hbm4b:s3+s8], $0x20, s15, s8, $0xb8;
	[tilespmem:$0x5280] =	vst v63  }
0x5e: {  	_ =	swait.ge [sflag:s17], $0x1000  }
0x5f: {  	[sflag:s17] =	ssyncset.done $0x0  }
0x60: {  	[sflag:s17] =	ssyncadd.s32 $0xFFFFF000  }
0x61: {  	_ =	swait.ge [sflag:s17], $0x1000  }
0x62: {  	[sflag:s17] =	ssyncset.done $0x0  }
0x63: {  	[sflag:s17] =	ssyncadd.s32 $0xFFFFF000  }
0x64: {  	_ =	swait.ge [sflag:s17], $0x1000  }
0x65: {  	[sflag:s17] =	ssyncset.done $0x0  }
0x66: {  	[sflag:s17] =	ssyncadd.s32 $0xFFFFF000  }
0x67: {  	_ =	swait.ge [sflag:s17], $0x1000  }
0x68: {  	[sflag:s17] =	ssyncset.done $0x0  }
0x69: {  	[sflag:s17] =	ssyncadd.s32 $0xFFFFF000  }
0x6a: {  	s19 =	sadd.s32 $0x1, s19;
	_ =	swait.ge [sflag:s17], $0x1000  }
0x6b: {  	p0 =	sne.s32 s19, s4;
	[sflag:s17] =	ssyncset.done $0x0  }
.Ltmp1:
0x6c: {  	[sflag:s17] =	ssyncadd.s32 $0xFFFFF000;
	(pc) =	sbr.rel @p0 .LBB2_1-.Ltmp1, $4  }
0x6d: {  	[hbm4b:s20+s18] =	stream.strided.scatter [tilespmem:s9], [sflag:$0x2], $0x5000, s8, s18, $0x38;
	[tilespmem:$0x5280] =	vst v63  }
0x6e: {  	_ =	swait.ge [sflag:s7], $0x5000  }
0x6f: {  	[sflag:s7] =	ssyncset.done $0x0  }
0x70: {  	[sflag:s7] =	ssyncadd.s32 $0xFFFFB000  }
0x71: {  	_ =	sfence.sel $0x180000  }
0x72: {  	[bflag:$0x0] =	sbarrier.arrive $0xFFFF  }
0x73: {  	p0 =	sne.s32 s0, $0x0;
	_ =	strace $0x90000053  }
0x74: {  	s0 =	sadd.s32 @!p0 $0x100000, s1;
	[bflag:$0x2] =	sbarrier.arrive $0xFFFF  }
0x75: {  	[sflag:s0] =	ssyncadd.tile.s32 @!p0 $0x1;
	_ =	shalt  }
.Lfunc_end2:
_tile_overlayer_lowered:
.L_overlay_start_2:
0x76: {  	(tag) =	ssettag $0x2  }
0x77: {  	s0 =	rddreg [dreg:$0x0];
	s2 =	stileid.u32  }
0x78: {  	s1 =	rddreg [dreg:$0x1];
	p0 =	sne.s32 s2, $0x0  }
0x79: {  	s3 =	rddreg [dreg:$0x2];
	[bflag:$0x3] =	sbarrier.arrive $0xFFFF;
	s2 =	simm.s32 @!p0 $0x1C02  }
0x7a: {  	[timem:s3], [sflag:s2] =	dma.local @!p0 [hbm:s0], s1  }
0x7b: {  	s0 =	simm.s32 @!p0 $0x2  }
0x7c: {  	_ =	swait.ge @!p0 [sflag:s0], s1  }
0x7d: {  	s1 =	ssub.s32 @!p0 $0x0, s1;
	[sflag:s0] =	ssyncset.done @!p0 $0x0  }
0x7e: {  	[sflag:s0] =	ssyncadd.s32 @!p0 s1  }
0x7f: {  	[bflag:$0x3] =	sbarrier.arrive $0xFFFF  }
0x80: {  	_ =	shalt  }

// kernel: kernel.34.cloned.1.call-start
scs
__scs_entry_jumppad:
0x0: {  	(pc) =	sbr.rel $0x88, $3  }
0x1: {  	(tag) =	ssettag $0x0;
	lr =	simm.s32 $0x1  }
0x2: {  	[smem:$0x3F9C] =	sst lr;
	_ =	strace $0xD0000000  }
0x3: {  	_ = 	snop  }
0x4: {  	_ = 	snop  }
0x5: {  	_ = 	snop  }
0x6: {  	_ = 	snop  }
0x7: {  	_ = 	snop  }
__scs_overlays_trampoline_lowered:
0x8: {  	[smem:$0x3FAB] =	sst s0  }
0x9: {  	[smem:$0x3FAC] =	sst s1  }
0xa: {  	[smem:$0x3FAD] =	sst s2  }
0xb: {  	[smem:$0x3FAE] =	sst s3  }
0xc: {  	[smem:$0x3FAF] =	sst s4  }
0xd: {  	[smem:$0x3FB0] =	sst s5  }
0xe: {  	[smem:$0x3FB1] =	sst s6  }
0xf: {  	[smem:$0x3FB2] =	sst s7  }
0x10: {  	[smem:$0x3FB3] =	sst s8  }
0x11: {  	[smem:$0x3FB4] =	sst s9;
	s0 =	simm.s32 @!p0 $0x0  }
0x12: {  	s1 =	sld [smem:$0x3F9A];
	s0 =	simm.s32 @p0 $0x1  }
0x13: {  	[smem:$0x3FB5] =	sst s0;
	s0 =	simm.s32 @!p1 $0x0  }
0x14: {  	s2 =	sld [smem:$0x3F99];
	s0 =	simm.s32 @p1 $0x1  }
0x15: {  	[smem:$0x3FB6] =	sst s0;
	s0 =	simm.s32 @!p2 $0x0  }
0x16: {  	s3 =	sld [smem:$0x3FDB];
	s0 =	simm.s32 @p2 $0x1  }
0x17: {  	s4 =	simm.s32 $0x1BF5;
	[smem:$0x3FB8] =	sst s0  }
0x18: {  	s0 =	sld [smem:$0x3F9B];
	_ =	swait.ge [sflag:s4], $0x0  }
0x19: {  	s7 =	sld [smem:$0x3F9C]  }
0x1a: {  	s8 =	sadd.s32 $0xFFFFE003, lr  }
0x1b: {  	s9 =	sadd.s32 $0xFFFFFEF7, lr;
	s5 =	simm.s32 $0xFFFFFFFF;
	p2 =	slt.u32 s8, $0xFFFFF086  }
0x1c: {  	p1 =	slt.u32 s9, $0xF7A;
	s5 =	simm.s32 @!p2 $0x0  }
0x1d: {  	s5 =	simm.s32 @p1 $0x1;
	p0 =	seq.s32 s7, s2  }
0x1e: {  	s7 =	smul.u32 @!p0 $0xF7A, s2;
	p2 =	seq.s32 @!p0 s5, $0x0  }
0x1f: {  	s9 =	smul.u32 $0xF7A, s1;
	s8 =	simm.s32 @!p0 $0x1BF5;
	p2 =	por !p2, p0  }
0x20: {  	[sflag:s8] =	ssyncset.s32 @!p0 $0xFFFFF086;
	s6 =	sadd.s32 @!p0 s3, s7;
	s7 =	simm.s32 @!p0 $0x108  }
0x21: {  	s3 =	sadd.s32 s3, s9;
	s6 =	sadd.s32 @!p0 $0x88, s6;
	s7 =	simm.s32 @p2 $0x1082  }
0x22: {  	[simem:s7], [sflag:s8] =	dma.local @!p0 [hbm:s6], $0xF7A  }
0x23: {  	s9 =	sor.u32 $0xD0000000, s2;
	s6 =	simm.s32 $0x108;
	_ =	swait.ge @!p0 [sflag:s8], $0x0  }
0x24: {  	s3 =	sadd.s32 $0x88, s3;
	s6 =	simm.s32 @!p1 $0x1082;
	[sflag:s4] =	ssyncset.s32 $0xFFFFF086  }
0x25: {  	[simem:s6], [sflag:s4] =	dma.local [hbm:s3], $0xF7A  }
0x26: {  	[smem:$0x3F9C] =	sst s1;
	(tag) =	ssettag s2;
	_ =	strace s9  }
0x27: {  	s1 =	sld [smem:$0x3FAC]  }
0x28: {  	s2 =	sld [smem:$0x3FAD]  }
0x29: {  	s4 =	sld [smem:$0x3FAF]  }
0x2a: {  	p0 =	seq.s32 s5, $0x0;
	s5 =	sld [smem:$0x3FB0]  }
0x2b: {  	s6 =	sld [smem:$0x3FB1]  }
0x2c: {  	s7 =	sld [smem:$0x3FB2]  }
0x2d: {  	s3 =	simm.s32 $0x108;
	s8 =	sld [smem:$0x3FB3]  }
0x2e: {  	s3 =	simm.s32 @!p0 $0x1082;
	s9 =	sld [smem:$0x3FB4]  }
0x2f: {  	lr =	sadd.s32 s0, s3;
	s0 =	sld [smem:$0x3FAB]  }
0x30: {  	s3 =	sld [smem:$0x3FAE]  }
0x31: {  	[smem:$0x3FB7] =	sst s10  }
0x32: {  	s10 =	sld [smem:$0x3FB5];
	_ =	sdelay $0x3  }
0x33: {  	p0 =	seq.s32 s10, $0x1;
	s10 =	sld [smem:$0x3FB7];
	_ =	sdelay $0x3  }
0x34: {  	[smem:$0x3FB7] =	sst s10  }
0x35: {  	s10 =	sld [smem:$0x3FB6];
	_ =	sdelay $0x3  }
0x36: {  	p1 =	seq.s32 s10, $0x1;
	s10 =	sld [smem:$0x3FB7];
	_ =	sdelay $0x3  }
0x37: {  	[smem:$0x3FB7] =	sst s10  }
0x38: {  	s10 =	sld [smem:$0x3FB8]  }
0x39: {  	_ = 	snop;
	(pc) =	sbr.ind lr, $3  }
0x3a: {  	_ = 	snop  }
0x3b: {  	_ = 	snop  }
0x3c: {  	p2 =	seq.s32 s10, $0x1;
	s10 =	sld [smem:$0x3FB7]  }
0x3d: {  	_ =	shalt  }
0x3e: {  	_ =	shalt  }
0x3f: {  	_ =	shalt  }
0x40: {  	_ =	shalt  }
0x41: {  	_ =	shalt  }
0x42: {  	_ =	shalt  }
0x43: {  	_ =	shalt  }
0x44: {  	_ =	shalt  }
0x45: {  	_ =	shalt  }
0x46: {  	_ =	shalt  }
0x47: {  	_ =	shalt  }
0x48: {  	_ =	shalt  }
0x49: {  	_ =	shalt  }
0x4a: {  	_ =	shalt  }
0x4b: {  	_ =	shalt  }
0x4c: {  	_ =	shalt  }
0x4d: {  	_ =	shalt  }
0x4e: {  	_ =	shalt  }
0x4f: {  	_ =	shalt  }
0x50: {  	_ =	shalt  }
0x51: {  	_ =	shalt  }
0x52: {  	_ =	shalt  }
0x53: {  	_ =	shalt  }
0x54: {  	_ =	shalt  }
0x55: {  	_ =	shalt  }
0x56: {  	_ =	shalt  }
0x57: {  	_ =	shalt  }
0x58: {  	_ =	shalt  }
0x59: {  	_ =	shalt  }
0x5a: {  	_ =	shalt  }
0x5b: {  	_ =	shalt  }
0x5c: {  	_ =	shalt  }
0x5d: {  	_ =	shalt  }
0x5e: {  	_ =	shalt  }
0x5f: {  	_ =	shalt  }
0x60: {  	_ =	shalt  }
0x61: {  	_ =	shalt  }
0x62: {  	_ =	shalt  }
0x63: {  	_ =	shalt  }
0x64: {  	_ =	shalt  }
0x65: {  	_ =	shalt  }
0x66: {  	_ =	shalt  }
0x67: {  	_ =	shalt  }
0x68: {  	_ =	shalt  }
0x69: {  	_ =	shalt  }
0x6a: {  	_ =	shalt  }
0x6b: {  	_ =	shalt  }
0x6c: {  	_ =	shalt  }
0x6d: {  	_ =	shalt  }
0x6e: {  	_ =	shalt  }
0x6f: {  	_ =	shalt  }
0x70: {  	_ =	shalt  }
0x71: {  	_ =	shalt  }
0x72: {  	_ =	shalt  }
0x73: {  	_ =	shalt  }
0x74: {  	_ =	shalt  }
0x75: {  	_ =	shalt  }
0x76: {  	_ =	shalt  }
0x77: {  	_ =	shalt  }
0x78: {  	_ =	shalt  }
0x79: {  	_ =	shalt  }
0x7a: {  	_ =	shalt  }
0x7b: {  	_ =	shalt  }
0x7c: {  	_ =	shalt  }
0x7d: {  	_ =	shalt  }
0x7e: {  	_ =	shalt  }
0x7f: {  	_ =	shalt  }
0x80: {  	_ =	shalt  }
0x81: {  	_ =	shalt  }
0x82: {  	_ =	shalt  }
0x83: {  	_ =	shalt  }
0x84: {  	_ =	shalt  }
0x85: {  	_ =	shalt  }
0x86: {  	_ =	shalt  }
0x87: {  	_ =	shalt  }
.Lfunc_end0:
.L_simem_size_0:
called_computation.5_lowered:
.L_overlay_start_0:
0x88: {  	s2 =	sld [smem:$0x3FD9]  }
0x89: {  	s3 =	sld [smem:$0x3FFE];
	_ =	sdelay $0x1  }
0x8a: {  	s1 =	srdreg.scid  }
0x8b: {  	s0 =	sand.u32 $0x1, s1  }
0x8c: {  	s17 =	sshll.u32 s0, $0xA;
	s2 =	sadd.s32 s3, s2  }
0x8d: {  	s2 =	sadd.s32 s2, s17  }
0x8e: {  	[smem:$0x3FC3] =	sst s2  }
0x8f: {  	_ = 	snop  }
0x90: {  	(tm) =	ssettm $0x1  }
0x91: {  	s18 =	sld [smem:$0x3FFB];
	_ =	sdelay $0x3  }
0x92: {  	_ =	strace s18  }
0x93: {  	s2 =	sld [smem:$0x3FFC];
	_ =	sdelay $0x3  }
0x94: {  	_ =	strace s2  }
0x95: {  	s2 =	sld [smem:$0x3FFD];
	_ =	sdelay $0x3  }
0x96: {  	_ =	strace s2  }
0x97: {  	_ =	strace $0x8FFFFFFF  }
0x98: {  	s19 =	sld [smem:$0x3FDB];
	_ =	sdelay $0x1  }
0x99: {  	s20 =	simm.s32 $_scs_section_size  }
0x9a: {  	s4 =	simm.s32 $_size__tile_overlayer_lowered;
	s5 =	simm.s32 $_tile_overlayer_lowered  }
0x9b: {  	s6 =	simm.s32 $0x1BFF;
	s21 =	sshll.u32 s5, $0x1;
	s3 =	sadd.s32 s20, s19  }
0x9c: {  	s22 =	simm.s32 $0x0;
	s4 =	sshll.u32 s4, $0x1;
	s5 =	sadd.s32 s21, s3  }
0x9d: {  	[timem:s22], [sflag:s6] =	dma.local [hbm:s5], s4  }
0x9e: {  	_ =	swait.ge [sflag:s6], s4  }
0x9f: {  	s4 =	ssub.s32 $0x0, s4;
	[sflag:s6] =	ssyncset.done $0x0  }
0xa0: {  	[sflag:s6] =	ssyncadd.s32 s4;
	_ =	sdelay $0x1  }
0xa1: {  	s23 =	simm.s32 $0x1B8B  }
0xa2: {  	_ =	swait.ge [sflag:s23], $0x1  }
0xa3: {  	[sflag:s23] =	ssyncset.done $0x0  }
0xa4: {  	[sflag:s23] =	ssyncadd.s32 $0xFFFFFFFF  }
0xa5: {  	s4 =	sld [smem:$0x0]  }
0xa6: {  	s5 =	sand.u32 $0xFFFFFFFE, s1  }
0xa7: {  	p0 =	sne.s32 s1, s5  }
0xa8: {  	s5 =	sshll.u32 @p0 s5, $0xE  }
0xa9: {  	s5 =	sadd.s32 @p0 $0x11B8D, s5;
	s6 =	sshll.u32 @p0 s4, $0x11  }
0xaa: {  	s5 =	sor.u32 @p0 s6, s5  }
0xab: {  	[sflag:s5] =	ssyncadd.remote.s32 @p0 $0x1;
	_ =	sdelay $0x1  }
0xac: {  	s5 =	simm.s32 @p0 $0x1B8D  }
0xad: {  	_ =	swait.eq @p0 [sflag:s5], $0x1  }
0xae: {  	[sflag:s5] =	ssyncadd.s32 @p0 $0xFFFFFFFF  }
0xaf: {  	s6 =	sshll.u32 @!p0 s1, $0xE  }
0xb0: {  	s6 =	sor.u32 @!p0 $0x4000, s6;
	s5 =	simm.s32 @!p0 $0x1B8D  }
0xb1: {  	s4 =	sshll.u32 @!p0 s4, $0x11;
	s6 =	sadd.s32 @!p0 $0x11B8D, s6;
	_ =	swait.eq @!p0 [sflag:s5], $0x1  }
0xb2: {  	s4 =	sor.u32 @!p0 s4, s6;
	[sflag:s5] =	ssyncadd.s32 @!p0 $0xFFFFFFFF  }
0xb3: {  	s25 =	simm.s32 $0x1B8E;
	s24 =	sld [smem:$0x3FFE];
	[sflag:s4] =	ssyncadd.remote.s32 @!p0 $0x1  }
0xb4: {  	s26 =	simm.s32 $execute0_lowered;
	[smem:$0x3FD2] =	sst s25  }
0xb5: {  	s5 =	sshll.u32 s26, $0x1;
	_ =	strace $0x80000055;
	[dreg:$0x1] =	wrdreg $0xFFFFFFFF  }
0xb6: {  	s28 =	simm.s32 $_size_execute0_lowered;
	s3 =	sadd.s32 s3, s5;
	[dreg:$0x0] =	wrdreg $0x0  }
0xb7: {  	s5 =	sshll.u32 s28, $0x1;
	[dreg:$0x2] =	wrdreg s3  }
0xb8: {  	[dreg:$0x3] =	wrdreg s5  }
0xb9: {  	[dreg:$0x4] =	wrdreg $0xC0  }
0xba: {  	_ =	task [dreg:s22], $0x5FFFF  }
0xbb: {  	[dreg:$0x1] =	wrdreg $0xFFFFFFFF  }
0xbc: {  	[dreg:$0x0] =	wrdreg $0x60  }
0xbd: {  	[dreg:$0x2] =	wrdreg s24  }
0xbe: {  	[dreg:$0x3] =	wrdreg $0xE  }
0xbf: {  	_ =	task.clear_ibuf [dreg:s22], $0x4FFFF;
	_ =	strace $0x90000055  }
0xc0: {  	s29 =	simm.s32 $0xE;
	_ =	strace $0x80000057  }
0xc1: {  	_ =	swait.ge [sflag:s29], $0x1  }
0xc2: {  	[sflag:s29] =	ssyncadd.s32 $0xFFFFFFFF  }
0xc3: {  	_ =	strace $0x90000057  }
0xc4: {  	_ =	sfence  }
0xc5: {  	s30 =	sld [smem:$0x0];
	_ =	sdelay $0x2  }
0xc6: {  	s31 =	sshll.u32 s1, $0xD;
	s1 =	sshrl.u32 s1, $0x2  }
0xc7: {  	s4 =	sand.u32 $0x4000, s31;
	s1 =	sadd.s32 s1, s30  }
0xc8: {  	s0 =	sor.u32 s4, s0;
	s1 =	sshll.u32 s1, $0x11  }
0xc9: {  	s0 =	sor.u32 s1, s0  }
0xca: {  	s0 =	sadd.s32 $0x8F2B, s0  }
0xcb: {  	[sflag:s0] =	ssyncadd.remote.s32 $0x1  }
0xcc: {  	_ =	sfence.sel $0xFFFF  }
0xcd: {  	[dreg:$0x0] =	wrdreg $0xFFFFFFFF;
	(pc) =	sbr.abs _section_cstart, $3  }
0xce: {  	[dreg:$0x1] =	wrdreg $0xFFFFFFFF  }
0xcf: {  	_ =	task.clear_ibuf [dreg:s22], $0x2FFFF;
	_ =	strace $0x9FFFFFFF  }
0xd0: {  	(tm) =	ssettm $0x7FFFFFFF  }
0xd1: {  	_ =	shalt  }
tec
execute0_lowered:
.L_overlay_start_1:
0x0: {  	(tag) =	ssettag $0x1  }
0x1: {  	s1 =	srdreg.scid;
	s0 =	stileid.u32  }
0x2: {  	s5 =	rddreg [dreg:$0x0];
	s2 =	simm.s32 $0x0;
	s10 =	simm.s32 $0x1280  }
0x3: {  	s11 =	simm.s32 $0x100;
	s12 =	simm.s32 $0x2280;
	s13 =	simm.s32 $0x180  }
0x4: {  	s14 =	simm.s32 $0x3280;
	s15 =	simm.s32 $0x200;
	s16 =	simm.s32 $0x4280  }
0x5: {  	s17 =	simm.s32 $0x1;
	s18 =	simm.s32 $0x20;
	s19 =	simm.s32 $0x0  }
0x6: {  	s3 =	sand.u32 $0x1, s1;
	s4 =	smul.u32 $0x1900, s0;
	s1 =	rddreg [dreg:$0x1]  }
0x7: {  	[smem:$0x7FF] =	sst s2;
	s28 =	sshrl.u32 s0, $0x1;
	s8 =	sshll.u32 s0, $0x3  }
0x8: {  	s6 =	smul.u32 $0xC80, s3;
	s7 =	ssub.s32 $0x2, s3;
	s3 =	sshll.u32 s3, $0x2  }
0x9: {  	_ =	strace $0x80000056;
	s29 =	sshrl.u32 s7, $0x1;
	s3 =	sor.u32 s3, s8  }
0xa: {  	s8 =	simm.s32 $0x80;
	s4 =	sadd.s32 s6, s4;
	s6 =	smul.u32 $0xC800, s28  }
0xb: {  	s30 =	sand.u32 $0xC, s3;
	s3 =	sadd.s32 $0x6C00, s5;
	s4 =	sshrl.u32 s4, $0x3  }
0xc: {  	s9 =	sadd.s32 s4, s5;
	s6 =	sadd.s32 s6, s5;
	s4 =	ssub.s32 s7, s29  }
0xd: {  	s7 =	simm.s32 $0x2;
	s31 =	sadd.s32 s30, s6;
	s6 =	sadd.s32 $0x3E3E00, s9  }
0xe: {  	s4 =	smax.u32 s4, $0x1;
	s9 =	simm.s32 $0x280;
	s5 =	sadd.s32 $0x57D400, s31  }
.LBB2_1:
0xf: {  	s20 =	sadd.s32 $0x0, s6  }
0x10: {  	[tilespmem:s2], [sflag:$0x2] =	stream.linear.gather [hbm4b:s20+s2], $0x280, $0x38;
	[tilespmem:$0x5280] =	vst v63  }
0x11: {  	_ =	swait.ge [sflag:s7], $0x280  }
0x12: {  	[sflag:s7] =	ssyncset.done $0x0  }
0x13: {  	[sflag:s7] =	ssyncadd.s32 $0xFFFFFD80  }
0x14: {  	[tilespmem:s9], [sflag:$0x1] =	stream.indirect.gather [hbm4b:s3+s8], $0x20, s2, s8, $0xb8;
	[tilespmem:$0x5280] =	vst v63  }
0x15: {  	_ = 	snop  }
0x16: {  	[tilespmem:s10], [sflag:$0x1] =	stream.indirect.gather [hbm4b:s3+s8], $0x20, s8, s8, $0xb8;
	[tilespmem:$0x5280] =	vst v63  }
0x17: {  	_ = 	snop  }
0x18: {  	[tilespmem:s12], [sflag:$0x1] =	stream.indirect.gather [hbm4b:s3+s8], $0x20, s11, s8, $0xb8;
	[tilespmem:$0x5280] =	vst v63  }
0x19: {  	_ = 	snop  }
0x1a: {  	[tilespmem:s14], [sflag:$0x1] =	stream.indirect.gather [hbm4b:s3+s8], $0x20, s13, s8, $0xb8;
	[tilespmem:$0x5280] =	vst v63  }
0x1b: {  	_ = 	snop  }
0x1c: {  	[tilespmem:s16], [sflag:$0x1] =	stream.indirect.gather [hbm4b:s3+s8], $0x20, s15, s8, $0xb8;
	[tilespmem:$0x5280] =	vst v63  }
0x1d: {  	_ =	swait.ge [sflag:s17], $0x1000  }
0x1e: {  	[sflag:s17] =	ssyncset.done $0x0  }
0x1f: {  	[sflag:s17] =	ssyncadd.s32 $0xFFFFF000  }
0x20: {  	_ =	swait.ge [sflag:s17], $0x1000  }
0x21: {  	[sflag:s17] =	ssyncset.done $0x0  }
0x22: {  	[sflag:s17] =	ssyncadd.s32 $0xFFFFF000  }
0x23: {  	_ =	swait.ge [sflag:s17], $0x1000  }
0x24: {  	[sflag:s17] =	ssyncset.done $0x0  }
0x25: {  	[sflag:s17] =	ssyncadd.s32 $0xFFFFF000  }
0x26: {  	_ =	swait.ge [sflag:s17], $0x1000  }
0x27: {  	[sflag:s17] =	ssyncset.done $0x0  }
0x28: {  	[sflag:s17] =	ssyncadd.s32 $0xFFFFF000  }
0x29: {  	_ =	swait.ge [sflag:s17], $0x1000  }
0x2a: {  	[sflag:s17] =	ssyncset.done $0x0  }
0x2b: {  	[sflag:s17] =	ssyncadd.s32 $0xFFFFF000  }
0x2c: {  	[hbm4b:s5+s18] =	stream.strided.scatter [tilespmem:s9], [sflag:$0x2], $0x5000, s8, s18, $0x38;
	[tilespmem:$0x5280] =	vst v63  }
0x2d: {  	s21 =	simm.s32 $0x50;
	_ =	swait.ge [sflag:s7], $0x5000  }
0x2e: {  	s22 =	simm.s32 $0xA0;
	s20 =	sadd.s32 $0x2800, s5;
	[sflag:s7] =	ssyncset.done $0x0  }
.LBB2_2:
0x2f: {  	s23 =	sadd.s32 s21, s6  }
0x30: {  	[sflag:s7] =	ssyncadd.s32 $0xFFFFB000;
	s21 =	smov.u32 s22;
	s24 =	sadd.s32 $0x50, s22  }
0x31: {  	[tilespmem:s2], [sflag:$0x2] =	stream.linear.gather [hbm4b:s23+s2], $0x280, $0x38;
	[tilespmem:$0x5280] =	vst v63  }
0x32: {  	p0 =	sne.s32 s22, $0x140;
	_ =	swait.ge [sflag:s7], $0x280  }
0x33: {  	[sflag:s7] =	ssyncset.done $0x0  }
0x34: {  	[sflag:s7] =	ssyncadd.s32 $0xFFFFFD80  }
0x35: {  	[tilespmem:s9], [sflag:$0x1] =	stream.indirect.gather [hbm4b:s3+s8], $0x20, s2, s8, $0xb8;
	[tilespmem:$0x5280] =	vst v63  }
0x36: {  	_ = 	snop  }
0x37: {  	[tilespmem:s10], [sflag:$0x1] =	stream.indirect.gather [hbm4b:s3+s8], $0x20, s8, s8, $0xb8;
	[tilespmem:$0x5280] =	vst v63  }
0x38: {  	_ = 	snop  }
0x39: {  	[tilespmem:s12], [sflag:$0x1] =	stream.indirect.gather [hbm4b:s3+s8], $0x20, s11, s8, $0xb8;
	[tilespmem:$0x5280] =	vst v63  }
0x3a: {  	_ = 	snop  }
0x3b: {  	[tilespmem:s14], [sflag:$0x1] =	stream.indirect.gather [hbm4b:s3+s8], $0x20, s13, s8, $0xb8;
	[tilespmem:$0x5280] =	vst v63  }
0x3c: {  	_ = 	snop  }
0x3d: {  	[tilespmem:s16], [sflag:$0x1] =	stream.indirect.gather [hbm4b:s3+s8], $0x20, s15, s8, $0xb8;
	[tilespmem:$0x5280] =	vst v63  }
0x3e: {  	_ =	swait.ge [sflag:s17], $0x1000  }
0x3f: {  	[sflag:s17] =	ssyncset.done $0x0  }
0x40: {  	[sflag:s17] =	ssyncadd.s32 $0xFFFFF000  }
0x41: {  	_ =	swait.ge [sflag:s17], $0x1000  }
0x42: {  	[sflag:s17] =	ssyncset.done $0x0  }
0x43: {  	[sflag:s17] =	ssyncadd.s32 $0xFFFFF000  }
0x44: {  	_ =	swait.ge [sflag:s17], $0x1000  }
0x45: {  	[sflag:s17] =	ssyncset.done $0x0  }
0x46: {  	[sflag:s17] =	ssyncadd.s32 $0xFFFFF000  }
0x47: {  	_ =	swait.ge [sflag:s17], $0x1000  }
0x48: {  	[sflag:s17] =	ssyncset.done $0x0  }
0x49: {  	[sflag:s17] =	ssyncadd.s32 $0xFFFFF000  }
0x4a: {  	_ =	swait.ge [sflag:s17], $0x1000  }
.Ltmp0:
0x4b: {  	[sflag:s17] =	ssyncset.done $0x0;
	(pc) =	sbr.rel @p0 .LBB2_2-.Ltmp0, $4  }
0x4c: {  	[sflag:s17] =	ssyncadd.s32 $0xFFFFF000  }
0x4d: {  	[hbm4b:s20+s18] =	stream.strided.scatter [tilespmem:s9], [sflag:$0x2], $0x5000, s8, s18, $0x38;
	[tilespmem:$0x5280] =	vst v63  }
0x4e: {  	_ =	swait.ge [sflag:s7], $0x5000  }
0x4f: {  	s22 =	smov.u32 s24;
	s20 =	sadd.s32 $0x2800, s20;
	[sflag:s7] =	ssyncset.done $0x0  }
0x50: {  	s21 =	sadd.s32 s21, s6;
	[sflag:s7] =	ssyncadd.s32 $0xFFFFB000  }
0x51: {  	[tilespmem:s2], [sflag:$0x2] =	stream.linear.gather [hbm4b:s21+s2], $0x280, $0x38;
	[tilespmem:$0x5280] =	vst v63  }
0x52: {  	_ =	swait.ge [sflag:s7], $0x280  }
0x53: {  	[sflag:s7] =	ssyncset.done $0x0  }
0x54: {  	[sflag:s7] =	ssyncadd.s32 $0xFFFFFD80  }
0x55: {  	[tilespmem:s9], [sflag:$0x1] =	stream.indirect.gather [hbm4b:s3+s8], $0x20, s2, s8, $0xb8;
	[tilespmem:$0x5280] =	vst v63  }
0x56: {  	_ = 	snop  }
0x57: {  	[tilespmem:s10], [sflag:$0x1] =	stream.indirect.gather [hbm4b:s3+s8], $0x20, s8, s8, $0xb8;
	[tilespmem:$0x5280] =	vst v63  }
0x58: {  	_ = 	snop  }
0x59: {  	[tilespmem:s12], [sflag:$0x1] =	stream.indirect.gather [hbm4b:s3+s8], $0x20, s11, s8, $0xb8;
	[tilespmem:$0x5280] =	vst v63  }
0x5a: {  	_ = 	snop  }
0x5b: {  	[tilespmem:s14], [sflag:$0x1] =	stream.indirect.gather [hbm4b:s3+s8], $0x20, s13, s8, $0xb8;
	[tilespmem:$0x5280] =	vst v63  }
0x5c: {  	_ = 	snop  }
0x5d: {  	[tilespmem:s16], [sflag:$0x1] =	stream.indirect.gather [hbm4b:s3+s8], $0x20, s15, s8, $0xb8;
	[tilespmem:$0x5280] =	vst v63  }
0x5e: {  	_ =	swait.ge [sflag:s17], $0x1000  }
0x5f: {  	[sflag:s17] =	ssyncset.done $0x0  }
0x60: {  	[sflag:s17] =	ssyncadd.s32 $0xFFFFF000  }
0x61: {  	_ =	swait.ge [sflag:s17], $0x1000  }
0x62: {  	[sflag:s17] =	ssyncset.done $0x0  }
0x63: {  	[sflag:s17] =	ssyncadd.s32 $0xFFFFF000  }
0x64: {  	_ =	swait.ge [sflag:s17], $0x1000  }
0x65: {  	[sflag:s17] =	ssyncset.done $0x0  }
0x66: {  	[sflag:s17] =	ssyncadd.s32 $0xFFFFF000  }
0x67: {  	_ =	swait.ge [sflag:s17], $0x1000  }
0x68: {  	[sflag:s17] =	ssyncset.done $0x0  }
0x69: {  	[sflag:s17] =	ssyncadd.s32 $0xFFFFF000  }
0x6a: {  	s19 =	sadd.s32 $0x1, s19;
	_ =	swait.ge [sflag:s17], $0x1000  }
0x6b: {  	p0 =	sne.s32 s19, s4;
	[sflag:s17] =	ssyncset.done $0x0  }
.Ltmp1:
0x6c: {  	[sflag:s17] =	ssyncadd.s32 $0xFFFFF000;
	(pc) =	sbr.rel @p0 .LBB2_1-.Ltmp1, $4  }
0x6d: {  	[hbm4b:s20+s18] =	stream.strided.scatter [tilespmem:s9], [sflag:$0x2], $0x5000, s8, s18, $0x38;
	[tilespmem:$0x5280] =	vst v63  }
0x6e: {  	_ =	swait.ge [sflag:s7], $0x5000  }
0x6f: {  	[sflag:s7] =	ssyncset.done $0x0  }
0x70: {  	[sflag:s7] =	ssyncadd.s32 $0xFFFFB000  }
0x71: {  	_ =	sfence.sel $0x180000  }
0x72: {  	[bflag:$0x0] =	sbarrier.arrive $0xFFFF  }
0x73: {  	p0 =	sne.s32 s0, $0x0;
	_ =	strace $0x90000056  }
0x74: {  	s0 =	sadd.s32 @!p0 $0x100000, s1;
	[bflag:$0x2] =	sbarrier.arrive $0xFFFF  }
0x75: {  	[sflag:s0] =	ssyncadd.tile.s32 @!p0 $0x1;
	_ =	shalt  }
.Lfunc_end2:
_tile_overlayer_lowered:
.L_overlay_start_2:
0x76: {  	(tag) =	ssettag $0x2  }
0x77: {  	s0 =	rddreg [dreg:$0x0];
	s2 =	stileid.u32  }
0x78: {  	s1 =	rddreg [dreg:$0x1];
	p0 =	sne.s32 s2, $0x0  }
0x79: {  	s3 =	rddreg [dreg:$0x2];
	[bflag:$0x3] =	sbarrier.arrive $0xFFFF;
	s2 =	simm.s32 @!p0 $0x1C02  }
0x7a: {  	[timem:s3], [sflag:s2] =	dma.local @!p0 [hbm:s0], s1  }
0x7b: {  	s0 =	simm.s32 @!p0 $0x2  }
0x7c: {  	_ =	swait.ge @!p0 [sflag:s0], s1  }
0x7d: {  	s1 =	ssub.s32 @!p0 $0x0, s1;
	[sflag:s0] =	ssyncset.done @!p0 $0x0  }
0x7e: {  	[sflag:s0] =	ssyncadd.s32 @!p0 s1  }
0x7f: {  	[bflag:$0x3] =	sbarrier.arrive $0xFFFF  }
0x80: {  	_ =	shalt  }

// kernel: kernel.37.cloned.1.call-start
scs
__scs_entry_jumppad:
0x0: {  	(pc) =	sbr.rel $0x88, $3  }
0x1: {  	(tag) =	ssettag $0x0;
	lr =	simm.s32 $0x1  }
0x2: {  	[smem:$0x3F9C] =	sst lr;
	_ =	strace $0xD0000000  }
0x3: {  	_ = 	snop  }
0x4: {  	_ = 	snop  }
0x5: {  	_ = 	snop  }
0x6: {  	_ = 	snop  }
0x7: {  	_ = 	snop  }
__scs_overlays_trampoline_lowered:
0x8: {  	[smem:$0x3FAB] =	sst s0  }
0x9: {  	[smem:$0x3FAC] =	sst s1  }
0xa: {  	[smem:$0x3FAD] =	sst s2  }
0xb: {  	[smem:$0x3FAE] =	sst s3  }
0xc: {  	[smem:$0x3FAF] =	sst s4  }
0xd: {  	[smem:$0x3FB0] =	sst s5  }
0xe: {  	[smem:$0x3FB1] =	sst s6  }
0xf: {  	[smem:$0x3FB2] =	sst s7  }
0x10: {  	[smem:$0x3FB3] =	sst s8  }
0x11: {  	[smem:$0x3FB4] =	sst s9;
	s0 =	simm.s32 @!p0 $0x0  }
0x12: {  	s1 =	sld [smem:$0x3F9A];
	s0 =	simm.s32 @p0 $0x1  }
0x13: {  	[smem:$0x3FB5] =	sst s0;
	s0 =	simm.s32 @!p1 $0x0  }
0x14: {  	s2 =	sld [smem:$0x3F99];
	s0 =	simm.s32 @p1 $0x1  }
0x15: {  	[smem:$0x3FB6] =	sst s0;
	s0 =	simm.s32 @!p2 $0x0  }
0x16: {  	s3 =	sld [smem:$0x3FDB];
	s0 =	simm.s32 @p2 $0x1  }
0x17: {  	s4 =	simm.s32 $0x1BF5;
	[smem:$0x3FB8] =	sst s0  }
0x18: {  	s0 =	sld [smem:$0x3F9B];
	_ =	swait.ge [sflag:s4], $0x0  }
0x19: {  	s7 =	sld [smem:$0x3F9C]  }
0x1a: {  	s8 =	sadd.s32 $0xFFFFE003, lr  }
0x1b: {  	s9 =	sadd.s32 $0xFFFFFEF7, lr;
	s5 =	simm.s32 $0xFFFFFFFF;
	p2 =	slt.u32 s8, $0xFFFFF086  }
0x1c: {  	p1 =	slt.u32 s9, $0xF7A;
	s5 =	simm.s32 @!p2 $0x0  }
0x1d: {  	s5 =	simm.s32 @p1 $0x1;
	p0 =	seq.s32 s7, s2  }
0x1e: {  	s7 =	smul.u32 @!p0 $0xF7A, s2;
	p2 =	seq.s32 @!p0 s5, $0x0  }
0x1f: {  	s9 =	smul.u32 $0xF7A, s1;
	s8 =	simm.s32 @!p0 $0x1BF5;
	p2 =	por !p2, p0  }
0x20: {  	[sflag:s8] =	ssyncset.s32 @!p0 $0xFFFFF086;
	s6 =	sadd.s32 @!p0 s3, s7;
	s7 =	simm.s32 @!p0 $0x108  }
0x21: {  	s3 =	sadd.s32 s3, s9;
	s6 =	sadd.s32 @!p0 $0x88, s6;
	s7 =	simm.s32 @p2 $0x1082  }
0x22: {  	[simem:s7], [sflag:s8] =	dma.local @!p0 [hbm:s6], $0xF7A  }
0x23: {  	s9 =	sor.u32 $0xD0000000, s2;
	s6 =	simm.s32 $0x108;
	_ =	swait.ge @!p0 [sflag:s8], $0x0  }
0x24: {  	s3 =	sadd.s32 $0x88, s3;
	s6 =	simm.s32 @!p1 $0x1082;
	[sflag:s4] =	ssyncset.s32 $0xFFFFF086  }
0x25: {  	[simem:s6], [sflag:s4] =	dma.local [hbm:s3], $0xF7A  }
0x26: {  	[smem:$0x3F9C] =	sst s1;
	(tag) =	ssettag s2;
	_ =	strace s9  }
0x27: {  	s1 =	sld [smem:$0x3FAC]  }
0x28: {  	s2 =	sld [smem:$0x3FAD]  }
0x29: {  	s4 =	sld [smem:$0x3FAF]  }
0x2a: {  	p0 =	seq.s32 s5, $0x0;
	s5 =	sld [smem:$0x3FB0]  }
0x2b: {  	s6 =	sld [smem:$0x3FB1]  }
0x2c: {  	s7 =	sld [smem:$0x3FB2]  }
0x2d: {  	s3 =	simm.s32 $0x108;
	s8 =	sld [smem:$0x3FB3]  }
0x2e: {  	s3 =	simm.s32 @!p0 $0x1082;
	s9 =	sld [smem:$0x3FB4]  }
0x2f: {  	lr =	sadd.s32 s0, s3;
	s0 =	sld [smem:$0x3FAB]  }
0x30: {  	s3 =	sld [smem:$0x3FAE]  }
0x31: {  	[smem:$0x3FB7] =	sst s10  }
0x32: {  	s10 =	sld [smem:$0x3FB5];
	_ =	sdelay $0x3  }
0x33: {  	p0 =	seq.s32 s10, $0x1;
	s10 =	sld [smem:$0x3FB7];
	_ =	sdelay $0x3  }
0x34: {  	[smem:$0x3FB7] =	sst s10  }
0x35: {  	s10 =	sld [smem:$0x3FB6];
	_ =	sdelay $0x3  }
0x36: {  	p1 =	seq.s32 s10, $0x1;
	s10 =	sld [smem:$0x3FB7];
	_ =	sdelay $0x3  }
0x37: {  	[smem:$0x3FB7] =	sst s10  }
0x38: {  	s10 =	sld [smem:$0x3FB8]  }
0x39: {  	_ = 	snop;
	(pc) =	sbr.ind lr, $3  }
0x3a: {  	_ = 	snop  }
0x3b: {  	_ = 	snop  }
0x3c: {  	p2 =	seq.s32 s10, $0x1;
	s10 =	sld [smem:$0x3FB7]  }
0x3d: {  	_ =	shalt  }
0x3e: {  	_ =	shalt  }
0x3f: {  	_ =	shalt  }
0x40: {  	_ =	shalt  }
0x41: {  	_ =	shalt  }
0x42: {  	_ =	shalt  }
0x43: {  	_ =	shalt  }
0x44: {  	_ =	shalt  }
0x45: {  	_ =	shalt  }
0x46: {  	_ =	shalt  }
0x47: {  	_ =	shalt  }
0x48: {  	_ =	shalt  }
0x49: {  	_ =	shalt  }
0x4a: {  	_ =	shalt  }
0x4b: {  	_ =	shalt  }
0x4c: {  	_ =	shalt  }
0x4d: {  	_ =	shalt  }
0x4e: {  	_ =	shalt  }
0x4f: {  	_ =	shalt  }
0x50: {  	_ =	shalt  }
0x51: {  	_ =	shalt  }
0x52: {  	_ =	shalt  }
0x53: {  	_ =	shalt  }
0x54: {  	_ =	shalt  }
0x55: {  	_ =	shalt  }
0x56: {  	_ =	shalt  }
0x57: {  	_ =	shalt  }
0x58: {  	_ =	shalt  }
0x59: {  	_ =	shalt  }
0x5a: {  	_ =	shalt  }
0x5b: {  	_ =	shalt  }
0x5c: {  	_ =	shalt  }
0x5d: {  	_ =	shalt  }
0x5e: {  	_ =	shalt  }
0x5f: {  	_ =	shalt  }
0x60: {  	_ =	shalt  }
0x61: {  	_ =	shalt  }
0x62: {  	_ =	shalt  }
0x63: {  	_ =	shalt  }
0x64: {  	_ =	shalt  }
0x65: {  	_ =	shalt  }
0x66: {  	_ =	shalt  }
0x67: {  	_ =	shalt  }
0x68: {  	_ =	shalt  }
0x69: {  	_ =	shalt  }
0x6a: {  	_ =	shalt  }
0x6b: {  	_ =	shalt  }
0x6c: {  	_ =	shalt  }
0x6d: {  	_ =	shalt  }
0x6e: {  	_ =	shalt  }
0x6f: {  	_ =	shalt  }
0x70: {  	_ =	shalt  }
0x71: {  	_ =	shalt  }
0x72: {  	_ =	shalt  }
0x73: {  	_ =	shalt  }
0x74: {  	_ =	shalt  }
0x75: {  	_ =	shalt  }
0x76: {  	_ =	shalt  }
0x77: {  	_ =	shalt  }
0x78: {  	_ =	shalt  }
0x79: {  	_ =	shalt  }
0x7a: {  	_ =	shalt  }
0x7b: {  	_ =	shalt  }
0x7c: {  	_ =	shalt  }
0x7d: {  	_ =	shalt  }
0x7e: {  	_ =	shalt  }
0x7f: {  	_ =	shalt  }
0x80: {  	_ =	shalt  }
0x81: {  	_ =	shalt  }
0x82: {  	_ =	shalt  }
0x83: {  	_ =	shalt  }
0x84: {  	_ =	shalt  }
0x85: {  	_ =	shalt  }
0x86: {  	_ =	shalt  }
0x87: {  	_ =	shalt  }
.Lfunc_end0:
.L_simem_size_0:
called_computation.6_lowered:
.L_overlay_start_0:
0x88: {  	s2 =	sld [smem:$0x3FD9]  }
0x89: {  	s3 =	sld [smem:$0x3FFE];
	_ =	sdelay $0x1  }
0x8a: {  	s1 =	srdreg.scid  }
0x8b: {  	s0 =	sand.u32 $0x1, s1  }
0x8c: {  	s17 =	sshll.u32 s0, $0xA;
	s2 =	sadd.s32 s3, s2  }
0x8d: {  	s2 =	sadd.s32 s2, s17  }
0x8e: {  	[smem:$0x3FC3] =	sst s2  }
0x8f: {  	_ = 	snop  }
0x90: {  	(tm) =	ssettm $0x1  }
0x91: {  	s18 =	sld [smem:$0x3FFB];
	_ =	sdelay $0x3  }
0x92: {  	_ =	strace s18  }
0x93: {  	s2 =	sld [smem:$0x3FFC];
	_ =	sdelay $0x3  }
0x94: {  	_ =	strace s2  }
0x95: {  	s2 =	sld [smem:$0x3FFD];
	_ =	sdelay $0x3  }
0x96: {  	_ =	strace s2  }
0x97: {  	_ =	strace $0x8FFFFFFF  }
0x98: {  	s19 =	sld [smem:$0x3FDB];
	_ =	sdelay $0x1  }
0x99: {  	s20 =	simm.s32 $_scs_section_size  }
0x9a: {  	s4 =	simm.s32 $_size__tile_overlayer_lowered;
	s5 =	simm.s32 $_tile_overlayer_lowered  }
0x9b: {  	s6 =	simm.s32 $0x1BFF;
	s21 =	sshll.u32 s5, $0x1;
	s3 =	sadd.s32 s20, s19  }
0x9c: {  	s22 =	simm.s32 $0x0;
	s4 =	sshll.u32 s4, $0x1;
	s5 =	sadd.s32 s21, s3  }
0x9d: {  	[timem:s22], [sflag:s6] =	dma.local [hbm:s5], s4  }
0x9e: {  	_ =	swait.ge [sflag:s6], s4  }
0x9f: {  	s4 =	ssub.s32 $0x0, s4;
	[sflag:s6] =	ssyncset.done $0x0  }
0xa0: {  	[sflag:s6] =	ssyncadd.s32 s4;
	_ =	sdelay $0x1  }
0xa1: {  	s23 =	simm.s32 $0x1B8B  }
0xa2: {  	_ =	swait.ge [sflag:s23], $0x1  }
0xa3: {  	[sflag:s23] =	ssyncset.done $0x0  }
0xa4: {  	[sflag:s23] =	ssyncadd.s32 $0xFFFFFFFF  }
0xa5: {  	s4 =	sld [smem:$0x0]  }
0xa6: {  	s5 =	sand.u32 $0xFFFFFFFE, s1  }
0xa7: {  	p0 =	sne.s32 s1, s5  }
0xa8: {  	s5 =	sshll.u32 @p0 s5, $0xE  }
0xa9: {  	s5 =	sadd.s32 @p0 $0x11B8D, s5;
	s6 =	sshll.u32 @p0 s4, $0x11  }
0xaa: {  	s5 =	sor.u32 @p0 s6, s5  }
0xab: {  	[sflag:s5] =	ssyncadd.remote.s32 @p0 $0x1;
	_ =	sdelay $0x1  }
0xac: {  	s5 =	simm.s32 @p0 $0x1B8D  }
0xad: {  	_ =	swait.eq @p0 [sflag:s5], $0x1  }
0xae: {  	[sflag:s5] =	ssyncadd.s32 @p0 $0xFFFFFFFF  }
0xaf: {  	s6 =	sshll.u32 @!p0 s1, $0xE  }
0xb0: {  	s6 =	sor.u32 @!p0 $0x4000, s6;
	s5 =	simm.s32 @!p0 $0x1B8D  }
0xb1: {  	s4 =	sshll.u32 @!p0 s4, $0x11;
	s6 =	sadd.s32 @!p0 $0x11B8D, s6;
	_ =	swait.eq @!p0 [sflag:s5], $0x1  }
0xb2: {  	s4 =	sor.u32 @!p0 s4, s6;
	[sflag:s5] =	ssyncadd.s32 @!p0 $0xFFFFFFFF  }
0xb3: {  	s25 =	simm.s32 $0x1B8E;
	s24 =	sld [smem:$0x3FFE];
	[sflag:s4] =	ssyncadd.remote.s32 @!p0 $0x1  }
0xb4: {  	s26 =	simm.s32 $execute0_lowered;
	[smem:$0x3FD2] =	sst s25  }
0xb5: {  	s5 =	sshll.u32 s26, $0x1;
	_ =	strace $0x80000058;
	[dreg:$0x1] =	wrdreg $0xFFFFFFFF  }
0xb6: {  	s28 =	simm.s32 $_size_execute0_lowered;
	s3 =	sadd.s32 s3, s5;
	[dreg:$0x0] =	wrdreg $0x0  }
0xb7: {  	s5 =	sshll.u32 s28, $0x1;
	[dreg:$0x2] =	wrdreg s3  }
0xb8: {  	[dreg:$0x3] =	wrdreg s5  }
0xb9: {  	[dreg:$0x4] =	wrdreg $0xC0  }
0xba: {  	_ =	task [dreg:s22], $0x5FFFF  }
0xbb: {  	[dreg:$0x1] =	wrdreg $0xFFFFFFFF  }
0xbc: {  	[dreg:$0x0] =	wrdreg $0x60  }
0xbd: {  	[dreg:$0x2] =	wrdreg s24  }
0xbe: {  	[dreg:$0x3] =	wrdreg $0xF  }
0xbf: {  	_ =	task.clear_ibuf [dreg:s22], $0x4FFFF;
	_ =	strace $0x90000058  }
0xc0: {  	s29 =	simm.s32 $0xF;
	_ =	strace $0x8000005A  }
0xc1: {  	_ =	swait.ge [sflag:s29], $0x1  }
0xc2: {  	[sflag:s29] =	ssyncadd.s32 $0xFFFFFFFF  }
0xc3: {  	_ =	strace $0x9000005A  }
0xc4: {  	_ =	sfence  }
0xc5: {  	s30 =	sld [smem:$0x0];
	_ =	sdelay $0x2  }
0xc6: {  	s31 =	sshll.u32 s1, $0xD;
	s1 =	sshrl.u32 s1, $0x2  }
0xc7: {  	s4 =	sand.u32 $0x4000, s31;
	s1 =	sadd.s32 s1, s30  }
0xc8: {  	s0 =	sor.u32 s4, s0;
	s1 =	sshll.u32 s1, $0x11  }
0xc9: {  	s0 =	sor.u32 s1, s0  }
0xca: {  	s0 =	sadd.s32 $0x8F2B, s0  }
0xcb: {  	[sflag:s0] =	ssyncadd.remote.s32 $0x1  }
0xcc: {  	_ =	sfence.sel $0xFFFF  }
0xcd: {  	[dreg:$0x0] =	wrdreg $0xFFFFFFFF;
	(pc) =	sbr.abs _section_cstart, $3  }
0xce: {  	[dreg:$0x1] =	wrdreg $0xFFFFFFFF  }
0xcf: {  	_ =	task.clear_ibuf [dreg:s22], $0x2FFFF;
	_ =	strace $0x9FFFFFFF  }
0xd0: {  	(tm) =	ssettm $0x7FFFFFFF  }
0xd1: {  	_ =	shalt  }
tec
execute0_lowered:
.L_overlay_start_1:
0x0: {  	(tag) =	ssettag $0x1  }
0x1: {  	s1 =	srdreg.scid;
	s0 =	stileid.u32  }
0x2: {  	s5 =	rddreg [dreg:$0x0];
	s2 =	simm.s32 $0x0;
	s10 =	simm.s32 $0x1280  }
0x3: {  	s11 =	simm.s32 $0x100;
	s12 =	simm.s32 $0x2280;
	s13 =	simm.s32 $0x180  }
0x4: {  	s14 =	simm.s32 $0x3280;
	s15 =	simm.s32 $0x200;
	s16 =	simm.s32 $0x4280  }
0x5: {  	s17 =	simm.s32 $0x1;
	s18 =	simm.s32 $0x20;
	s19 =	simm.s32 $0x0  }
0x6: {  	s3 =	sand.u32 $0x1, s1;
	s4 =	smul.u32 $0x1900, s0;
	s1 =	rddreg [dreg:$0x1]  }
0x7: {  	[smem:$0x7FF] =	sst s2;
	s28 =	sshrl.u32 s0, $0x1;
	s8 =	sshll.u32 s0, $0x3  }
0x8: {  	s6 =	smul.u32 $0xC80, s3;
	s7 =	ssub.s32 $0x2, s3;
	s3 =	sshll.u32 s3, $0x2  }
0x9: {  	_ =	strace $0x80000059;
	s29 =	sshrl.u32 s7, $0x1;
	s3 =	sor.u32 s3, s8  }
0xa: {  	s8 =	simm.s32 $0x80;
	s4 =	sadd.s32 s6, s4;
	s6 =	smul.u32 $0xC800, s28  }
0xb: {  	s30 =	sand.u32 $0xC, s3;
	s3 =	sadd.s32 $0x6C00, s5;
	s4 =	sshrl.u32 s4, $0x3  }
0xc: {  	s9 =	sadd.s32 s4, s5;
	s6 =	sadd.s32 s6, s5;
	s4 =	ssub.s32 s7, s29  }
0xd: {  	s7 =	simm.s32 $0x2;
	s4 =	smax.u32 s4, $0x1;
	s31 =	sadd.s32 s30, s6  }
0xe: {  	s6 =	sadd.s32 $0x3E7000, s9;
	s9 =	simm.s32 $0x280;
	s5 =	sadd.s32 $0x5E1400, s31  }
.LBB2_1:
0xf: {  	s20 =	sadd.s32 $0x0, s6  }
0x10: {  	[tilespmem:s2], [sflag:$0x2] =	stream.linear.gather [hbm4b:s20+s2], $0x280, $0x38;
	[tilespmem:$0x5280] =	vst v63  }
0x11: {  	_ =	swait.ge [sflag:s7], $0x280  }
0x12: {  	[sflag:s7] =	ssyncset.done $0x0  }
0x13: {  	[sflag:s7] =	ssyncadd.s32 $0xFFFFFD80  }
0x14: {  	[tilespmem:s9], [sflag:$0x1] =	stream.indirect.gather [hbm4b:s3+s8], $0x20, s2, s8, $0xb8;
	[tilespmem:$0x5280] =	vst v63  }
0x15: {  	_ = 	snop  }
0x16: {  	[tilespmem:s10], [sflag:$0x1] =	stream.indirect.gather [hbm4b:s3+s8], $0x20, s8, s8, $0xb8;
	[tilespmem:$0x5280] =	vst v63  }
0x17: {  	_ = 	snop  }
0x18: {  	[tilespmem:s12], [sflag:$0x1] =	stream.indirect.gather [hbm4b:s3+s8], $0x20, s11, s8, $0xb8;
	[tilespmem:$0x5280] =	vst v63  }
0x19: {  	_ = 	snop  }
0x1a: {  	[tilespmem:s14], [sflag:$0x1] =	stream.indirect.gather [hbm4b:s3+s8], $0x20, s13, s8, $0xb8;
	[tilespmem:$0x5280] =	vst v63  }
0x1b: {  	_ = 	snop  }
0x1c: {  	[tilespmem:s16], [sflag:$0x1] =	stream.indirect.gather [hbm4b:s3+s8], $0x20, s15, s8, $0xb8;
	[tilespmem:$0x5280] =	vst v63  }
0x1d: {  	_ =	swait.ge [sflag:s17], $0x1000  }
0x1e: {  	[sflag:s17] =	ssyncset.done $0x0  }
0x1f: {  	[sflag:s17] =	ssyncadd.s32 $0xFFFFF000  }
0x20: {  	_ =	swait.ge [sflag:s17], $0x1000  }
0x21: {  	[sflag:s17] =	ssyncset.done $0x0  }
0x22: {  	[sflag:s17] =	ssyncadd.s32 $0xFFFFF000  }
0x23: {  	_ =	swait.ge [sflag:s17], $0x1000  }
0x24: {  	[sflag:s17] =	ssyncset.done $0x0  }
0x25: {  	[sflag:s17] =	ssyncadd.s32 $0xFFFFF000  }
0x26: {  	_ =	swait.ge [sflag:s17], $0x1000  }
0x27: {  	[sflag:s17] =	ssyncset.done $0x0  }
0x28: {  	[sflag:s17] =	ssyncadd.s32 $0xFFFFF000  }
0x29: {  	_ =	swait.ge [sflag:s17], $0x1000  }
0x2a: {  	[sflag:s17] =	ssyncset.done $0x0  }
0x2b: {  	[sflag:s17] =	ssyncadd.s32 $0xFFFFF000  }
0x2c: {  	[hbm4b:s5+s18] =	stream.strided.scatter [tilespmem:s9], [sflag:$0x2], $0x5000, s8, s18, $0x38;
	[tilespmem:$0x5280] =	vst v63  }
0x2d: {  	s21 =	simm.s32 $0x50;
	_ =	swait.ge [sflag:s7], $0x5000  }
0x2e: {  	s22 =	simm.s32 $0xA0;
	s20 =	sadd.s32 $0x2800, s5;
	[sflag:s7] =	ssyncset.done $0x0  }
.LBB2_2:
0x2f: {  	s23 =	sadd.s32 s21, s6  }
0x30: {  	[sflag:s7] =	ssyncadd.s32 $0xFFFFB000;
	s21 =	smov.u32 s22;
	s24 =	sadd.s32 $0x50, s22  }
0x31: {  	[tilespmem:s2], [sflag:$0x2] =	stream.linear.gather [hbm4b:s23+s2], $0x280, $0x38;
	[tilespmem:$0x5280] =	vst v63  }
0x32: {  	p0 =	sne.s32 s22, $0x140;
	_ =	swait.ge [sflag:s7], $0x280  }
0x33: {  	[sflag:s7] =	ssyncset.done $0x0  }
0x34: {  	[sflag:s7] =	ssyncadd.s32 $0xFFFFFD80  }
0x35: {  	[tilespmem:s9], [sflag:$0x1] =	stream.indirect.gather [hbm4b:s3+s8], $0x20, s2, s8, $0xb8;
	[tilespmem:$0x5280] =	vst v63  }
0x36: {  	_ = 	snop  }
0x37: {  	[tilespmem:s10], [sflag:$0x1] =	stream.indirect.gather [hbm4b:s3+s8], $0x20, s8, s8, $0xb8;
	[tilespmem:$0x5280] =	vst v63  }
0x38: {  	_ = 	snop  }
0x39: {  	[tilespmem:s12], [sflag:$0x1] =	stream.indirect.gather [hbm4b:s3+s8], $0x20, s11, s8, $0xb8;
	[tilespmem:$0x5280] =	vst v63  }
0x3a: {  	_ = 	snop  }
0x3b: {  	[tilespmem:s14], [sflag:$0x1] =	stream.indirect.gather [hbm4b:s3+s8], $0x20, s13, s8, $0xb8;
	[tilespmem:$0x5280] =	vst v63  }
0x3c: {  	_ = 	snop  }
0x3d: {  	[tilespmem:s16], [sflag:$0x1] =	stream.indirect.gather [hbm4b:s3+s8], $0x20, s15, s8, $0xb8;
	[tilespmem:$0x5280] =	vst v63  }
0x3e: {  	_ =	swait.ge [sflag:s17], $0x1000  }
0x3f: {  	[sflag:s17] =	ssyncset.done $0x0  }
0x40: {  	[sflag:s17] =	ssyncadd.s32 $0xFFFFF000  }
0x41: {  	_ =	swait.ge [sflag:s17], $0x1000  }
0x42: {  	[sflag:s17] =	ssyncset.done $0x0  }
0x43: {  	[sflag:s17] =	ssyncadd.s32 $0xFFFFF000  }
0x44: {  	_ =	swait.ge [sflag:s17], $0x1000  }
0x45: {  	[sflag:s17] =	ssyncset.done $0x0  }
0x46: {  	[sflag:s17] =	ssyncadd.s32 $0xFFFFF000  }
0x47: {  	_ =	swait.ge [sflag:s17], $0x1000  }
0x48: {  	[sflag:s17] =	ssyncset.done $0x0  }
0x49: {  	[sflag:s17] =	ssyncadd.s32 $0xFFFFF000  }
0x4a: {  	_ =	swait.ge [sflag:s17], $0x1000  }
.Ltmp0:
0x4b: {  	[sflag:s17] =	ssyncset.done $0x0;
	(pc) =	sbr.rel @p0 .LBB2_2-.Ltmp0, $4  }
0x4c: {  	[sflag:s17] =	ssyncadd.s32 $0xFFFFF000  }
0x4d: {  	[hbm4b:s20+s18] =	stream.strided.scatter [tilespmem:s9], [sflag:$0x2], $0x5000, s8, s18, $0x38;
	[tilespmem:$0x5280] =	vst v63  }
0x4e: {  	_ =	swait.ge [sflag:s7], $0x5000  }
0x4f: {  	s22 =	smov.u32 s24;
	s20 =	sadd.s32 $0x2800, s20;
	[sflag:s7] =	ssyncset.done $0x0  }
0x50: {  	s21 =	sadd.s32 s21, s6;
	[sflag:s7] =	ssyncadd.s32 $0xFFFFB000  }
0x51: {  	[tilespmem:s2], [sflag:$0x2] =	stream.linear.gather [hbm4b:s21+s2], $0x280, $0x38;
	[tilespmem:$0x5280] =	vst v63  }
0x52: {  	_ =	swait.ge [sflag:s7], $0x280  }
0x53: {  	[sflag:s7] =	ssyncset.done $0x0  }
0x54: {  	[sflag:s7] =	ssyncadd.s32 $0xFFFFFD80  }
0x55: {  	[tilespmem:s9], [sflag:$0x1] =	stream.indirect.gather [hbm4b:s3+s8], $0x20, s2, s8, $0xb8;
	[tilespmem:$0x5280] =	vst v63  }
0x56: {  	_ = 	snop  }
0x57: {  	[tilespmem:s10], [sflag:$0x1] =	stream.indirect.gather [hbm4b:s3+s8], $0x20, s8, s8, $0xb8;
	[tilespmem:$0x5280] =	vst v63  }
0x58: {  	_ = 	snop  }
0x59: {  	[tilespmem:s12], [sflag:$0x1] =	stream.indirect.gather [hbm4b:s3+s8], $0x20, s11, s8, $0xb8;
	[tilespmem:$0x5280] =	vst v63  }
0x5a: {  	_ = 	snop  }
0x5b: {  	[tilespmem:s14], [sflag:$0x1] =	stream.indirect.gather [hbm4b:s3+s8], $0x20, s13, s8, $0xb8;
	[tilespmem:$0x5280] =	vst v63  }
0x5c: {  	_ = 	snop  }
0x5d: {  	[tilespmem:s16], [sflag:$0x1] =	stream.indirect.gather [hbm4b:s3+s8], $0x20, s15, s8, $0xb8;
	[tilespmem:$0x5280] =	vst v63  }
0x5e: {  	_ =	swait.ge [sflag:s17], $0x1000  }
0x5f: {  	[sflag:s17] =	ssyncset.done $0x0  }
0x60: {  	[sflag:s17] =	ssyncadd.s32 $0xFFFFF000  }
0x61: {  	_ =	swait.ge [sflag:s17], $0x1000  }
0x62: {  	[sflag:s17] =	ssyncset.done $0x0  }
0x63: {  	[sflag:s17] =	ssyncadd.s32 $0xFFFFF000  }
0x64: {  	_ =	swait.ge [sflag:s17], $0x1000  }
0x65: {  	[sflag:s17] =	ssyncset.done $0x0  }
0x66: {  	[sflag:s17] =	ssyncadd.s32 $0xFFFFF000  }
0x67: {  	_ =	swait.ge [sflag:s17], $0x1000  }
0x68: {  	[sflag:s17] =	ssyncset.done $0x0  }
0x69: {  	[sflag:s17] =	ssyncadd.s32 $0xFFFFF000  }
0x6a: {  	s19 =	sadd.s32 $0x1, s19;
	_ =	swait.ge [sflag:s17], $0x1000  }
0x6b: {  	p0 =	sne.s32 s19, s4;
	[sflag:s17] =	ssyncset.done $0x0  }
.Ltmp1:
0x6c: {  	[sflag:s17] =	ssyncadd.s32 $0xFFFFF000;
	(pc) =	sbr.rel @p0 .LBB2_1-.Ltmp1, $4  }
0x6d: {  	[hbm4b:s20+s18] =	stream.strided.scatter [tilespmem:s9], [sflag:$0x2], $0x5000, s8, s18, $0x38;
	[tilespmem:$0x5280] =	vst v63  }
0x6e: {  	_ =	swait.ge [sflag:s7], $0x5000  }
0x6f: {  	[sflag:s7] =	ssyncset.done $0x0  }
0x70: {  	[sflag:s7] =	ssyncadd.s32 $0xFFFFB000  }
0x71: {  	_ =	sfence.sel $0x180000  }
0x72: {  	[bflag:$0x0] =	sbarrier.arrive $0xFFFF  }
0x73: {  	p0 =	sne.s32 s0, $0x0;
	_ =	strace $0x90000059  }
0x74: {  	s0 =	sadd.s32 @!p0 $0x100000, s1;
	[bflag:$0x2] =	sbarrier.arrive $0xFFFF  }
0x75: {  	[sflag:s0] =	ssyncadd.tile.s32 @!p0 $0x1;
	_ =	shalt  }
.Lfunc_end2:
_tile_overlayer_lowered:
.L_overlay_start_2:
0x76: {  	(tag) =	ssettag $0x2  }
0x77: {  	s0 =	rddreg [dreg:$0x0];
	s2 =	stileid.u32  }
0x78: {  	s1 =	rddreg [dreg:$0x1];
	p0 =	sne.s32 s2, $0x0  }
0x79: {  	s3 =	rddreg [dreg:$0x2];
	[bflag:$0x3] =	sbarrier.arrive $0xFFFF;
	s2 =	simm.s32 @!p0 $0x1C02  }
0x7a: {  	[timem:s3], [sflag:s2] =	dma.local @!p0 [hbm:s0], s1  }
0x7b: {  	s0 =	simm.s32 @!p0 $0x2  }
0x7c: {  	_ =	swait.ge @!p0 [sflag:s0], s1  }
0x7d: {  	s1 =	ssub.s32 @!p0 $0x0, s1;
	[sflag:s0] =	ssyncset.done @!p0 $0x0  }
0x7e: {  	[sflag:s0] =	ssyncadd.s32 @!p0 s1  }
0x7f: {  	[bflag:$0x3] =	sbarrier.arrive $0xFFFF  }
0x80: {  	_ =	shalt  }

// kernel: kernel.40.cloned.1.call-start
scs
__scs_entry_jumppad:
0x0: {  	(pc) =	sbr.rel $0x88, $3  }
0x1: {  	(tag) =	ssettag $0x0;
	lr =	simm.s32 $0x1  }
0x2: {  	[smem:$0x3F9C] =	sst lr;
	_ =	strace $0xD0000000  }
0x3: {  	_ = 	snop  }
0x4: {  	_ = 	snop  }
0x5: {  	_ = 	snop  }
0x6: {  	_ = 	snop  }
0x7: {  	_ = 	snop  }
__scs_overlays_trampoline_lowered:
0x8: {  	[smem:$0x3FAB] =	sst s0  }
0x9: {  	[smem:$0x3FAC] =	sst s1  }
0xa: {  	[smem:$0x3FAD] =	sst s2  }
0xb: {  	[smem:$0x3FAE] =	sst s3  }
0xc: {  	[smem:$0x3FAF] =	sst s4  }
0xd: {  	[smem:$0x3FB0] =	sst s5  }
0xe: {  	[smem:$0x3FB1] =	sst s6  }
0xf: {  	[smem:$0x3FB2] =	sst s7  }
0x10: {  	[smem:$0x3FB3] =	sst s8  }
0x11: {  	[smem:$0x3FB4] =	sst s9;
	s0 =	simm.s32 @!p0 $0x0  }
0x12: {  	s1 =	sld [smem:$0x3F9A];
	s0 =	simm.s32 @p0 $0x1  }
0x13: {  	[smem:$0x3FB5] =	sst s0;
	s0 =	simm.s32 @!p1 $0x0  }
0x14: {  	s2 =	sld [smem:$0x3F99];
	s0 =	simm.s32 @p1 $0x1  }
0x15: {  	[smem:$0x3FB6] =	sst s0;
	s0 =	simm.s32 @!p2 $0x0  }
0x16: {  	s3 =	sld [smem:$0x3FDB];
	s0 =	simm.s32 @p2 $0x1  }
0x17: {  	s4 =	simm.s32 $0x1BF5;
	[smem:$0x3FB8] =	sst s0  }
0x18: {  	s0 =	sld [smem:$0x3F9B];
	_ =	swait.ge [sflag:s4], $0x0  }
0x19: {  	s7 =	sld [smem:$0x3F9C]  }
0x1a: {  	s8 =	sadd.s32 $0xFFFFE003, lr  }
0x1b: {  	s9 =	sadd.s32 $0xFFFFFEF7, lr;
	s5 =	simm.s32 $0xFFFFFFFF;
	p2 =	slt.u32 s8, $0xFFFFF086  }
0x1c: {  	p1 =	slt.u32 s9, $0xF7A;
	s5 =	simm.s32 @!p2 $0x0  }
0x1d: {  	s5 =	simm.s32 @p1 $0x1;
	p0 =	seq.s32 s7, s2  }
0x1e: {  	s7 =	smul.u32 @!p0 $0xF7A, s2;
	p2 =	seq.s32 @!p0 s5, $0x0  }
0x1f: {  	s9 =	smul.u32 $0xF7A, s1;
	s8 =	simm.s32 @!p0 $0x1BF5;
	p2 =	por !p2, p0  }
0x20: {  	[sflag:s8] =	ssyncset.s32 @!p0 $0xFFFFF086;
	s6 =	sadd.s32 @!p0 s3, s7;
	s7 =	simm.s32 @!p0 $0x108  }
0x21: {  	s3 =	sadd.s32 s3, s9;
	s6 =	sadd.s32 @!p0 $0x88, s6;
	s7 =	simm.s32 @p2 $0x1082  }
0x22: {  	[simem:s7], [sflag:s8] =	dma.local @!p0 [hbm:s6], $0xF7A  }
0x23: {  	s9 =	sor.u32 $0xD0000000, s2;
	s6 =	simm.s32 $0x108;
	_ =	swait.ge @!p0 [sflag:s8], $0x0  }
0x24: {  	s3 =	sadd.s32 $0x88, s3;
	s6 =	simm.s32 @!p1 $0x1082;
	[sflag:s4] =	ssyncset.s32 $0xFFFFF086  }
0x25: {  	[simem:s6], [sflag:s4] =	dma.local [hbm:s3], $0xF7A  }
0x26: {  	[smem:$0x3F9C] =	sst s1;
	(tag) =	ssettag s2;
	_ =	strace s9  }
0x27: {  	s1 =	sld [smem:$0x3FAC]  }
0x28: {  	s2 =	sld [smem:$0x3FAD]  }
0x29: {  	s4 =	sld [smem:$0x3FAF]  }
0x2a: {  	p0 =	seq.s32 s5, $0x0;
	s5 =	sld [smem:$0x3FB0]  }
0x2b: {  	s6 =	sld [smem:$0x3FB1]  }
0x2c: {  	s7 =	sld [smem:$0x3FB2]  }
0x2d: {  	s3 =	simm.s32 $0x108;
	s8 =	sld [smem:$0x3FB3]  }
0x2e: {  	s3 =	simm.s32 @!p0 $0x1082;
	s9 =	sld [smem:$0x3FB4]  }
0x2f: {  	lr =	sadd.s32 s0, s3;
	s0 =	sld [smem:$0x3FAB]  }
0x30: {  	s3 =	sld [smem:$0x3FAE]  }
0x31: {  	[smem:$0x3FB7] =	sst s10  }
0x32: {  	s10 =	sld [smem:$0x3FB5];
	_ =	sdelay $0x3  }
0x33: {  	p0 =	seq.s32 s10, $0x1;
	s10 =	sld [smem:$0x3FB7];
	_ =	sdelay $0x3  }
0x34: {  	[smem:$0x3FB7] =	sst s10  }
0x35: {  	s10 =	sld [smem:$0x3FB6];
	_ =	sdelay $0x3  }
0x36: {  	p1 =	seq.s32 s10, $0x1;
	s10 =	sld [smem:$0x3FB7];
	_ =	sdelay $0x3  }
0x37: {  	[smem:$0x3FB7] =	sst s10  }
0x38: {  	s10 =	sld [smem:$0x3FB8]  }
0x39: {  	_ = 	snop;
	(pc) =	sbr.ind lr, $3  }
0x3a: {  	_ = 	snop  }
0x3b: {  	_ = 	snop  }
0x3c: {  	p2 =	seq.s32 s10, $0x1;
	s10 =	sld [smem:$0x3FB7]  }
0x3d: {  	_ =	shalt  }
0x3e: {  	_ =	shalt  }
0x3f: {  	_ =	shalt  }
0x40: {  	_ =	shalt  }
0x41: {  	_ =	shalt  }
0x42: {  	_ =	shalt  }
0x43: {  	_ =	shalt  }
0x44: {  	_ =	shalt  }
0x45: {  	_ =	shalt  }
0x46: {  	_ =	shalt  }
0x47: {  	_ =	shalt  }
0x48: {  	_ =	shalt  }
0x49: {  	_ =	shalt  }
0x4a: {  	_ =	shalt  }
0x4b: {  	_ =	shalt  }
0x4c: {  	_ =	shalt  }
0x4d: {  	_ =	shalt  }
0x4e: {  	_ =	shalt  }
0x4f: {  	_ =	shalt  }
0x50: {  	_ =	shalt  }
0x51: {  	_ =	shalt  }
0x52: {  	_ =	shalt  }
0x53: {  	_ =	shalt  }
0x54: {  	_ =	shalt  }
0x55: {  	_ =	shalt  }
0x56: {  	_ =	shalt  }
0x57: {  	_ =	shalt  }
0x58: {  	_ =	shalt  }
0x59: {  	_ =	shalt  }
0x5a: {  	_ =	shalt  }
0x5b: {  	_ =	shalt  }
0x5c: {  	_ =	shalt  }
0x5d: {  	_ =	shalt  }
0x5e: {  	_ =	shalt  }
0x5f: {  	_ =	shalt  }
0x60: {  	_ =	shalt  }
0x61: {  	_ =	shalt  }
0x62: {  	_ =	shalt  }
0x63: {  	_ =	shalt  }
0x64: {  	_ =	shalt  }
0x65: {  	_ =	shalt  }
0x66: {  	_ =	shalt  }
0x67: {  	_ =	shalt  }
0x68: {  	_ =	shalt  }
0x69: {  	_ =	shalt  }
0x6a: {  	_ =	shalt  }
0x6b: {  	_ =	shalt  }
0x6c: {  	_ =	shalt  }
0x6d: {  	_ =	shalt  }
0x6e: {  	_ =	shalt  }
0x6f: {  	_ =	shalt  }
0x70: {  	_ =	shalt  }
0x71: {  	_ =	shalt  }
0x72: {  	_ =	shalt  }
0x73: {  	_ =	shalt  }
0x74: {  	_ =	shalt  }
0x75: {  	_ =	shalt  }
0x76: {  	_ =	shalt  }
0x77: {  	_ =	shalt  }
0x78: {  	_ =	shalt  }
0x79: {  	_ =	shalt  }
0x7a: {  	_ =	shalt  }
0x7b: {  	_ =	shalt  }
0x7c: {  	_ =	shalt  }
0x7d: {  	_ =	shalt  }
0x7e: {  	_ =	shalt  }
0x7f: {  	_ =	shalt  }
0x80: {  	_ =	shalt  }
0x81: {  	_ =	shalt  }
0x82: {  	_ =	shalt  }
0x83: {  	_ =	shalt  }
0x84: {  	_ =	shalt  }
0x85: {  	_ =	shalt  }
0x86: {  	_ =	shalt  }
0x87: {  	_ =	shalt  }
.Lfunc_end0:
.L_simem_size_0:
called_computation.7_lowered:
.L_overlay_start_0:
0x88: {  	s2 =	sld [smem:$0x3FD9]  }
0x89: {  	s3 =	sld [smem:$0x3FFE];
	_ =	sdelay $0x1  }
0x8a: {  	s1 =	srdreg.scid  }
0x8b: {  	s0 =	sand.u32 $0x1, s1  }
0x8c: {  	s17 =	sshll.u32 s0, $0xA;
	s2 =	sadd.s32 s3, s2  }
0x8d: {  	s2 =	sadd.s32 s2, s17  }
0x8e: {  	[smem:$0x3FC3] =	sst s2  }
0x8f: {  	_ = 	snop  }
0x90: {  	(tm) =	ssettm $0x1  }
0x91: {  	s18 =	sld [smem:$0x3FFB];
	_ =	sdelay $0x3  }
0x92: {  	_ =	strace s18  }
0x93: {  	s2 =	sld [smem:$0x3FFC];
	_ =	sdelay $0x3  }
0x94: {  	_ =	strace s2  }
0x95: {  	s2 =	sld [smem:$0x3FFD];
	_ =	sdelay $0x3  }
0x96: {  	_ =	strace s2  }
0x97: {  	_ =	strace $0x8FFFFFFF  }
0x98: {  	s19 =	sld [smem:$0x3FDB];
	_ =	sdelay $0x1  }
0x99: {  	s20 =	simm.s32 $_scs_section_size  }
0x9a: {  	s4 =	simm.s32 $_size__tile_overlayer_lowered;
	s5 =	simm.s32 $_tile_overlayer_lowered  }
0x9b: {  	s6 =	simm.s32 $0x1BFF;
	s21 =	sshll.u32 s5, $0x1;
	s3 =	sadd.s32 s20, s19  }
0x9c: {  	s22 =	simm.s32 $0x0;
	s4 =	sshll.u32 s4, $0x1;
	s5 =	sadd.s32 s21, s3  }
0x9d: {  	[timem:s22], [sflag:s6] =	dma.local [hbm:s5], s4  }
0x9e: {  	_ =	swait.ge [sflag:s6], s4  }
0x9f: {  	s4 =	ssub.s32 $0x0, s4;
	[sflag:s6] =	ssyncset.done $0x0  }
0xa0: {  	[sflag:s6] =	ssyncadd.s32 s4;
	_ =	sdelay $0x1  }
0xa1: {  	s23 =	simm.s32 $0x1B8B  }
0xa2: {  	_ =	swait.ge [sflag:s23], $0x1  }
0xa3: {  	[sflag:s23] =	ssyncset.done $0x0  }
0xa4: {  	[sflag:s23] =	ssyncadd.s32 $0xFFFFFFFF  }
0xa5: {  	s4 =	sld [smem:$0x0]  }
0xa6: {  	s5 =	sand.u32 $0xFFFFFFFE, s1  }
0xa7: {  	p0 =	sne.s32 s1, s5  }
0xa8: {  	s5 =	sshll.u32 @p0 s5, $0xE  }
0xa9: {  	s5 =	sadd.s32 @p0 $0x11B8D, s5;
	s6 =	sshll.u32 @p0 s4, $0x11  }
0xaa: {  	s5 =	sor.u32 @p0 s6, s5  }
0xab: {  	[sflag:s5] =	ssyncadd.remote.s32 @p0 $0x1;
	_ =	sdelay $0x1  }
0xac: {  	s5 =	simm.s32 @p0 $0x1B8D  }
0xad: {  	_ =	swait.eq @p0 [sflag:s5], $0x1  }
0xae: {  	[sflag:s5] =	ssyncadd.s32 @p0 $0xFFFFFFFF  }
0xaf: {  	s6 =	sshll.u32 @!p0 s1, $0xE  }
0xb0: {  	s6 =	sor.u32 @!p0 $0x4000, s6;
	s5 =	simm.s32 @!p0 $0x1B8D  }
0xb1: {  	s4 =	sshll.u32 @!p0 s4, $0x11;
	s6 =	sadd.s32 @!p0 $0x11B8D, s6;
	_ =	swait.eq @!p0 [sflag:s5], $0x1  }
0xb2: {  	s4 =	sor.u32 @!p0 s4, s6;
	[sflag:s5] =	ssyncadd.s32 @!p0 $0xFFFFFFFF  }
0xb3: {  	s25 =	simm.s32 $0x1B8E;
	s24 =	sld [smem:$0x3FFE];
	[sflag:s4] =	ssyncadd.remote.s32 @!p0 $0x1  }
0xb4: {  	s26 =	simm.s32 $execute0_lowered;
	[smem:$0x3FD2] =	sst s25  }
0xb5: {  	s5 =	sshll.u32 s26, $0x1;
	_ =	strace $0x8000005B;
	[dreg:$0x1] =	wrdreg $0xFFFFFFFF  }
0xb6: {  	s28 =	simm.s32 $_size_execute0_lowered;
	s3 =	sadd.s32 s3, s5;
	[dreg:$0x0] =	wrdreg $0x0  }
0xb7: {  	s5 =	sshll.u32 s28, $0x1;
	[dreg:$0x2] =	wrdreg s3  }
0xb8: {  	[dreg:$0x3] =	wrdreg s5  }
0xb9: {  	[dreg:$0x4] =	wrdreg $0xC0  }
0xba: {  	_ =	task [dreg:s22], $0x5FFFF  }
0xbb: {  	[dreg:$0x1] =	wrdreg $0xFFFFFFFF  }
0xbc: {  	[dreg:$0x0] =	wrdreg $0x60  }
0xbd: {  	[dreg:$0x2] =	wrdreg s24  }
0xbe: {  	[dreg:$0x3] =	wrdreg $0x10  }
0xbf: {  	_ =	task.clear_ibuf [dreg:s22], $0x4FFFF;
	_ =	strace $0x9000005B  }
0xc0: {  	s29 =	simm.s32 $0x10;
	_ =	strace $0x8000005D  }
0xc1: {  	_ =	swait.ge [sflag:s29], $0x1  }
0xc2: {  	[sflag:s29] =	ssyncadd.s32 $0xFFFFFFFF  }
0xc3: {  	_ =	strace $0x9000005D  }
0xc4: {  	_ =	sfence  }
0xc5: {  	s30 =	sld [smem:$0x0];
	_ =	sdelay $0x2  }
0xc6: {  	s31 =	sshll.u32 s1, $0xD;
	s1 =	sshrl.u32 s1, $0x2  }
0xc7: {  	s4 =	sand.u32 $0x4000, s31;
	s1 =	sadd.s32 s1, s30  }
0xc8: {  	s0 =	sor.u32 s4, s0;
	s1 =	sshll.u32 s1, $0x11  }
0xc9: {  	s0 =	sor.u32 s1, s0  }
0xca: {  	s0 =	sadd.s32 $0x8F2B, s0  }
0xcb: {  	[sflag:s0] =	ssyncadd.remote.s32 $0x1  }
0xcc: {  	_ =	sfence.sel $0xFFFF  }
0xcd: {  	[dreg:$0x0] =	wrdreg $0xFFFFFFFF;
	(pc) =	sbr.abs _section_cstart, $3  }
0xce: {  	[dreg:$0x1] =	wrdreg $0xFFFFFFFF  }
0xcf: {  	_ =	task.clear_ibuf [dreg:s22], $0x2FFFF;
	_ =	strace $0x9FFFFFFF  }
0xd0: {  	(tm) =	ssettm $0x7FFFFFFF  }
0xd1: {  	_ =	shalt  }
tec
execute0_lowered:
.L_overlay_start_1:
0x0: {  	(tag) =	ssettag $0x1  }
0x1: {  	s1 =	srdreg.scid;
	s0 =	stileid.u32  }
0x2: {  	s5 =	rddreg [dreg:$0x0];
	s2 =	simm.s32 $0x0;
	s10 =	simm.s32 $0x1280  }
0x3: {  	s11 =	simm.s32 $0x100;
	s12 =	simm.s32 $0x2280;
	s13 =	simm.s32 $0x180  }
0x4: {  	s14 =	simm.s32 $0x3280;
	s15 =	simm.s32 $0x200;
	s16 =	simm.s32 $0x4280  }
0x5: {  	s17 =	simm.s32 $0x1;
	s18 =	simm.s32 $0x20;
	s19 =	simm.s32 $0x0  }
0x6: {  	s3 =	sand.u32 $0x1, s1;
	s4 =	smul.u32 $0x1900, s0;
	s1 =	rddreg [dreg:$0x1]  }
0x7: {  	[smem:$0x7FF] =	sst s2;
	s28 =	sshrl.u32 s0, $0x1;
	s8 =	sshll.u32 s0, $0x3  }
0x8: {  	s6 =	smul.u32 $0xC80, s3;
	s7 =	ssub.s32 $0x2, s3;
	s3 =	sshll.u32 s3, $0x2  }
0x9: {  	_ =	strace $0x8000005C;
	s29 =	sshrl.u32 s7, $0x1;
	s3 =	sor.u32 s3, s8  }
0xa: {  	s8 =	simm.s32 $0x80;
	s4 =	sadd.s32 s6, s4;
	s6 =	smul.u32 $0xC800, s28  }
0xb: {  	s30 =	sand.u32 $0xC, s3;
	s3 =	sadd.s32 $0x6C00, s5;
	s4 =	sshrl.u32 s4, $0x3  }
0xc: {  	s9 =	sadd.s32 s4, s5;
	s6 =	sadd.s32 s6, s5;
	s4 =	ssub.s32 s7, s29  }
0xd: {  	s7 =	simm.s32 $0x2;
	s31 =	sadd.s32 s30, s6;
	s6 =	sadd.s32 $0x3EA200, s9  }
0xe: {  	s4 =	smax.u32 s4, $0x1;
	s9 =	simm.s32 $0x280;
	s5 =	sadd.s32 $0x645400, s31  }
.LBB2_1:
0xf: {  	s20 =	sadd.s32 $0x0, s6  }
0x10: {  	[tilespmem:s2], [sflag:$0x2] =	stream.linear.gather [hbm4b:s20+s2], $0x280, $0x38;
	[tilespmem:$0x5280] =	vst v63  }
0x11: {  	_ =	swait.ge [sflag:s7], $0x280  }
0x12: {  	[sflag:s7] =	ssyncset.done $0x0  }
0x13: {  	[sflag:s7] =	ssyncadd.s32 $0xFFFFFD80  }
0x14: {  	[tilespmem:s9], [sflag:$0x1] =	stream.indirect.gather [hbm4b:s3+s8], $0x20, s2, s8, $0xb8;
	[tilespmem:$0x5280] =	vst v63  }
0x15: {  	_ = 	snop  }
0x16: {  	[tilespmem:s10], [sflag:$0x1] =	stream.indirect.gather [hbm4b:s3+s8], $0x20, s8, s8, $0xb8;
	[tilespmem:$0x5280] =	vst v63  }
0x17: {  	_ = 	snop  }
0x18: {  	[tilespmem:s12], [sflag:$0x1] =	stream.indirect.gather [hbm4b:s3+s8], $0x20, s11, s8, $0xb8;
	[tilespmem:$0x5280] =	vst v63  }
0x19: {  	_ = 	snop  }
0x1a: {  	[tilespmem:s14], [sflag:$0x1] =	stream.indirect.gather [hbm4b:s3+s8], $0x20, s13, s8, $0xb8;
	[tilespmem:$0x5280] =	vst v63  }
0x1b: {  	_ = 	snop  }
0x1c: {  	[tilespmem:s16], [sflag:$0x1] =	stream.indirect.gather [hbm4b:s3+s8], $0x20, s15, s8, $0xb8;
	[tilespmem:$0x5280] =	vst v63  }
0x1d: {  	_ =	swait.ge [sflag:s17], $0x1000  }
0x1e: {  	[sflag:s17] =	ssyncset.done $0x0  }
0x1f: {  	[sflag:s17] =	ssyncadd.s32 $0xFFFFF000  }
0x20: {  	_ =	swait.ge [sflag:s17], $0x1000  }
0x21: {  	[sflag:s17] =	ssyncset.done $0x0  }
0x22: {  	[sflag:s17] =	ssyncadd.s32 $0xFFFFF000  }
0x23: {  	_ =	swait.ge [sflag:s17], $0x1000  }
0x24: {  	[sflag:s17] =	ssyncset.done $0x0  }
0x25: {  	[sflag:s17] =	ssyncadd.s32 $0xFFFFF000  }
0x26: {  	_ =	swait.ge [sflag:s17], $0x1000  }
0x27: {  	[sflag:s17] =	ssyncset.done $0x0  }
0x28: {  	[sflag:s17] =	ssyncadd.s32 $0xFFFFF000  }
0x29: {  	_ =	swait.ge [sflag:s17], $0x1000  }
0x2a: {  	[sflag:s17] =	ssyncset.done $0x0  }
0x2b: {  	[sflag:s17] =	ssyncadd.s32 $0xFFFFF000  }
0x2c: {  	[hbm4b:s5+s18] =	stream.strided.scatter [tilespmem:s9], [sflag:$0x2], $0x5000, s8, s18, $0x38;
	[tilespmem:$0x5280] =	vst v63  }
0x2d: {  	s21 =	simm.s32 $0x50;
	_ =	swait.ge [sflag:s7], $0x5000  }
0x2e: {  	s22 =	simm.s32 $0xA0;
	s20 =	sadd.s32 $0x2800, s5;
	[sflag:s7] =	ssyncset.done $0x0  }
.LBB2_2:
0x2f: {  	s23 =	sadd.s32 s21, s6  }
0x30: {  	[sflag:s7] =	ssyncadd.s32 $0xFFFFB000;
	s21 =	smov.u32 s22;
	s24 =	sadd.s32 $0x50, s22  }
0x31: {  	[tilespmem:s2], [sflag:$0x2] =	stream.linear.gather [hbm4b:s23+s2], $0x280, $0x38;
	[tilespmem:$0x5280] =	vst v63  }
0x32: {  	p0 =	sne.s32 s22, $0x140;
	_ =	swait.ge [sflag:s7], $0x280  }
0x33: {  	[sflag:s7] =	ssyncset.done $0x0  }
0x34: {  	[sflag:s7] =	ssyncadd.s32 $0xFFFFFD80  }
0x35: {  	[tilespmem:s9], [sflag:$0x1] =	stream.indirect.gather [hbm4b:s3+s8], $0x20, s2, s8, $0xb8;
	[tilespmem:$0x5280] =	vst v63  }
0x36: {  	_ = 	snop  }
0x37: {  	[tilespmem:s10], [sflag:$0x1] =	stream.indirect.gather [hbm4b:s3+s8], $0x20, s8, s8, $0xb8;
	[tilespmem:$0x5280] =	vst v63  }
0x38: {  	_ = 	snop  }
0x39: {  	[tilespmem:s12], [sflag:$0x1] =	stream.indirect.gather [hbm4b:s3+s8], $0x20, s11, s8, $0xb8;
	[tilespmem:$0x5280] =	vst v63  }
0x3a: {  	_ = 	snop  }
0x3b: {  	[tilespmem:s14], [sflag:$0x1] =	stream.indirect.gather [hbm4b:s3+s8], $0x20, s13, s8, $0xb8;
	[tilespmem:$0x5280] =	vst v63  }
0x3c: {  	_ = 	snop  }
0x3d: {  	[tilespmem:s16], [sflag:$0x1] =	stream.indirect.gather [hbm4b:s3+s8], $0x20, s15, s8, $0xb8;
	[tilespmem:$0x5280] =	vst v63  }
0x3e: {  	_ =	swait.ge [sflag:s17], $0x1000  }
0x3f: {  	[sflag:s17] =	ssyncset.done $0x0  }
0x40: {  	[sflag:s17] =	ssyncadd.s32 $0xFFFFF000  }
0x41: {  	_ =	swait.ge [sflag:s17], $0x1000  }
0x42: {  	[sflag:s17] =	ssyncset.done $0x0  }
0x43: {  	[sflag:s17] =	ssyncadd.s32 $0xFFFFF000  }
0x44: {  	_ =	swait.ge [sflag:s17], $0x1000  }
0x45: {  	[sflag:s17] =	ssyncset.done $0x0  }
0x46: {  	[sflag:s17] =	ssyncadd.s32 $0xFFFFF000  }
0x47: {  	_ =	swait.ge [sflag:s17], $0x1000  }
0x48: {  	[sflag:s17] =	ssyncset.done $0x0  }
0x49: {  	[sflag:s17] =	ssyncadd.s32 $0xFFFFF000  }
0x4a: {  	_ =	swait.ge [sflag:s17], $0x1000  }
.Ltmp0:
0x4b: {  	[sflag:s17] =	ssyncset.done $0x0;
	(pc) =	sbr.rel @p0 .LBB2_2-.Ltmp0, $4  }
0x4c: {  	[sflag:s17] =	ssyncadd.s32 $0xFFFFF000  }
0x4d: {  	[hbm4b:s20+s18] =	stream.strided.scatter [tilespmem:s9], [sflag:$0x2], $0x5000, s8, s18, $0x38;
	[tilespmem:$0x5280] =	vst v63  }
0x4e: {  	_ =	swait.ge [sflag:s7], $0x5000  }
0x4f: {  	s22 =	smov.u32 s24;
	s20 =	sadd.s32 $0x2800, s20;
	[sflag:s7] =	ssyncset.done $0x0  }
0x50: {  	s21 =	sadd.s32 s21, s6;
	[sflag:s7] =	ssyncadd.s32 $0xFFFFB000  }
0x51: {  	[tilespmem:s2], [sflag:$0x2] =	stream.linear.gather [hbm4b:s21+s2], $0x280, $0x38;
	[tilespmem:$0x5280] =	vst v63  }
0x52: {  	_ =	swait.ge [sflag:s7], $0x280  }
0x53: {  	[sflag:s7] =	ssyncset.done $0x0  }
0x54: {  	[sflag:s7] =	ssyncadd.s32 $0xFFFFFD80  }
0x55: {  	[tilespmem:s9], [sflag:$0x1] =	stream.indirect.gather [hbm4b:s3+s8], $0x20, s2, s8, $0xb8;
	[tilespmem:$0x5280] =	vst v63  }
0x56: {  	_ = 	snop  }
0x57: {  	[tilespmem:s10], [sflag:$0x1] =	stream.indirect.gather [hbm4b:s3+s8], $0x20, s8, s8, $0xb8;
	[tilespmem:$0x5280] =	vst v63  }
0x58: {  	_ = 	snop  }
0x59: {  	[tilespmem:s12], [sflag:$0x1] =	stream.indirect.gather [hbm4b:s3+s8], $0x20, s11, s8, $0xb8;
	[tilespmem:$0x5280] =	vst v63  }
0x5a: {  	_ = 	snop  }
0x5b: {  	[tilespmem:s14], [sflag:$0x1] =	stream.indirect.gather [hbm4b:s3+s8], $0x20, s13, s8, $0xb8;
	[tilespmem:$0x5280] =	vst v63  }
0x5c: {  	_ = 	snop  }
0x5d: {  	[tilespmem:s16], [sflag:$0x1] =	stream.indirect.gather [hbm4b:s3+s8], $0x20, s15, s8, $0xb8;
	[tilespmem:$0x5280] =	vst v63  }
0x5e: {  	_ =	swait.ge [sflag:s17], $0x1000  }
0x5f: {  	[sflag:s17] =	ssyncset.done $0x0  }
0x60: {  	[sflag:s17] =	ssyncadd.s32 $0xFFFFF000  }
0x61: {  	_ =	swait.ge [sflag:s17], $0x1000  }
0x62: {  	[sflag:s17] =	ssyncset.done $0x0  }
0x63: {  	[sflag:s17] =	ssyncadd.s32 $0xFFFFF000  }
0x64: {  	_ =	swait.ge [sflag:s17], $0x1000  }
0x65: {  	[sflag:s17] =	ssyncset.done $0x0  }
0x66: {  	[sflag:s17] =	ssyncadd.s32 $0xFFFFF000  }
0x67: {  	_ =	swait.ge [sflag:s17], $0x1000  }
0x68: {  	[sflag:s17] =	ssyncset.done $0x0  }
0x69: {  	[sflag:s17] =	ssyncadd.s32 $0xFFFFF000  }
0x6a: {  	s19 =	sadd.s32 $0x1, s19;
	_ =	swait.ge [sflag:s17], $0x1000  }
0x6b: {  	p0 =	sne.s32 s19, s4;
	[sflag:s17] =	ssyncset.done $0x0  }
.Ltmp1:
0x6c: {  	[sflag:s17] =	ssyncadd.s32 $0xFFFFF000;
	(pc) =	sbr.rel @p0 .LBB2_1-.Ltmp1, $4  }
0x6d: {  	[hbm4b:s20+s18] =	stream.strided.scatter [tilespmem:s9], [sflag:$0x2], $0x5000, s8, s18, $0x38;
	[tilespmem:$0x5280] =	vst v63  }
0x6e: {  	_ =	swait.ge [sflag:s7], $0x5000  }
0x6f: {  	[sflag:s7] =	ssyncset.done $0x0  }
0x70: {  	[sflag:s7] =	ssyncadd.s32 $0xFFFFB000  }
0x71: {  	_ =	sfence.sel $0x180000  }
0x72: {  	[bflag:$0x0] =	sbarrier.arrive $0xFFFF  }
0x73: {  	p0 =	sne.s32 s0, $0x0;
	_ =	strace $0x9000005C  }
0x74: {  	s0 =	sadd.s32 @!p0 $0x100000, s1;
	[bflag:$0x2] =	sbarrier.arrive $0xFFFF  }
0x75: {  	[sflag:s0] =	ssyncadd.tile.s32 @!p0 $0x1;
	_ =	shalt  }
.Lfunc_end2:
_tile_overlayer_lowered:
.L_overlay_start_2:
0x76: {  	(tag) =	ssettag $0x2  }
0x77: {  	s0 =	rddreg [dreg:$0x0];
	s2 =	stileid.u32  }
0x78: {  	s1 =	rddreg [dreg:$0x1];
	p0 =	sne.s32 s2, $0x0  }
0x79: {  	s3 =	rddreg [dreg:$0x2];
	[bflag:$0x3] =	sbarrier.arrive $0xFFFF;
	s2 =	simm.s32 @!p0 $0x1C02  }
0x7a: {  	[timem:s3], [sflag:s2] =	dma.local @!p0 [hbm:s0], s1  }
0x7b: {  	s0 =	simm.s32 @!p0 $0x2  }
0x7c: {  	_ =	swait.ge @!p0 [sflag:s0], s1  }
0x7d: {  	s1 =	ssub.s32 @!p0 $0x0, s1;
	[sflag:s0] =	ssyncset.done @!p0 $0x0  }
0x7e: {  	[sflag:s0] =	ssyncadd.s32 @!p0 s1  }
0x7f: {  	[bflag:$0x3] =	sbarrier.arrive $0xFFFF  }
0x80: {  	_ =	shalt  }

</sc_bundles>
